<compile_context>
chip_gen: v7x
topology: tpu7x:2x2x1
jax: 0.10.2.dev20260603
libtpu: 0.0.44.dev20260713+nightly
codegen_flags: <defaults>
</compile_context>

<pallas_src>
import functools

import jax
import jax.numpy as jnp
from jax import lax
from jax.experimental import pallas as pl
from jax.experimental.pallas import tpu as pltpu, tpu_sc as plsc

NUM_CLASSES = 1000
CAP = 32
DIM = 1024
BATCH = 4096

SLOTS = NUM_CLASSES * CAP
NUM_TILES = 32
SPT = SLOTS // NUM_TILES
K = 48
CH_SZ = [K] * 20 + [40]
CH_OFF = [sum(CH_SZ[:i]) for i in range(len(CH_SZ))]
NCH = len(CH_SZ)
L = 16
NCHUNKS = BATCH // L
NIDX = 63


def _sc_update(mem_flat, x, classes):
    mesh = plsc.VectorSubcoreMesh(core_axis_name="c", subcore_axis_name="s")

    @functools.partial(
        pl.kernel,
        out_type=jax.ShapeDtypeStruct((SLOTS, DIM), jnp.float32),
        mesh=mesh,
        compiler_params=pltpu.CompilerParams(needs_layout_passes=False),
        scratch_types=[
            pltpu.VMEM((BATCH,), jnp.int32),
            pltpu.VMEM((48,), jnp.int32),
            pltpu.VMEM((NIDX * L,), jnp.int32),
            pltpu.VMEM((NIDX * L,), jnp.int32),
            pltpu.VMEM((64, L), jnp.int32),
            pltpu.VMEM((64, L), jnp.int32),
            pltpu.VMEM((K, DIM), jnp.float32),
            pltpu.VMEM((K, DIM), jnp.float32),
            pltpu.SemaphoreType.DMA,
            pltpu.SemaphoreType.DMA,
            pltpu.SemaphoreType.DMA,
            pltpu.SemaphoreType.DMA,
            pltpu.SemaphoreType.DMA,
            pltpu.SemaphoreType.DMA,
            pltpu.SemaphoreType.DMA,
            pltpu.SemaphoreType.DMA,
        ],
    )
    def k(mem_hbm, x_hbm, cls_hbm, out_hbm,
          cls_v, counts_v, idx_v, xsrc_tab, src_list, dst_list, rows_a, rows_b,
          gs0, gs1, ws0, ws1, ps0, ps1, ss0, ss1):
        g = lax.axis_index("c") * 16 + lax.axis_index("s")
        s0 = g * SPT
        c0 = s0 // CAP
        iota = lax.iota(jnp.int32, L)
        zeros = jnp.zeros((L,), jnp.int32)

        pltpu.sync_copy(cls_hbm, cls_v)
        for i in range(3):
            counts_v[pl.ds(i * L, L)] = zeros

        def scan_body(t, n):
            cvec = cls_v[pl.ds(t * L, L)]
            lc = cvec - c0
            own = (lc >= 0) & (lc < 33)

            def active(n):
                lcs = jnp.where(own, lc, 33)
                prior = plsc.load_gather(counts_v, [lcs])
                run, last_m = plsc.scan_count(cvec)
                runi = run.astype(jnp.int32)
                rank = prior + runi - 1
                plsc.store_scatter(counts_v, [lcs], prior + runi,
                                   mask=last_m)
                dstv = cvec * CAP + rank
                valid = own & (rank < CAP) & (dstv >= s0) & (dstv < s0 + SPT)
                plsc.store_scatter(xsrc_tab, [dstv - s0], t * L + iota,
                                   mask=valid)
                return n

            return lax.cond(jnp.any(own), active, lambda n: n, n)

        lax.fori_loop(0, NCHUNKS, scan_body, 0)

        def idx_body(i, m):
            slots = s0 + i * L + iota
            ok = slots < s0 + SPT
            cls_of = slots // CAP
            j = slots - cls_of * CAP
            cnt = plsc.load_gather(counts_v, [cls_of - c0])
            idx_v[pl.ds(i * L, L)] = (
                cls_of * CAP + jnp.clip(j - cnt, 0, CAP - 1))
            valid = (j < cnt) & ok
            pfx = plsc.cumsum(valid.astype(jnp.int32))
            posv = m + pfx - 1
            srcs = plsc.load_gather(xsrc_tab, [slots - s0])
            plsc.store_scatter(src_list, [posv // L, posv % L], srcs,
                               mask=valid)
            plsc.store_scatter(dst_list, [posv // L, posv % L], slots,
                               mask=valid)
            return m + pfx[15]

        n = lax.fori_loop(0, NIDX, idx_body, 0)

        rows = [rows_a, rows_b]
        gsem = [gs0, gs1]
        wsem = [ws0, ws1]
        gh = [None, None]
        wh = [None, None]

        def start_gather(ch):
            b = ch % 2
            sz = CH_SZ[ch]
            gh[b] = pltpu.async_copy(
                mem_hbm.at[idx_v.at[pl.ds(CH_OFF[ch], sz)]],
                rows[b].at[pl.ds(0, sz)], gsem[b])

        start_gather(0)
        for ch in range(NCH):
            b = ch % 2
            sz = CH_SZ[ch]
            if ch + 1 < NCH:
                if wh[1 - b] is not None:
                    wh[1 - b].wait()
                start_gather(ch + 1)
            gh[b].wait()
            wh[b] = pltpu.async_copy(rows[b].at[pl.ds(0, sz)],
                                     out_hbm.at[pl.ds(s0 + CH_OFF[ch], sz)],
                                     wsem[b])
        for b in range(2):
            if wh[b] is not None:
                wh[b].wait()

        @pl.when(n > 0)
        def _():
            r = (n - 1) // L
            rv = jnp.full((L,), r, jnp.int32)
            pos = jnp.minimum(r * L + iota, n - 1)
            vs = plsc.load_gather(src_list, [pos // L, pos % L])
            vd = plsc.load_gather(dst_list, [pos // L, pos % L])
            plsc.store_scatter(src_list, [rv, iota], vs)
            plsc.store_scatter(dst_list, [rv, iota], vd)

        nsub = (n + (L - 1)) // L
        buf_a = rows_a.at[pl.ds(0, L)]
        buf_b = rows_a.at[pl.ds(L, L)]

        def pair_body(u, carry):
            t = u * 2
            ga = pltpu.async_copy(x_hbm.at[src_list.at[t]], buf_a, ps0)
            has_b = t + 1 < nsub

            @pl.when(has_b)
            def _():
                gb = pltpu.async_copy(x_hbm.at[src_list.at[t + 1]],
                                      buf_b, ps1)
                ga.wait()
                sa = pltpu.async_copy(buf_a, out_hbm.at[dst_list.at[t]], ss0)
                gb.wait()
                sb = pltpu.async_copy(buf_b, out_hbm.at[dst_list.at[t + 1]],
                                      ss1)
                sa.wait()
                sb.wait()

            @pl.when(jnp.logical_not(has_b))
            def _():
                ga.wait()
                pltpu.async_copy(buf_a, out_hbm.at[dst_list.at[t]],
                                 ss0).wait()

            return carry

        lax.fori_loop(0, (nsub + 1) // 2, pair_body, 0)

    return k(mem_flat, x, classes)


def kernel(x, classes, memory):
    out = _sc_update(memory.reshape(SLOTS, DIM), x, classes)
    return out.reshape(NUM_CLASSES, CAP, DIM)

# --- scband reference (transcript-rebuilt; emitter-appended) ---
"""Pipeline reference for scband-memory-bank-ot-50319836840107 (READ-ONLY COPY).

The authoritative reference and input builder live on the scoring server;
editing this copy changes nothing except your own understanding.
"""

import jax, jax.numpy as jnp
import numpy as np

NUM_CLASSES = 1000
CAP = 32
DIM = 1024
BATCH = 4096


def setup_inputs(seed: int = 0) -> dict:
    key = jax.random.key(seed)
    k1, k2, k3 = jax.random.split(key, 3)
    x = jax.random.normal(k1, (BATCH, DIM), dtype=jnp.float32)
    classes = jax.random.randint(k2, (BATCH,), 0, NUM_CLASSES, dtype=jnp.int32)
    # persistent memory bank buffer (initialized with randn, as in __init__)
    memory = jax.random.normal(k3, (NUM_CLASSES, CAP, DIM), dtype=jnp.float32)
    return {"x": x, "classes": classes, "memory": memory}


def reference(x, classes, memory):
    # Faithful translation of memory_bank_ot.forward/update:
    # for each class c present in `classes`:
    #   new_row = concat(x[classes==c] (in original order), memory[c])[:CAP]
    # Classes with zero occurrences leave memory[c] unchanged (cat([empty, old])[:CAP] == old),
    # so iterating over ALL class ids is mathematically identical to iterating over unique().
    B = x.shape[0]
    pos = jnp.arange(B)

    def update_class(cls, mem_row):
        mask = classes == cls
        count = jnp.sum(mask)
        # stable order: class-cls instances first (original order), others after
        sort_key = jnp.where(mask, pos, B + pos)
        order = jnp.argsort(sort_key)
        sel = x[order[:CAP]]  # first min(count, CAP) rows are valid new instances
        j = jnp.arange(CAP)
        old_idx = jnp.clip(j - count, 0, CAP - 1)
        old = mem_row[old_idx]  # shifted old memory rows fill remaining slots
        return jnp.where((j < count)[:, None], sel, old)

    new_memory = jax.vmap(update_class)(jnp.arange(NUM_CLASSES), memory)
    return new_memory

if __name__ == "__main__":
    import jax
    _d = setup_inputs()
    print(jax.jit(kernel)(*tuple(_d.values())))

</pallas_src>

<mosaic_0001>
#map = affine_map<(d0, d1) -> (0, 0)>
#map1 = affine_map<(d0, d1) -> (0)>
module attributes {stable_mosaic.version = 14 : i64} {
  func.func @k(%arg0: i32, %arg1: i32, %arg2: memref<32000x1024xf32, #tpu.memory_space<hbm>>, %arg3: memref<4096x1024xf32, #tpu.memory_space<hbm>>, %arg4: memref<4096xi32, #tpu.memory_space<hbm>>, %arg5: memref<32000x1024xf32, #tpu.memory_space<hbm>>, %arg6: memref<4096xi32, #tpu.memory_space<vmem>>, %arg7: memref<48xi32, #tpu.memory_space<vmem>>, %arg8: memref<1008xi32, #tpu.memory_space<vmem>>, %arg9: memref<1008xi32, #tpu.memory_space<vmem>>, %arg10: memref<64x16xi32, #tpu.memory_space<vmem>>, %arg11: memref<64x16xi32, #tpu.memory_space<vmem>>, %arg12: memref<48x1024xf32, #tpu.memory_space<vmem>>, %arg13: memref<48x1024xf32, #tpu.memory_space<vmem>>, %arg14: memref<!tpu.dma_semaphore, #tpu.memory_space<semaphore_mem>>, %arg15: memref<!tpu.dma_semaphore, #tpu.memory_space<semaphore_mem>>, %arg16: memref<!tpu.dma_semaphore, #tpu.memory_space<semaphore_mem>>, %arg17: memref<!tpu.dma_semaphore, #tpu.memory_space<semaphore_mem>>, %arg18: memref<!tpu.dma_semaphore, #tpu.memory_space<semaphore_mem>>, %arg19: memref<!tpu.dma_semaphore, #tpu.memory_space<semaphore_mem>>, %arg20: memref<!tpu.dma_semaphore, #tpu.memory_space<semaphore_mem>>, %arg21: memref<!tpu.dma_semaphore, #tpu.memory_space<semaphore_mem>>) attributes {dimension_semantics = [#tpu.dimension_semantics<core_parallel>, #tpu.dimension_semantics<subcore_parallel>], iteration_bounds = array<i64: 2, 16>, scalar_prefetch = 0 : i64, scratch_operands = 16 : i64, tpu.core_type = #tpu.core_type<sc_vector_subcore>, window_params = [{transform_indices = #map}, {transform_indices = #map}, {transform_indices = #map1}, {transform_indices = #map}]} {
    %mul3A = arith.constant 16 : i32
    %mul3A_0 = arith.muli %arg0, %mul3A : i32
    %add3A = arith.addi %mul3A_0, %arg1 : i32
    %mul3A_1 = arith.constant 1000 : i32
    %mul3A_2 = arith.muli %add3A, %mul3A_1 : i32
    %jit3A = arith.constant 32 : i32
    %div3A = arith.divsi %mul3A_2, %jit3A : i32
    %sign3A = arith.constant 0 : i32
    %sign3A_3 = arith.cmpi sgt, %mul3A_2, %sign3A : i32
    %sign3A_4 = arith.extui %sign3A_3 : i1 to i32
    %sign3A_5 = arith.constant 0 : i32
    %sign3A_6 = arith.cmpi slt, %mul3A_2, %sign3A_5 : i32
    %sign3A_7 = arith.extui %sign3A_6 : i1 to i32
    %sign3A_8 = arith.subi %sign3A_4, %sign3A_7 : i32
    %sign3A_9 = arith.constant 0 : i32
    %sign3A_10 = arith.cmpi sgt, %jit3A, %sign3A_9 : i32
    %sign3A_11 = arith.extui %sign3A_10 : i1 to i32
    %sign3A_12 = arith.constant 0 : i32
    %sign3A_13 = arith.cmpi slt, %jit3A, %sign3A_12 : i32
    %sign3A_14 = arith.extui %sign3A_13 : i1 to i32
    %sign3A_15 = arith.subi %sign3A_11, %sign3A_14 : i32
    %ne3A = arith.cmpi ne, %sign3A_8, %sign3A_15 : i32
    %rem3A = arith.remsi %mul3A_2, %jit3A : i32
    %ne3A_16 = arith.constant 0 : i32
    %ne3A_17 = arith.cmpi ne, %rem3A, %ne3A_16 : i32
    %and3A = arith.andi %ne3A, %ne3A_17 : i1
    %sub3A = arith.constant 1 : i32
    %sub3A_18 = arith.subi %div3A, %sub3A : i32
    %select_n3A = arith.select %and3A, %sub3A_18, %div3A : i32
    %iota3A = tpu.iota {dimensions = array<i32: 0>} : vector<16xi32>
    %broadcast_in_dim3A = arith.constant 0 : i32
    %broadcast_in_dim3A_19 = vector.broadcast %broadcast_in_dim3A : i32 to vector<16xi32>
    "tpu.region"() ({
      %run_scoped3A = tpu.sem_alloc : memref<!tpu.dma_semaphore, #tpu.memory_space<semaphore_mem>>
      tpu.enqueue_dma source(%arg4 : memref<4096xi32, #tpu.memory_space<hbm>>) target(%arg6 : memref<4096xi32, #tpu.memory_space<vmem>>) target_semaphore(%run_scoped3A : memref<!tpu.dma_semaphore, #tpu.memory_space<semaphore_mem>>)
      tpu.wait_dma2 semaphore(%run_scoped3A : memref<!tpu.dma_semaphore, #tpu.memory_space<semaphore_mem>>) src(%arg4 : memref<4096xi32, #tpu.memory_space<hbm>>) dst(%arg6 : memref<4096xi32, #tpu.memory_space<vmem>>)
      tpu.yield
    }) : () -> ()
    %swap3A = arith.constant 0 : index
    %swap3A_20 = tpu.vector_load %arg7[%swap3A] {strides = array<i32>} : memref<48xi32, #tpu.memory_space<vmem>>, vector<16xi32>,
    tpu.vector_store %arg7[%swap3A], %broadcast_in_dim3A_19 {strides = array<i32>} : memref<48xi32, #tpu.memory_space<vmem>>, vector<16xi32>,
    %swap3A_21 = arith.constant 16 : index
    %swap3A_22 = tpu.vector_load %arg7[%swap3A_21] {strides = array<i32>} : memref<48xi32, #tpu.memory_space<vmem>>, vector<16xi32>,
    tpu.vector_store %arg7[%swap3A_21], %broadcast_in_dim3A_19 {strides = array<i32>} : memref<48xi32, #tpu.memory_space<vmem>>, vector<16xi32>,
    %swap3A_23 = arith.constant 32 : index
    %swap3A_24 = tpu.vector_load %arg7[%swap3A_23] {strides = array<i32>} : memref<48xi32, #tpu.memory_space<vmem>>, vector<16xi32>,
    tpu.vector_store %arg7[%swap3A_23], %broadcast_in_dim3A_19 {strides = array<i32>} : memref<48xi32, #tpu.memory_space<vmem>>, vector<16xi32>,
    %scan3A = arith.constant 0 : i32
    %scan3A_25 = arith.constant 0 : i32
    %scan3A_26 = arith.constant 256 : i32
    %scan3A_27 = arith.addi %scan3A_25, %scan3A_26 : i32
    %scan3A_28 = arith.constant 1 : i32
    scf.for %scan3A_896 = %scan3A_25 to %scan3A_27 step %scan3A_28  : i32 {
      %mul3A_897 = arith.constant 16 : i32
      %mul3A_898 = arith.muli %scan3A_896, %mul3A_897 : i32
      %get3A = arith.index_cast %mul3A_898 : i32 to index
      %get3A_899 = tpu.vector_load %arg6[%get3A] {strides = array<i32>} : memref<4096xi32, #tpu.memory_space<vmem>>, vector<16xi32>,
      %sub3A_900 = vector.broadcast %select_n3A : i32 to vector<16xi32>
      %sub3A_901 = arith.subi %get3A_899, %sub3A_900 : vector<16xi32>
      %ge3A = arith.constant 0 : i32
      %ge3A_902 = vector.broadcast %ge3A : i32 to vector<16xi32>
      %ge3A_903 = arith.cmpi sge, %sub3A_901, %ge3A_902 : vector<16xi32>
      %lt3A = arith.constant 33 : i32
      %lt3A_904 = vector.broadcast %lt3A : i32 to vector<16xi32>
      %lt3A_905 = arith.cmpi slt, %sub3A_901, %lt3A_904 : vector<16xi32>
      %and3A_906 = arith.andi %ge3A_903, %lt3A_905 : vector<16xi1>
      %reduce_or3A = arith.constant 1.000000e+00 : f32
      %reduce_or3A_907 = arith.constant 0.000000e+00 : f32
      %reduce_or3A_908 = vector.broadcast %reduce_or3A : f32 to vector<16xf32>
      %reduce_or3A_909 = vector.broadcast %reduce_or3A_907 : f32 to vector<16xf32>
      %reduce_or3A_910 = arith.select %and3A_906, %reduce_or3A_908, %reduce_or3A_909 : vector<16xi1>, vector<16xf32>
      %reduce_or3A_911 = arith.constant true
      %reduce_or3A_912 = vector.broadcast %reduce_or3A_911 : i1 to vector<16xi1>
      %reduce_or3A_913 = tpu.scan <max>, %reduce_or3A_910 masked %reduce_or3A_912 : vector<16xf32>, vector<16xi1> -> vector<16xf32>
      %reduce_or3A_914 = vector.extract %reduce_or3A_913[15] : f32 from vector<16xf32>
      %reduce_or3A_915 = arith.constant 0.000000e+00 : f32
      %reduce_or3A_916 = arith.cmpf ogt, %reduce_or3A_914, %reduce_or3A_915 : f32
      %convert_element_type3A_917 = arith.extui %reduce_or3A_916 : i1 to i32
      %cond3A_918 = arith.constant 0 : i32
      %cond3A_919 = arith.cmpi ne, %convert_element_type3A_917, %cond3A_918 : i32
      scf.if %cond3A_919 {
        %jit3A_920 = arith.constant 33 : i32
        %broadcast_in_dim3A_921 = vector.broadcast %jit3A_920 : i32 to vector<16xi32>
        %select_n3A_922 = arith.select %and3A_906, %sub3A_901, %broadcast_in_dim3A_921 : vector<16xi1>, vector<16xi32>
        %gather3A = tpu.vector_load_idx %arg7[%select_n3A_922] : memref<48xi32, #tpu.memory_space<vmem>>[vector<16xi32>], vector<16xi32>,
        %broadcast_in_dim3A_923 = arith.constant true
        %broadcast_in_dim3A_924 = vector.broadcast %broadcast_in_dim3A_923 : i1 to vector<16xi1>
        %unique3A, %unique3A_925 = tpu.scan_count mask(%broadcast_in_dim3A_924 : vector<16xi1>) value(%get3A_899 : vector<16xi32>) : vector<16xi1>, vector<16xi32>
        %add3A_926 = arith.addi %gather3A, %unique3A_925 : vector<16xi32>
        %sub3A_927 = arith.constant 1 : i32
        %sub3A_928 = vector.broadcast %sub3A_927 : i32 to vector<16xi32>
        %sub3A_929 = arith.subi %add3A_926, %sub3A_928 : vector<16xi32>
        %add3A_930 = arith.addi %gather3A, %unique3A_925 : vector<16xi32>
        tpu.vector_store_idx %arg7[%select_n3A_922], %add3A_930 masked %unique3A : memref<48xi32, #tpu.memory_space<vmem>>[vector<16xi32>], vector<16xi32>, vector<16xi1>
        %mul3A_931 = arith.constant 32 : i32
        %mul3A_932 = vector.broadcast %mul3A_931 : i32 to vector<16xi32>
        %mul3A_933 = arith.muli %get3A_899, %mul3A_932 : vector<16xi32>
        %add3A_934 = arith.addi %mul3A_933, %sub3A_929 : vector<16xi32>
        %lt3A_935 = arith.constant 32 : i32
        %lt3A_936 = vector.broadcast %lt3A_935 : i32 to vector<16xi32>
        %lt3A_937 = arith.cmpi slt, %sub3A_929, %lt3A_936 : vector<16xi32>
        %and3A_938 = arith.andi %and3A_906, %lt3A_937 : vector<16xi1>
        %ge3A_939 = vector.broadcast %mul3A_2 : i32 to vector<16xi32>
        %ge3A_940 = arith.cmpi sge, %add3A_934, %ge3A_939 : vector<16xi32>
        %and3A_941 = arith.andi %and3A_938, %ge3A_940 : vector<16xi1>
        %add3A_942 = arith.constant 1000 : i32
        %add3A_943 = arith.addi %mul3A_2, %add3A_942 : i32
        %lt3A_944 = vector.broadcast %add3A_943 : i32 to vector<16xi32>
        %lt3A_945 = arith.cmpi slt, %add3A_934, %lt3A_944 : vector<16xi32>
        %and3A_946 = arith.andi %and3A_941, %lt3A_945 : vector<16xi1>
        %sub3A_947 = vector.broadcast %mul3A_2 : i32 to vector<16xi32>
        %sub3A_948 = arith.subi %add3A_934, %sub3A_947 : vector<16xi32>
        %mul3A_949 = arith.constant 16 : i32
        %mul3A_950 = arith.muli %scan3A_896, %mul3A_949 : i32
        %add3A_951 = vector.broadcast %mul3A_950 : i32 to vector<16xi32>
        %add3A_952 = arith.addi %add3A_951, %iota3A : vector<16xi32>
        tpu.vector_store_idx %arg9[%sub3A_948], %add3A_952 masked %and3A_946 : memref<1008xi32, #tpu.memory_space<vmem>>[vector<16xi32>], vector<16xi32>, vector<16xi1>
      } else {
      }
    }
    %scan3A_29 = arith.constant 256 : i32
    %scan3A_30 = arith.constant 0 : i32
    %scan3A_31 = arith.constant 0 : i32
    %scan3A_32 = arith.constant 63 : i32
    %scan3A_33 = arith.addi %scan3A_31, %scan3A_32 : i32
    %scan3A_34 = arith.constant 1 : i32
    %scan3A_35 = scf.for %scan3A_896 = %scan3A_31 to %scan3A_33 step %scan3A_34 iter_args(%scan3A_897 = %scan3A_30) -> (i32)  : i32 {
      %mul3A_898 = arith.constant 16 : i32
      %mul3A_899 = arith.muli %scan3A_896, %mul3A_898 : i32
      %add3A_900 = arith.addi %mul3A_2, %mul3A_899 : i32
      %add3A_901 = vector.broadcast %add3A_900 : i32 to vector<16xi32>
      %add3A_902 = arith.addi %add3A_901, %iota3A : vector<16xi32>
      %add3A_903 = arith.constant 1000 : i32
      %add3A_904 = arith.addi %mul3A_2, %add3A_903 : i32
      %lt3A = vector.broadcast %add3A_904 : i32 to vector<16xi32>
      %lt3A_905 = arith.cmpi slt, %add3A_902, %lt3A : vector<16xi32>
      %jit3A_906 = arith.constant 32 : i32
      %div3A_907 = vector.broadcast %jit3A_906 : i32 to vector<16xi32>
      %div3A_908 = arith.divsi %add3A_902, %div3A_907 : vector<16xi32>
      %sign3A_909 = arith.constant 0 : i32
      %sign3A_910 = vector.broadcast %sign3A_909 : i32 to vector<16xi32>
      %sign3A_911 = arith.cmpi sgt, %add3A_902, %sign3A_910 : vector<16xi32>
      %sign3A_912 = arith.extui %sign3A_911 : vector<16xi1> to vector<16xi32>
      %sign3A_913 = arith.constant 0 : i32
      %sign3A_914 = vector.broadcast %sign3A_913 : i32 to vector<16xi32>
      %sign3A_915 = arith.cmpi slt, %add3A_902, %sign3A_914 : vector<16xi32>
      %sign3A_916 = arith.extui %sign3A_915 : vector<16xi1> to vector<16xi32>
      %sign3A_917 = arith.subi %sign3A_912, %sign3A_916 : vector<16xi32>
      %sign3A_918 = arith.constant 0 : i32
      %sign3A_919 = arith.cmpi sgt, %jit3A_906, %sign3A_918 : i32
      %sign3A_920 = arith.extui %sign3A_919 : i1 to i32
      %sign3A_921 = arith.constant 0 : i32
      %sign3A_922 = arith.cmpi slt, %jit3A_906, %sign3A_921 : i32
      %sign3A_923 = arith.extui %sign3A_922 : i1 to i32
      %sign3A_924 = arith.subi %sign3A_920, %sign3A_923 : i32
      %ne3A_925 = vector.broadcast %sign3A_924 : i32 to vector<16xi32>
      %ne3A_926 = arith.cmpi ne, %sign3A_917, %ne3A_925 : vector<16xi32>
      %rem3A_927 = vector.broadcast %jit3A_906 : i32 to vector<16xi32>
      %rem3A_928 = arith.remsi %add3A_902, %rem3A_927 : vector<16xi32>
      %ne3A_929 = arith.constant 0 : i32
      %ne3A_930 = vector.broadcast %ne3A_929 : i32 to vector<16xi32>
      %ne3A_931 = arith.cmpi ne, %rem3A_928, %ne3A_930 : vector<16xi32>
      %and3A_932 = arith.andi %ne3A_926, %ne3A_931 : vector<16xi1>
      %sub3A_933 = arith.constant 1 : i32
      %sub3A_934 = vector.broadcast %sub3A_933 : i32 to vector<16xi32>
      %sub3A_935 = arith.subi %div3A_908, %sub3A_934 : vector<16xi32>
      %select_n3A_936 = arith.select %and3A_932, %sub3A_935, %div3A_908 : vector<16xi1>, vector<16xi32>
      %mul3A_937 = arith.constant 32 : i32
      %mul3A_938 = vector.broadcast %mul3A_937 : i32 to vector<16xi32>
      %mul3A_939 = arith.muli %select_n3A_936, %mul3A_938 : vector<16xi32>
      %sub3A_940 = arith.subi %add3A_902, %mul3A_939 : vector<16xi32>
      %sub3A_941 = vector.broadcast %select_n3A : i32 to vector<16xi32>
      %sub3A_942 = arith.subi %select_n3A_936, %sub3A_941 : vector<16xi32>
      %gather3A = tpu.vector_load_idx %arg7[%sub3A_942] : memref<48xi32, #tpu.memory_space<vmem>>[vector<16xi32>], vector<16xi32>,
      %mul3A_943 = arith.constant 32 : i32
      %mul3A_944 = vector.broadcast %mul3A_943 : i32 to vector<16xi32>
      %mul3A_945 = arith.muli %select_n3A_936, %mul3A_944 : vector<16xi32>
      %sub3A_946 = arith.subi %sub3A_940, %gather3A : vector<16xi32>
      %jit3A_947 = arith.constant 0 : i32
      %jit3A_948 = arith.constant 31 : i32
      %max3A = vector.broadcast %jit3A_947 : i32 to vector<16xi32>
      %max3A_949 = arith.maxsi %max3A, %sub3A_946 : vector<16xi32>
      %min3A = vector.broadcast %jit3A_948 : i32 to vector<16xi32>
      %min3A_950 = arith.minsi %min3A, %max3A_949 : vector<16xi32>
      %add3A_951 = arith.addi %mul3A_945, %min3A_950 : vector<16xi32>
      %mul3A_952 = arith.constant 16 : i32
      %mul3A_953 = arith.muli %scan3A_896, %mul3A_952 : i32
      %swap3A_954 = arith.index_cast %mul3A_953 : i32 to index
      %swap3A_955 = tpu.vector_load %arg8[%swap3A_954] {strides = array<i32>} : memref<1008xi32, #tpu.memory_space<vmem>>, vector<16xi32>,
      tpu.vector_store %arg8[%swap3A_954], %add3A_951 {strides = array<i32>} : memref<1008xi32, #tpu.memory_space<vmem>>, vector<16xi32>,
      %lt3A_956 = arith.cmpi slt, %sub3A_940, %gather3A : vector<16xi32>
      %and3A_957 = arith.andi %lt3A_956, %lt3A_905 : vector<16xi1>
      %convert_element_type3A_958 = arith.extui %and3A_957 : vector<16xi1> to vector<16xi32>
      %broadcast_in_dim3A_959 = arith.constant true
      %broadcast_in_dim3A_960 = vector.broadcast %broadcast_in_dim3A_959 : i1 to vector<16xi1>
      %masked_cumsum3A = tpu.scan <sum>, %convert_element_type3A_958 masked %broadcast_in_dim3A_960 : vector<16xi32>, vector<16xi1> -> vector<16xi32>
      %add3A_961 = vector.broadcast %scan3A_897 : i32 to vector<16xi32>
      %add3A_962 = arith.addi %add3A_961, %masked_cumsum3A : vector<16xi32>
      %sub3A_963 = arith.constant 1 : i32
      %sub3A_964 = vector.broadcast %sub3A_963 : i32 to vector<16xi32>
      %sub3A_965 = arith.subi %add3A_962, %sub3A_964 : vector<16xi32>
      %sub3A_966 = vector.broadcast %mul3A_2 : i32 to vector<16xi32>
      %sub3A_967 = arith.subi %add3A_902, %sub3A_966 : vector<16xi32>
      %gather3A_968 = tpu.vector_load_idx %arg9[%sub3A_967] : memref<1008xi32, #tpu.memory_space<vmem>>[vector<16xi32>], vector<16xi32>,
      %jit3A_969 = arith.constant 16 : i32
      %div3A_970 = vector.broadcast %jit3A_969 : i32 to vector<16xi32>
      %div3A_971 = arith.divsi %sub3A_965, %div3A_970 : vector<16xi32>
      %sign3A_972 = arith.constant 0 : i32
      %sign3A_973 = vector.broadcast %sign3A_972 : i32 to vector<16xi32>
      %sign3A_974 = arith.cmpi sgt, %sub3A_965, %sign3A_973 : vector<16xi32>
      %sign3A_975 = arith.extui %sign3A_974 : vector<16xi1> to vector<16xi32>
      %sign3A_976 = arith.constant 0 : i32
      %sign3A_977 = vector.broadcast %sign3A_976 : i32 to vector<16xi32>
      %sign3A_978 = arith.cmpi slt, %sub3A_965, %sign3A_977 : vector<16xi32>
      %sign3A_979 = arith.extui %sign3A_978 : vector<16xi1> to vector<16xi32>
      %sign3A_980 = arith.subi %sign3A_975, %sign3A_979 : vector<16xi32>
      %sign3A_981 = arith.constant 0 : i32
      %sign3A_982 = arith.cmpi sgt, %jit3A_969, %sign3A_981 : i32
      %sign3A_983 = arith.extui %sign3A_982 : i1 to i32
      %sign3A_984 = arith.constant 0 : i32
      %sign3A_985 = arith.cmpi slt, %jit3A_969, %sign3A_984 : i32
      %sign3A_986 = arith.extui %sign3A_985 : i1 to i32
      %sign3A_987 = arith.subi %sign3A_983, %sign3A_986 : i32
      %ne3A_988 = vector.broadcast %sign3A_987 : i32 to vector<16xi32>
      %ne3A_989 = arith.cmpi ne, %sign3A_980, %ne3A_988 : vector<16xi32>
      %rem3A_990 = vector.broadcast %jit3A_969 : i32 to vector<16xi32>
      %rem3A_991 = arith.remsi %sub3A_965, %rem3A_990 : vector<16xi32>
      %ne3A_992 = arith.constant 0 : i32
      %ne3A_993 = vector.broadcast %ne3A_992 : i32 to vector<16xi32>
      %ne3A_994 = arith.cmpi ne, %rem3A_991, %ne3A_993 : vector<16xi32>
      %and3A_995 = arith.andi %ne3A_989, %ne3A_994 : vector<16xi1>
      %sub3A_996 = arith.constant 1 : i32
      %sub3A_997 = vector.broadcast %sub3A_996 : i32 to vector<16xi32>
      %sub3A_998 = arith.subi %div3A_971, %sub3A_997 : vector<16xi32>
      %select_n3A_999 = arith.select %and3A_995, %sub3A_998, %div3A_971 : vector<16xi1>, vector<16xi32>
      %jit3A_1000 = arith.constant 16 : i32
      %eq3A = arith.constant 0 : i32
      %eq3A_1001 = arith.cmpi eq, %jit3A_1000, %eq3A : i32
      %jit3A_1002 = arith.constant 1 : i32
      %select_n3A_1003 = arith.select %eq3A_1001, %jit3A_1002, %jit3A_1000 : i32
      %rem3A_1004 = vector.broadcast %select_n3A_1003 : i32 to vector<16xi32>
      %rem3A_1005 = arith.remsi %sub3A_965, %rem3A_1004 : vector<16xi32>
      %ne3A_1006 = arith.constant 0 : i32
      %ne3A_1007 = vector.broadcast %ne3A_1006 : i32 to vector<16xi32>
      %ne3A_1008 = arith.cmpi ne, %rem3A_1005, %ne3A_1007 : vector<16xi32>
      %lt3A_1009 = arith.constant 0 : i32
      %lt3A_1010 = vector.broadcast %lt3A_1009 : i32 to vector<16xi32>
      %lt3A_1011 = arith.cmpi slt, %rem3A_1005, %lt3A_1010 : vector<16xi32>
      %lt3A_1012 = arith.constant 0 : i32
      %lt3A_1013 = arith.cmpi slt, %select_n3A_1003, %lt3A_1012 : i32
      %ne3A_1014 = vector.broadcast %lt3A_1013 : i1 to vector<16xi1>
      %ne3A_1015 = vector.broadcast %ne3A_1014 : vector<16xi1> to vector<16xi1>
      %ne3A_1016 = arith.xori %lt3A_1011, %ne3A_1015 : vector<16xi1>
      %and3A_1017 = arith.andi %ne3A_1016, %ne3A_1008 : vector<16xi1>
      %add3A_1018 = vector.broadcast %select_n3A_1003 : i32 to vector<16xi32>
      %add3A_1019 = arith.addi %rem3A_1005, %add3A_1018 : vector<16xi32>
      %select_n3A_1020 = arith.select %and3A_1017, %add3A_1019, %rem3A_1005 : vector<16xi1>, vector<16xi32>
      tpu.vector_store_idx %arg10[%select_n3A_999, %select_n3A_1020], %gather3A_968 masked %and3A_957 : memref<64x16xi32, #tpu.memory_space<vmem>>[vector<16xi32>, vector<16xi32>], vector<16xi32>, vector<16xi1>
      %jit3A_1021 = arith.constant 16 : i32
      %div3A_1022 = vector.broadcast %jit3A_1021 : i32 to vector<16xi32>
      %div3A_1023 = arith.divsi %sub3A_965, %div3A_1022 : vector<16xi32>
      %sign3A_1024 = arith.constant 0 : i32
      %sign3A_1025 = vector.broadcast %sign3A_1024 : i32 to vector<16xi32>
      %sign3A_1026 = arith.cmpi sgt, %sub3A_965, %sign3A_1025 : vector<16xi32>
      %sign3A_1027 = arith.extui %sign3A_1026 : vector<16xi1> to vector<16xi32>
      %sign3A_1028 = arith.constant 0 : i32
      %sign3A_1029 = vector.broadcast %sign3A_1028 : i32 to vector<16xi32>
      %sign3A_1030 = arith.cmpi slt, %sub3A_965, %sign3A_1029 : vector<16xi32>
      %sign3A_1031 = arith.extui %sign3A_1030 : vector<16xi1> to vector<16xi32>
      %sign3A_1032 = arith.subi %sign3A_1027, %sign3A_1031 : vector<16xi32>
      %sign3A_1033 = arith.constant 0 : i32
      %sign3A_1034 = arith.cmpi sgt, %jit3A_1021, %sign3A_1033 : i32
      %sign3A_1035 = arith.extui %sign3A_1034 : i1 to i32
      %sign3A_1036 = arith.constant 0 : i32
      %sign3A_1037 = arith.cmpi slt, %jit3A_1021, %sign3A_1036 : i32
      %sign3A_1038 = arith.extui %sign3A_1037 : i1 to i32
      %sign3A_1039 = arith.subi %sign3A_1035, %sign3A_1038 : i32
      %ne3A_1040 = vector.broadcast %sign3A_1039 : i32 to vector<16xi32>
      %ne3A_1041 = arith.cmpi ne, %sign3A_1032, %ne3A_1040 : vector<16xi32>
      %rem3A_1042 = vector.broadcast %jit3A_1021 : i32 to vector<16xi32>
      %rem3A_1043 = arith.remsi %sub3A_965, %rem3A_1042 : vector<16xi32>
      %ne3A_1044 = arith.constant 0 : i32
      %ne3A_1045 = vector.broadcast %ne3A_1044 : i32 to vector<16xi32>
      %ne3A_1046 = arith.cmpi ne, %rem3A_1043, %ne3A_1045 : vector<16xi32>
      %and3A_1047 = arith.andi %ne3A_1041, %ne3A_1046 : vector<16xi1>
      %sub3A_1048 = arith.constant 1 : i32
      %sub3A_1049 = vector.broadcast %sub3A_1048 : i32 to vector<16xi32>
      %sub3A_1050 = arith.subi %div3A_1023, %sub3A_1049 : vector<16xi32>
      %select_n3A_1051 = arith.select %and3A_1047, %sub3A_1050, %div3A_1023 : vector<16xi1>, vector<16xi32>
      %jit3A_1052 = arith.constant 16 : i32
      %eq3A_1053 = arith.constant 0 : i32
      %eq3A_1054 = arith.cmpi eq, %jit3A_1052, %eq3A_1053 : i32
      %jit3A_1055 = arith.constant 1 : i32
      %select_n3A_1056 = arith.select %eq3A_1054, %jit3A_1055, %jit3A_1052 : i32
      %rem3A_1057 = vector.broadcast %select_n3A_1056 : i32 to vector<16xi32>
      %rem3A_1058 = arith.remsi %sub3A_965, %rem3A_1057 : vector<16xi32>
      %ne3A_1059 = arith.constant 0 : i32
      %ne3A_1060 = vector.broadcast %ne3A_1059 : i32 to vector<16xi32>
      %ne3A_1061 = arith.cmpi ne, %rem3A_1058, %ne3A_1060 : vector<16xi32>
      %lt3A_1062 = arith.constant 0 : i32
      %lt3A_1063 = vector.broadcast %lt3A_1062 : i32 to vector<16xi32>
      %lt3A_1064 = arith.cmpi slt, %rem3A_1058, %lt3A_1063 : vector<16xi32>
      %lt3A_1065 = arith.constant 0 : i32
      %lt3A_1066 = arith.cmpi slt, %select_n3A_1056, %lt3A_1065 : i32
      %ne3A_1067 = vector.broadcast %lt3A_1066 : i1 to vector<16xi1>
      %ne3A_1068 = vector.broadcast %ne3A_1067 : vector<16xi1> to vector<16xi1>
      %ne3A_1069 = arith.xori %lt3A_1064, %ne3A_1068 : vector<16xi1>
      %and3A_1070 = arith.andi %ne3A_1069, %ne3A_1061 : vector<16xi1>
      %add3A_1071 = vector.broadcast %select_n3A_1056 : i32 to vector<16xi32>
      %add3A_1072 = arith.addi %rem3A_1058, %add3A_1071 : vector<16xi32>
      %select_n3A_1073 = arith.select %and3A_1070, %add3A_1072, %rem3A_1058 : vector<16xi1>, vector<16xi32>
      tpu.vector_store_idx %arg11[%select_n3A_1051, %select_n3A_1073], %add3A_902 masked %and3A_957 : memref<64x16xi32, #tpu.memory_space<vmem>>[vector<16xi32>, vector<16xi32>], vector<16xi32>, vector<16xi1>
      %slice3A = vector.extract_strided_slice %masked_cumsum3A {offsets = [15], sizes = [1], strides = [1]} : vector<16xi32> to vector<1xi32>
      %squeeze3A = vector.extract %slice3A[0] : i32 from vector<1xi32>
      %add3A_1074 = arith.addi %scan3A_897, %squeeze3A : i32
      scf.yield %add3A_1074 : i32
    }
    %scan3A_36 = arith.constant 63 : i32
    %dma_start3A = arith.constant 0 : i32
    %dma_start3A_37 = arith.constant 0 : i32
    %dma_start3A_38 = tpu.memref_slice %arg12[%dma_start3A, %dma_start3A_37] : memref<48x1024xf32, #tpu.memory_space<vmem>> -> memref<48x1024xf32, #tpu.memory_space<vmem>>
    %dma_start3A_39 = arith.constant 0 : i32
    %dma_start3A_40 = tpu.memref_slice %arg8[%dma_start3A_39] : memref<1008xi32, #tpu.memory_space<vmem>> -> memref<48xi32, #tpu.memory_space<vmem>>
    %dma_start3A_41 = arith.constant 0 : i32
    %dma_start3A_42 = arith.constant 0 : i32
    %dma_start3A_43 = tpu.memref_slice %arg2[%dma_start3A_41, %dma_start3A_42] : memref<32000x1024xf32, #tpu.memory_space<hbm>> -> memref<32000x1024xf32, #tpu.memory_space<hbm>>
    tpu.enqueue_indirect_dma source(%dma_start3A_43 : memref<32000x1024xf32, #tpu.memory_space<hbm>>) target(%dma_start3A_38 : memref<48x1024xf32, #tpu.memory_space<vmem>>) offsets(%dma_start3A_40 : memref<48xi32, #tpu.memory_space<vmem>>) semaphore(%arg14 : memref<!tpu.dma_semaphore, #tpu.memory_space<semaphore_mem>>)
    %dma_start3A_44 = arith.constant 0 : i32
    %dma_start3A_45 = arith.constant 0 : i32
    %dma_start3A_46 = tpu.memref_slice %arg13[%dma_start3A_44, %dma_start3A_45] : memref<48x1024xf32, #tpu.memory_space<vmem>> -> memref<48x1024xf32, #tpu.memory_space<vmem>>
    %dma_start3A_47 = arith.constant 48 : i32
    %dma_start3A_48 = tpu.memref_slice %arg8[%dma_start3A_47] : memref<1008xi32, #tpu.memory_space<vmem>> -> memref<48xi32, #tpu.memory_space<vmem>>
    %dma_start3A_49 = arith.constant 0 : i32
    %dma_start3A_50 = arith.constant 0 : i32
    %dma_start3A_51 = tpu.memref_slice %arg2[%dma_start3A_49, %dma_start3A_50] : memref<32000x1024xf32, #tpu.memory_space<hbm>> -> memref<32000x1024xf32, #tpu.memory_space<hbm>>
    tpu.enqueue_indirect_dma source(%dma_start3A_51 : memref<32000x1024xf32, #tpu.memory_space<hbm>>) target(%dma_start3A_46 : memref<48x1024xf32, #tpu.memory_space<vmem>>) offsets(%dma_start3A_48 : memref<48xi32, #tpu.memory_space<vmem>>) semaphore(%arg15 : memref<!tpu.dma_semaphore, #tpu.memory_space<semaphore_mem>>)
    %dma_wait3A = arith.constant 0 : i32
    %dma_wait3A_52 = arith.constant 0 : i32
    %dma_wait3A_53 = tpu.memref_slice %arg12[%dma_wait3A, %dma_wait3A_52] : memref<48x1024xf32, #tpu.memory_space<vmem>> -> memref<48x1024xf32, #tpu.memory_space<vmem>>
    %dma_wait3A_54 = arith.constant 0 : i32
    %dma_wait3A_55 = tpu.memref_slice %arg8[%dma_wait3A_54] : memref<1008xi32, #tpu.memory_space<vmem>> -> memref<48xi32, #tpu.memory_space<vmem>>
    %dma_wait3A_56 = arith.constant 0 : i32
    %dma_wait3A_57 = arith.constant 0 : i32
    %dma_wait3A_58 = tpu.memref_slice %arg2[%dma_wait3A_56, %dma_wait3A_57] : memref<32000x1024xf32, #tpu.memory_space<hbm>> -> memref<32000x1024xf32, #tpu.memory_space<hbm>>
    tpu.wait_indirect_dma semaphore(%arg14 : memref<!tpu.dma_semaphore, #tpu.memory_space<semaphore_mem>>) src(%dma_wait3A_58 : memref<32000x1024xf32, #tpu.memory_space<hbm>>) dst(%dma_wait3A_53 : memref<48x1024xf32, #tpu.memory_space<vmem>>)
    %add3A_59 = arith.constant 0 : i32
    %add3A_60 = arith.addi %mul3A_2, %add3A_59 : i32
    %dma_start3A_61 = arith.constant 0 : i32
    %dma_start3A_62 = arith.constant 0 : i32
    %dma_start3A_63 = tpu.memref_slice %arg12[%dma_start3A_61, %dma_start3A_62] : memref<48x1024xf32, #tpu.memory_space<vmem>> -> memref<48x1024xf32, #tpu.memory_space<vmem>>
    %dma_start3A_64 = arith.constant 0 : i32
    %dma_start3A_65 = tpu.memref_slice %arg5[%add3A_60, %dma_start3A_64] : memref<32000x1024xf32, #tpu.memory_space<hbm>> -> memref<48x1024xf32, #tpu.memory_space<hbm>>
    %dma_start3A_66 = arith.constant 0 : i32
    %dma_start3A_67 = tpu.memref_slice %arg5[%add3A_60, %dma_start3A_66] : memref<32000x1024xf32, #tpu.memory_space<hbm>> -> memref<48x1024xf32, #tpu.memory_space<hbm>>
    %dma_start3A_68 = arith.constant 0 : i32
    %dma_start3A_69 = arith.constant 0 : i32
    %dma_start3A_70 = tpu.memref_slice %arg12[%dma_start3A_68, %dma_start3A_69] : memref<48x1024xf32, #tpu.memory_space<vmem>> -> memref<48x1024xf32, #tpu.memory_space<vmem>>
    tpu.enqueue_dma source(%dma_start3A_70 : memref<48x1024xf32, #tpu.memory_space<vmem>>) target(%dma_start3A_67 : memref<48x1024xf32, #tpu.memory_space<hbm>>) target_semaphore(%arg16 : memref<!tpu.dma_semaphore, #tpu.memory_space<semaphore_mem>>)
    %dma_wait3A_71 = arith.constant 0 : i32
    %dma_wait3A_72 = arith.constant 0 : i32
    %dma_wait3A_73 = tpu.memref_slice %arg12[%dma_wait3A_71, %dma_wait3A_72] : memref<48x1024xf32, #tpu.memory_space<vmem>> -> memref<48x1024xf32, #tpu.memory_space<vmem>>
    %dma_wait3A_74 = arith.constant 0 : i32
    %dma_wait3A_75 = tpu.memref_slice %arg5[%add3A_60, %dma_wait3A_74] : memref<32000x1024xf32, #tpu.memory_space<hbm>> -> memref<48x1024xf32, #tpu.memory_space<hbm>>
    %dma_wait3A_76 = arith.constant 0 : i32
    %dma_wait3A_77 = tpu.memref_slice %arg5[%add3A_60, %dma_wait3A_76] : memref<32000x1024xf32, #tpu.memory_space<hbm>> -> memref<48x1024xf32, #tpu.memory_space<hbm>>
    %dma_wait3A_78 = arith.constant 0 : i32
    %dma_wait3A_79 = arith.constant 0 : i32
    %dma_wait3A_80 = tpu.memref_slice %arg12[%dma_wait3A_78, %dma_wait3A_79] : memref<48x1024xf32, #tpu.memory_space<vmem>> -> memref<48x1024xf32, #tpu.memory_space<vmem>>
    tpu.wait_dma2 semaphore(%arg16 : memref<!tpu.dma_semaphore, #tpu.memory_space<semaphore_mem>>) src(%dma_wait3A_80 : memref<48x1024xf32, #tpu.memory_space<vmem>>) dst(%dma_wait3A_77 : memref<48x1024xf32, #tpu.memory_space<hbm>>)
    %dma_start3A_81 = arith.constant 0 : i32
    %dma_start3A_82 = arith.constant 0 : i32
    %dma_start3A_83 = tpu.memref_slice %arg12[%dma_start3A_81, %dma_start3A_82] : memref<48x1024xf32, #tpu.memory_space<vmem>> -> memref<48x1024xf32, #tpu.memory_space<vmem>>
    %dma_start3A_84 = arith.constant 96 : i32
    %dma_start3A_85 = tpu.memref_slice %arg8[%dma_start3A_84] : memref<1008xi32, #tpu.memory_space<vmem>> -> memref<48xi32, #tpu.memory_space<vmem>>
    %dma_start3A_86 = arith.constant 0 : i32
    %dma_start3A_87 = arith.constant 0 : i32
    %dma_start3A_88 = tpu.memref_slice %arg2[%dma_start3A_86, %dma_start3A_87] : memref<32000x1024xf32, #tpu.memory_space<hbm>> -> memref<32000x1024xf32, #tpu.memory_space<hbm>>
    tpu.enqueue_indirect_dma source(%dma_start3A_88 : memref<32000x1024xf32, #tpu.memory_space<hbm>>) target(%dma_start3A_83 : memref<48x1024xf32, #tpu.memory_space<vmem>>) offsets(%dma_start3A_85 : memref<48xi32, #tpu.memory_space<vmem>>) semaphore(%arg14 : memref<!tpu.dma_semaphore, #tpu.memory_space<semaphore_mem>>)
    %dma_wait3A_89 = arith.constant 0 : i32
    %dma_wait3A_90 = arith.constant 0 : i32
    %dma_wait3A_91 = tpu.memref_slice %arg13[%dma_wait3A_89, %dma_wait3A_90] : memref<48x1024xf32, #tpu.memory_space<vmem>> -> memref<48x1024xf32, #tpu.memory_space<vmem>>
    %dma_wait3A_92 = arith.constant 48 : i32
    %dma_wait3A_93 = tpu.memref_slice %arg8[%dma_wait3A_92] : memref<1008xi32, #tpu.memory_space<vmem>> -> memref<48xi32, #tpu.memory_space<vmem>>
    %dma_wait3A_94 = arith.constant 0 : i32
    %dma_wait3A_95 = arith.constant 0 : i32
    %dma_wait3A_96 = tpu.memref_slice %arg2[%dma_wait3A_94, %dma_wait3A_95] : memref<32000x1024xf32, #tpu.memory_space<hbm>> -> memref<32000x1024xf32, #tpu.memory_space<hbm>>
    tpu.wait_indirect_dma semaphore(%arg15 : memref<!tpu.dma_semaphore, #tpu.memory_space<semaphore_mem>>) src(%dma_wait3A_96 : memref<32000x1024xf32, #tpu.memory_space<hbm>>) dst(%dma_wait3A_91 : memref<48x1024xf32, #tpu.memory_space<vmem>>)
    %add3A_97 = arith.constant 48 : i32
    %add3A_98 = arith.addi %mul3A_2, %add3A_97 : i32
    %dma_start3A_99 = arith.constant 0 : i32
    %dma_start3A_100 = arith.constant 0 : i32
    %dma_start3A_101 = tpu.memref_slice %arg13[%dma_start3A_99, %dma_start3A_100] : memref<48x1024xf32, #tpu.memory_space<vmem>> -> memref<48x1024xf32, #tpu.memory_space<vmem>>
    %dma_start3A_102 = arith.constant 0 : i32
    %dma_start3A_103 = tpu.memref_slice %arg5[%add3A_98, %dma_start3A_102] : memref<32000x1024xf32, #tpu.memory_space<hbm>> -> memref<48x1024xf32, #tpu.memory_space<hbm>>
    %dma_start3A_104 = arith.constant 0 : i32
    %dma_start3A_105 = tpu.memref_slice %arg5[%add3A_98, %dma_start3A_104] : memref<32000x1024xf32, #tpu.memory_space<hbm>> -> memref<48x1024xf32, #tpu.memory_space<hbm>>
    %dma_start3A_106 = arith.constant 0 : i32
    %dma_start3A_107 = arith.constant 0 : i32
    %dma_start3A_108 = tpu.memref_slice %arg13[%dma_start3A_106, %dma_start3A_107] : memref<48x1024xf32, #tpu.memory_space<vmem>> -> memref<48x1024xf32, #tpu.memory_space<vmem>>
    tpu.enqueue_dma source(%dma_start3A_108 : memref<48x1024xf32, #tpu.memory_space<vmem>>) target(%dma_start3A_105 : memref<48x1024xf32, #tpu.memory_space<hbm>>) target_semaphore(%arg17 : memref<!tpu.dma_semaphore, #tpu.memory_space<semaphore_mem>>)
    %dma_wait3A_109 = arith.constant 0 : i32
    %dma_wait3A_110 = arith.constant 0 : i32
    %dma_wait3A_111 = tpu.memref_slice %arg13[%dma_wait3A_109, %dma_wait3A_110] : memref<48x1024xf32, #tpu.memory_space<vmem>> -> memref<48x1024xf32, #tpu.memory_space<vmem>>
    %dma_wait3A_112 = arith.constant 0 : i32
    %dma_wait3A_113 = tpu.memref_slice %arg5[%add3A_98, %dma_wait3A_112] : memref<32000x1024xf32, #tpu.memory_space<hbm>> -> memref<48x1024xf32, #tpu.memory_space<hbm>>
    %dma_wait3A_114 = arith.constant 0 : i32
    %dma_wait3A_115 = tpu.memref_slice %arg5[%add3A_98, %dma_wait3A_114] : memref<32000x1024xf32, #tpu.memory_space<hbm>> -> memref<48x1024xf32, #tpu.memory_space<hbm>>
    %dma_wait3A_116 = arith.constant 0 : i32
    %dma_wait3A_117 = arith.constant 0 : i32
    %dma_wait3A_118 = tpu.memref_slice %arg13[%dma_wait3A_116, %dma_wait3A_117] : memref<48x1024xf32, #tpu.memory_space<vmem>> -> memref<48x1024xf32, #tpu.memory_space<vmem>>
    tpu.wait_dma2 semaphore(%arg17 : memref<!tpu.dma_semaphore, #tpu.memory_space<semaphore_mem>>) src(%dma_wait3A_118 : memref<48x1024xf32, #tpu.memory_space<vmem>>) dst(%dma_wait3A_115 : memref<48x1024xf32, #tpu.memory_space<hbm>>)
    %dma_start3A_119 = arith.constant 0 : i32
    %dma_start3A_120 = arith.constant 0 : i32
    %dma_start3A_121 = tpu.memref_slice %arg13[%dma_start3A_119, %dma_start3A_120] : memref<48x1024xf32, #tpu.memory_space<vmem>> -> memref<48x1024xf32, #tpu.memory_space<vmem>>
    %dma_start3A_122 = arith.constant 144 : i32
    %dma_start3A_123 = tpu.memref_slice %arg8[%dma_start3A_122] : memref<1008xi32, #tpu.memory_space<vmem>> -> memref<48xi32, #tpu.memory_space<vmem>>
    %dma_start3A_124 = arith.constant 0 : i32
    %dma_start3A_125 = arith.constant 0 : i32
    %dma_start3A_126 = tpu.memref_slice %arg2[%dma_start3A_124, %dma_start3A_125] : memref<32000x1024xf32, #tpu.memory_space<hbm>> -> memref<32000x1024xf32, #tpu.memory_space<hbm>>
    tpu.enqueue_indirect_dma source(%dma_start3A_126 : memref<32000x1024xf32, #tpu.memory_space<hbm>>) target(%dma_start3A_121 : memref<48x1024xf32, #tpu.memory_space<vmem>>) offsets(%dma_start3A_123 : memref<48xi32, #tpu.memory_space<vmem>>) semaphore(%arg15 : memref<!tpu.dma_semaphore, #tpu.memory_space<semaphore_mem>>)
    %dma_wait3A_127 = arith.constant 0 : i32
    %dma_wait3A_128 = arith.constant 0 : i32
    %dma_wait3A_129 = tpu.memref_slice %arg12[%dma_wait3A_127, %dma_wait3A_128] : memref<48x1024xf32, #tpu.memory_space<vmem>> -> memref<48x1024xf32, #tpu.memory_space<vmem>>
    %dma_wait3A_130 = arith.constant 96 : i32
    %dma_wait3A_131 = tpu.memref_slice %arg8[%dma_wait3A_130] : memref<1008xi32, #tpu.memory_space<vmem>> -> memref<48xi32, #tpu.memory_space<vmem>>
    %dma_wait3A_132 = arith.constant 0 : i32
    %dma_wait3A_133 = arith.constant 0 : i32
    %dma_wait3A_134 = tpu.memref_slice %arg2[%dma_wait3A_132, %dma_wait3A_133] : memref<32000x1024xf32, #tpu.memory_space<hbm>> -> memref<32000x1024xf32, #tpu.memory_space<hbm>>
    tpu.wait_indirect_dma semaphore(%arg14 : memref<!tpu.dma_semaphore, #tpu.memory_space<semaphore_mem>>) src(%dma_wait3A_134 : memref<32000x1024xf32, #tpu.memory_space<hbm>>) dst(%dma_wait3A_129 : memref<48x1024xf32, #tpu.memory_space<vmem>>)
    %add3A_135 = arith.constant 96 : i32
    %add3A_136 = arith.addi %mul3A_2, %add3A_135 : i32
    %dma_start3A_137 = arith.constant 0 : i32
    %dma_start3A_138 = arith.constant 0 : i32
    %dma_start3A_139 = tpu.memref_slice %arg12[%dma_start3A_137, %dma_start3A_138] : memref<48x1024xf32, #tpu.memory_space<vmem>> -> memref<48x1024xf32, #tpu.memory_space<vmem>>
    %dma_start3A_140 = arith.constant 0 : i32
    %dma_start3A_141 = tpu.memref_slice %arg5[%add3A_136, %dma_start3A_140] : memref<32000x1024xf32, #tpu.memory_space<hbm>> -> memref<48x1024xf32, #tpu.memory_space<hbm>>
    %dma_start3A_142 = arith.constant 0 : i32
    %dma_start3A_143 = tpu.memref_slice %arg5[%add3A_136, %dma_start3A_142] : memref<32000x1024xf32, #tpu.memory_space<hbm>> -> memref<48x1024xf32, #tpu.memory_space<hbm>>
    %dma_start3A_144 = arith.constant 0 : i32
    %dma_start3A_145 = arith.constant 0 : i32
    %dma_start3A_146 = tpu.memref_slice %arg12[%dma_start3A_144, %dma_start3A_145] : memref<48x1024xf32, #tpu.memory_space<vmem>> -> memref<48x1024xf32, #tpu.memory_space<vmem>>
    tpu.enqueue_dma source(%dma_start3A_146 : memref<48x1024xf32, #tpu.memory_space<vmem>>) target(%dma_start3A_143 : memref<48x1024xf32, #tpu.memory_space<hbm>>) target_semaphore(%arg16 : memref<!tpu.dma_semaphore, #tpu.memory_space<semaphore_mem>>)
    %dma_wait3A_147 = arith.constant 0 : i32
    %dma_wait3A_148 = arith.constant 0 : i32
    %dma_wait3A_149 = tpu.memref_slice %arg12[%dma_wait3A_147, %dma_wait3A_148] : memref<48x1024xf32, #tpu.memory_space<vmem>> -> memref<48x1024xf32, #tpu.memory_space<vmem>>
    %dma_wait3A_150 = arith.constant 0 : i32
    %dma_wait3A_151 = tpu.memref_slice %arg5[%add3A_136, %dma_wait3A_150] : memref<32000x1024xf32, #tpu.memory_space<hbm>> -> memref<48x1024xf32, #tpu.memory_space<hbm>>
    %dma_wait3A_152 = arith.constant 0 : i32
    %dma_wait3A_153 = tpu.memref_slice %arg5[%add3A_136, %dma_wait3A_152] : memref<32000x1024xf32, #tpu.memory_space<hbm>> -> memref<48x1024xf32, #tpu.memory_space<hbm>>
    %dma_wait3A_154 = arith.constant 0 : i32
    %dma_wait3A_155 = arith.constant 0 : i32
    %dma_wait3A_156 = tpu.memref_slice %arg12[%dma_wait3A_154, %dma_wait3A_155] : memref<48x1024xf32, #tpu.memory_space<vmem>> -> memref<48x1024xf32, #tpu.memory_space<vmem>>
    tpu.wait_dma2 semaphore(%arg16 : memref<!tpu.dma_semaphore, #tpu.memory_space<semaphore_mem>>) src(%dma_wait3A_156 : memref<48x1024xf32, #tpu.memory_space<vmem>>) dst(%dma_wait3A_153 : memref<48x1024xf32, #tpu.memory_space<hbm>>)
    %dma_start3A_157 = arith.constant 0 : i32
    %dma_start3A_158 = arith.constant 0 : i32
    %dma_start3A_159 = tpu.memref_slice %arg12[%dma_start3A_157, %dma_start3A_158] : memref<48x1024xf32, #tpu.memory_space<vmem>> -> memref<48x1024xf32, #tpu.memory_space<vmem>>
    %dma_start3A_160 = arith.constant 192 : i32
    %dma_start3A_161 = tpu.memref_slice %arg8[%dma_start3A_160] : memref<1008xi32, #tpu.memory_space<vmem>> -> memref<48xi32, #tpu.memory_space<vmem>>
    %dma_start3A_162 = arith.constant 0 : i32
    %dma_start3A_163 = arith.constant 0 : i32
    %dma_start3A_164 = tpu.memref_slice %arg2[%dma_start3A_162, %dma_start3A_163] : memref<32000x1024xf32, #tpu.memory_space<hbm>> -> memref<32000x1024xf32, #tpu.memory_space<hbm>>
    tpu.enqueue_indirect_dma source(%dma_start3A_164 : memref<32000x1024xf32, #tpu.memory_space<hbm>>) target(%dma_start3A_159 : memref<48x1024xf32, #tpu.memory_space<vmem>>) offsets(%dma_start3A_161 : memref<48xi32, #tpu.memory_space<vmem>>) semaphore(%arg14 : memref<!tpu.dma_semaphore, #tpu.memory_space<semaphore_mem>>)
    %dma_wait3A_165 = arith.constant 0 : i32
    %dma_wait3A_166 = arith.constant 0 : i32
    %dma_wait3A_167 = tpu.memref_slice %arg13[%dma_wait3A_165, %dma_wait3A_166] : memref<48x1024xf32, #tpu.memory_space<vmem>> -> memref<48x1024xf32, #tpu.memory_space<vmem>>
    %dma_wait3A_168 = arith.constant 144 : i32
    %dma_wait3A_169 = tpu.memref_slice %arg8[%dma_wait3A_168] : memref<1008xi32, #tpu.memory_space<vmem>> -> memref<48xi32, #tpu.memory_space<vmem>>
    %dma_wait3A_170 = arith.constant 0 : i32
    %dma_wait3A_171 = arith.constant 0 : i32
    %dma_wait3A_172 = tpu.memref_slice %arg2[%dma_wait3A_170, %dma_wait3A_171] : memref<32000x1024xf32, #tpu.memory_space<hbm>> -> memref<32000x1024xf32, #tpu.memory_space<hbm>>
    tpu.wait_indirect_dma semaphore(%arg15 : memref<!tpu.dma_semaphore, #tpu.memory_space<semaphore_mem>>) src(%dma_wait3A_172 : memref<32000x1024xf32, #tpu.memory_space<hbm>>) dst(%dma_wait3A_167 : memref<48x1024xf32, #tpu.memory_space<vmem>>)
    %add3A_173 = arith.constant 144 : i32
    %add3A_174 = arith.addi %mul3A_2, %add3A_173 : i32
    %dma_start3A_175 = arith.constant 0 : i32
    %dma_start3A_176 = arith.constant 0 : i32
    %dma_start3A_177 = tpu.memref_slice %arg13[%dma_start3A_175, %dma_start3A_176] : memref<48x1024xf32, #tpu.memory_space<vmem>> -> memref<48x1024xf32, #tpu.memory_space<vmem>>
    %dma_start3A_178 = arith.constant 0 : i32
    %dma_start3A_179 = tpu.memref_slice %arg5[%add3A_174, %dma_start3A_178] : memref<32000x1024xf32, #tpu.memory_space<hbm>> -> memref<48x1024xf32, #tpu.memory_space<hbm>>
    %dma_start3A_180 = arith.constant 0 : i32
    %dma_start3A_181 = tpu.memref_slice %arg5[%add3A_174, %dma_start3A_180] : memref<32000x1024xf32, #tpu.memory_space<hbm>> -> memref<48x1024xf32, #tpu.memory_space<hbm>>
    %dma_start3A_182 = arith.constant 0 : i32
    %dma_start3A_183 = arith.constant 0 : i32
    %dma_start3A_184 = tpu.memref_slice %arg13[%dma_start3A_182, %dma_start3A_183] : memref<48x1024xf32, #tpu.memory_space<vmem>> -> memref<48x1024xf32, #tpu.memory_space<vmem>>
    tpu.enqueue_dma source(%dma_start3A_184 : memref<48x1024xf32, #tpu.memory_space<vmem>>) target(%dma_start3A_181 : memref<48x1024xf32, #tpu.memory_space<hbm>>) target_semaphore(%arg17 : memref<!tpu.dma_semaphore, #tpu.memory_space<semaphore_mem>>)
    %dma_wait3A_185 = arith.constant 0 : i32
    %dma_wait3A_186 = arith.constant 0 : i32
    %dma_wait3A_187 = tpu.memref_slice %arg13[%dma_wait3A_185, %dma_wait3A_186] : memref<48x1024xf32, #tpu.memory_space<vmem>> -> memref<48x1024xf32, #tpu.memory_space<vmem>>
    %dma_wait3A_188 = arith.constant 0 : i32
    %dma_wait3A_189 = tpu.memref_slice %arg5[%add3A_174, %dma_wait3A_188] : memref<32000x1024xf32, #tpu.memory_space<hbm>> -> memref<48x1024xf32, #tpu.memory_space<hbm>>
    %dma_wait3A_190 = arith.constant 0 : i32
    %dma_wait3A_191 = tpu.memref_slice %arg5[%add3A_174, %dma_wait3A_190] : memref<32000x1024xf32, #tpu.memory_space<hbm>> -> memref<48x1024xf32, #tpu.memory_space<hbm>>
    %dma_wait3A_192 = arith.constant 0 : i32
    %dma_wait3A_193 = arith.constant 0 : i32
    %dma_wait3A_194 = tpu.memref_slice %arg13[%dma_wait3A_192, %dma_wait3A_193] : memref<48x1024xf32, #tpu.memory_space<vmem>> -> memref<48x1024xf32, #tpu.memory_space<vmem>>
    tpu.wait_dma2 semaphore(%arg17 : memref<!tpu.dma_semaphore, #tpu.memory_space<semaphore_mem>>) src(%dma_wait3A_194 : memref<48x1024xf32, #tpu.memory_space<vmem>>) dst(%dma_wait3A_191 : memref<48x1024xf32, #tpu.memory_space<hbm>>)
    %dma_start3A_195 = arith.constant 0 : i32
    %dma_start3A_196 = arith.constant 0 : i32
    %dma_start3A_197 = tpu.memref_slice %arg13[%dma_start3A_195, %dma_start3A_196] : memref<48x1024xf32, #tpu.memory_space<vmem>> -> memref<48x1024xf32, #tpu.memory_space<vmem>>
    %dma_start3A_198 = arith.constant 240 : i32
    %dma_start3A_199 = tpu.memref_slice %arg8[%dma_start3A_198] : memref<1008xi32, #tpu.memory_space<vmem>> -> memref<48xi32, #tpu.memory_space<vmem>>
    %dma_start3A_200 = arith.constant 0 : i32
    %dma_start3A_201 = arith.constant 0 : i32
    %dma_start3A_202 = tpu.memref_slice %arg2[%dma_start3A_200, %dma_start3A_201] : memref<32000x1024xf32, #tpu.memory_space<hbm>> -> memref<32000x1024xf32, #tpu.memory_space<hbm>>
    tpu.enqueue_indirect_dma source(%dma_start3A_202 : memref<32000x1024xf32, #tpu.memory_space<hbm>>) target(%dma_start3A_197 : memref<48x1024xf32, #tpu.memory_space<vmem>>) offsets(%dma_start3A_199 : memref<48xi32, #tpu.memory_space<vmem>>) semaphore(%arg15 : memref<!tpu.dma_semaphore, #tpu.memory_space<semaphore_mem>>)
    %dma_wait3A_203 = arith.constant 0 : i32
    %dma_wait3A_204 = arith.constant 0 : i32
    %dma_wait3A_205 = tpu.memref_slice %arg12[%dma_wait3A_203, %dma_wait3A_204] : memref<48x1024xf32, #tpu.memory_space<vmem>> -> memref<48x1024xf32, #tpu.memory_space<vmem>>
    %dma_wait3A_206 = arith.constant 192 : i32
    %dma_wait3A_207 = tpu.memref_slice %arg8[%dma_wait3A_206] : memref<1008xi32, #tpu.memory_space<vmem>> -> memref<48xi32, #tpu.memory_space<vmem>>
    %dma_wait3A_208 = arith.constant 0 : i32
    %dma_wait3A_209 = arith.constant 0 : i32
    %dma_wait3A_210 = tpu.memref_slice %arg2[%dma_wait3A_208, %dma_wait3A_209] : memref<32000x1024xf32, #tpu.memory_space<hbm>> -> memref<32000x1024xf32, #tpu.memory_space<hbm>>
    tpu.wait_indirect_dma semaphore(%arg14 : memref<!tpu.dma_semaphore, #tpu.memory_space<semaphore_mem>>) src(%dma_wait3A_210 : memref<32000x1024xf32, #tpu.memory_space<hbm>>) dst(%dma_wait3A_205 : memref<48x1024xf32, #tpu.memory_space<vmem>>)
    %add3A_211 = arith.constant 192 : i32
    %add3A_212 = arith.addi %mul3A_2, %add3A_211 : i32
    %dma_start3A_213 = arith.constant 0 : i32
    %dma_start3A_214 = arith.constant 0 : i32
    %dma_start3A_215 = tpu.memref_slice %arg12[%dma_start3A_213, %dma_start3A_214] : memref<48x1024xf32, #tpu.memory_space<vmem>> -> memref<48x1024xf32, #tpu.memory_space<vmem>>
    %dma_start3A_216 = arith.constant 0 : i32
    %dma_start3A_217 = tpu.memref_slice %arg5[%add3A_212, %dma_start3A_216] : memref<32000x1024xf32, #tpu.memory_space<hbm>> -> memref<48x1024xf32, #tpu.memory_space<hbm>>
    %dma_start3A_218 = arith.constant 0 : i32
    %dma_start3A_219 = tpu.memref_slice %arg5[%add3A_212, %dma_start3A_218] : memref<32000x1024xf32, #tpu.memory_space<hbm>> -> memref<48x1024xf32, #tpu.memory_space<hbm>>
    %dma_start3A_220 = arith.constant 0 : i32
    %dma_start3A_221 = arith.constant 0 : i32
    %dma_start3A_222 = tpu.memref_slice %arg12[%dma_start3A_220, %dma_start3A_221] : memref<48x1024xf32, #tpu.memory_space<vmem>> -> memref<48x1024xf32, #tpu.memory_space<vmem>>
    tpu.enqueue_dma source(%dma_start3A_222 : memref<48x1024xf32, #tpu.memory_space<vmem>>) target(%dma_start3A_219 : memref<48x1024xf32, #tpu.memory_space<hbm>>) target_semaphore(%arg16 : memref<!tpu.dma_semaphore, #tpu.memory_space<semaphore_mem>>)
    %dma_wait3A_223 = arith.constant 0 : i32
    %dma_wait3A_224 = arith.constant 0 : i32
    %dma_wait3A_225 = tpu.memref_slice %arg12[%dma_wait3A_223, %dma_wait3A_224] : memref<48x1024xf32, #tpu.memory_space<vmem>> -> memref<48x1024xf32, #tpu.memory_space<vmem>>
    %dma_wait3A_226 = arith.constant 0 : i32
    %dma_wait3A_227 = tpu.memref_slice %arg5[%add3A_212, %dma_wait3A_226] : memref<32000x1024xf32, #tpu.memory_space<hbm>> -> memref<48x1024xf32, #tpu.memory_space<hbm>>
    %dma_wait3A_228 = arith.constant 0 : i32
    %dma_wait3A_229 = tpu.memref_slice %arg5[%add3A_212, %dma_wait3A_228] : memref<32000x1024xf32, #tpu.memory_space<hbm>> -> memref<48x1024xf32, #tpu.memory_space<hbm>>
    %dma_wait3A_230 = arith.constant 0 : i32
    %dma_wait3A_231 = arith.constant 0 : i32
    %dma_wait3A_232 = tpu.memref_slice %arg12[%dma_wait3A_230, %dma_wait3A_231] : memref<48x1024xf32, #tpu.memory_space<vmem>> -> memref<48x1024xf32, #tpu.memory_space<vmem>>
    tpu.wait_dma2 semaphore(%arg16 : memref<!tpu.dma_semaphore, #tpu.memory_space<semaphore_mem>>) src(%dma_wait3A_232 : memref<48x1024xf32, #tpu.memory_space<vmem>>) dst(%dma_wait3A_229 : memref<48x1024xf32, #tpu.memory_space<hbm>>)
    %dma_start3A_233 = arith.constant 0 : i32
    %dma_start3A_234 = arith.constant 0 : i32
    %dma_start3A_235 = tpu.memref_slice %arg12[%dma_start3A_233, %dma_start3A_234] : memref<48x1024xf32, #tpu.memory_space<vmem>> -> memref<48x1024xf32, #tpu.memory_space<vmem>>
    %dma_start3A_236 = arith.constant 288 : i32
    %dma_start3A_237 = tpu.memref_slice %arg8[%dma_start3A_236] : memref<1008xi32, #tpu.memory_space<vmem>> -> memref<48xi32, #tpu.memory_space<vmem>>
    %dma_start3A_238 = arith.constant 0 : i32
    %dma_start3A_239 = arith.constant 0 : i32
    %dma_start3A_240 = tpu.memref_slice %arg2[%dma_start3A_238, %dma_start3A_239] : memref<32000x1024xf32, #tpu.memory_space<hbm>> -> memref<32000x1024xf32, #tpu.memory_space<hbm>>
    tpu.enqueue_indirect_dma source(%dma_start3A_240 : memref<32000x1024xf32, #tpu.memory_space<hbm>>) target(%dma_start3A_235 : memref<48x1024xf32, #tpu.memory_space<vmem>>) offsets(%dma_start3A_237 : memref<48xi32, #tpu.memory_space<vmem>>) semaphore(%arg14 : memref<!tpu.dma_semaphore, #tpu.memory_space<semaphore_mem>>)
    %dma_wait3A_241 = arith.constant 0 : i32
    %dma_wait3A_242 = arith.constant 0 : i32
    %dma_wait3A_243 = tpu.memref_slice %arg13[%dma_wait3A_241, %dma_wait3A_242] : memref<48x1024xf32, #tpu.memory_space<vmem>> -> memref<48x1024xf32, #tpu.memory_space<vmem>>
    %dma_wait3A_244 = arith.constant 240 : i32
    %dma_wait3A_245 = tpu.memref_slice %arg8[%dma_wait3A_244] : memref<1008xi32, #tpu.memory_space<vmem>> -> memref<48xi32, #tpu.memory_space<vmem>>
    %dma_wait3A_246 = arith.constant 0 : i32
    %dma_wait3A_247 = arith.constant 0 : i32
    %dma_wait3A_248 = tpu.memref_slice %arg2[%dma_wait3A_246, %dma_wait3A_247] : memref<32000x1024xf32, #tpu.memory_space<hbm>> -> memref<32000x1024xf32, #tpu.memory_space<hbm>>
    tpu.wait_indirect_dma semaphore(%arg15 : memref<!tpu.dma_semaphore, #tpu.memory_space<semaphore_mem>>) src(%dma_wait3A_248 : memref<32000x1024xf32, #tpu.memory_space<hbm>>) dst(%dma_wait3A_243 : memref<48x1024xf32, #tpu.memory_space<vmem>>)
    %add3A_249 = arith.constant 240 : i32
    %add3A_250 = arith.addi %mul3A_2, %add3A_249 : i32
    %dma_start3A_251 = arith.constant 0 : i32
    %dma_start3A_252 = arith.constant 0 : i32
    %dma_start3A_253 = tpu.memref_slice %arg13[%dma_start3A_251, %dma_start3A_252] : memref<48x1024xf32, #tpu.memory_space<vmem>> -> memref<48x1024xf32, #tpu.memory_space<vmem>>
    %dma_start3A_254 = arith.constant 0 : i32
    %dma_start3A_255 = tpu.memref_slice %arg5[%add3A_250, %dma_start3A_254] : memref<32000x1024xf32, #tpu.memory_space<hbm>> -> memref<48x1024xf32, #tpu.memory_space<hbm>>
    %dma_start3A_256 = arith.constant 0 : i32
    %dma_start3A_257 = tpu.memref_slice %arg5[%add3A_250, %dma_start3A_256] : memref<32000x1024xf32, #tpu.memory_space<hbm>> -> memref<48x1024xf32, #tpu.memory_space<hbm>>
    %dma_start3A_258 = arith.constant 0 : i32
    %dma_start3A_259 = arith.constant 0 : i32
    %dma_start3A_260 = tpu.memref_slice %arg13[%dma_start3A_258, %dma_start3A_259] : memref<48x1024xf32, #tpu.memory_space<vmem>> -> memref<48x1024xf32, #tpu.memory_space<vmem>>
    tpu.enqueue_dma source(%dma_start3A_260 : memref<48x1024xf32, #tpu.memory_space<vmem>>) target(%dma_start3A_257 : memref<48x1024xf32, #tpu.memory_space<hbm>>) target_semaphore(%arg17 : memref<!tpu.dma_semaphore, #tpu.memory_space<semaphore_mem>>)
    %dma_wait3A_261 = arith.constant 0 : i32
    %dma_wait3A_262 = arith.constant 0 : i32
    %dma_wait3A_263 = tpu.memref_slice %arg13[%dma_wait3A_261, %dma_wait3A_262] : memref<48x1024xf32, #tpu.memory_space<vmem>> -> memref<48x1024xf32, #tpu.memory_space<vmem>>
    %dma_wait3A_264 = arith.constant 0 : i32
    %dma_wait3A_265 = tpu.memref_slice %arg5[%add3A_250, %dma_wait3A_264] : memref<32000x1024xf32, #tpu.memory_space<hbm>> -> memref<48x1024xf32, #tpu.memory_space<hbm>>
    %dma_wait3A_266 = arith.constant 0 : i32
    %dma_wait3A_267 = tpu.memref_slice %arg5[%add3A_250, %dma_wait3A_266] : memref<32000x1024xf32, #tpu.memory_space<hbm>> -> memref<48x1024xf32, #tpu.memory_space<hbm>>
    %dma_wait3A_268 = arith.constant 0 : i32
    %dma_wait3A_269 = arith.constant 0 : i32
    %dma_wait3A_270 = tpu.memref_slice %arg13[%dma_wait3A_268, %dma_wait3A_269] : memref<48x1024xf32, #tpu.memory_space<vmem>> -> memref<48x1024xf32, #tpu.memory_space<vmem>>
    tpu.wait_dma2 semaphore(%arg17 : memref<!tpu.dma_semaphore, #tpu.memory_space<semaphore_mem>>) src(%dma_wait3A_270 : memref<48x1024xf32, #tpu.memory_space<vmem>>) dst(%dma_wait3A_267 : memref<48x1024xf32, #tpu.memory_space<hbm>>)
    %dma_start3A_271 = arith.constant 0 : i32
    %dma_start3A_272 = arith.constant 0 : i32
    %dma_start3A_273 = tpu.memref_slice %arg13[%dma_start3A_271, %dma_start3A_272] : memref<48x1024xf32, #tpu.memory_space<vmem>> -> memref<48x1024xf32, #tpu.memory_space<vmem>>
    %dma_start3A_274 = arith.constant 336 : i32
    %dma_start3A_275 = tpu.memref_slice %arg8[%dma_start3A_274] : memref<1008xi32, #tpu.memory_space<vmem>> -> memref<48xi32, #tpu.memory_space<vmem>>
    %dma_start3A_276 = arith.constant 0 : i32
    %dma_start3A_277 = arith.constant 0 : i32
    %dma_start3A_278 = tpu.memref_slice %arg2[%dma_start3A_276, %dma_start3A_277] : memref<32000x1024xf32, #tpu.memory_space<hbm>> -> memref<32000x1024xf32, #tpu.memory_space<hbm>>
    tpu.enqueue_indirect_dma source(%dma_start3A_278 : memref<32000x1024xf32, #tpu.memory_space<hbm>>) target(%dma_start3A_273 : memref<48x1024xf32, #tpu.memory_space<vmem>>) offsets(%dma_start3A_275 : memref<48xi32, #tpu.memory_space<vmem>>) semaphore(%arg15 : memref<!tpu.dma_semaphore, #tpu.memory_space<semaphore_mem>>)
    %dma_wait3A_279 = arith.constant 0 : i32
    %dma_wait3A_280 = arith.constant 0 : i32
    %dma_wait3A_281 = tpu.memref_slice %arg12[%dma_wait3A_279, %dma_wait3A_280] : memref<48x1024xf32, #tpu.memory_space<vmem>> -> memref<48x1024xf32, #tpu.memory_space<vmem>>
    %dma_wait3A_282 = arith.constant 288 : i32
    %dma_wait3A_283 = tpu.memref_slice %arg8[%dma_wait3A_282] : memref<1008xi32, #tpu.memory_space<vmem>> -> memref<48xi32, #tpu.memory_space<vmem>>
    %dma_wait3A_284 = arith.constant 0 : i32
    %dma_wait3A_285 = arith.constant 0 : i32
    %dma_wait3A_286 = tpu.memref_slice %arg2[%dma_wait3A_284, %dma_wait3A_285] : memref<32000x1024xf32, #tpu.memory_space<hbm>> -> memref<32000x1024xf32, #tpu.memory_space<hbm>>
    tpu.wait_indirect_dma semaphore(%arg14 : memref<!tpu.dma_semaphore, #tpu.memory_space<semaphore_mem>>) src(%dma_wait3A_286 : memref<32000x1024xf32, #tpu.memory_space<hbm>>) dst(%dma_wait3A_281 : memref<48x1024xf32, #tpu.memory_space<vmem>>)
    %add3A_287 = arith.constant 288 : i32
    %add3A_288 = arith.addi %mul3A_2, %add3A_287 : i32
    %dma_start3A_289 = arith.constant 0 : i32
    %dma_start3A_290 = arith.constant 0 : i32
    %dma_start3A_291 = tpu.memref_slice %arg12[%dma_start3A_289, %dma_start3A_290] : memref<48x1024xf32, #tpu.memory_space<vmem>> -> memref<48x1024xf32, #tpu.memory_space<vmem>>
    %dma_start3A_292 = arith.constant 0 : i32
    %dma_start3A_293 = tpu.memref_slice %arg5[%add3A_288, %dma_start3A_292] : memref<32000x1024xf32, #tpu.memory_space<hbm>> -> memref<48x1024xf32, #tpu.memory_space<hbm>>
    %dma_start3A_294 = arith.constant 0 : i32
    %dma_start3A_295 = tpu.memref_slice %arg5[%add3A_288, %dma_start3A_294] : memref<32000x1024xf32, #tpu.memory_space<hbm>> -> memref<48x1024xf32, #tpu.memory_space<hbm>>
    %dma_start3A_296 = arith.constant 0 : i32
    %dma_start3A_297 = arith.constant 0 : i32
    %dma_start3A_298 = tpu.memref_slice %arg12[%dma_start3A_296, %dma_start3A_297] : memref<48x1024xf32, #tpu.memory_space<vmem>> -> memref<48x1024xf32, #tpu.memory_space<vmem>>
    tpu.enqueue_dma source(%dma_start3A_298 : memref<48x1024xf32, #tpu.memory_space<vmem>>) target(%dma_start3A_295 : memref<48x1024xf32, #tpu.memory_space<hbm>>) target_semaphore(%arg16 : memref<!tpu.dma_semaphore, #tpu.memory_space<semaphore_mem>>)
    %dma_wait3A_299 = arith.constant 0 : i32
    %dma_wait3A_300 = arith.constant 0 : i32
    %dma_wait3A_301 = tpu.memref_slice %arg12[%dma_wait3A_299, %dma_wait3A_300] : memref<48x1024xf32, #tpu.memory_space<vmem>> -> memref<48x1024xf32, #tpu.memory_space<vmem>>
    %dma_wait3A_302 = arith.constant 0 : i32
    %dma_wait3A_303 = tpu.memref_slice %arg5[%add3A_288, %dma_wait3A_302] : memref<32000x1024xf32, #tpu.memory_space<hbm>> -> memref<48x1024xf32, #tpu.memory_space<hbm>>
    %dma_wait3A_304 = arith.constant 0 : i32
    %dma_wait3A_305 = tpu.memref_slice %arg5[%add3A_288, %dma_wait3A_304] : memref<32000x1024xf32, #tpu.memory_space<hbm>> -> memref<48x1024xf32, #tpu.memory_space<hbm>>
    %dma_wait3A_306 = arith.constant 0 : i32
    %dma_wait3A_307 = arith.constant 0 : i32
    %dma_wait3A_308 = tpu.memref_slice %arg12[%dma_wait3A_306, %dma_wait3A_307] : memref<48x1024xf32, #tpu.memory_space<vmem>> -> memref<48x1024xf32, #tpu.memory_space<vmem>>
    tpu.wait_dma2 semaphore(%arg16 : memref<!tpu.dma_semaphore, #tpu.memory_space<semaphore_mem>>) src(%dma_wait3A_308 : memref<48x1024xf32, #tpu.memory_space<vmem>>) dst(%dma_wait3A_305 : memref<48x1024xf32, #tpu.memory_space<hbm>>)
    %dma_start3A_309 = arith.constant 0 : i32
    %dma_start3A_310 = arith.constant 0 : i32
    %dma_start3A_311 = tpu.memref_slice %arg12[%dma_start3A_309, %dma_start3A_310] : memref<48x1024xf32, #tpu.memory_space<vmem>> -> memref<48x1024xf32, #tpu.memory_space<vmem>>
    %dma_start3A_312 = arith.constant 384 : i32
    %dma_start3A_313 = tpu.memref_slice %arg8[%dma_start3A_312] : memref<1008xi32, #tpu.memory_space<vmem>> -> memref<48xi32, #tpu.memory_space<vmem>>
    %dma_start3A_314 = arith.constant 0 : i32
    %dma_start3A_315 = arith.constant 0 : i32
    %dma_start3A_316 = tpu.memref_slice %arg2[%dma_start3A_314, %dma_start3A_315] : memref<32000x1024xf32, #tpu.memory_space<hbm>> -> memref<32000x1024xf32, #tpu.memory_space<hbm>>
    tpu.enqueue_indirect_dma source(%dma_start3A_316 : memref<32000x1024xf32, #tpu.memory_space<hbm>>) target(%dma_start3A_311 : memref<48x1024xf32, #tpu.memory_space<vmem>>) offsets(%dma_start3A_313 : memref<48xi32, #tpu.memory_space<vmem>>) semaphore(%arg14 : memref<!tpu.dma_semaphore, #tpu.memory_space<semaphore_mem>>)
    %dma_wait3A_317 = arith.constant 0 : i32
    %dma_wait3A_318 = arith.constant 0 : i32
    %dma_wait3A_319 = tpu.memref_slice %arg13[%dma_wait3A_317, %dma_wait3A_318] : memref<48x1024xf32, #tpu.memory_space<vmem>> -> memref<48x1024xf32, #tpu.memory_space<vmem>>
    %dma_wait3A_320 = arith.constant 336 : i32
    %dma_wait3A_321 = tpu.memref_slice %arg8[%dma_wait3A_320] : memref<1008xi32, #tpu.memory_space<vmem>> -> memref<48xi32, #tpu.memory_space<vmem>>
    %dma_wait3A_322 = arith.constant 0 : i32
    %dma_wait3A_323 = arith.constant 0 : i32
    %dma_wait3A_324 = tpu.memref_slice %arg2[%dma_wait3A_322, %dma_wait3A_323] : memref<32000x1024xf32, #tpu.memory_space<hbm>> -> memref<32000x1024xf32, #tpu.memory_space<hbm>>
    tpu.wait_indirect_dma semaphore(%arg15 : memref<!tpu.dma_semaphore, #tpu.memory_space<semaphore_mem>>) src(%dma_wait3A_324 : memref<32000x1024xf32, #tpu.memory_space<hbm>>) dst(%dma_wait3A_319 : memref<48x1024xf32, #tpu.memory_space<vmem>>)
    %add3A_325 = arith.constant 336 : i32
    %add3A_326 = arith.addi %mul3A_2, %add3A_325 : i32
    %dma_start3A_327 = arith.constant 0 : i32
    %dma_start3A_328 = arith.constant 0 : i32
    %dma_start3A_329 = tpu.memref_slice %arg13[%dma_start3A_327, %dma_start3A_328] : memref<48x1024xf32, #tpu.memory_space<vmem>> -> memref<48x1024xf32, #tpu.memory_space<vmem>>
    %dma_start3A_330 = arith.constant 0 : i32
    %dma_start3A_331 = tpu.memref_slice %arg5[%add3A_326, %dma_start3A_330] : memref<32000x1024xf32, #tpu.memory_space<hbm>> -> memref<48x1024xf32, #tpu.memory_space<hbm>>
    %dma_start3A_332 = arith.constant 0 : i32
    %dma_start3A_333 = tpu.memref_slice %arg5[%add3A_326, %dma_start3A_332] : memref<32000x1024xf32, #tpu.memory_space<hbm>> -> memref<48x1024xf32, #tpu.memory_space<hbm>>
    %dma_start3A_334 = arith.constant 0 : i32
    %dma_start3A_335 = arith.constant 0 : i32
    %dma_start3A_336 = tpu.memref_slice %arg13[%dma_start3A_334, %dma_start3A_335] : memref<48x1024xf32, #tpu.memory_space<vmem>> -> memref<48x1024xf32, #tpu.memory_space<vmem>>
    tpu.enqueue_dma source(%dma_start3A_336 : memref<48x1024xf32, #tpu.memory_space<vmem>>) target(%dma_start3A_333 : memref<48x1024xf32, #tpu.memory_space<hbm>>) target_semaphore(%arg17 : memref<!tpu.dma_semaphore, #tpu.memory_space<semaphore_mem>>)
    %dma_wait3A_337 = arith.constant 0 : i32
    %dma_wait3A_338 = arith.constant 0 : i32
    %dma_wait3A_339 = tpu.memref_slice %arg13[%dma_wait3A_337, %dma_wait3A_338] : memref<48x1024xf32, #tpu.memory_space<vmem>> -> memref<48x1024xf32, #tpu.memory_space<vmem>>
    %dma_wait3A_340 = arith.constant 0 : i32
    %dma_wait3A_341 = tpu.memref_slice %arg5[%add3A_326, %dma_wait3A_340] : memref<32000x1024xf32, #tpu.memory_space<hbm>> -> memref<48x1024xf32, #tpu.memory_space<hbm>>
    %dma_wait3A_342 = arith.constant 0 : i32
    %dma_wait3A_343 = tpu.memref_slice %arg5[%add3A_326, %dma_wait3A_342] : memref<32000x1024xf32, #tpu.memory_space<hbm>> -> memref<48x1024xf32, #tpu.memory_space<hbm>>
    %dma_wait3A_344 = arith.constant 0 : i32
    %dma_wait3A_345 = arith.constant 0 : i32
    %dma_wait3A_346 = tpu.memref_slice %arg13[%dma_wait3A_344, %dma_wait3A_345] : memref<48x1024xf32, #tpu.memory_space<vmem>> -> memref<48x1024xf32, #tpu.memory_space<vmem>>
    tpu.wait_dma2 semaphore(%arg17 : memref<!tpu.dma_semaphore, #tpu.memory_space<semaphore_mem>>) src(%dma_wait3A_346 : memref<48x1024xf32, #tpu.memory_space<vmem>>) dst(%dma_wait3A_343 : memref<48x1024xf32, #tpu.memory_space<hbm>>)
    %dma_start3A_347 = arith.constant 0 : i32
    %dma_start3A_348 = arith.constant 0 : i32
    %dma_start3A_349 = tpu.memref_slice %arg13[%dma_start3A_347, %dma_start3A_348] : memref<48x1024xf32, #tpu.memory_space<vmem>> -> memref<48x1024xf32, #tpu.memory_space<vmem>>
    %dma_start3A_350 = arith.constant 432 : i32
    %dma_start3A_351 = tpu.memref_slice %arg8[%dma_start3A_350] : memref<1008xi32, #tpu.memory_space<vmem>> -> memref<48xi32, #tpu.memory_space<vmem>>
    %dma_start3A_352 = arith.constant 0 : i32
    %dma_start3A_353 = arith.constant 0 : i32
    %dma_start3A_354 = tpu.memref_slice %arg2[%dma_start3A_352, %dma_start3A_353] : memref<32000x1024xf32, #tpu.memory_space<hbm>> -> memref<32000x1024xf32, #tpu.memory_space<hbm>>
    tpu.enqueue_indirect_dma source(%dma_start3A_354 : memref<32000x1024xf32, #tpu.memory_space<hbm>>) target(%dma_start3A_349 : memref<48x1024xf32, #tpu.memory_space<vmem>>) offsets(%dma_start3A_351 : memref<48xi32, #tpu.memory_space<vmem>>) semaphore(%arg15 : memref<!tpu.dma_semaphore, #tpu.memory_space<semaphore_mem>>)
    %dma_wait3A_355 = arith.constant 0 : i32
    %dma_wait3A_356 = arith.constant 0 : i32
    %dma_wait3A_357 = tpu.memref_slice %arg12[%dma_wait3A_355, %dma_wait3A_356] : memref<48x1024xf32, #tpu.memory_space<vmem>> -> memref<48x1024xf32, #tpu.memory_space<vmem>>
    %dma_wait3A_358 = arith.constant 384 : i32
    %dma_wait3A_359 = tpu.memref_slice %arg8[%dma_wait3A_358] : memref<1008xi32, #tpu.memory_space<vmem>> -> memref<48xi32, #tpu.memory_space<vmem>>
    %dma_wait3A_360 = arith.constant 0 : i32
    %dma_wait3A_361 = arith.constant 0 : i32
    %dma_wait3A_362 = tpu.memref_slice %arg2[%dma_wait3A_360, %dma_wait3A_361] : memref<32000x1024xf32, #tpu.memory_space<hbm>> -> memref<32000x1024xf32, #tpu.memory_space<hbm>>
    tpu.wait_indirect_dma semaphore(%arg14 : memref<!tpu.dma_semaphore, #tpu.memory_space<semaphore_mem>>) src(%dma_wait3A_362 : memref<32000x1024xf32, #tpu.memory_space<hbm>>) dst(%dma_wait3A_357 : memref<48x1024xf32, #tpu.memory_space<vmem>>)
    %add3A_363 = arith.constant 384 : i32
    %add3A_364 = arith.addi %mul3A_2, %add3A_363 : i32
    %dma_start3A_365 = arith.constant 0 : i32
    %dma_start3A_366 = arith.constant 0 : i32
    %dma_start3A_367 = tpu.memref_slice %arg12[%dma_start3A_365, %dma_start3A_366] : memref<48x1024xf32, #tpu.memory_space<vmem>> -> memref<48x1024xf32, #tpu.memory_space<vmem>>
    %dma_start3A_368 = arith.constant 0 : i32
    %dma_start3A_369 = tpu.memref_slice %arg5[%add3A_364, %dma_start3A_368] : memref<32000x1024xf32, #tpu.memory_space<hbm>> -> memref<48x1024xf32, #tpu.memory_space<hbm>>
    %dma_start3A_370 = arith.constant 0 : i32
    %dma_start3A_371 = tpu.memref_slice %arg5[%add3A_364, %dma_start3A_370] : memref<32000x1024xf32, #tpu.memory_space<hbm>> -> memref<48x1024xf32, #tpu.memory_space<hbm>>
    %dma_start3A_372 = arith.constant 0 : i32
    %dma_start3A_373 = arith.constant 0 : i32
    %dma_start3A_374 = tpu.memref_slice %arg12[%dma_start3A_372, %dma_start3A_373] : memref<48x1024xf32, #tpu.memory_space<vmem>> -> memref<48x1024xf32, #tpu.memory_space<vmem>>
    tpu.enqueue_dma source(%dma_start3A_374 : memref<48x1024xf32, #tpu.memory_space<vmem>>) target(%dma_start3A_371 : memref<48x1024xf32, #tpu.memory_space<hbm>>) target_semaphore(%arg16 : memref<!tpu.dma_semaphore, #tpu.memory_space<semaphore_mem>>)
    %dma_wait3A_375 = arith.constant 0 : i32
    %dma_wait3A_376 = arith.constant 0 : i32
    %dma_wait3A_377 = tpu.memref_slice %arg12[%dma_wait3A_375, %dma_wait3A_376] : memref<48x1024xf32, #tpu.memory_space<vmem>> -> memref<48x1024xf32, #tpu.memory_space<vmem>>
    %dma_wait3A_378 = arith.constant 0 : i32
    %dma_wait3A_379 = tpu.memref_slice %arg5[%add3A_364, %dma_wait3A_378] : memref<32000x1024xf32, #tpu.memory_space<hbm>> -> memref<48x1024xf32, #tpu.memory_space<hbm>>
    %dma_wait3A_380 = arith.constant 0 : i32
    %dma_wait3A_381 = tpu.memref_slice %arg5[%add3A_364, %dma_wait3A_380] : memref<32000x1024xf32, #tpu.memory_space<hbm>> -> memref<48x1024xf32, #tpu.memory_space<hbm>>
    %dma_wait3A_382 = arith.constant 0 : i32
    %dma_wait3A_383 = arith.constant 0 : i32
    %dma_wait3A_384 = tpu.memref_slice %arg12[%dma_wait3A_382, %dma_wait3A_383] : memref<48x1024xf32, #tpu.memory_space<vmem>> -> memref<48x1024xf32, #tpu.memory_space<vmem>>
    tpu.wait_dma2 semaphore(%arg16 : memref<!tpu.dma_semaphore, #tpu.memory_space<semaphore_mem>>) src(%dma_wait3A_384 : memref<48x1024xf32, #tpu.memory_space<vmem>>) dst(%dma_wait3A_381 : memref<48x1024xf32, #tpu.memory_space<hbm>>)
    %dma_start3A_385 = arith.constant 0 : i32
    %dma_start3A_386 = arith.constant 0 : i32
    %dma_start3A_387 = tpu.memref_slice %arg12[%dma_start3A_385, %dma_start3A_386] : memref<48x1024xf32, #tpu.memory_space<vmem>> -> memref<48x1024xf32, #tpu.memory_space<vmem>>
    %dma_start3A_388 = arith.constant 480 : i32
    %dma_start3A_389 = tpu.memref_slice %arg8[%dma_start3A_388] : memref<1008xi32, #tpu.memory_space<vmem>> -> memref<48xi32, #tpu.memory_space<vmem>>
    %dma_start3A_390 = arith.constant 0 : i32
    %dma_start3A_391 = arith.constant 0 : i32
    %dma_start3A_392 = tpu.memref_slice %arg2[%dma_start3A_390, %dma_start3A_391] : memref<32000x1024xf32, #tpu.memory_space<hbm>> -> memref<32000x1024xf32, #tpu.memory_space<hbm>>
    tpu.enqueue_indirect_dma source(%dma_start3A_392 : memref<32000x1024xf32, #tpu.memory_space<hbm>>) target(%dma_start3A_387 : memref<48x1024xf32, #tpu.memory_space<vmem>>) offsets(%dma_start3A_389 : memref<48xi32, #tpu.memory_space<vmem>>) semaphore(%arg14 : memref<!tpu.dma_semaphore, #tpu.memory_space<semaphore_mem>>)
    %dma_wait3A_393 = arith.constant 0 : i32
    %dma_wait3A_394 = arith.constant 0 : i32
    %dma_wait3A_395 = tpu.memref_slice %arg13[%dma_wait3A_393, %dma_wait3A_394] : memref<48x1024xf32, #tpu.memory_space<vmem>> -> memref<48x1024xf32, #tpu.memory_space<vmem>>
    %dma_wait3A_396 = arith.constant 432 : i32
    %dma_wait3A_397 = tpu.memref_slice %arg8[%dma_wait3A_396] : memref<1008xi32, #tpu.memory_space<vmem>> -> memref<48xi32, #tpu.memory_space<vmem>>
    %dma_wait3A_398 = arith.constant 0 : i32
    %dma_wait3A_399 = arith.constant 0 : i32
    %dma_wait3A_400 = tpu.memref_slice %arg2[%dma_wait3A_398, %dma_wait3A_399] : memref<32000x1024xf32, #tpu.memory_space<hbm>> -> memref<32000x1024xf32, #tpu.memory_space<hbm>>
    tpu.wait_indirect_dma semaphore(%arg15 : memref<!tpu.dma_semaphore, #tpu.memory_space<semaphore_mem>>) src(%dma_wait3A_400 : memref<32000x1024xf32, #tpu.memory_space<hbm>>) dst(%dma_wait3A_395 : memref<48x1024xf32, #tpu.memory_space<vmem>>)
    %add3A_401 = arith.constant 432 : i32
    %add3A_402 = arith.addi %mul3A_2, %add3A_401 : i32
    %dma_start3A_403 = arith.constant 0 : i32
    %dma_start3A_404 = arith.constant 0 : i32
    %dma_start3A_405 = tpu.memref_slice %arg13[%dma_start3A_403, %dma_start3A_404] : memref<48x1024xf32, #tpu.memory_space<vmem>> -> memref<48x1024xf32, #tpu.memory_space<vmem>>
    %dma_start3A_406 = arith.constant 0 : i32
    %dma_start3A_407 = tpu.memref_slice %arg5[%add3A_402, %dma_start3A_406] : memref<32000x1024xf32, #tpu.memory_space<hbm>> -> memref<48x1024xf32, #tpu.memory_space<hbm>>
    %dma_start3A_408 = arith.constant 0 : i32
    %dma_start3A_409 = tpu.memref_slice %arg5[%add3A_402, %dma_start3A_408] : memref<32000x1024xf32, #tpu.memory_space<hbm>> -> memref<48x1024xf32, #tpu.memory_space<hbm>>
    %dma_start3A_410 = arith.constant 0 : i32
    %dma_start3A_411 = arith.constant 0 : i32
    %dma_start3A_412 = tpu.memref_slice %arg13[%dma_start3A_410, %dma_start3A_411] : memref<48x1024xf32, #tpu.memory_space<vmem>> -> memref<48x1024xf32, #tpu.memory_space<vmem>>
    tpu.enqueue_dma source(%dma_start3A_412 : memref<48x1024xf32, #tpu.memory_space<vmem>>) target(%dma_start3A_409 : memref<48x1024xf32, #tpu.memory_space<hbm>>) target_semaphore(%arg17 : memref<!tpu.dma_semaphore, #tpu.memory_space<semaphore_mem>>)
    %dma_wait3A_413 = arith.constant 0 : i32
    %dma_wait3A_414 = arith.constant 0 : i32
    %dma_wait3A_415 = tpu.memref_slice %arg13[%dma_wait3A_413, %dma_wait3A_414] : memref<48x1024xf32, #tpu.memory_space<vmem>> -> memref<48x1024xf32, #tpu.memory_space<vmem>>
    %dma_wait3A_416 = arith.constant 0 : i32
    %dma_wait3A_417 = tpu.memref_slice %arg5[%add3A_402, %dma_wait3A_416] : memref<32000x1024xf32, #tpu.memory_space<hbm>> -> memref<48x1024xf32, #tpu.memory_space<hbm>>
    %dma_wait3A_418 = arith.constant 0 : i32
    %dma_wait3A_419 = tpu.memref_slice %arg5[%add3A_402, %dma_wait3A_418] : memref<32000x1024xf32, #tpu.memory_space<hbm>> -> memref<48x1024xf32, #tpu.memory_space<hbm>>
    %dma_wait3A_420 = arith.constant 0 : i32
    %dma_wait3A_421 = arith.constant 0 : i32
    %dma_wait3A_422 = tpu.memref_slice %arg13[%dma_wait3A_420, %dma_wait3A_421] : memref<48x1024xf32, #tpu.memory_space<vmem>> -> memref<48x1024xf32, #tpu.memory_space<vmem>>
    tpu.wait_dma2 semaphore(%arg17 : memref<!tpu.dma_semaphore, #tpu.memory_space<semaphore_mem>>) src(%dma_wait3A_422 : memref<48x1024xf32, #tpu.memory_space<vmem>>) dst(%dma_wait3A_419 : memref<48x1024xf32, #tpu.memory_space<hbm>>)
    %dma_start3A_423 = arith.constant 0 : i32
    %dma_start3A_424 = arith.constant 0 : i32
    %dma_start3A_425 = tpu.memref_slice %arg13[%dma_start3A_423, %dma_start3A_424] : memref<48x1024xf32, #tpu.memory_space<vmem>> -> memref<48x1024xf32, #tpu.memory_space<vmem>>
    %dma_start3A_426 = arith.constant 528 : i32
    %dma_start3A_427 = tpu.memref_slice %arg8[%dma_start3A_426] : memref<1008xi32, #tpu.memory_space<vmem>> -> memref<48xi32, #tpu.memory_space<vmem>>
    %dma_start3A_428 = arith.constant 0 : i32
    %dma_start3A_429 = arith.constant 0 : i32
    %dma_start3A_430 = tpu.memref_slice %arg2[%dma_start3A_428, %dma_start3A_429] : memref<32000x1024xf32, #tpu.memory_space<hbm>> -> memref<32000x1024xf32, #tpu.memory_space<hbm>>
    tpu.enqueue_indirect_dma source(%dma_start3A_430 : memref<32000x1024xf32, #tpu.memory_space<hbm>>) target(%dma_start3A_425 : memref<48x1024xf32, #tpu.memory_space<vmem>>) offsets(%dma_start3A_427 : memref<48xi32, #tpu.memory_space<vmem>>) semaphore(%arg15 : memref<!tpu.dma_semaphore, #tpu.memory_space<semaphore_mem>>)
    %dma_wait3A_431 = arith.constant 0 : i32
    %dma_wait3A_432 = arith.constant 0 : i32
    %dma_wait3A_433 = tpu.memref_slice %arg12[%dma_wait3A_431, %dma_wait3A_432] : memref<48x1024xf32, #tpu.memory_space<vmem>> -> memref<48x1024xf32, #tpu.memory_space<vmem>>
    %dma_wait3A_434 = arith.constant 480 : i32
    %dma_wait3A_435 = tpu.memref_slice %arg8[%dma_wait3A_434] : memref<1008xi32, #tpu.memory_space<vmem>> -> memref<48xi32, #tpu.memory_space<vmem>>
    %dma_wait3A_436 = arith.constant 0 : i32
    %dma_wait3A_437 = arith.constant 0 : i32
    %dma_wait3A_438 = tpu.memref_slice %arg2[%dma_wait3A_436, %dma_wait3A_437] : memref<32000x1024xf32, #tpu.memory_space<hbm>> -> memref<32000x1024xf32, #tpu.memory_space<hbm>>
    tpu.wait_indirect_dma semaphore(%arg14 : memref<!tpu.dma_semaphore, #tpu.memory_space<semaphore_mem>>) src(%dma_wait3A_438 : memref<32000x1024xf32, #tpu.memory_space<hbm>>) dst(%dma_wait3A_433 : memref<48x1024xf32, #tpu.memory_space<vmem>>)
    %add3A_439 = arith.constant 480 : i32
    %add3A_440 = arith.addi %mul3A_2, %add3A_439 : i32
    %dma_start3A_441 = arith.constant 0 : i32
    %dma_start3A_442 = arith.constant 0 : i32
    %dma_start3A_443 = tpu.memref_slice %arg12[%dma_start3A_441, %dma_start3A_442] : memref<48x1024xf32, #tpu.memory_space<vmem>> -> memref<48x1024xf32, #tpu.memory_space<vmem>>
    %dma_start3A_444 = arith.constant 0 : i32
    %dma_start3A_445 = tpu.memref_slice %arg5[%add3A_440, %dma_start3A_444] : memref<32000x1024xf32, #tpu.memory_space<hbm>> -> memref<48x1024xf32, #tpu.memory_space<hbm>>
    %dma_start3A_446 = arith.constant 0 : i32
    %dma_start3A_447 = tpu.memref_slice %arg5[%add3A_440, %dma_start3A_446] : memref<32000x1024xf32, #tpu.memory_space<hbm>> -> memref<48x1024xf32, #tpu.memory_space<hbm>>
    %dma_start3A_448 = arith.constant 0 : i32
    %dma_start3A_449 = arith.constant 0 : i32
    %dma_start3A_450 = tpu.memref_slice %arg12[%dma_start3A_448, %dma_start3A_449] : memref<48x1024xf32, #tpu.memory_space<vmem>> -> memref<48x1024xf32, #tpu.memory_space<vmem>>
    tpu.enqueue_dma source(%dma_start3A_450 : memref<48x1024xf32, #tpu.memory_space<vmem>>) target(%dma_start3A_447 : memref<48x1024xf32, #tpu.memory_space<hbm>>) target_semaphore(%arg16 : memref<!tpu.dma_semaphore, #tpu.memory_space<semaphore_mem>>)
    %dma_wait3A_451 = arith.constant 0 : i32
    %dma_wait3A_452 = arith.constant 0 : i32
    %dma_wait3A_453 = tpu.memref_slice %arg12[%dma_wait3A_451, %dma_wait3A_452] : memref<48x1024xf32, #tpu.memory_space<vmem>> -> memref<48x1024xf32, #tpu.memory_space<vmem>>
    %dma_wait3A_454 = arith.constant 0 : i32
    %dma_wait3A_455 = tpu.memref_slice %arg5[%add3A_440, %dma_wait3A_454] : memref<32000x1024xf32, #tpu.memory_space<hbm>> -> memref<48x1024xf32, #tpu.memory_space<hbm>>
    %dma_wait3A_456 = arith.constant 0 : i32
    %dma_wait3A_457 = tpu.memref_slice %arg5[%add3A_440, %dma_wait3A_456] : memref<32000x1024xf32, #tpu.memory_space<hbm>> -> memref<48x1024xf32, #tpu.memory_space<hbm>>
    %dma_wait3A_458 = arith.constant 0 : i32
    %dma_wait3A_459 = arith.constant 0 : i32
    %dma_wait3A_460 = tpu.memref_slice %arg12[%dma_wait3A_458, %dma_wait3A_459] : memref<48x1024xf32, #tpu.memory_space<vmem>> -> memref<48x1024xf32, #tpu.memory_space<vmem>>
    tpu.wait_dma2 semaphore(%arg16 : memref<!tpu.dma_semaphore, #tpu.memory_space<semaphore_mem>>) src(%dma_wait3A_460 : memref<48x1024xf32, #tpu.memory_space<vmem>>) dst(%dma_wait3A_457 : memref<48x1024xf32, #tpu.memory_space<hbm>>)
    %dma_start3A_461 = arith.constant 0 : i32
    %dma_start3A_462 = arith.constant 0 : i32
    %dma_start3A_463 = tpu.memref_slice %arg12[%dma_start3A_461, %dma_start3A_462] : memref<48x1024xf32, #tpu.memory_space<vmem>> -> memref<48x1024xf32, #tpu.memory_space<vmem>>
    %dma_start3A_464 = arith.constant 576 : i32
    %dma_start3A_465 = tpu.memref_slice %arg8[%dma_start3A_464] : memref<1008xi32, #tpu.memory_space<vmem>> -> memref<48xi32, #tpu.memory_space<vmem>>
    %dma_start3A_466 = arith.constant 0 : i32
    %dma_start3A_467 = arith.constant 0 : i32
    %dma_start3A_468 = tpu.memref_slice %arg2[%dma_start3A_466, %dma_start3A_467] : memref<32000x1024xf32, #tpu.memory_space<hbm>> -> memref<32000x1024xf32, #tpu.memory_space<hbm>>
    tpu.enqueue_indirect_dma source(%dma_start3A_468 : memref<32000x1024xf32, #tpu.memory_space<hbm>>) target(%dma_start3A_463 : memref<48x1024xf32, #tpu.memory_space<vmem>>) offsets(%dma_start3A_465 : memref<48xi32, #tpu.memory_space<vmem>>) semaphore(%arg14 : memref<!tpu.dma_semaphore, #tpu.memory_space<semaphore_mem>>)
    %dma_wait3A_469 = arith.constant 0 : i32
    %dma_wait3A_470 = arith.constant 0 : i32
    %dma_wait3A_471 = tpu.memref_slice %arg13[%dma_wait3A_469, %dma_wait3A_470] : memref<48x1024xf32, #tpu.memory_space<vmem>> -> memref<48x1024xf32, #tpu.memory_space<vmem>>
    %dma_wait3A_472 = arith.constant 528 : i32
    %dma_wait3A_473 = tpu.memref_slice %arg8[%dma_wait3A_472] : memref<1008xi32, #tpu.memory_space<vmem>> -> memref<48xi32, #tpu.memory_space<vmem>>
    %dma_wait3A_474 = arith.constant 0 : i32
    %dma_wait3A_475 = arith.constant 0 : i32
    %dma_wait3A_476 = tpu.memref_slice %arg2[%dma_wait3A_474, %dma_wait3A_475] : memref<32000x1024xf32, #tpu.memory_space<hbm>> -> memref<32000x1024xf32, #tpu.memory_space<hbm>>
    tpu.wait_indirect_dma semaphore(%arg15 : memref<!tpu.dma_semaphore, #tpu.memory_space<semaphore_mem>>) src(%dma_wait3A_476 : memref<32000x1024xf32, #tpu.memory_space<hbm>>) dst(%dma_wait3A_471 : memref<48x1024xf32, #tpu.memory_space<vmem>>)
    %add3A_477 = arith.constant 528 : i32
    %add3A_478 = arith.addi %mul3A_2, %add3A_477 : i32
    %dma_start3A_479 = arith.constant 0 : i32
    %dma_start3A_480 = arith.constant 0 : i32
    %dma_start3A_481 = tpu.memref_slice %arg13[%dma_start3A_479, %dma_start3A_480] : memref<48x1024xf32, #tpu.memory_space<vmem>> -> memref<48x1024xf32, #tpu.memory_space<vmem>>
    %dma_start3A_482 = arith.constant 0 : i32
    %dma_start3A_483 = tpu.memref_slice %arg5[%add3A_478, %dma_start3A_482] : memref<32000x1024xf32, #tpu.memory_space<hbm>> -> memref<48x1024xf32, #tpu.memory_space<hbm>>
    %dma_start3A_484 = arith.constant 0 : i32
    %dma_start3A_485 = tpu.memref_slice %arg5[%add3A_478, %dma_start3A_484] : memref<32000x1024xf32, #tpu.memory_space<hbm>> -> memref<48x1024xf32, #tpu.memory_space<hbm>>
    %dma_start3A_486 = arith.constant 0 : i32
    %dma_start3A_487 = arith.constant 0 : i32
    %dma_start3A_488 = tpu.memref_slice %arg13[%dma_start3A_486, %dma_start3A_487] : memref<48x1024xf32, #tpu.memory_space<vmem>> -> memref<48x1024xf32, #tpu.memory_space<vmem>>
    tpu.enqueue_dma source(%dma_start3A_488 : memref<48x1024xf32, #tpu.memory_space<vmem>>) target(%dma_start3A_485 : memref<48x1024xf32, #tpu.memory_space<hbm>>) target_semaphore(%arg17 : memref<!tpu.dma_semaphore, #tpu.memory_space<semaphore_mem>>)
    %dma_wait3A_489 = arith.constant 0 : i32
    %dma_wait3A_490 = arith.constant 0 : i32
    %dma_wait3A_491 = tpu.memref_slice %arg13[%dma_wait3A_489, %dma_wait3A_490] : memref<48x1024xf32, #tpu.memory_space<vmem>> -> memref<48x1024xf32, #tpu.memory_space<vmem>>
    %dma_wait3A_492 = arith.constant 0 : i32
    %dma_wait3A_493 = tpu.memref_slice %arg5[%add3A_478, %dma_wait3A_492] : memref<32000x1024xf32, #tpu.memory_space<hbm>> -> memref<48x1024xf32, #tpu.memory_space<hbm>>
    %dma_wait3A_494 = arith.constant 0 : i32
    %dma_wait3A_495 = tpu.memref_slice %arg5[%add3A_478, %dma_wait3A_494] : memref<32000x1024xf32, #tpu.memory_space<hbm>> -> memref<48x1024xf32, #tpu.memory_space<hbm>>
    %dma_wait3A_496 = arith.constant 0 : i32
    %dma_wait3A_497 = arith.constant 0 : i32
    %dma_wait3A_498 = tpu.memref_slice %arg13[%dma_wait3A_496, %dma_wait3A_497] : memref<48x1024xf32, #tpu.memory_space<vmem>> -> memref<48x1024xf32, #tpu.memory_space<vmem>>
    tpu.wait_dma2 semaphore(%arg17 : memref<!tpu.dma_semaphore, #tpu.memory_space<semaphore_mem>>) src(%dma_wait3A_498 : memref<48x1024xf32, #tpu.memory_space<vmem>>) dst(%dma_wait3A_495 : memref<48x1024xf32, #tpu.memory_space<hbm>>)
    %dma_start3A_499 = arith.constant 0 : i32
    %dma_start3A_500 = arith.constant 0 : i32
    %dma_start3A_501 = tpu.memref_slice %arg13[%dma_start3A_499, %dma_start3A_500] : memref<48x1024xf32, #tpu.memory_space<vmem>> -> memref<48x1024xf32, #tpu.memory_space<vmem>>
    %dma_start3A_502 = arith.constant 624 : i32
    %dma_start3A_503 = tpu.memref_slice %arg8[%dma_start3A_502] : memref<1008xi32, #tpu.memory_space<vmem>> -> memref<48xi32, #tpu.memory_space<vmem>>
    %dma_start3A_504 = arith.constant 0 : i32
    %dma_start3A_505 = arith.constant 0 : i32
    %dma_start3A_506 = tpu.memref_slice %arg2[%dma_start3A_504, %dma_start3A_505] : memref<32000x1024xf32, #tpu.memory_space<hbm>> -> memref<32000x1024xf32, #tpu.memory_space<hbm>>
    tpu.enqueue_indirect_dma source(%dma_start3A_506 : memref<32000x1024xf32, #tpu.memory_space<hbm>>) target(%dma_start3A_501 : memref<48x1024xf32, #tpu.memory_space<vmem>>) offsets(%dma_start3A_503 : memref<48xi32, #tpu.memory_space<vmem>>) semaphore(%arg15 : memref<!tpu.dma_semaphore, #tpu.memory_space<semaphore_mem>>)
    %dma_wait3A_507 = arith.constant 0 : i32
    %dma_wait3A_508 = arith.constant 0 : i32
    %dma_wait3A_509 = tpu.memref_slice %arg12[%dma_wait3A_507, %dma_wait3A_508] : memref<48x1024xf32, #tpu.memory_space<vmem>> -> memref<48x1024xf32, #tpu.memory_space<vmem>>
    %dma_wait3A_510 = arith.constant 576 : i32
    %dma_wait3A_511 = tpu.memref_slice %arg8[%dma_wait3A_510] : memref<1008xi32, #tpu.memory_space<vmem>> -> memref<48xi32, #tpu.memory_space<vmem>>
    %dma_wait3A_512 = arith.constant 0 : i32
    %dma_wait3A_513 = arith.constant 0 : i32
    %dma_wait3A_514 = tpu.memref_slice %arg2[%dma_wait3A_512, %dma_wait3A_513] : memref<32000x1024xf32, #tpu.memory_space<hbm>> -> memref<32000x1024xf32, #tpu.memory_space<hbm>>
    tpu.wait_indirect_dma semaphore(%arg14 : memref<!tpu.dma_semaphore, #tpu.memory_space<semaphore_mem>>) src(%dma_wait3A_514 : memref<32000x1024xf32, #tpu.memory_space<hbm>>) dst(%dma_wait3A_509 : memref<48x1024xf32, #tpu.memory_space<vmem>>)
    %add3A_515 = arith.constant 576 : i32
    %add3A_516 = arith.addi %mul3A_2, %add3A_515 : i32
    %dma_start3A_517 = arith.constant 0 : i32
    %dma_start3A_518 = arith.constant 0 : i32
    %dma_start3A_519 = tpu.memref_slice %arg12[%dma_start3A_517, %dma_start3A_518] : memref<48x1024xf32, #tpu.memory_space<vmem>> -> memref<48x1024xf32, #tpu.memory_space<vmem>>
    %dma_start3A_520 = arith.constant 0 : i32
    %dma_start3A_521 = tpu.memref_slice %arg5[%add3A_516, %dma_start3A_520] : memref<32000x1024xf32, #tpu.memory_space<hbm>> -> memref<48x1024xf32, #tpu.memory_space<hbm>>
    %dma_start3A_522 = arith.constant 0 : i32
    %dma_start3A_523 = tpu.memref_slice %arg5[%add3A_516, %dma_start3A_522] : memref<32000x1024xf32, #tpu.memory_space<hbm>> -> memref<48x1024xf32, #tpu.memory_space<hbm>>
    %dma_start3A_524 = arith.constant 0 : i32
    %dma_start3A_525 = arith.constant 0 : i32
    %dma_start3A_526 = tpu.memref_slice %arg12[%dma_start3A_524, %dma_start3A_525] : memref<48x1024xf32, #tpu.memory_space<vmem>> -> memref<48x1024xf32, #tpu.memory_space<vmem>>
    tpu.enqueue_dma source(%dma_start3A_526 : memref<48x1024xf32, #tpu.memory_space<vmem>>) target(%dma_start3A_523 : memref<48x1024xf32, #tpu.memory_space<hbm>>) target_semaphore(%arg16 : memref<!tpu.dma_semaphore, #tpu.memory_space<semaphore_mem>>)
    %dma_wait3A_527 = arith.constant 0 : i32
    %dma_wait3A_528 = arith.constant 0 : i32
    %dma_wait3A_529 = tpu.memref_slice %arg12[%dma_wait3A_527, %dma_wait3A_528] : memref<48x1024xf32, #tpu.memory_space<vmem>> -> memref<48x1024xf32, #tpu.memory_space<vmem>>
    %dma_wait3A_530 = arith.constant 0 : i32
    %dma_wait3A_531 = tpu.memref_slice %arg5[%add3A_516, %dma_wait3A_530] : memref<32000x1024xf32, #tpu.memory_space<hbm>> -> memref<48x1024xf32, #tpu.memory_space<hbm>>
    %dma_wait3A_532 = arith.constant 0 : i32
    %dma_wait3A_533 = tpu.memref_slice %arg5[%add3A_516, %dma_wait3A_532] : memref<32000x1024xf32, #tpu.memory_space<hbm>> -> memref<48x1024xf32, #tpu.memory_space<hbm>>
    %dma_wait3A_534 = arith.constant 0 : i32
    %dma_wait3A_535 = arith.constant 0 : i32
    %dma_wait3A_536 = tpu.memref_slice %arg12[%dma_wait3A_534, %dma_wait3A_535] : memref<48x1024xf32, #tpu.memory_space<vmem>> -> memref<48x1024xf32, #tpu.memory_space<vmem>>
    tpu.wait_dma2 semaphore(%arg16 : memref<!tpu.dma_semaphore, #tpu.memory_space<semaphore_mem>>) src(%dma_wait3A_536 : memref<48x1024xf32, #tpu.memory_space<vmem>>) dst(%dma_wait3A_533 : memref<48x1024xf32, #tpu.memory_space<hbm>>)
    %dma_start3A_537 = arith.constant 0 : i32
    %dma_start3A_538 = arith.constant 0 : i32
    %dma_start3A_539 = tpu.memref_slice %arg12[%dma_start3A_537, %dma_start3A_538] : memref<48x1024xf32, #tpu.memory_space<vmem>> -> memref<48x1024xf32, #tpu.memory_space<vmem>>
    %dma_start3A_540 = arith.constant 672 : i32
    %dma_start3A_541 = tpu.memref_slice %arg8[%dma_start3A_540] : memref<1008xi32, #tpu.memory_space<vmem>> -> memref<48xi32, #tpu.memory_space<vmem>>
    %dma_start3A_542 = arith.constant 0 : i32
    %dma_start3A_543 = arith.constant 0 : i32
    %dma_start3A_544 = tpu.memref_slice %arg2[%dma_start3A_542, %dma_start3A_543] : memref<32000x1024xf32, #tpu.memory_space<hbm>> -> memref<32000x1024xf32, #tpu.memory_space<hbm>>
    tpu.enqueue_indirect_dma source(%dma_start3A_544 : memref<32000x1024xf32, #tpu.memory_space<hbm>>) target(%dma_start3A_539 : memref<48x1024xf32, #tpu.memory_space<vmem>>) offsets(%dma_start3A_541 : memref<48xi32, #tpu.memory_space<vmem>>) semaphore(%arg14 : memref<!tpu.dma_semaphore, #tpu.memory_space<semaphore_mem>>)
    %dma_wait3A_545 = arith.constant 0 : i32
    %dma_wait3A_546 = arith.constant 0 : i32
    %dma_wait3A_547 = tpu.memref_slice %arg13[%dma_wait3A_545, %dma_wait3A_546] : memref<48x1024xf32, #tpu.memory_space<vmem>> -> memref<48x1024xf32, #tpu.memory_space<vmem>>
    %dma_wait3A_548 = arith.constant 624 : i32
    %dma_wait3A_549 = tpu.memref_slice %arg8[%dma_wait3A_548] : memref<1008xi32, #tpu.memory_space<vmem>> -> memref<48xi32, #tpu.memory_space<vmem>>
    %dma_wait3A_550 = arith.constant 0 : i32
    %dma_wait3A_551 = arith.constant 0 : i32
    %dma_wait3A_552 = tpu.memref_slice %arg2[%dma_wait3A_550, %dma_wait3A_551] : memref<32000x1024xf32, #tpu.memory_space<hbm>> -> memref<32000x1024xf32, #tpu.memory_space<hbm>>
    tpu.wait_indirect_dma semaphore(%arg15 : memref<!tpu.dma_semaphore, #tpu.memory_space<semaphore_mem>>) src(%dma_wait3A_552 : memref<32000x1024xf32, #tpu.memory_space<hbm>>) dst(%dma_wait3A_547 : memref<48x1024xf32, #tpu.memory_space<vmem>>)
    %add3A_553 = arith.constant 624 : i32
    %add3A_554 = arith.addi %mul3A_2, %add3A_553 : i32
    %dma_start3A_555 = arith.constant 0 : i32
    %dma_start3A_556 = arith.constant 0 : i32
    %dma_start3A_557 = tpu.memref_slice %arg13[%dma_start3A_555, %dma_start3A_556] : memref<48x1024xf32, #tpu.memory_space<vmem>> -> memref<48x1024xf32, #tpu.memory_space<vmem>>
    %dma_start3A_558 = arith.constant 0 : i32
    %dma_start3A_559 = tpu.memref_slice %arg5[%add3A_554, %dma_start3A_558] : memref<32000x1024xf32, #tpu.memory_space<hbm>> -> memref<48x1024xf32, #tpu.memory_space<hbm>>
    %dma_start3A_560 = arith.constant 0 : i32
    %dma_start3A_561 = tpu.memref_slice %arg5[%add3A_554, %dma_start3A_560] : memref<32000x1024xf32, #tpu.memory_space<hbm>> -> memref<48x1024xf32, #tpu.memory_space<hbm>>
    %dma_start3A_562 = arith.constant 0 : i32
    %dma_start3A_563 = arith.constant 0 : i32
    %dma_start3A_564 = tpu.memref_slice %arg13[%dma_start3A_562, %dma_start3A_563] : memref<48x1024xf32, #tpu.memory_space<vmem>> -> memref<48x1024xf32, #tpu.memory_space<vmem>>
    tpu.enqueue_dma source(%dma_start3A_564 : memref<48x1024xf32, #tpu.memory_space<vmem>>) target(%dma_start3A_561 : memref<48x1024xf32, #tpu.memory_space<hbm>>) target_semaphore(%arg17 : memref<!tpu.dma_semaphore, #tpu.memory_space<semaphore_mem>>)
    %dma_wait3A_565 = arith.constant 0 : i32
    %dma_wait3A_566 = arith.constant 0 : i32
    %dma_wait3A_567 = tpu.memref_slice %arg13[%dma_wait3A_565, %dma_wait3A_566] : memref<48x1024xf32, #tpu.memory_space<vmem>> -> memref<48x1024xf32, #tpu.memory_space<vmem>>
    %dma_wait3A_568 = arith.constant 0 : i32
    %dma_wait3A_569 = tpu.memref_slice %arg5[%add3A_554, %dma_wait3A_568] : memref<32000x1024xf32, #tpu.memory_space<hbm>> -> memref<48x1024xf32, #tpu.memory_space<hbm>>
    %dma_wait3A_570 = arith.constant 0 : i32
    %dma_wait3A_571 = tpu.memref_slice %arg5[%add3A_554, %dma_wait3A_570] : memref<32000x1024xf32, #tpu.memory_space<hbm>> -> memref<48x1024xf32, #tpu.memory_space<hbm>>
    %dma_wait3A_572 = arith.constant 0 : i32
    %dma_wait3A_573 = arith.constant 0 : i32
    %dma_wait3A_574 = tpu.memref_slice %arg13[%dma_wait3A_572, %dma_wait3A_573] : memref<48x1024xf32, #tpu.memory_space<vmem>> -> memref<48x1024xf32, #tpu.memory_space<vmem>>
    tpu.wait_dma2 semaphore(%arg17 : memref<!tpu.dma_semaphore, #tpu.memory_space<semaphore_mem>>) src(%dma_wait3A_574 : memref<48x1024xf32, #tpu.memory_space<vmem>>) dst(%dma_wait3A_571 : memref<48x1024xf32, #tpu.memory_space<hbm>>)
    %dma_start3A_575 = arith.constant 0 : i32
    %dma_start3A_576 = arith.constant 0 : i32
    %dma_start3A_577 = tpu.memref_slice %arg13[%dma_start3A_575, %dma_start3A_576] : memref<48x1024xf32, #tpu.memory_space<vmem>> -> memref<48x1024xf32, #tpu.memory_space<vmem>>
    %dma_start3A_578 = arith.constant 720 : i32
    %dma_start3A_579 = tpu.memref_slice %arg8[%dma_start3A_578] : memref<1008xi32, #tpu.memory_space<vmem>> -> memref<48xi32, #tpu.memory_space<vmem>>
    %dma_start3A_580 = arith.constant 0 : i32
    %dma_start3A_581 = arith.constant 0 : i32
    %dma_start3A_582 = tpu.memref_slice %arg2[%dma_start3A_580, %dma_start3A_581] : memref<32000x1024xf32, #tpu.memory_space<hbm>> -> memref<32000x1024xf32, #tpu.memory_space<hbm>>
    tpu.enqueue_indirect_dma source(%dma_start3A_582 : memref<32000x1024xf32, #tpu.memory_space<hbm>>) target(%dma_start3A_577 : memref<48x1024xf32, #tpu.memory_space<vmem>>) offsets(%dma_start3A_579 : memref<48xi32, #tpu.memory_space<vmem>>) semaphore(%arg15 : memref<!tpu.dma_semaphore, #tpu.memory_space<semaphore_mem>>)
    %dma_wait3A_583 = arith.constant 0 : i32
    %dma_wait3A_584 = arith.constant 0 : i32
    %dma_wait3A_585 = tpu.memref_slice %arg12[%dma_wait3A_583, %dma_wait3A_584] : memref<48x1024xf32, #tpu.memory_space<vmem>> -> memref<48x1024xf32, #tpu.memory_space<vmem>>
    %dma_wait3A_586 = arith.constant 672 : i32
    %dma_wait3A_587 = tpu.memref_slice %arg8[%dma_wait3A_586] : memref<1008xi32, #tpu.memory_space<vmem>> -> memref<48xi32, #tpu.memory_space<vmem>>
    %dma_wait3A_588 = arith.constant 0 : i32
    %dma_wait3A_589 = arith.constant 0 : i32
    %dma_wait3A_590 = tpu.memref_slice %arg2[%dma_wait3A_588, %dma_wait3A_589] : memref<32000x1024xf32, #tpu.memory_space<hbm>> -> memref<32000x1024xf32, #tpu.memory_space<hbm>>
    tpu.wait_indirect_dma semaphore(%arg14 : memref<!tpu.dma_semaphore, #tpu.memory_space<semaphore_mem>>) src(%dma_wait3A_590 : memref<32000x1024xf32, #tpu.memory_space<hbm>>) dst(%dma_wait3A_585 : memref<48x1024xf32, #tpu.memory_space<vmem>>)
    %add3A_591 = arith.constant 672 : i32
    %add3A_592 = arith.addi %mul3A_2, %add3A_591 : i32
    %dma_start3A_593 = arith.constant 0 : i32
    %dma_start3A_594 = arith.constant 0 : i32
    %dma_start3A_595 = tpu.memref_slice %arg12[%dma_start3A_593, %dma_start3A_594] : memref<48x1024xf32, #tpu.memory_space<vmem>> -> memref<48x1024xf32, #tpu.memory_space<vmem>>
    %dma_start3A_596 = arith.constant 0 : i32
    %dma_start3A_597 = tpu.memref_slice %arg5[%add3A_592, %dma_start3A_596] : memref<32000x1024xf32, #tpu.memory_space<hbm>> -> memref<48x1024xf32, #tpu.memory_space<hbm>>
    %dma_start3A_598 = arith.constant 0 : i32
    %dma_start3A_599 = tpu.memref_slice %arg5[%add3A_592, %dma_start3A_598] : memref<32000x1024xf32, #tpu.memory_space<hbm>> -> memref<48x1024xf32, #tpu.memory_space<hbm>>
    %dma_start3A_600 = arith.constant 0 : i32
    %dma_start3A_601 = arith.constant 0 : i32
    %dma_start3A_602 = tpu.memref_slice %arg12[%dma_start3A_600, %dma_start3A_601] : memref<48x1024xf32, #tpu.memory_space<vmem>> -> memref<48x1024xf32, #tpu.memory_space<vmem>>
    tpu.enqueue_dma source(%dma_start3A_602 : memref<48x1024xf32, #tpu.memory_space<vmem>>) target(%dma_start3A_599 : memref<48x1024xf32, #tpu.memory_space<hbm>>) target_semaphore(%arg16 : memref<!tpu.dma_semaphore, #tpu.memory_space<semaphore_mem>>)
    %dma_wait3A_603 = arith.constant 0 : i32
    %dma_wait3A_604 = arith.constant 0 : i32
    %dma_wait3A_605 = tpu.memref_slice %arg12[%dma_wait3A_603, %dma_wait3A_604] : memref<48x1024xf32, #tpu.memory_space<vmem>> -> memref<48x1024xf32, #tpu.memory_space<vmem>>
    %dma_wait3A_606 = arith.constant 0 : i32
    %dma_wait3A_607 = tpu.memref_slice %arg5[%add3A_592, %dma_wait3A_606] : memref<32000x1024xf32, #tpu.memory_space<hbm>> -> memref<48x1024xf32, #tpu.memory_space<hbm>>
    %dma_wait3A_608 = arith.constant 0 : i32
    %dma_wait3A_609 = tpu.memref_slice %arg5[%add3A_592, %dma_wait3A_608] : memref<32000x1024xf32, #tpu.memory_space<hbm>> -> memref<48x1024xf32, #tpu.memory_space<hbm>>
    %dma_wait3A_610 = arith.constant 0 : i32
    %dma_wait3A_611 = arith.constant 0 : i32
    %dma_wait3A_612 = tpu.memref_slice %arg12[%dma_wait3A_610, %dma_wait3A_611] : memref<48x1024xf32, #tpu.memory_space<vmem>> -> memref<48x1024xf32, #tpu.memory_space<vmem>>
    tpu.wait_dma2 semaphore(%arg16 : memref<!tpu.dma_semaphore, #tpu.memory_space<semaphore_mem>>) src(%dma_wait3A_612 : memref<48x1024xf32, #tpu.memory_space<vmem>>) dst(%dma_wait3A_609 : memref<48x1024xf32, #tpu.memory_space<hbm>>)
    %dma_start3A_613 = arith.constant 0 : i32
    %dma_start3A_614 = arith.constant 0 : i32
    %dma_start3A_615 = tpu.memref_slice %arg12[%dma_start3A_613, %dma_start3A_614] : memref<48x1024xf32, #tpu.memory_space<vmem>> -> memref<48x1024xf32, #tpu.memory_space<vmem>>
    %dma_start3A_616 = arith.constant 768 : i32
    %dma_start3A_617 = tpu.memref_slice %arg8[%dma_start3A_616] : memref<1008xi32, #tpu.memory_space<vmem>> -> memref<48xi32, #tpu.memory_space<vmem>>
    %dma_start3A_618 = arith.constant 0 : i32
    %dma_start3A_619 = arith.constant 0 : i32
    %dma_start3A_620 = tpu.memref_slice %arg2[%dma_start3A_618, %dma_start3A_619] : memref<32000x1024xf32, #tpu.memory_space<hbm>> -> memref<32000x1024xf32, #tpu.memory_space<hbm>>
    tpu.enqueue_indirect_dma source(%dma_start3A_620 : memref<32000x1024xf32, #tpu.memory_space<hbm>>) target(%dma_start3A_615 : memref<48x1024xf32, #tpu.memory_space<vmem>>) offsets(%dma_start3A_617 : memref<48xi32, #tpu.memory_space<vmem>>) semaphore(%arg14 : memref<!tpu.dma_semaphore, #tpu.memory_space<semaphore_mem>>)
    %dma_wait3A_621 = arith.constant 0 : i32
    %dma_wait3A_622 = arith.constant 0 : i32
    %dma_wait3A_623 = tpu.memref_slice %arg13[%dma_wait3A_621, %dma_wait3A_622] : memref<48x1024xf32, #tpu.memory_space<vmem>> -> memref<48x1024xf32, #tpu.memory_space<vmem>>
    %dma_wait3A_624 = arith.constant 720 : i32
    %dma_wait3A_625 = tpu.memref_slice %arg8[%dma_wait3A_624] : memref<1008xi32, #tpu.memory_space<vmem>> -> memref<48xi32, #tpu.memory_space<vmem>>
    %dma_wait3A_626 = arith.constant 0 : i32
    %dma_wait3A_627 = arith.constant 0 : i32
    %dma_wait3A_628 = tpu.memref_slice %arg2[%dma_wait3A_626, %dma_wait3A_627] : memref<32000x1024xf32, #tpu.memory_space<hbm>> -> memref<32000x1024xf32, #tpu.memory_space<hbm>>
    tpu.wait_indirect_dma semaphore(%arg15 : memref<!tpu.dma_semaphore, #tpu.memory_space<semaphore_mem>>) src(%dma_wait3A_628 : memref<32000x1024xf32, #tpu.memory_space<hbm>>) dst(%dma_wait3A_623 : memref<48x1024xf32, #tpu.memory_space<vmem>>)
    %add3A_629 = arith.constant 720 : i32
    %add3A_630 = arith.addi %mul3A_2, %add3A_629 : i32
    %dma_start3A_631 = arith.constant 0 : i32
    %dma_start3A_632 = arith.constant 0 : i32
    %dma_start3A_633 = tpu.memref_slice %arg13[%dma_start3A_631, %dma_start3A_632] : memref<48x1024xf32, #tpu.memory_space<vmem>> -> memref<48x1024xf32, #tpu.memory_space<vmem>>
    %dma_start3A_634 = arith.constant 0 : i32
    %dma_start3A_635 = tpu.memref_slice %arg5[%add3A_630, %dma_start3A_634] : memref<32000x1024xf32, #tpu.memory_space<hbm>> -> memref<48x1024xf32, #tpu.memory_space<hbm>>
    %dma_start3A_636 = arith.constant 0 : i32
    %dma_start3A_637 = tpu.memref_slice %arg5[%add3A_630, %dma_start3A_636] : memref<32000x1024xf32, #tpu.memory_space<hbm>> -> memref<48x1024xf32, #tpu.memory_space<hbm>>
    %dma_start3A_638 = arith.constant 0 : i32
    %dma_start3A_639 = arith.constant 0 : i32
    %dma_start3A_640 = tpu.memref_slice %arg13[%dma_start3A_638, %dma_start3A_639] : memref<48x1024xf32, #tpu.memory_space<vmem>> -> memref<48x1024xf32, #tpu.memory_space<vmem>>
    tpu.enqueue_dma source(%dma_start3A_640 : memref<48x1024xf32, #tpu.memory_space<vmem>>) target(%dma_start3A_637 : memref<48x1024xf32, #tpu.memory_space<hbm>>) target_semaphore(%arg17 : memref<!tpu.dma_semaphore, #tpu.memory_space<semaphore_mem>>)
    %dma_wait3A_641 = arith.constant 0 : i32
    %dma_wait3A_642 = arith.constant 0 : i32
    %dma_wait3A_643 = tpu.memref_slice %arg13[%dma_wait3A_641, %dma_wait3A_642] : memref<48x1024xf32, #tpu.memory_space<vmem>> -> memref<48x1024xf32, #tpu.memory_space<vmem>>
    %dma_wait3A_644 = arith.constant 0 : i32
    %dma_wait3A_645 = tpu.memref_slice %arg5[%add3A_630, %dma_wait3A_644] : memref<32000x1024xf32, #tpu.memory_space<hbm>> -> memref<48x1024xf32, #tpu.memory_space<hbm>>
    %dma_wait3A_646 = arith.constant 0 : i32
    %dma_wait3A_647 = tpu.memref_slice %arg5[%add3A_630, %dma_wait3A_646] : memref<32000x1024xf32, #tpu.memory_space<hbm>> -> memref<48x1024xf32, #tpu.memory_space<hbm>>
    %dma_wait3A_648 = arith.constant 0 : i32
    %dma_wait3A_649 = arith.constant 0 : i32
    %dma_wait3A_650 = tpu.memref_slice %arg13[%dma_wait3A_648, %dma_wait3A_649] : memref<48x1024xf32, #tpu.memory_space<vmem>> -> memref<48x1024xf32, #tpu.memory_space<vmem>>
    tpu.wait_dma2 semaphore(%arg17 : memref<!tpu.dma_semaphore, #tpu.memory_space<semaphore_mem>>) src(%dma_wait3A_650 : memref<48x1024xf32, #tpu.memory_space<vmem>>) dst(%dma_wait3A_647 : memref<48x1024xf32, #tpu.memory_space<hbm>>)
    %dma_start3A_651 = arith.constant 0 : i32
    %dma_start3A_652 = arith.constant 0 : i32
    %dma_start3A_653 = tpu.memref_slice %arg13[%dma_start3A_651, %dma_start3A_652] : memref<48x1024xf32, #tpu.memory_space<vmem>> -> memref<48x1024xf32, #tpu.memory_space<vmem>>
    %dma_start3A_654 = arith.constant 816 : i32
    %dma_start3A_655 = tpu.memref_slice %arg8[%dma_start3A_654] : memref<1008xi32, #tpu.memory_space<vmem>> -> memref<48xi32, #tpu.memory_space<vmem>>
    %dma_start3A_656 = arith.constant 0 : i32
    %dma_start3A_657 = arith.constant 0 : i32
    %dma_start3A_658 = tpu.memref_slice %arg2[%dma_start3A_656, %dma_start3A_657] : memref<32000x1024xf32, #tpu.memory_space<hbm>> -> memref<32000x1024xf32, #tpu.memory_space<hbm>>
    tpu.enqueue_indirect_dma source(%dma_start3A_658 : memref<32000x1024xf32, #tpu.memory_space<hbm>>) target(%dma_start3A_653 : memref<48x1024xf32, #tpu.memory_space<vmem>>) offsets(%dma_start3A_655 : memref<48xi32, #tpu.memory_space<vmem>>) semaphore(%arg15 : memref<!tpu.dma_semaphore, #tpu.memory_space<semaphore_mem>>)
    %dma_wait3A_659 = arith.constant 0 : i32
    %dma_wait3A_660 = arith.constant 0 : i32
    %dma_wait3A_661 = tpu.memref_slice %arg12[%dma_wait3A_659, %dma_wait3A_660] : memref<48x1024xf32, #tpu.memory_space<vmem>> -> memref<48x1024xf32, #tpu.memory_space<vmem>>
    %dma_wait3A_662 = arith.constant 768 : i32
    %dma_wait3A_663 = tpu.memref_slice %arg8[%dma_wait3A_662] : memref<1008xi32, #tpu.memory_space<vmem>> -> memref<48xi32, #tpu.memory_space<vmem>>
    %dma_wait3A_664 = arith.constant 0 : i32
    %dma_wait3A_665 = arith.constant 0 : i32
    %dma_wait3A_666 = tpu.memref_slice %arg2[%dma_wait3A_664, %dma_wait3A_665] : memref<32000x1024xf32, #tpu.memory_space<hbm>> -> memref<32000x1024xf32, #tpu.memory_space<hbm>>
    tpu.wait_indirect_dma semaphore(%arg14 : memref<!tpu.dma_semaphore, #tpu.memory_space<semaphore_mem>>) src(%dma_wait3A_666 : memref<32000x1024xf32, #tpu.memory_space<hbm>>) dst(%dma_wait3A_661 : memref<48x1024xf32, #tpu.memory_space<vmem>>)
    %add3A_667 = arith.constant 768 : i32
    %add3A_668 = arith.addi %mul3A_2, %add3A_667 : i32
    %dma_start3A_669 = arith.constant 0 : i32
    %dma_start3A_670 = arith.constant 0 : i32
    %dma_start3A_671 = tpu.memref_slice %arg12[%dma_start3A_669, %dma_start3A_670] : memref<48x1024xf32, #tpu.memory_space<vmem>> -> memref<48x1024xf32, #tpu.memory_space<vmem>>
    %dma_start3A_672 = arith.constant 0 : i32
    %dma_start3A_673 = tpu.memref_slice %arg5[%add3A_668, %dma_start3A_672] : memref<32000x1024xf32, #tpu.memory_space<hbm>> -> memref<48x1024xf32, #tpu.memory_space<hbm>>
    %dma_start3A_674 = arith.constant 0 : i32
    %dma_start3A_675 = tpu.memref_slice %arg5[%add3A_668, %dma_start3A_674] : memref<32000x1024xf32, #tpu.memory_space<hbm>> -> memref<48x1024xf32, #tpu.memory_space<hbm>>
    %dma_start3A_676 = arith.constant 0 : i32
    %dma_start3A_677 = arith.constant 0 : i32
    %dma_start3A_678 = tpu.memref_slice %arg12[%dma_start3A_676, %dma_start3A_677] : memref<48x1024xf32, #tpu.memory_space<vmem>> -> memref<48x1024xf32, #tpu.memory_space<vmem>>
    tpu.enqueue_dma source(%dma_start3A_678 : memref<48x1024xf32, #tpu.memory_space<vmem>>) target(%dma_start3A_675 : memref<48x1024xf32, #tpu.memory_space<hbm>>) target_semaphore(%arg16 : memref<!tpu.dma_semaphore, #tpu.memory_space<semaphore_mem>>)
    %dma_wait3A_679 = arith.constant 0 : i32
    %dma_wait3A_680 = arith.constant 0 : i32
    %dma_wait3A_681 = tpu.memref_slice %arg12[%dma_wait3A_679, %dma_wait3A_680] : memref<48x1024xf32, #tpu.memory_space<vmem>> -> memref<48x1024xf32, #tpu.memory_space<vmem>>
    %dma_wait3A_682 = arith.constant 0 : i32
    %dma_wait3A_683 = tpu.memref_slice %arg5[%add3A_668, %dma_wait3A_682] : memref<32000x1024xf32, #tpu.memory_space<hbm>> -> memref<48x1024xf32, #tpu.memory_space<hbm>>
    %dma_wait3A_684 = arith.constant 0 : i32
    %dma_wait3A_685 = tpu.memref_slice %arg5[%add3A_668, %dma_wait3A_684] : memref<32000x1024xf32, #tpu.memory_space<hbm>> -> memref<48x1024xf32, #tpu.memory_space<hbm>>
    %dma_wait3A_686 = arith.constant 0 : i32
    %dma_wait3A_687 = arith.constant 0 : i32
    %dma_wait3A_688 = tpu.memref_slice %arg12[%dma_wait3A_686, %dma_wait3A_687] : memref<48x1024xf32, #tpu.memory_space<vmem>> -> memref<48x1024xf32, #tpu.memory_space<vmem>>
    tpu.wait_dma2 semaphore(%arg16 : memref<!tpu.dma_semaphore, #tpu.memory_space<semaphore_mem>>) src(%dma_wait3A_688 : memref<48x1024xf32, #tpu.memory_space<vmem>>) dst(%dma_wait3A_685 : memref<48x1024xf32, #tpu.memory_space<hbm>>)
    %dma_start3A_689 = arith.constant 0 : i32
    %dma_start3A_690 = arith.constant 0 : i32
    %dma_start3A_691 = tpu.memref_slice %arg12[%dma_start3A_689, %dma_start3A_690] : memref<48x1024xf32, #tpu.memory_space<vmem>> -> memref<48x1024xf32, #tpu.memory_space<vmem>>
    %dma_start3A_692 = arith.constant 864 : i32
    %dma_start3A_693 = tpu.memref_slice %arg8[%dma_start3A_692] : memref<1008xi32, #tpu.memory_space<vmem>> -> memref<48xi32, #tpu.memory_space<vmem>>
    %dma_start3A_694 = arith.constant 0 : i32
    %dma_start3A_695 = arith.constant 0 : i32
    %dma_start3A_696 = tpu.memref_slice %arg2[%dma_start3A_694, %dma_start3A_695] : memref<32000x1024xf32, #tpu.memory_space<hbm>> -> memref<32000x1024xf32, #tpu.memory_space<hbm>>
    tpu.enqueue_indirect_dma source(%dma_start3A_696 : memref<32000x1024xf32, #tpu.memory_space<hbm>>) target(%dma_start3A_691 : memref<48x1024xf32, #tpu.memory_space<vmem>>) offsets(%dma_start3A_693 : memref<48xi32, #tpu.memory_space<vmem>>) semaphore(%arg14 : memref<!tpu.dma_semaphore, #tpu.memory_space<semaphore_mem>>)
    %dma_wait3A_697 = arith.constant 0 : i32
    %dma_wait3A_698 = arith.constant 0 : i32
    %dma_wait3A_699 = tpu.memref_slice %arg13[%dma_wait3A_697, %dma_wait3A_698] : memref<48x1024xf32, #tpu.memory_space<vmem>> -> memref<48x1024xf32, #tpu.memory_space<vmem>>
    %dma_wait3A_700 = arith.constant 816 : i32
    %dma_wait3A_701 = tpu.memref_slice %arg8[%dma_wait3A_700] : memref<1008xi32, #tpu.memory_space<vmem>> -> memref<48xi32, #tpu.memory_space<vmem>>
    %dma_wait3A_702 = arith.constant 0 : i32
    %dma_wait3A_703 = arith.constant 0 : i32
    %dma_wait3A_704 = tpu.memref_slice %arg2[%dma_wait3A_702, %dma_wait3A_703] : memref<32000x1024xf32, #tpu.memory_space<hbm>> -> memref<32000x1024xf32, #tpu.memory_space<hbm>>
    tpu.wait_indirect_dma semaphore(%arg15 : memref<!tpu.dma_semaphore, #tpu.memory_space<semaphore_mem>>) src(%dma_wait3A_704 : memref<32000x1024xf32, #tpu.memory_space<hbm>>) dst(%dma_wait3A_699 : memref<48x1024xf32, #tpu.memory_space<vmem>>)
    %add3A_705 = arith.constant 816 : i32
    %add3A_706 = arith.addi %mul3A_2, %add3A_705 : i32
    %dma_start3A_707 = arith.constant 0 : i32
    %dma_start3A_708 = arith.constant 0 : i32
    %dma_start3A_709 = tpu.memref_slice %arg13[%dma_start3A_707, %dma_start3A_708] : memref<48x1024xf32, #tpu.memory_space<vmem>> -> memref<48x1024xf32, #tpu.memory_space<vmem>>
    %dma_start3A_710 = arith.constant 0 : i32
    %dma_start3A_711 = tpu.memref_slice %arg5[%add3A_706, %dma_start3A_710] : memref<32000x1024xf32, #tpu.memory_space<hbm>> -> memref<48x1024xf32, #tpu.memory_space<hbm>>
    %dma_start3A_712 = arith.constant 0 : i32
    %dma_start3A_713 = tpu.memref_slice %arg5[%add3A_706, %dma_start3A_712] : memref<32000x1024xf32, #tpu.memory_space<hbm>> -> memref<48x1024xf32, #tpu.memory_space<hbm>>
    %dma_start3A_714 = arith.constant 0 : i32
    %dma_start3A_715 = arith.constant 0 : i32
    %dma_start3A_716 = tpu.memref_slice %arg13[%dma_start3A_714, %dma_start3A_715] : memref<48x1024xf32, #tpu.memory_space<vmem>> -> memref<48x1024xf32, #tpu.memory_space<vmem>>
    tpu.enqueue_dma source(%dma_start3A_716 : memref<48x1024xf32, #tpu.memory_space<vmem>>) target(%dma_start3A_713 : memref<48x1024xf32, #tpu.memory_space<hbm>>) target_semaphore(%arg17 : memref<!tpu.dma_semaphore, #tpu.memory_space<semaphore_mem>>)
    %dma_wait3A_717 = arith.constant 0 : i32
    %dma_wait3A_718 = arith.constant 0 : i32
    %dma_wait3A_719 = tpu.memref_slice %arg13[%dma_wait3A_717, %dma_wait3A_718] : memref<48x1024xf32, #tpu.memory_space<vmem>> -> memref<48x1024xf32, #tpu.memory_space<vmem>>
    %dma_wait3A_720 = arith.constant 0 : i32
    %dma_wait3A_721 = tpu.memref_slice %arg5[%add3A_706, %dma_wait3A_720] : memref<32000x1024xf32, #tpu.memory_space<hbm>> -> memref<48x1024xf32, #tpu.memory_space<hbm>>
    %dma_wait3A_722 = arith.constant 0 : i32
    %dma_wait3A_723 = tpu.memref_slice %arg5[%add3A_706, %dma_wait3A_722] : memref<32000x1024xf32, #tpu.memory_space<hbm>> -> memref<48x1024xf32, #tpu.memory_space<hbm>>
    %dma_wait3A_724 = arith.constant 0 : i32
    %dma_wait3A_725 = arith.constant 0 : i32
    %dma_wait3A_726 = tpu.memref_slice %arg13[%dma_wait3A_724, %dma_wait3A_725] : memref<48x1024xf32, #tpu.memory_space<vmem>> -> memref<48x1024xf32, #tpu.memory_space<vmem>>
    tpu.wait_dma2 semaphore(%arg17 : memref<!tpu.dma_semaphore, #tpu.memory_space<semaphore_mem>>) src(%dma_wait3A_726 : memref<48x1024xf32, #tpu.memory_space<vmem>>) dst(%dma_wait3A_723 : memref<48x1024xf32, #tpu.memory_space<hbm>>)
    %dma_start3A_727 = arith.constant 0 : i32
    %dma_start3A_728 = arith.constant 0 : i32
    %dma_start3A_729 = tpu.memref_slice %arg13[%dma_start3A_727, %dma_start3A_728] : memref<48x1024xf32, #tpu.memory_space<vmem>> -> memref<48x1024xf32, #tpu.memory_space<vmem>>
    %dma_start3A_730 = arith.constant 912 : i32
    %dma_start3A_731 = tpu.memref_slice %arg8[%dma_start3A_730] : memref<1008xi32, #tpu.memory_space<vmem>> -> memref<48xi32, #tpu.memory_space<vmem>>
    %dma_start3A_732 = arith.constant 0 : i32
    %dma_start3A_733 = arith.constant 0 : i32
    %dma_start3A_734 = tpu.memref_slice %arg2[%dma_start3A_732, %dma_start3A_733] : memref<32000x1024xf32, #tpu.memory_space<hbm>> -> memref<32000x1024xf32, #tpu.memory_space<hbm>>
    tpu.enqueue_indirect_dma source(%dma_start3A_734 : memref<32000x1024xf32, #tpu.memory_space<hbm>>) target(%dma_start3A_729 : memref<48x1024xf32, #tpu.memory_space<vmem>>) offsets(%dma_start3A_731 : memref<48xi32, #tpu.memory_space<vmem>>) semaphore(%arg15 : memref<!tpu.dma_semaphore, #tpu.memory_space<semaphore_mem>>)
    %dma_wait3A_735 = arith.constant 0 : i32
    %dma_wait3A_736 = arith.constant 0 : i32
    %dma_wait3A_737 = tpu.memref_slice %arg12[%dma_wait3A_735, %dma_wait3A_736] : memref<48x1024xf32, #tpu.memory_space<vmem>> -> memref<48x1024xf32, #tpu.memory_space<vmem>>
    %dma_wait3A_738 = arith.constant 864 : i32
    %dma_wait3A_739 = tpu.memref_slice %arg8[%dma_wait3A_738] : memref<1008xi32, #tpu.memory_space<vmem>> -> memref<48xi32, #tpu.memory_space<vmem>>
    %dma_wait3A_740 = arith.constant 0 : i32
    %dma_wait3A_741 = arith.constant 0 : i32
    %dma_wait3A_742 = tpu.memref_slice %arg2[%dma_wait3A_740, %dma_wait3A_741] : memref<32000x1024xf32, #tpu.memory_space<hbm>> -> memref<32000x1024xf32, #tpu.memory_space<hbm>>
    tpu.wait_indirect_dma semaphore(%arg14 : memref<!tpu.dma_semaphore, #tpu.memory_space<semaphore_mem>>) src(%dma_wait3A_742 : memref<32000x1024xf32, #tpu.memory_space<hbm>>) dst(%dma_wait3A_737 : memref<48x1024xf32, #tpu.memory_space<vmem>>)
    %add3A_743 = arith.constant 864 : i32
    %add3A_744 = arith.addi %mul3A_2, %add3A_743 : i32
    %dma_start3A_745 = arith.constant 0 : i32
    %dma_start3A_746 = arith.constant 0 : i32
    %dma_start3A_747 = tpu.memref_slice %arg12[%dma_start3A_745, %dma_start3A_746] : memref<48x1024xf32, #tpu.memory_space<vmem>> -> memref<48x1024xf32, #tpu.memory_space<vmem>>
    %dma_start3A_748 = arith.constant 0 : i32
    %dma_start3A_749 = tpu.memref_slice %arg5[%add3A_744, %dma_start3A_748] : memref<32000x1024xf32, #tpu.memory_space<hbm>> -> memref<48x1024xf32, #tpu.memory_space<hbm>>
    %dma_start3A_750 = arith.constant 0 : i32
    %dma_start3A_751 = tpu.memref_slice %arg5[%add3A_744, %dma_start3A_750] : memref<32000x1024xf32, #tpu.memory_space<hbm>> -> memref<48x1024xf32, #tpu.memory_space<hbm>>
    %dma_start3A_752 = arith.constant 0 : i32
    %dma_start3A_753 = arith.constant 0 : i32
    %dma_start3A_754 = tpu.memref_slice %arg12[%dma_start3A_752, %dma_start3A_753] : memref<48x1024xf32, #tpu.memory_space<vmem>> -> memref<48x1024xf32, #tpu.memory_space<vmem>>
    tpu.enqueue_dma source(%dma_start3A_754 : memref<48x1024xf32, #tpu.memory_space<vmem>>) target(%dma_start3A_751 : memref<48x1024xf32, #tpu.memory_space<hbm>>) target_semaphore(%arg16 : memref<!tpu.dma_semaphore, #tpu.memory_space<semaphore_mem>>)
    %dma_wait3A_755 = arith.constant 0 : i32
    %dma_wait3A_756 = arith.constant 0 : i32
    %dma_wait3A_757 = tpu.memref_slice %arg12[%dma_wait3A_755, %dma_wait3A_756] : memref<48x1024xf32, #tpu.memory_space<vmem>> -> memref<48x1024xf32, #tpu.memory_space<vmem>>
    %dma_wait3A_758 = arith.constant 0 : i32
    %dma_wait3A_759 = tpu.memref_slice %arg5[%add3A_744, %dma_wait3A_758] : memref<32000x1024xf32, #tpu.memory_space<hbm>> -> memref<48x1024xf32, #tpu.memory_space<hbm>>
    %dma_wait3A_760 = arith.constant 0 : i32
    %dma_wait3A_761 = tpu.memref_slice %arg5[%add3A_744, %dma_wait3A_760] : memref<32000x1024xf32, #tpu.memory_space<hbm>> -> memref<48x1024xf32, #tpu.memory_space<hbm>>
    %dma_wait3A_762 = arith.constant 0 : i32
    %dma_wait3A_763 = arith.constant 0 : i32
    %dma_wait3A_764 = tpu.memref_slice %arg12[%dma_wait3A_762, %dma_wait3A_763] : memref<48x1024xf32, #tpu.memory_space<vmem>> -> memref<48x1024xf32, #tpu.memory_space<vmem>>
    tpu.wait_dma2 semaphore(%arg16 : memref<!tpu.dma_semaphore, #tpu.memory_space<semaphore_mem>>) src(%dma_wait3A_764 : memref<48x1024xf32, #tpu.memory_space<vmem>>) dst(%dma_wait3A_761 : memref<48x1024xf32, #tpu.memory_space<hbm>>)
    %dma_start3A_765 = arith.constant 0 : i32
    %dma_start3A_766 = arith.constant 0 : i32
    %dma_start3A_767 = tpu.memref_slice %arg12[%dma_start3A_765, %dma_start3A_766] : memref<48x1024xf32, #tpu.memory_space<vmem>> -> memref<40x1024xf32, #tpu.memory_space<vmem>>
    %dma_start3A_768 = arith.constant 960 : i32
    %dma_start3A_769 = tpu.memref_slice %arg8[%dma_start3A_768] : memref<1008xi32, #tpu.memory_space<vmem>> -> memref<40xi32, #tpu.memory_space<vmem>>
    %dma_start3A_770 = arith.constant 0 : i32
    %dma_start3A_771 = arith.constant 0 : i32
    %dma_start3A_772 = tpu.memref_slice %arg2[%dma_start3A_770, %dma_start3A_771] : memref<32000x1024xf32, #tpu.memory_space<hbm>> -> memref<32000x1024xf32, #tpu.memory_space<hbm>>
    tpu.enqueue_indirect_dma source(%dma_start3A_772 : memref<32000x1024xf32, #tpu.memory_space<hbm>>) target(%dma_start3A_767 : memref<40x1024xf32, #tpu.memory_space<vmem>>) offsets(%dma_start3A_769 : memref<40xi32, #tpu.memory_space<vmem>>) semaphore(%arg14 : memref<!tpu.dma_semaphore, #tpu.memory_space<semaphore_mem>>)
    %dma_wait3A_773 = arith.constant 0 : i32
    %dma_wait3A_774 = arith.constant 0 : i32
    %dma_wait3A_775 = tpu.memref_slice %arg13[%dma_wait3A_773, %dma_wait3A_774] : memref<48x1024xf32, #tpu.memory_space<vmem>> -> memref<48x1024xf32, #tpu.memory_space<vmem>>
    %dma_wait3A_776 = arith.constant 912 : i32
    %dma_wait3A_777 = tpu.memref_slice %arg8[%dma_wait3A_776] : memref<1008xi32, #tpu.memory_space<vmem>> -> memref<48xi32, #tpu.memory_space<vmem>>
    %dma_wait3A_778 = arith.constant 0 : i32
    %dma_wait3A_779 = arith.constant 0 : i32
    %dma_wait3A_780 = tpu.memref_slice %arg2[%dma_wait3A_778, %dma_wait3A_779] : memref<32000x1024xf32, #tpu.memory_space<hbm>> -> memref<32000x1024xf32, #tpu.memory_space<hbm>>
    tpu.wait_indirect_dma semaphore(%arg15 : memref<!tpu.dma_semaphore, #tpu.memory_space<semaphore_mem>>) src(%dma_wait3A_780 : memref<32000x1024xf32, #tpu.memory_space<hbm>>) dst(%dma_wait3A_775 : memref<48x1024xf32, #tpu.memory_space<vmem>>)
    %add3A_781 = arith.constant 912 : i32
    %add3A_782 = arith.addi %mul3A_2, %add3A_781 : i32
    %dma_start3A_783 = arith.constant 0 : i32
    %dma_start3A_784 = arith.constant 0 : i32
    %dma_start3A_785 = tpu.memref_slice %arg13[%dma_start3A_783, %dma_start3A_784] : memref<48x1024xf32, #tpu.memory_space<vmem>> -> memref<48x1024xf32, #tpu.memory_space<vmem>>
    %dma_start3A_786 = arith.constant 0 : i32
    %dma_start3A_787 = tpu.memref_slice %arg5[%add3A_782, %dma_start3A_786] : memref<32000x1024xf32, #tpu.memory_space<hbm>> -> memref<48x1024xf32, #tpu.memory_space<hbm>>
    %dma_start3A_788 = arith.constant 0 : i32
    %dma_start3A_789 = tpu.memref_slice %arg5[%add3A_782, %dma_start3A_788] : memref<32000x1024xf32, #tpu.memory_space<hbm>> -> memref<48x1024xf32, #tpu.memory_space<hbm>>
    %dma_start3A_790 = arith.constant 0 : i32
    %dma_start3A_791 = arith.constant 0 : i32
    %dma_start3A_792 = tpu.memref_slice %arg13[%dma_start3A_790, %dma_start3A_791] : memref<48x1024xf32, #tpu.memory_space<vmem>> -> memref<48x1024xf32, #tpu.memory_space<vmem>>
    tpu.enqueue_dma source(%dma_start3A_792 : memref<48x1024xf32, #tpu.memory_space<vmem>>) target(%dma_start3A_789 : memref<48x1024xf32, #tpu.memory_space<hbm>>) target_semaphore(%arg17 : memref<!tpu.dma_semaphore, #tpu.memory_space<semaphore_mem>>)
    %dma_wait3A_793 = arith.constant 0 : i32
    %dma_wait3A_794 = arith.constant 0 : i32
    %dma_wait3A_795 = tpu.memref_slice %arg12[%dma_wait3A_793, %dma_wait3A_794] : memref<48x1024xf32, #tpu.memory_space<vmem>> -> memref<40x1024xf32, #tpu.memory_space<vmem>>
    %dma_wait3A_796 = arith.constant 960 : i32
    %dma_wait3A_797 = tpu.memref_slice %arg8[%dma_wait3A_796] : memref<1008xi32, #tpu.memory_space<vmem>> -> memref<40xi32, #tpu.memory_space<vmem>>
    %dma_wait3A_798 = arith.constant 0 : i32
    %dma_wait3A_799 = arith.constant 0 : i32
    %dma_wait3A_800 = tpu.memref_slice %arg2[%dma_wait3A_798, %dma_wait3A_799] : memref<32000x1024xf32, #tpu.memory_space<hbm>> -> memref<32000x1024xf32, #tpu.memory_space<hbm>>
    tpu.wait_indirect_dma semaphore(%arg14 : memref<!tpu.dma_semaphore, #tpu.memory_space<semaphore_mem>>) src(%dma_wait3A_800 : memref<32000x1024xf32, #tpu.memory_space<hbm>>) dst(%dma_wait3A_795 : memref<40x1024xf32, #tpu.memory_space<vmem>>)
    %add3A_801 = arith.constant 960 : i32
    %add3A_802 = arith.addi %mul3A_2, %add3A_801 : i32
    %dma_start3A_803 = arith.constant 0 : i32
    %dma_start3A_804 = arith.constant 0 : i32
    %dma_start3A_805 = tpu.memref_slice %arg12[%dma_start3A_803, %dma_start3A_804] : memref<48x1024xf32, #tpu.memory_space<vmem>> -> memref<40x1024xf32, #tpu.memory_space<vmem>>
    %dma_start3A_806 = arith.constant 0 : i32
    %dma_start3A_807 = tpu.memref_slice %arg5[%add3A_802, %dma_start3A_806] : memref<32000x1024xf32, #tpu.memory_space<hbm>> -> memref<40x1024xf32, #tpu.memory_space<hbm>>
    %dma_start3A_808 = arith.constant 0 : i32
    %dma_start3A_809 = tpu.memref_slice %arg5[%add3A_802, %dma_start3A_808] : memref<32000x1024xf32, #tpu.memory_space<hbm>> -> memref<40x1024xf32, #tpu.memory_space<hbm>>
    %dma_start3A_810 = arith.constant 0 : i32
    %dma_start3A_811 = arith.constant 0 : i32
    %dma_start3A_812 = tpu.memref_slice %arg12[%dma_start3A_810, %dma_start3A_811] : memref<48x1024xf32, #tpu.memory_space<vmem>> -> memref<40x1024xf32, #tpu.memory_space<vmem>>
    tpu.enqueue_dma source(%dma_start3A_812 : memref<40x1024xf32, #tpu.memory_space<vmem>>) target(%dma_start3A_809 : memref<40x1024xf32, #tpu.memory_space<hbm>>) target_semaphore(%arg16 : memref<!tpu.dma_semaphore, #tpu.memory_space<semaphore_mem>>)
    %dma_wait3A_813 = arith.constant 0 : i32
    %dma_wait3A_814 = arith.constant 0 : i32
    %dma_wait3A_815 = tpu.memref_slice %arg12[%dma_wait3A_813, %dma_wait3A_814] : memref<48x1024xf32, #tpu.memory_space<vmem>> -> memref<40x1024xf32, #tpu.memory_space<vmem>>
    %dma_wait3A_816 = arith.constant 0 : i32
    %dma_wait3A_817 = tpu.memref_slice %arg5[%add3A_802, %dma_wait3A_816] : memref<32000x1024xf32, #tpu.memory_space<hbm>> -> memref<40x1024xf32, #tpu.memory_space<hbm>>
    %dma_wait3A_818 = arith.constant 0 : i32
    %dma_wait3A_819 = tpu.memref_slice %arg5[%add3A_802, %dma_wait3A_818] : memref<32000x1024xf32, #tpu.memory_space<hbm>> -> memref<40x1024xf32, #tpu.memory_space<hbm>>
    %dma_wait3A_820 = arith.constant 0 : i32
    %dma_wait3A_821 = arith.constant 0 : i32
    %dma_wait3A_822 = tpu.memref_slice %arg12[%dma_wait3A_820, %dma_wait3A_821] : memref<48x1024xf32, #tpu.memory_space<vmem>> -> memref<40x1024xf32, #tpu.memory_space<vmem>>
    tpu.wait_dma2 semaphore(%arg16 : memref<!tpu.dma_semaphore, #tpu.memory_space<semaphore_mem>>) src(%dma_wait3A_822 : memref<40x1024xf32, #tpu.memory_space<vmem>>) dst(%dma_wait3A_819 : memref<40x1024xf32, #tpu.memory_space<hbm>>)
    %dma_wait3A_823 = arith.constant 0 : i32
    %dma_wait3A_824 = arith.constant 0 : i32
    %dma_wait3A_825 = tpu.memref_slice %arg13[%dma_wait3A_823, %dma_wait3A_824] : memref<48x1024xf32, #tpu.memory_space<vmem>> -> memref<48x1024xf32, #tpu.memory_space<vmem>>
    %dma_wait3A_826 = arith.constant 0 : i32
    %dma_wait3A_827 = tpu.memref_slice %arg5[%add3A_782, %dma_wait3A_826] : memref<32000x1024xf32, #tpu.memory_space<hbm>> -> memref<48x1024xf32, #tpu.memory_space<hbm>>
    %dma_wait3A_828 = arith.constant 0 : i32
    %dma_wait3A_829 = tpu.memref_slice %arg5[%add3A_782, %dma_wait3A_828] : memref<32000x1024xf32, #tpu.memory_space<hbm>> -> memref<48x1024xf32, #tpu.memory_space<hbm>>
    %dma_wait3A_830 = arith.constant 0 : i32
    %dma_wait3A_831 = arith.constant 0 : i32
    %dma_wait3A_832 = tpu.memref_slice %arg13[%dma_wait3A_830, %dma_wait3A_831] : memref<48x1024xf32, #tpu.memory_space<vmem>> -> memref<48x1024xf32, #tpu.memory_space<vmem>>
    tpu.wait_dma2 semaphore(%arg17 : memref<!tpu.dma_semaphore, #tpu.memory_space<semaphore_mem>>) src(%dma_wait3A_832 : memref<48x1024xf32, #tpu.memory_space<vmem>>) dst(%dma_wait3A_829 : memref<48x1024xf32, #tpu.memory_space<hbm>>)
    %gt3A = arith.constant 0 : i32
    %gt3A_833 = arith.cmpi sgt, %scan3A_35, %gt3A : i32
    %convert_element_type3A = arith.extui %gt3A_833 : i1 to i32
    %cond3A = arith.constant 0 : i32
    %cond3A_834 = arith.cmpi ne, %convert_element_type3A, %cond3A : i32
    scf.if %cond3A_834 {
      %sub3A_896 = arith.constant 1 : i32
      %sub3A_897 = arith.subi %scan3A_35, %sub3A_896 : i32
      %jit3A_898 = arith.constant 16 : i32
      %div3A_899 = arith.divsi %sub3A_897, %jit3A_898 : i32
      %sign3A_900 = arith.constant 0 : i32
      %sign3A_901 = arith.cmpi sgt, %sub3A_897, %sign3A_900 : i32
      %sign3A_902 = arith.extui %sign3A_901 : i1 to i32
      %sign3A_903 = arith.constant 0 : i32
      %sign3A_904 = arith.cmpi slt, %sub3A_897, %sign3A_903 : i32
      %sign3A_905 = arith.extui %sign3A_904 : i1 to i32
      %sign3A_906 = arith.subi %sign3A_902, %sign3A_905 : i32
      %sign3A_907 = arith.constant 0 : i32
      %sign3A_908 = arith.cmpi sgt, %jit3A_898, %sign3A_907 : i32
      %sign3A_909 = arith.extui %sign3A_908 : i1 to i32
      %sign3A_910 = arith.constant 0 : i32
      %sign3A_911 = arith.cmpi slt, %jit3A_898, %sign3A_910 : i32
      %sign3A_912 = arith.extui %sign3A_911 : i1 to i32
      %sign3A_913 = arith.subi %sign3A_909, %sign3A_912 : i32
      %ne3A_914 = arith.cmpi ne, %sign3A_906, %sign3A_913 : i32
      %rem3A_915 = arith.remsi %sub3A_897, %jit3A_898 : i32
      %ne3A_916 = arith.constant 0 : i32
      %ne3A_917 = arith.cmpi ne, %rem3A_915, %ne3A_916 : i32
      %and3A_918 = arith.andi %ne3A_914, %ne3A_917 : i1
      %sub3A_919 = arith.constant 1 : i32
      %sub3A_920 = arith.subi %div3A_899, %sub3A_919 : i32
      %select_n3A_921 = arith.select %and3A_918, %sub3A_920, %div3A_899 : i32
      %broadcast_in_dim3A_922 = vector.broadcast %select_n3A_921 : i32 to vector<16xi32>
      %mul3A_923 = arith.constant 16 : i32
      %mul3A_924 = arith.muli %select_n3A_921, %mul3A_923 : i32
      %add3A_925 = vector.broadcast %mul3A_924 : i32 to vector<16xi32>
      %add3A_926 = arith.addi %add3A_925, %iota3A : vector<16xi32>
      %sub3A_927 = arith.constant 1 : i32
      %sub3A_928 = arith.subi %scan3A_35, %sub3A_927 : i32
      %min3A = vector.broadcast %sub3A_928 : i32 to vector<16xi32>
      %min3A_929 = arith.minsi %add3A_926, %min3A : vector<16xi32>
      %jit3A_930 = arith.constant 16 : i32
      %div3A_931 = vector.broadcast %jit3A_930 : i32 to vector<16xi32>
      %div3A_932 = arith.divsi %min3A_929, %div3A_931 : vector<16xi32>
      %sign3A_933 = arith.constant 0 : i32
      %sign3A_934 = vector.broadcast %sign3A_933 : i32 to vector<16xi32>
      %sign3A_935 = arith.cmpi sgt, %min3A_929, %sign3A_934 : vector<16xi32>
      %sign3A_936 = arith.extui %sign3A_935 : vector<16xi1> to vector<16xi32>
      %sign3A_937 = arith.constant 0 : i32
      %sign3A_938 = vector.broadcast %sign3A_937 : i32 to vector<16xi32>
      %sign3A_939 = arith.cmpi slt, %min3A_929, %sign3A_938 : vector<16xi32>
      %sign3A_940 = arith.extui %sign3A_939 : vector<16xi1> to vector<16xi32>
      %sign3A_941 = arith.subi %sign3A_936, %sign3A_940 : vector<16xi32>
      %sign3A_942 = arith.constant 0 : i32
      %sign3A_943 = arith.cmpi sgt, %jit3A_930, %sign3A_942 : i32
      %sign3A_944 = arith.extui %sign3A_943 : i1 to i32
      %sign3A_945 = arith.constant 0 : i32
      %sign3A_946 = arith.cmpi slt, %jit3A_930, %sign3A_945 : i32
      %sign3A_947 = arith.extui %sign3A_946 : i1 to i32
      %sign3A_948 = arith.subi %sign3A_944, %sign3A_947 : i32
      %ne3A_949 = vector.broadcast %sign3A_948 : i32 to vector<16xi32>
      %ne3A_950 = arith.cmpi ne, %sign3A_941, %ne3A_949 : vector<16xi32>
      %rem3A_951 = vector.broadcast %jit3A_930 : i32 to vector<16xi32>
      %rem3A_952 = arith.remsi %min3A_929, %rem3A_951 : vector<16xi32>
      %ne3A_953 = arith.constant 0 : i32
      %ne3A_954 = vector.broadcast %ne3A_953 : i32 to vector<16xi32>
      %ne3A_955 = arith.cmpi ne, %rem3A_952, %ne3A_954 : vector<16xi32>
      %and3A_956 = arith.andi %ne3A_950, %ne3A_955 : vector<16xi1>
      %sub3A_957 = arith.constant 1 : i32
      %sub3A_958 = vector.broadcast %sub3A_957 : i32 to vector<16xi32>
      %sub3A_959 = arith.subi %div3A_932, %sub3A_958 : vector<16xi32>
      %select_n3A_960 = arith.select %and3A_956, %sub3A_959, %div3A_932 : vector<16xi1>, vector<16xi32>
      %jit3A_961 = arith.constant 16 : i32
      %eq3A = arith.constant 0 : i32
      %eq3A_962 = arith.cmpi eq, %jit3A_961, %eq3A : i32
      %jit3A_963 = arith.constant 1 : i32
      %select_n3A_964 = arith.select %eq3A_962, %jit3A_963, %jit3A_961 : i32
      %rem3A_965 = vector.broadcast %select_n3A_964 : i32 to vector<16xi32>
      %rem3A_966 = arith.remsi %min3A_929, %rem3A_965 : vector<16xi32>
      %ne3A_967 = arith.constant 0 : i32
      %ne3A_968 = vector.broadcast %ne3A_967 : i32 to vector<16xi32>
      %ne3A_969 = arith.cmpi ne, %rem3A_966, %ne3A_968 : vector<16xi32>
      %lt3A = arith.constant 0 : i32
      %lt3A_970 = vector.broadcast %lt3A : i32 to vector<16xi32>
      %lt3A_971 = arith.cmpi slt, %rem3A_966, %lt3A_970 : vector<16xi32>
      %lt3A_972 = arith.constant 0 : i32
      %lt3A_973 = arith.cmpi slt, %select_n3A_964, %lt3A_972 : i32
      %ne3A_974 = vector.broadcast %lt3A_973 : i1 to vector<16xi1>
      %ne3A_975 = vector.broadcast %ne3A_974 : vector<16xi1> to vector<16xi1>
      %ne3A_976 = arith.xori %lt3A_971, %ne3A_975 : vector<16xi1>
      %and3A_977 = arith.andi %ne3A_976, %ne3A_969 : vector<16xi1>
      %add3A_978 = vector.broadcast %select_n3A_964 : i32 to vector<16xi32>
      %add3A_979 = arith.addi %rem3A_966, %add3A_978 : vector<16xi32>
      %select_n3A_980 = arith.select %and3A_977, %add3A_979, %rem3A_966 : vector<16xi1>, vector<16xi32>
      %gather3A = tpu.vector_load_idx %arg10[%select_n3A_960, %select_n3A_980] : memref<64x16xi32, #tpu.memory_space<vmem>>[vector<16xi32>, vector<16xi32>], vector<16xi32>,
      %jit3A_981 = arith.constant 16 : i32
      %div3A_982 = vector.broadcast %jit3A_981 : i32 to vector<16xi32>
      %div3A_983 = arith.divsi %min3A_929, %div3A_982 : vector<16xi32>
      %sign3A_984 = arith.constant 0 : i32
      %sign3A_985 = vector.broadcast %sign3A_984 : i32 to vector<16xi32>
      %sign3A_986 = arith.cmpi sgt, %min3A_929, %sign3A_985 : vector<16xi32>
      %sign3A_987 = arith.extui %sign3A_986 : vector<16xi1> to vector<16xi32>
      %sign3A_988 = arith.constant 0 : i32
      %sign3A_989 = vector.broadcast %sign3A_988 : i32 to vector<16xi32>
      %sign3A_990 = arith.cmpi slt, %min3A_929, %sign3A_989 : vector<16xi32>
      %sign3A_991 = arith.extui %sign3A_990 : vector<16xi1> to vector<16xi32>
      %sign3A_992 = arith.subi %sign3A_987, %sign3A_991 : vector<16xi32>
      %sign3A_993 = arith.constant 0 : i32
      %sign3A_994 = arith.cmpi sgt, %jit3A_981, %sign3A_993 : i32
      %sign3A_995 = arith.extui %sign3A_994 : i1 to i32
      %sign3A_996 = arith.constant 0 : i32
      %sign3A_997 = arith.cmpi slt, %jit3A_981, %sign3A_996 : i32
      %sign3A_998 = arith.extui %sign3A_997 : i1 to i32
      %sign3A_999 = arith.subi %sign3A_995, %sign3A_998 : i32
      %ne3A_1000 = vector.broadcast %sign3A_999 : i32 to vector<16xi32>
      %ne3A_1001 = arith.cmpi ne, %sign3A_992, %ne3A_1000 : vector<16xi32>
      %rem3A_1002 = vector.broadcast %jit3A_981 : i32 to vector<16xi32>
      %rem3A_1003 = arith.remsi %min3A_929, %rem3A_1002 : vector<16xi32>
      %ne3A_1004 = arith.constant 0 : i32
      %ne3A_1005 = vector.broadcast %ne3A_1004 : i32 to vector<16xi32>
      %ne3A_1006 = arith.cmpi ne, %rem3A_1003, %ne3A_1005 : vector<16xi32>
      %and3A_1007 = arith.andi %ne3A_1001, %ne3A_1006 : vector<16xi1>
      %sub3A_1008 = arith.constant 1 : i32
      %sub3A_1009 = vector.broadcast %sub3A_1008 : i32 to vector<16xi32>
      %sub3A_1010 = arith.subi %div3A_983, %sub3A_1009 : vector<16xi32>
      %select_n3A_1011 = arith.select %and3A_1007, %sub3A_1010, %div3A_983 : vector<16xi1>, vector<16xi32>
      %jit3A_1012 = arith.constant 16 : i32
      %eq3A_1013 = arith.constant 0 : i32
      %eq3A_1014 = arith.cmpi eq, %jit3A_1012, %eq3A_1013 : i32
      %jit3A_1015 = arith.constant 1 : i32
      %select_n3A_1016 = arith.select %eq3A_1014, %jit3A_1015, %jit3A_1012 : i32
      %rem3A_1017 = vector.broadcast %select_n3A_1016 : i32 to vector<16xi32>
      %rem3A_1018 = arith.remsi %min3A_929, %rem3A_1017 : vector<16xi32>
      %ne3A_1019 = arith.constant 0 : i32
      %ne3A_1020 = vector.broadcast %ne3A_1019 : i32 to vector<16xi32>
      %ne3A_1021 = arith.cmpi ne, %rem3A_1018, %ne3A_1020 : vector<16xi32>
      %lt3A_1022 = arith.constant 0 : i32
      %lt3A_1023 = vector.broadcast %lt3A_1022 : i32 to vector<16xi32>
      %lt3A_1024 = arith.cmpi slt, %rem3A_1018, %lt3A_1023 : vector<16xi32>
      %lt3A_1025 = arith.constant 0 : i32
      %lt3A_1026 = arith.cmpi slt, %select_n3A_1016, %lt3A_1025 : i32
      %ne3A_1027 = vector.broadcast %lt3A_1026 : i1 to vector<16xi1>
      %ne3A_1028 = vector.broadcast %ne3A_1027 : vector<16xi1> to vector<16xi1>
      %ne3A_1029 = arith.xori %lt3A_1024, %ne3A_1028 : vector<16xi1>
      %and3A_1030 = arith.andi %ne3A_1029, %ne3A_1021 : vector<16xi1>
      %add3A_1031 = vector.broadcast %select_n3A_1016 : i32 to vector<16xi32>
      %add3A_1032 = arith.addi %rem3A_1018, %add3A_1031 : vector<16xi32>
      %select_n3A_1033 = arith.select %and3A_1030, %add3A_1032, %rem3A_1018 : vector<16xi1>, vector<16xi32>
      %gather3A_1034 = tpu.vector_load_idx %arg11[%select_n3A_1011, %select_n3A_1033] : memref<64x16xi32, #tpu.memory_space<vmem>>[vector<16xi32>, vector<16xi32>], vector<16xi32>,
      tpu.vector_store_idx %arg10[%broadcast_in_dim3A_922, %iota3A], %gather3A : memref<64x16xi32, #tpu.memory_space<vmem>>[vector<16xi32>, vector<16xi32>], vector<16xi32>,
      tpu.vector_store_idx %arg11[%broadcast_in_dim3A_922, %iota3A], %gather3A_1034 : memref<64x16xi32, #tpu.memory_space<vmem>>[vector<16xi32>, vector<16xi32>], vector<16xi32>,
    } else {
    }
    %add3A_835 = arith.constant 15 : i32
    %add3A_836 = arith.addi %scan3A_35, %add3A_835 : i32
    %jit3A_837 = arith.constant 16 : i32
    %div3A_838 = arith.divsi %add3A_836, %jit3A_837 : i32
    %sign3A_839 = arith.constant 0 : i32
    %sign3A_840 = arith.cmpi sgt, %add3A_836, %sign3A_839 : i32
    %sign3A_841 = arith.extui %sign3A_840 : i1 to i32
    %sign3A_842 = arith.constant 0 : i32
    %sign3A_843 = arith.cmpi slt, %add3A_836, %sign3A_842 : i32
    %sign3A_844 = arith.extui %sign3A_843 : i1 to i32
    %sign3A_845 = arith.subi %sign3A_841, %sign3A_844 : i32
    %sign3A_846 = arith.constant 0 : i32
    %sign3A_847 = arith.cmpi sgt, %jit3A_837, %sign3A_846 : i32
    %sign3A_848 = arith.extui %sign3A_847 : i1 to i32
    %sign3A_849 = arith.constant 0 : i32
    %sign3A_850 = arith.cmpi slt, %jit3A_837, %sign3A_849 : i32
    %sign3A_851 = arith.extui %sign3A_850 : i1 to i32
    %sign3A_852 = arith.subi %sign3A_848, %sign3A_851 : i32
    %ne3A_853 = arith.cmpi ne, %sign3A_845, %sign3A_852 : i32
    %rem3A_854 = arith.remsi %add3A_836, %jit3A_837 : i32
    %ne3A_855 = arith.constant 0 : i32
    %ne3A_856 = arith.cmpi ne, %rem3A_854, %ne3A_855 : i32
    %and3A_857 = arith.andi %ne3A_853, %ne3A_856 : i1
    %sub3A_858 = arith.constant 1 : i32
    %sub3A_859 = arith.subi %div3A_838, %sub3A_858 : i32
    %select_n3A_860 = arith.select %and3A_857, %sub3A_859, %div3A_838 : i32
    %add3A_861 = arith.constant 1 : i32
    %add3A_862 = arith.addi %select_n3A_860, %add3A_861 : i32
    %jit3A_863 = arith.constant 2 : i32
    %div3A_864 = arith.divsi %add3A_862, %jit3A_863 : i32
    %sign3A_865 = arith.constant 0 : i32
    %sign3A_866 = arith.cmpi sgt, %add3A_862, %sign3A_865 : i32
    %sign3A_867 = arith.extui %sign3A_866 : i1 to i32
    %sign3A_868 = arith.constant 0 : i32
    %sign3A_869 = arith.cmpi slt, %add3A_862, %sign3A_868 : i32
    %sign3A_870 = arith.extui %sign3A_869 : i1 to i32
    %sign3A_871 = arith.subi %sign3A_867, %sign3A_870 : i32
    %sign3A_872 = arith.constant 0 : i32
    %sign3A_873 = arith.cmpi sgt, %jit3A_863, %sign3A_872 : i32
    %sign3A_874 = arith.extui %sign3A_873 : i1 to i32
    %sign3A_875 = arith.constant 0 : i32
    %sign3A_876 = arith.cmpi slt, %jit3A_863, %sign3A_875 : i32
    %sign3A_877 = arith.extui %sign3A_876 : i1 to i32
    %sign3A_878 = arith.subi %sign3A_874, %sign3A_877 : i32
    %ne3A_879 = arith.cmpi ne, %sign3A_871, %sign3A_878 : i32
    %rem3A_880 = arith.remsi %add3A_862, %jit3A_863 : i32
    %ne3A_881 = arith.constant 0 : i32
    %ne3A_882 = arith.cmpi ne, %rem3A_880, %ne3A_881 : i32
    %and3A_883 = arith.andi %ne3A_879, %ne3A_882 : i1
    %sub3A_884 = arith.constant 1 : i32
    %sub3A_885 = arith.subi %div3A_864, %sub3A_884 : i32
    %select_n3A_886 = arith.select %and3A_883, %sub3A_885, %div3A_864 : i32
    %while3A = arith.constant 0 : i32
    %while3A_887 = arith.constant 0 : i32
    %while3A_888 = arith.subi %select_n3A_886, %while3A_887 : i32
    %while3A_889 = arith.addi %while3A_887, %while3A_888 : i32
    %while3A_890 = arith.constant 1 : i32
    %while3A_891 = arith.divsi %while3A_888, %while3A_890 : i32
    %while3A_892 = arith.muli %while3A_891, %while3A_890 : i32
    %while3A_893 = arith.addi %while3A_887, %while3A_892 : i32
    %while3A_894 = arith.constant 1 : i32
    scf.for %while3A_896 = %while3A_887 to %while3A_893 step %while3A_894  : i32 {
      %mul3A_897 = arith.constant 2 : i32
      %mul3A_898 = arith.muli %while3A_896, %mul3A_897 : i32
      %dma_start3A_899 = arith.constant 0 : i32
      %dma_start3A_900 = arith.constant 0 : i32
      %dma_start3A_901 = tpu.memref_slice %arg12[%dma_start3A_899, %dma_start3A_900] : memref<48x1024xf32, #tpu.memory_space<vmem>> -> memref<16x1024xf32, #tpu.memory_space<vmem>>
      %dma_start3A_902 = arith.constant 0 : i32
      %dma_start3A_903 = tpu.memref_slice %arg10[%mul3A_898, %dma_start3A_902] : memref<64x16xi32, #tpu.memory_space<vmem>> -> memref<1x16xi32, #tpu.memory_space<vmem>>
      %dma_start3A_904 = tpu.memref_squeeze %dma_start3A_903 : memref<1x16xi32, #tpu.memory_space<vmem>> -> memref<16xi32, #tpu.memory_space<vmem>>
      %dma_start3A_905 = arith.constant 0 : i32
      %dma_start3A_906 = arith.constant 0 : i32
      %dma_start3A_907 = tpu.memref_slice %arg3[%dma_start3A_905, %dma_start3A_906] : memref<4096x1024xf32, #tpu.memory_space<hbm>> -> memref<4096x1024xf32, #tpu.memory_space<hbm>>
      tpu.enqueue_indirect_dma source(%dma_start3A_907 : memref<4096x1024xf32, #tpu.memory_space<hbm>>) target(%dma_start3A_901 : memref<16x1024xf32, #tpu.memory_space<vmem>>) offsets(%dma_start3A_904 : memref<16xi32, #tpu.memory_space<vmem>>) semaphore(%arg18 : memref<!tpu.dma_semaphore, #tpu.memory_space<semaphore_mem>>)
      %add3A_908 = arith.constant 1 : i32
      %add3A_909 = arith.addi %mul3A_898, %add3A_908 : i32
      %lt3A = arith.cmpi slt, %add3A_909, %select_n3A_860 : i32
      %convert_element_type3A_910 = arith.extui %lt3A : i1 to i32
      %cond3A_911 = arith.constant 0 : i32
      %cond3A_912 = arith.cmpi ne, %convert_element_type3A_910, %cond3A_911 : i32
      scf.if %cond3A_912 {
        %add3A_917 = arith.constant 1 : i32
        %add3A_918 = arith.addi %mul3A_898, %add3A_917 : i32
        %dma_start3A_919 = arith.constant 16 : i32
        %dma_start3A_920 = arith.constant 0 : i32
        %dma_start3A_921 = tpu.memref_slice %arg12[%dma_start3A_919, %dma_start3A_920] : memref<48x1024xf32, #tpu.memory_space<vmem>> -> memref<16x1024xf32, #tpu.memory_space<vmem>>
        %dma_start3A_922 = arith.constant 0 : i32
        %dma_start3A_923 = tpu.memref_slice %arg10[%add3A_918, %dma_start3A_922] : memref<64x16xi32, #tpu.memory_space<vmem>> -> memref<1x16xi32, #tpu.memory_space<vmem>>
        %dma_start3A_924 = tpu.memref_squeeze %dma_start3A_923 : memref<1x16xi32, #tpu.memory_space<vmem>> -> memref<16xi32, #tpu.memory_space<vmem>>
        %dma_start3A_925 = arith.constant 0 : i32
        %dma_start3A_926 = arith.constant 0 : i32
        %dma_start3A_927 = tpu.memref_slice %arg3[%dma_start3A_925, %dma_start3A_926] : memref<4096x1024xf32, #tpu.memory_space<hbm>> -> memref<4096x1024xf32, #tpu.memory_space<hbm>>
        tpu.enqueue_indirect_dma source(%dma_start3A_927 : memref<4096x1024xf32, #tpu.memory_space<hbm>>) target(%dma_start3A_921 : memref<16x1024xf32, #tpu.memory_space<vmem>>) offsets(%dma_start3A_924 : memref<16xi32, #tpu.memory_space<vmem>>) semaphore(%arg19 : memref<!tpu.dma_semaphore, #tpu.memory_space<semaphore_mem>>)
        %dma_wait3A_928 = arith.constant 0 : i32
        %dma_wait3A_929 = arith.constant 0 : i32
        %dma_wait3A_930 = tpu.memref_slice %arg12[%dma_wait3A_928, %dma_wait3A_929] : memref<48x1024xf32, #tpu.memory_space<vmem>> -> memref<16x1024xf32, #tpu.memory_space<vmem>>
        %dma_wait3A_931 = arith.constant 0 : i32
        %dma_wait3A_932 = tpu.memref_slice %arg10[%mul3A_898, %dma_wait3A_931] : memref<64x16xi32, #tpu.memory_space<vmem>> -> memref<1x16xi32, #tpu.memory_space<vmem>>
        %dma_wait3A_933 = tpu.memref_squeeze %dma_wait3A_932 : memref<1x16xi32, #tpu.memory_space<vmem>> -> memref<16xi32, #tpu.memory_space<vmem>>
        %dma_wait3A_934 = arith.constant 0 : i32
        %dma_wait3A_935 = arith.constant 0 : i32
        %dma_wait3A_936 = tpu.memref_slice %arg3[%dma_wait3A_934, %dma_wait3A_935] : memref<4096x1024xf32, #tpu.memory_space<hbm>> -> memref<4096x1024xf32, #tpu.memory_space<hbm>>
        tpu.wait_indirect_dma semaphore(%arg18 : memref<!tpu.dma_semaphore, #tpu.memory_space<semaphore_mem>>) src(%dma_wait3A_936 : memref<4096x1024xf32, #tpu.memory_space<hbm>>) dst(%dma_wait3A_930 : memref<16x1024xf32, #tpu.memory_space<vmem>>)
        %dma_start3A_937 = arith.constant 0 : i32
        %dma_start3A_938 = arith.constant 0 : i32
        %dma_start3A_939 = tpu.memref_slice %arg12[%dma_start3A_937, %dma_start3A_938] : memref<48x1024xf32, #tpu.memory_space<vmem>> -> memref<16x1024xf32, #tpu.memory_space<vmem>>
        %dma_start3A_940 = arith.constant 0 : i32
        %dma_start3A_941 = tpu.memref_slice %arg11[%mul3A_898, %dma_start3A_940] : memref<64x16xi32, #tpu.memory_space<vmem>> -> memref<1x16xi32, #tpu.memory_space<vmem>>
        %dma_start3A_942 = tpu.memref_squeeze %dma_start3A_941 : memref<1x16xi32, #tpu.memory_space<vmem>> -> memref<16xi32, #tpu.memory_space<vmem>>
        %dma_start3A_943 = arith.constant 0 : i32
        %dma_start3A_944 = arith.constant 0 : i32
        %dma_start3A_945 = tpu.memref_slice %arg5[%dma_start3A_943, %dma_start3A_944] : memref<32000x1024xf32, #tpu.memory_space<hbm>> -> memref<32000x1024xf32, #tpu.memory_space<hbm>>
        tpu.enqueue_indirect_dma source(%dma_start3A_939 : memref<16x1024xf32, #tpu.memory_space<vmem>>) target(%dma_start3A_945 : memref<32000x1024xf32, #tpu.memory_space<hbm>>) offsets(%dma_start3A_942 : memref<16xi32, #tpu.memory_space<vmem>>) semaphore(%arg20 : memref<!tpu.dma_semaphore, #tpu.memory_space<semaphore_mem>>)
        %dma_wait3A_946 = arith.constant 16 : i32
        %dma_wait3A_947 = arith.constant 0 : i32
        %dma_wait3A_948 = tpu.memref_slice %arg12[%dma_wait3A_946, %dma_wait3A_947] : memref<48x1024xf32, #tpu.memory_space<vmem>> -> memref<16x1024xf32, #tpu.memory_space<vmem>>
        %dma_wait3A_949 = arith.constant 0 : i32
        %dma_wait3A_950 = tpu.memref_slice %arg10[%add3A_918, %dma_wait3A_949] : memref<64x16xi32, #tpu.memory_space<vmem>> -> memref<1x16xi32, #tpu.memory_space<vmem>>
        %dma_wait3A_951 = tpu.memref_squeeze %dma_wait3A_950 : memref<1x16xi32, #tpu.memory_space<vmem>> -> memref<16xi32, #tpu.memory_space<vmem>>
        %dma_wait3A_952 = arith.constant 0 : i32
        %dma_wait3A_953 = arith.constant 0 : i32
        %dma_wait3A_954 = tpu.memref_slice %arg3[%dma_wait3A_952, %dma_wait3A_953] : memref<4096x1024xf32, #tpu.memory_space<hbm>> -> memref<4096x1024xf32, #tpu.memory_space<hbm>>
        tpu.wait_indirect_dma semaphore(%arg19 : memref<!tpu.dma_semaphore, #tpu.memory_space<semaphore_mem>>) src(%dma_wait3A_954 : memref<4096x1024xf32, #tpu.memory_space<hbm>>) dst(%dma_wait3A_948 : memref<16x1024xf32, #tpu.memory_space<vmem>>)
        %add3A_955 = arith.constant 1 : i32
        %add3A_956 = arith.addi %mul3A_898, %add3A_955 : i32
        %dma_start3A_957 = arith.constant 16 : i32
        %dma_start3A_958 = arith.constant 0 : i32
        %dma_start3A_959 = tpu.memref_slice %arg12[%dma_start3A_957, %dma_start3A_958] : memref<48x1024xf32, #tpu.memory_space<vmem>> -> memref<16x1024xf32, #tpu.memory_space<vmem>>
        %dma_start3A_960 = arith.constant 0 : i32
        %dma_start3A_961 = tpu.memref_slice %arg11[%add3A_956, %dma_start3A_960] : memref<64x16xi32, #tpu.memory_space<vmem>> -> memref<1x16xi32, #tpu.memory_space<vmem>>
        %dma_start3A_962 = tpu.memref_squeeze %dma_start3A_961 : memref<1x16xi32, #tpu.memory_space<vmem>> -> memref<16xi32, #tpu.memory_space<vmem>>
        %dma_start3A_963 = arith.constant 0 : i32
        %dma_start3A_964 = arith.constant 0 : i32
        %dma_start3A_965 = tpu.memref_slice %arg5[%dma_start3A_963, %dma_start3A_964] : memref<32000x1024xf32, #tpu.memory_space<hbm>> -> memref<32000x1024xf32, #tpu.memory_space<hbm>>
        tpu.enqueue_indirect_dma source(%dma_start3A_959 : memref<16x1024xf32, #tpu.memory_space<vmem>>) target(%dma_start3A_965 : memref<32000x1024xf32, #tpu.memory_space<hbm>>) offsets(%dma_start3A_962 : memref<16xi32, #tpu.memory_space<vmem>>) semaphore(%arg21 : memref<!tpu.dma_semaphore, #tpu.memory_space<semaphore_mem>>)
        %dma_wait3A_966 = arith.constant 0 : i32
        %dma_wait3A_967 = arith.constant 0 : i32
        %dma_wait3A_968 = tpu.memref_slice %arg12[%dma_wait3A_966, %dma_wait3A_967] : memref<48x1024xf32, #tpu.memory_space<vmem>> -> memref<16x1024xf32, #tpu.memory_space<vmem>>
        %dma_wait3A_969 = arith.constant 0 : i32
        %dma_wait3A_970 = tpu.memref_slice %arg11[%mul3A_898, %dma_wait3A_969] : memref<64x16xi32, #tpu.memory_space<vmem>> -> memref<1x16xi32, #tpu.memory_space<vmem>>
        %dma_wait3A_971 = tpu.memref_squeeze %dma_wait3A_970 : memref<1x16xi32, #tpu.memory_space<vmem>> -> memref<16xi32, #tpu.memory_space<vmem>>
        %dma_wait3A_972 = arith.constant 0 : i32
        %dma_wait3A_973 = arith.constant 0 : i32
        %dma_wait3A_974 = tpu.memref_slice %arg5[%dma_wait3A_972, %dma_wait3A_973] : memref<32000x1024xf32, #tpu.memory_space<hbm>> -> memref<32000x1024xf32, #tpu.memory_space<hbm>>
        tpu.wait_indirect_dma semaphore(%arg20 : memref<!tpu.dma_semaphore, #tpu.memory_space<semaphore_mem>>) src(%dma_wait3A_968 : memref<16x1024xf32, #tpu.memory_space<vmem>>) dst(%dma_wait3A_974 : memref<32000x1024xf32, #tpu.memory_space<hbm>>)
        %dma_wait3A_975 = arith.constant 16 : i32
        %dma_wait3A_976 = arith.constant 0 : i32
        %dma_wait3A_977 = tpu.memref_slice %arg12[%dma_wait3A_975, %dma_wait3A_976] : memref<48x1024xf32, #tpu.memory_space<vmem>> -> memref<16x1024xf32, #tpu.memory_space<vmem>>
        %dma_wait3A_978 = arith.constant 0 : i32
        %dma_wait3A_979 = tpu.memref_slice %arg11[%add3A_956, %dma_wait3A_978] : memref<64x16xi32, #tpu.memory_space<vmem>> -> memref<1x16xi32, #tpu.memory_space<vmem>>
        %dma_wait3A_980 = tpu.memref_squeeze %dma_wait3A_979 : memref<1x16xi32, #tpu.memory_space<vmem>> -> memref<16xi32, #tpu.memory_space<vmem>>
        %dma_wait3A_981 = arith.constant 0 : i32
        %dma_wait3A_982 = arith.constant 0 : i32
        %dma_wait3A_983 = tpu.memref_slice %arg5[%dma_wait3A_981, %dma_wait3A_982] : memref<32000x1024xf32, #tpu.memory_space<hbm>> -> memref<32000x1024xf32, #tpu.memory_space<hbm>>
        tpu.wait_indirect_dma semaphore(%arg21 : memref<!tpu.dma_semaphore, #tpu.memory_space<semaphore_mem>>) src(%dma_wait3A_977 : memref<16x1024xf32, #tpu.memory_space<vmem>>) dst(%dma_wait3A_983 : memref<32000x1024xf32, #tpu.memory_space<hbm>>)
      } else {
      }
      %not3A = arith.constant true
      %not3A_913 = arith.xori %lt3A, %not3A : i1
      %convert_element_type3A_914 = arith.extui %not3A_913 : i1 to i32
      %cond3A_915 = arith.constant 0 : i32
      %cond3A_916 = arith.cmpi ne, %convert_element_type3A_914, %cond3A_915 : i32
      scf.if %cond3A_916 {
        %dma_wait3A_917 = arith.constant 0 : i32
        %dma_wait3A_918 = arith.constant 0 : i32
        %dma_wait3A_919 = tpu.memref_slice %arg12[%dma_wait3A_917, %dma_wait3A_918] : memref<48x1024xf32, #tpu.memory_space<vmem>> -> memref<16x1024xf32, #tpu.memory_space<vmem>>
        %dma_wait3A_920 = arith.constant 0 : i32
        %dma_wait3A_921 = tpu.memref_slice %arg10[%mul3A_898, %dma_wait3A_920] : memref<64x16xi32, #tpu.memory_space<vmem>> -> memref<1x16xi32, #tpu.memory_space<vmem>>
        %dma_wait3A_922 = tpu.memref_squeeze %dma_wait3A_921 : memref<1x16xi32, #tpu.memory_space<vmem>> -> memref<16xi32, #tpu.memory_space<vmem>>
        %dma_wait3A_923 = arith.constant 0 : i32
        %dma_wait3A_924 = arith.constant 0 : i32
        %dma_wait3A_925 = tpu.memref_slice %arg3[%dma_wait3A_923, %dma_wait3A_924] : memref<4096x1024xf32, #tpu.memory_space<hbm>> -> memref<4096x1024xf32, #tpu.memory_space<hbm>>
        tpu.wait_indirect_dma semaphore(%arg18 : memref<!tpu.dma_semaphore, #tpu.memory_space<semaphore_mem>>) src(%dma_wait3A_925 : memref<4096x1024xf32, #tpu.memory_space<hbm>>) dst(%dma_wait3A_919 : memref<16x1024xf32, #tpu.memory_space<vmem>>)
        %dma_start3A_926 = arith.constant 0 : i32
        %dma_start3A_927 = arith.constant 0 : i32
        %dma_start3A_928 = tpu.memref_slice %arg12[%dma_start3A_926, %dma_start3A_927] : memref<48x1024xf32, #tpu.memory_space<vmem>> -> memref<16x1024xf32, #tpu.memory_space<vmem>>
        %dma_start3A_929 = arith.constant 0 : i32
        %dma_start3A_930 = tpu.memref_slice %arg11[%mul3A_898, %dma_start3A_929] : memref<64x16xi32, #tpu.memory_space<vmem>> -> memref<1x16xi32, #tpu.memory_space<vmem>>
        %dma_start3A_931 = tpu.memref_squeeze %dma_start3A_930 : memref<1x16xi32, #tpu.memory_space<vmem>> -> memref<16xi32, #tpu.memory_space<vmem>>
        %dma_start3A_932 = arith.constant 0 : i32
        %dma_start3A_933 = arith.constant 0 : i32
        %dma_start3A_934 = tpu.memref_slice %arg5[%dma_start3A_932, %dma_start3A_933] : memref<32000x1024xf32, #tpu.memory_space<hbm>> -> memref<32000x1024xf32, #tpu.memory_space<hbm>>
        tpu.enqueue_indirect_dma source(%dma_start3A_928 : memref<16x1024xf32, #tpu.memory_space<vmem>>) target(%dma_start3A_934 : memref<32000x1024xf32, #tpu.memory_space<hbm>>) offsets(%dma_start3A_931 : memref<16xi32, #tpu.memory_space<vmem>>) semaphore(%arg20 : memref<!tpu.dma_semaphore, #tpu.memory_space<semaphore_mem>>)
        %dma_wait3A_935 = arith.constant 0 : i32
        %dma_wait3A_936 = arith.constant 0 : i32
        %dma_wait3A_937 = tpu.memref_slice %arg12[%dma_wait3A_935, %dma_wait3A_936] : memref<48x1024xf32, #tpu.memory_space<vmem>> -> memref<16x1024xf32, #tpu.memory_space<vmem>>
        %dma_wait3A_938 = arith.constant 0 : i32
        %dma_wait3A_939 = tpu.memref_slice %arg11[%mul3A_898, %dma_wait3A_938] : memref<64x16xi32, #tpu.memory_space<vmem>> -> memref<1x16xi32, #tpu.memory_space<vmem>>
        %dma_wait3A_940 = tpu.memref_squeeze %dma_wait3A_939 : memref<1x16xi32, #tpu.memory_space<vmem>> -> memref<16xi32, #tpu.memory_space<vmem>>
        %dma_wait3A_941 = arith.constant 0 : i32
        %dma_wait3A_942 = arith.constant 0 : i32
        %dma_wait3A_943 = tpu.memref_slice %arg5[%dma_wait3A_941, %dma_wait3A_942] : memref<32000x1024xf32, #tpu.memory_space<hbm>> -> memref<32000x1024xf32, #tpu.memory_space<hbm>>
        tpu.wait_indirect_dma semaphore(%arg20 : memref<!tpu.dma_semaphore, #tpu.memory_space<semaphore_mem>>) src(%dma_wait3A_937 : memref<16x1024xf32, #tpu.memory_space<vmem>>) dst(%dma_wait3A_943 : memref<32000x1024xf32, #tpu.memory_space<hbm>>)
      } else {
      }
    }
    %while3A_895 = arith.constant 1 : i32
    scf.for %while3A_896 = %while3A_893 to %while3A_889 step %while3A_895  : i32 {
      %mul3A_897 = arith.constant 2 : i32
      %mul3A_898 = arith.muli %while3A_896, %mul3A_897 : i32
      %dma_start3A_899 = arith.constant 0 : i32
      %dma_start3A_900 = arith.constant 0 : i32
      %dma_start3A_901 = tpu.memref_slice %arg12[%dma_start3A_899, %dma_start3A_900] : memref<48x1024xf32, #tpu.memory_space<vmem>> -> memref<16x1024xf32, #tpu.memory_space<vmem>>
      %dma_start3A_902 = arith.constant 0 : i32
      %dma_start3A_903 = tpu.memref_slice %arg10[%mul3A_898, %dma_start3A_902] : memref<64x16xi32, #tpu.memory_space<vmem>> -> memref<1x16xi32, #tpu.memory_space<vmem>>
      %dma_start3A_904 = tpu.memref_squeeze %dma_start3A_903 : memref<1x16xi32, #tpu.memory_space<vmem>> -> memref<16xi32, #tpu.memory_space<vmem>>
      %dma_start3A_905 = arith.constant 0 : i32
      %dma_start3A_906 = arith.constant 0 : i32
      %dma_start3A_907 = tpu.memref_slice %arg3[%dma_start3A_905, %dma_start3A_906] : memref<4096x1024xf32, #tpu.memory_space<hbm>> -> memref<4096x1024xf32, #tpu.memory_space<hbm>>
      tpu.enqueue_indirect_dma source(%dma_start3A_907 : memref<4096x1024xf32, #tpu.memory_space<hbm>>) target(%dma_start3A_901 : memref<16x1024xf32, #tpu.memory_space<vmem>>) offsets(%dma_start3A_904 : memref<16xi32, #tpu.memory_space<vmem>>) semaphore(%arg18 : memref<!tpu.dma_semaphore, #tpu.memory_space<semaphore_mem>>)
      %add3A_908 = arith.constant 1 : i32
      %add3A_909 = arith.addi %mul3A_898, %add3A_908 : i32
      %lt3A = arith.cmpi slt, %add3A_909, %select_n3A_860 : i32
      %convert_element_type3A_910 = arith.extui %lt3A : i1 to i32
      %cond3A_911 = arith.constant 0 : i32
      %cond3A_912 = arith.cmpi ne, %convert_element_type3A_910, %cond3A_911 : i32
      scf.if %cond3A_912 {
        %add3A_917 = arith.constant 1 : i32
        %add3A_918 = arith.addi %mul3A_898, %add3A_917 : i32
        %dma_start3A_919 = arith.constant 16 : i32
        %dma_start3A_920 = arith.constant 0 : i32
        %dma_start3A_921 = tpu.memref_slice %arg12[%dma_start3A_919, %dma_start3A_920] : memref<48x1024xf32, #tpu.memory_space<vmem>> -> memref<16x1024xf32, #tpu.memory_space<vmem>>
        %dma_start3A_922 = arith.constant 0 : i32
        %dma_start3A_923 = tpu.memref_slice %arg10[%add3A_918, %dma_start3A_922] : memref<64x16xi32, #tpu.memory_space<vmem>> -> memref<1x16xi32, #tpu.memory_space<vmem>>
        %dma_start3A_924 = tpu.memref_squeeze %dma_start3A_923 : memref<1x16xi32, #tpu.memory_space<vmem>> -> memref<16xi32, #tpu.memory_space<vmem>>
        %dma_start3A_925 = arith.constant 0 : i32
        %dma_start3A_926 = arith.constant 0 : i32
        %dma_start3A_927 = tpu.memref_slice %arg3[%dma_start3A_925, %dma_start3A_926] : memref<4096x1024xf32, #tpu.memory_space<hbm>> -> memref<4096x1024xf32, #tpu.memory_space<hbm>>
        tpu.enqueue_indirect_dma source(%dma_start3A_927 : memref<4096x1024xf32, #tpu.memory_space<hbm>>) target(%dma_start3A_921 : memref<16x1024xf32, #tpu.memory_space<vmem>>) offsets(%dma_start3A_924 : memref<16xi32, #tpu.memory_space<vmem>>) semaphore(%arg19 : memref<!tpu.dma_semaphore, #tpu.memory_space<semaphore_mem>>)
        %dma_wait3A_928 = arith.constant 0 : i32
        %dma_wait3A_929 = arith.constant 0 : i32
        %dma_wait3A_930 = tpu.memref_slice %arg12[%dma_wait3A_928, %dma_wait3A_929] : memref<48x1024xf32, #tpu.memory_space<vmem>> -> memref<16x1024xf32, #tpu.memory_space<vmem>>
        %dma_wait3A_931 = arith.constant 0 : i32
        %dma_wait3A_932 = tpu.memref_slice %arg10[%mul3A_898, %dma_wait3A_931] : memref<64x16xi32, #tpu.memory_space<vmem>> -> memref<1x16xi32, #tpu.memory_space<vmem>>
        %dma_wait3A_933 = tpu.memref_squeeze %dma_wait3A_932 : memref<1x16xi32, #tpu.memory_space<vmem>> -> memref<16xi32, #tpu.memory_space<vmem>>
        %dma_wait3A_934 = arith.constant 0 : i32
        %dma_wait3A_935 = arith.constant 0 : i32
        %dma_wait3A_936 = tpu.memref_slice %arg3[%dma_wait3A_934, %dma_wait3A_935] : memref<4096x1024xf32, #tpu.memory_space<hbm>> -> memref<4096x1024xf32, #tpu.memory_space<hbm>>
        tpu.wait_indirect_dma semaphore(%arg18 : memref<!tpu.dma_semaphore, #tpu.memory_space<semaphore_mem>>) src(%dma_wait3A_936 : memref<4096x1024xf32, #tpu.memory_space<hbm>>) dst(%dma_wait3A_930 : memref<16x1024xf32, #tpu.memory_space<vmem>>)
        %dma_start3A_937 = arith.constant 0 : i32
        %dma_start3A_938 = arith.constant 0 : i32
        %dma_start3A_939 = tpu.memref_slice %arg12[%dma_start3A_937, %dma_start3A_938] : memref<48x1024xf32, #tpu.memory_space<vmem>> -> memref<16x1024xf32, #tpu.memory_space<vmem>>
        %dma_start3A_940 = arith.constant 0 : i32
        %dma_start3A_941 = tpu.memref_slice %arg11[%mul3A_898, %dma_start3A_940] : memref<64x16xi32, #tpu.memory_space<vmem>> -> memref<1x16xi32, #tpu.memory_space<vmem>>
        %dma_start3A_942 = tpu.memref_squeeze %dma_start3A_941 : memref<1x16xi32, #tpu.memory_space<vmem>> -> memref<16xi32, #tpu.memory_space<vmem>>
        %dma_start3A_943 = arith.constant 0 : i32
        %dma_start3A_944 = arith.constant 0 : i32
        %dma_start3A_945 = tpu.memref_slice %arg5[%dma_start3A_943, %dma_start3A_944] : memref<32000x1024xf32, #tpu.memory_space<hbm>> -> memref<32000x1024xf32, #tpu.memory_space<hbm>>
        tpu.enqueue_indirect_dma source(%dma_start3A_939 : memref<16x1024xf32, #tpu.memory_space<vmem>>) target(%dma_start3A_945 : memref<32000x1024xf32, #tpu.memory_space<hbm>>) offsets(%dma_start3A_942 : memref<16xi32, #tpu.memory_space<vmem>>) semaphore(%arg20 : memref<!tpu.dma_semaphore, #tpu.memory_space<semaphore_mem>>)
        %dma_wait3A_946 = arith.constant 16 : i32
        %dma_wait3A_947 = arith.constant 0 : i32
        %dma_wait3A_948 = tpu.memref_slice %arg12[%dma_wait3A_946, %dma_wait3A_947] : memref<48x1024xf32, #tpu.memory_space<vmem>> -> memref<16x1024xf32, #tpu.memory_space<vmem>>
        %dma_wait3A_949 = arith.constant 0 : i32
        %dma_wait3A_950 = tpu.memref_slice %arg10[%add3A_918, %dma_wait3A_949] : memref<64x16xi32, #tpu.memory_space<vmem>> -> memref<1x16xi32, #tpu.memory_space<vmem>>
        %dma_wait3A_951 = tpu.memref_squeeze %dma_wait3A_950 : memref<1x16xi32, #tpu.memory_space<vmem>> -> memref<16xi32, #tpu.memory_space<vmem>>
        %dma_wait3A_952 = arith.constant 0 : i32
        %dma_wait3A_953 = arith.constant 0 : i32
        %dma_wait3A_954 = tpu.memref_slice %arg3[%dma_wait3A_952, %dma_wait3A_953] : memref<4096x1024xf32, #tpu.memory_space<hbm>> -> memref<4096x1024xf32, #tpu.memory_space<hbm>>
        tpu.wait_indirect_dma semaphore(%arg19 : memref<!tpu.dma_semaphore, #tpu.memory_space<semaphore_mem>>) src(%dma_wait3A_954 : memref<4096x1024xf32, #tpu.memory_space<hbm>>) dst(%dma_wait3A_948 : memref<16x1024xf32, #tpu.memory_space<vmem>>)
        %add3A_955 = arith.constant 1 : i32
        %add3A_956 = arith.addi %mul3A_898, %add3A_955 : i32
        %dma_start3A_957 = arith.constant 16 : i32
        %dma_start3A_958 = arith.constant 0 : i32
        %dma_start3A_959 = tpu.memref_slice %arg12[%dma_start3A_957, %dma_start3A_958] : memref<48x1024xf32, #tpu.memory_space<vmem>> -> memref<16x1024xf32, #tpu.memory_space<vmem>>
        %dma_start3A_960 = arith.constant 0 : i32
        %dma_start3A_961 = tpu.memref_slice %arg11[%add3A_956, %dma_start3A_960] : memref<64x16xi32, #tpu.memory_space<vmem>> -> memref<1x16xi32, #tpu.memory_space<vmem>>
        %dma_start3A_962 = tpu.memref_squeeze %dma_start3A_961 : memref<1x16xi32, #tpu.memory_space<vmem>> -> memref<16xi32, #tpu.memory_space<vmem>>
        %dma_start3A_963 = arith.constant 0 : i32
        %dma_start3A_964 = arith.constant 0 : i32
        %dma_start3A_965 = tpu.memref_slice %arg5[%dma_start3A_963, %dma_start3A_964] : memref<32000x1024xf32, #tpu.memory_space<hbm>> -> memref<32000x1024xf32, #tpu.memory_space<hbm>>
        tpu.enqueue_indirect_dma source(%dma_start3A_959 : memref<16x1024xf32, #tpu.memory_space<vmem>>) target(%dma_start3A_965 : memref<32000x1024xf32, #tpu.memory_space<hbm>>) offsets(%dma_start3A_962 : memref<16xi32, #tpu.memory_space<vmem>>) semaphore(%arg21 : memref<!tpu.dma_semaphore, #tpu.memory_space<semaphore_mem>>)
        %dma_wait3A_966 = arith.constant 0 : i32
        %dma_wait3A_967 = arith.constant 0 : i32
        %dma_wait3A_968 = tpu.memref_slice %arg12[%dma_wait3A_966, %dma_wait3A_967] : memref<48x1024xf32, #tpu.memory_space<vmem>> -> memref<16x1024xf32, #tpu.memory_space<vmem>>
        %dma_wait3A_969 = arith.constant 0 : i32
        %dma_wait3A_970 = tpu.memref_slice %arg11[%mul3A_898, %dma_wait3A_969] : memref<64x16xi32, #tpu.memory_space<vmem>> -> memref<1x16xi32, #tpu.memory_space<vmem>>
        %dma_wait3A_971 = tpu.memref_squeeze %dma_wait3A_970 : memref<1x16xi32, #tpu.memory_space<vmem>> -> memref<16xi32, #tpu.memory_space<vmem>>
        %dma_wait3A_972 = arith.constant 0 : i32
        %dma_wait3A_973 = arith.constant 0 : i32
        %dma_wait3A_974 = tpu.memref_slice %arg5[%dma_wait3A_972, %dma_wait3A_973] : memref<32000x1024xf32, #tpu.memory_space<hbm>> -> memref<32000x1024xf32, #tpu.memory_space<hbm>>
        tpu.wait_indirect_dma semaphore(%arg20 : memref<!tpu.dma_semaphore, #tpu.memory_space<semaphore_mem>>) src(%dma_wait3A_968 : memref<16x1024xf32, #tpu.memory_space<vmem>>) dst(%dma_wait3A_974 : memref<32000x1024xf32, #tpu.memory_space<hbm>>)
        %dma_wait3A_975 = arith.constant 16 : i32
        %dma_wait3A_976 = arith.constant 0 : i32
        %dma_wait3A_977 = tpu.memref_slice %arg12[%dma_wait3A_975, %dma_wait3A_976] : memref<48x1024xf32, #tpu.memory_space<vmem>> -> memref<16x1024xf32, #tpu.memory_space<vmem>>
        %dma_wait3A_978 = arith.constant 0 : i32
        %dma_wait3A_979 = tpu.memref_slice %arg11[%add3A_956, %dma_wait3A_978] : memref<64x16xi32, #tpu.memory_space<vmem>> -> memref<1x16xi32, #tpu.memory_space<vmem>>
        %dma_wait3A_980 = tpu.memref_squeeze %dma_wait3A_979 : memref<1x16xi32, #tpu.memory_space<vmem>> -> memref<16xi32, #tpu.memory_space<vmem>>
        %dma_wait3A_981 = arith.constant 0 : i32
        %dma_wait3A_982 = arith.constant 0 : i32
        %dma_wait3A_983 = tpu.memref_slice %arg5[%dma_wait3A_981, %dma_wait3A_982] : memref<32000x1024xf32, #tpu.memory_space<hbm>> -> memref<32000x1024xf32, #tpu.memory_space<hbm>>
        tpu.wait_indirect_dma semaphore(%arg21 : memref<!tpu.dma_semaphore, #tpu.memory_space<semaphore_mem>>) src(%dma_wait3A_977 : memref<16x1024xf32, #tpu.memory_space<vmem>>) dst(%dma_wait3A_983 : memref<32000x1024xf32, #tpu.memory_space<hbm>>)
      } else {
      }
      %not3A = arith.constant true
      %not3A_913 = arith.xori %lt3A, %not3A : i1
      %convert_element_type3A_914 = arith.extui %not3A_913 : i1 to i32
      %cond3A_915 = arith.constant 0 : i32
      %cond3A_916 = arith.cmpi ne, %convert_element_type3A_914, %cond3A_915 : i32
      scf.if %cond3A_916 {
        %dma_wait3A_917 = arith.constant 0 : i32
        %dma_wait3A_918 = arith.constant 0 : i32
        %dma_wait3A_919 = tpu.memref_slice %arg12[%dma_wait3A_917, %dma_wait3A_918] : memref<48x1024xf32, #tpu.memory_space<vmem>> -> memref<16x1024xf32, #tpu.memory_space<vmem>>
        %dma_wait3A_920 = arith.constant 0 : i32
        %dma_wait3A_921 = tpu.memref_slice %arg10[%mul3A_898, %dma_wait3A_920] : memref<64x16xi32, #tpu.memory_space<vmem>> -> memref<1x16xi32, #tpu.memory_space<vmem>>
        %dma_wait3A_922 = tpu.memref_squeeze %dma_wait3A_921 : memref<1x16xi32, #tpu.memory_space<vmem>> -> memref<16xi32, #tpu.memory_space<vmem>>
        %dma_wait3A_923 = arith.constant 0 : i32
        %dma_wait3A_924 = arith.constant 0 : i32
        %dma_wait3A_925 = tpu.memref_slice %arg3[%dma_wait3A_923, %dma_wait3A_924] : memref<4096x1024xf32, #tpu.memory_space<hbm>> -> memref<4096x1024xf32, #tpu.memory_space<hbm>>
        tpu.wait_indirect_dma semaphore(%arg18 : memref<!tpu.dma_semaphore, #tpu.memory_space<semaphore_mem>>) src(%dma_wait3A_925 : memref<4096x1024xf32, #tpu.memory_space<hbm>>) dst(%dma_wait3A_919 : memref<16x1024xf32, #tpu.memory_space<vmem>>)
        %dma_start3A_926 = arith.constant 0 : i32
        %dma_start3A_927 = arith.constant 0 : i32
        %dma_start3A_928 = tpu.memref_slice %arg12[%dma_start3A_926, %dma_start3A_927] : memref<48x1024xf32, #tpu.memory_space<vmem>> -> memref<16x1024xf32, #tpu.memory_space<vmem>>
        %dma_start3A_929 = arith.constant 0 : i32
        %dma_start3A_930 = tpu.memref_slice %arg11[%mul3A_898, %dma_start3A_929] : memref<64x16xi32, #tpu.memory_space<vmem>> -> memref<1x16xi32, #tpu.memory_space<vmem>>
        %dma_start3A_931 = tpu.memref_squeeze %dma_start3A_930 : memref<1x16xi32, #tpu.memory_space<vmem>> -> memref<16xi32, #tpu.memory_space<vmem>>
        %dma_start3A_932 = arith.constant 0 : i32
        %dma_start3A_933 = arith.constant 0 : i32
        %dma_start3A_934 = tpu.memref_slice %arg5[%dma_start3A_932, %dma_start3A_933] : memref<32000x1024xf32, #tpu.memory_space<hbm>> -> memref<32000x1024xf32, #tpu.memory_space<hbm>>
        tpu.enqueue_indirect_dma source(%dma_start3A_928 : memref<16x1024xf32, #tpu.memory_space<vmem>>) target(%dma_start3A_934 : memref<32000x1024xf32, #tpu.memory_space<hbm>>) offsets(%dma_start3A_931 : memref<16xi32, #tpu.memory_space<vmem>>) semaphore(%arg20 : memref<!tpu.dma_semaphore, #tpu.memory_space<semaphore_mem>>)
        %dma_wait3A_935 = arith.constant 0 : i32
        %dma_wait3A_936 = arith.constant 0 : i32
        %dma_wait3A_937 = tpu.memref_slice %arg12[%dma_wait3A_935, %dma_wait3A_936] : memref<48x1024xf32, #tpu.memory_space<vmem>> -> memref<16x1024xf32, #tpu.memory_space<vmem>>
        %dma_wait3A_938 = arith.constant 0 : i32
        %dma_wait3A_939 = tpu.memref_slice %arg11[%mul3A_898, %dma_wait3A_938] : memref<64x16xi32, #tpu.memory_space<vmem>> -> memref<1x16xi32, #tpu.memory_space<vmem>>
        %dma_wait3A_940 = tpu.memref_squeeze %dma_wait3A_939 : memref<1x16xi32, #tpu.memory_space<vmem>> -> memref<16xi32, #tpu.memory_space<vmem>>
        %dma_wait3A_941 = arith.constant 0 : i32
        %dma_wait3A_942 = arith.constant 0 : i32
        %dma_wait3A_943 = tpu.memref_slice %arg5[%dma_wait3A_941, %dma_wait3A_942] : memref<32000x1024xf32, #tpu.memory_space<hbm>> -> memref<32000x1024xf32, #tpu.memory_space<hbm>>
        tpu.wait_indirect_dma semaphore(%arg20 : memref<!tpu.dma_semaphore, #tpu.memory_space<semaphore_mem>>) src(%dma_wait3A_937 : memref<16x1024xf32, #tpu.memory_space<vmem>>) dst(%dma_wait3A_943 : memref<32000x1024xf32, #tpu.memory_space<hbm>>)
      } else {
      }
    }
    return
  }
}

</mosaic_0001>

<sc_bundles>
// kernel: kernel.3.cloned.1.call-start
scs
__scs_entry_jumppad:
0x0: {  	(pc) =	sbr.rel $0x88, $3  }
0x1: {  	(tag) =	ssettag $0x0;
	lr =	simm.s32 $0x1  }
0x2: {  	[smem:$0x3F9E] =	sst lr;
	_ =	strace $0xD0000000  }
0x3: {  	_ = 	snop  }
0x4: {  	_ = 	snop  }
0x5: {  	_ = 	snop  }
0x6: {  	_ = 	snop  }
0x7: {  	_ = 	snop  }
__scs_overlays_trampoline_lowered:
0x8: {  	[smem:$0x3FAD] =	sst s0  }
0x9: {  	[smem:$0x3FAE] =	sst s1  }
0xa: {  	[smem:$0x3FAF] =	sst s2  }
0xb: {  	[smem:$0x3FB0] =	sst s3  }
0xc: {  	[smem:$0x3FB1] =	sst s4  }
0xd: {  	[smem:$0x3FB2] =	sst s5  }
0xe: {  	[smem:$0x3FB3] =	sst s6  }
0xf: {  	[smem:$0x3FB4] =	sst s7  }
0x10: {  	[smem:$0x3FB5] =	sst s8  }
0x11: {  	[smem:$0x3FB6] =	sst s9;
	s0 =	simm.s32 @!p0 $0x0  }
0x12: {  	s1 =	sld [smem:$0x3F9C];
	s0 =	simm.s32 @p0 $0x1  }
0x13: {  	[smem:$0x3FB7] =	sst s0;
	s0 =	simm.s32 @!p1 $0x0  }
0x14: {  	s2 =	sld [smem:$0x3F9B];
	s0 =	simm.s32 @p1 $0x1  }
0x15: {  	[smem:$0x3FB8] =	sst s0;
	s0 =	simm.s32 @!p2 $0x0  }
0x16: {  	s3 =	sld [smem:$0x3FDB];
	s0 =	simm.s32 @p2 $0x1  }
0x17: {  	s4 =	simm.s32 $0x1BF5;
	[smem:$0x3FBA] =	sst s0  }
0x18: {  	s0 =	sld [smem:$0x3F9D];
	_ =	swait.ge [sflag:s4], $0x0  }
0x19: {  	s7 =	sld [smem:$0x3F9E]  }
0x1a: {  	s8 =	sadd.s32 $0xFFFFE003, lr  }
0x1b: {  	s9 =	sadd.s32 $0xFFFFFEF7, lr;
	s5 =	simm.s32 $0xFFFFFFFF;
	p2 =	slt.u32 s8, $0xFFFFF086  }
0x1c: {  	p1 =	slt.u32 s9, $0xF7A;
	s5 =	simm.s32 @!p2 $0x0  }
0x1d: {  	s5 =	simm.s32 @p1 $0x1;
	p0 =	seq.s32 s7, s2  }
0x1e: {  	s7 =	smul.u32 @!p0 $0xF7A, s2;
	p2 =	seq.s32 @!p0 s5, $0x0  }
0x1f: {  	s9 =	smul.u32 $0xF7A, s1;
	s8 =	simm.s32 @!p0 $0x1BF5;
	p2 =	por !p2, p0  }
0x20: {  	[sflag:s8] =	ssyncset.s32 @!p0 $0xFFFFF086;
	s6 =	sadd.s32 @!p0 s3, s7;
	s7 =	simm.s32 @!p0 $0x108  }
0x21: {  	s3 =	sadd.s32 s3, s9;
	s6 =	sadd.s32 @!p0 $0x88, s6;
	s7 =	simm.s32 @p2 $0x1082  }
0x22: {  	[simem:s7], [sflag:s8] =	dma.local @!p0 [hbm:s6], $0xF7A  }
0x23: {  	s9 =	sor.u32 $0xD0000000, s2;
	s6 =	simm.s32 $0x108;
	_ =	swait.ge @!p0 [sflag:s8], $0x0  }
0x24: {  	s3 =	sadd.s32 $0x88, s3;
	s6 =	simm.s32 @!p1 $0x1082;
	[sflag:s4] =	ssyncset.s32 $0xFFFFF086  }
0x25: {  	[simem:s6], [sflag:s4] =	dma.local [hbm:s3], $0xF7A  }
0x26: {  	[smem:$0x3F9E] =	sst s1;
	(tag) =	ssettag s2;
	_ =	strace s9  }
0x27: {  	s1 =	sld [smem:$0x3FAE]  }
0x28: {  	s2 =	sld [smem:$0x3FAF]  }
0x29: {  	s4 =	sld [smem:$0x3FB1]  }
0x2a: {  	p0 =	seq.s32 s5, $0x0;
	s5 =	sld [smem:$0x3FB2]  }
0x2b: {  	s6 =	sld [smem:$0x3FB3]  }
0x2c: {  	s7 =	sld [smem:$0x3FB4]  }
0x2d: {  	s3 =	simm.s32 $0x108;
	s8 =	sld [smem:$0x3FB5]  }
0x2e: {  	s3 =	simm.s32 @!p0 $0x1082;
	s9 =	sld [smem:$0x3FB6]  }
0x2f: {  	lr =	sadd.s32 s0, s3;
	s0 =	sld [smem:$0x3FAD]  }
0x30: {  	s3 =	sld [smem:$0x3FB0]  }
0x31: {  	[smem:$0x3FB9] =	sst s10  }
0x32: {  	s10 =	sld [smem:$0x3FB7];
	_ =	sdelay $0x3  }
0x33: {  	p0 =	seq.s32 s10, $0x1;
	s10 =	sld [smem:$0x3FB9];
	_ =	sdelay $0x3  }
0x34: {  	[smem:$0x3FB9] =	sst s10  }
0x35: {  	s10 =	sld [smem:$0x3FB8];
	_ =	sdelay $0x3  }
0x36: {  	p1 =	seq.s32 s10, $0x1;
	s10 =	sld [smem:$0x3FB9];
	_ =	sdelay $0x3  }
0x37: {  	[smem:$0x3FB9] =	sst s10  }
0x38: {  	s10 =	sld [smem:$0x3FBA]  }
0x39: {  	_ = 	snop;
	(pc) =	sbr.ind lr, $3  }
0x3a: {  	_ = 	snop  }
0x3b: {  	_ = 	snop  }
0x3c: {  	p2 =	seq.s32 s10, $0x1;
	s10 =	sld [smem:$0x3FB9]  }
0x3d: {  	_ =	shalt  }
0x3e: {  	_ =	shalt  }
0x3f: {  	_ =	shalt  }
0x40: {  	_ =	shalt  }
0x41: {  	_ =	shalt  }
0x42: {  	_ =	shalt  }
0x43: {  	_ =	shalt  }
0x44: {  	_ =	shalt  }
0x45: {  	_ =	shalt  }
0x46: {  	_ =	shalt  }
0x47: {  	_ =	shalt  }
0x48: {  	_ =	shalt  }
0x49: {  	_ =	shalt  }
0x4a: {  	_ =	shalt  }
0x4b: {  	_ =	shalt  }
0x4c: {  	_ =	shalt  }
0x4d: {  	_ =	shalt  }
0x4e: {  	_ =	shalt  }
0x4f: {  	_ =	shalt  }
0x50: {  	_ =	shalt  }
0x51: {  	_ =	shalt  }
0x52: {  	_ =	shalt  }
0x53: {  	_ =	shalt  }
0x54: {  	_ =	shalt  }
0x55: {  	_ =	shalt  }
0x56: {  	_ =	shalt  }
0x57: {  	_ =	shalt  }
0x58: {  	_ =	shalt  }
0x59: {  	_ =	shalt  }
0x5a: {  	_ =	shalt  }
0x5b: {  	_ =	shalt  }
0x5c: {  	_ =	shalt  }
0x5d: {  	_ =	shalt  }
0x5e: {  	_ =	shalt  }
0x5f: {  	_ =	shalt  }
0x60: {  	_ =	shalt  }
0x61: {  	_ =	shalt  }
0x62: {  	_ =	shalt  }
0x63: {  	_ =	shalt  }
0x64: {  	_ =	shalt  }
0x65: {  	_ =	shalt  }
0x66: {  	_ =	shalt  }
0x67: {  	_ =	shalt  }
0x68: {  	_ =	shalt  }
0x69: {  	_ =	shalt  }
0x6a: {  	_ =	shalt  }
0x6b: {  	_ =	shalt  }
0x6c: {  	_ =	shalt  }
0x6d: {  	_ =	shalt  }
0x6e: {  	_ =	shalt  }
0x6f: {  	_ =	shalt  }
0x70: {  	_ =	shalt  }
0x71: {  	_ =	shalt  }
0x72: {  	_ =	shalt  }
0x73: {  	_ =	shalt  }
0x74: {  	_ =	shalt  }
0x75: {  	_ =	shalt  }
0x76: {  	_ =	shalt  }
0x77: {  	_ =	shalt  }
0x78: {  	_ =	shalt  }
0x79: {  	_ =	shalt  }
0x7a: {  	_ =	shalt  }
0x7b: {  	_ =	shalt  }
0x7c: {  	_ =	shalt  }
0x7d: {  	_ =	shalt  }
0x7e: {  	_ =	shalt  }
0x7f: {  	_ =	shalt  }
0x80: {  	_ =	shalt  }
0x81: {  	_ =	shalt  }
0x82: {  	_ =	shalt  }
0x83: {  	_ =	shalt  }
0x84: {  	_ =	shalt  }
0x85: {  	_ =	shalt  }
0x86: {  	_ =	shalt  }
0x87: {  	_ =	shalt  }
.Lfunc_end0:
.L_simem_size_0:
called_computation_lowered:
.L_overlay_start_0:
0x88: {  	s2 =	sld [smem:$0x3FD9]  }
0x89: {  	s3 =	sld [smem:$0x3FFE];
	_ =	sdelay $0x1  }
0x8a: {  	s1 =	srdreg.scid  }
0x8b: {  	s0 =	sand.u32 $0x1, s1  }
0x8c: {  	s18 =	sshll.u32 s0, $0xA;
	s2 =	sadd.s32 s3, s2  }
0x8d: {  	s2 =	sadd.s32 s2, s18  }
0x8e: {  	[smem:$0x3FC5] =	sst s2  }
0x8f: {  	_ = 	snop  }
0x90: {  	s2 =	sld [smem:$0x3FC9]  }
0x91: {  	s19 =	sld [smem:$0x3FC8]  }
0x92: {  	s4 =	sld [smem:$0x3FC7]  }
0x93: {  	s5 =	sld [smem:$0x3FD0];
	(tm) =	ssettm $0x1  }
0x94: {  	s6 =	sld [smem:$0x3FFB];
	_ =	sdelay $0x3  }
0x95: {  	_ =	strace s6  }
0x96: {  	s6 =	sld [smem:$0x3FFC];
	_ =	sdelay $0x3  }
0x97: {  	_ =	strace s6  }
0x98: {  	s6 =	sld [smem:$0x3FFD];
	_ =	sdelay $0x3  }
0x99: {  	_ =	strace s6  }
0x9a: {  	_ =	strace $0x8FFFFFFF  }
0x9b: {  	s20 =	sld [smem:$0x3FDB];
	_ =	sdelay $0x1  }
0x9c: {  	s7 =	simm.s32 $_scs_section_size  }
0x9d: {  	s8 =	simm.s32 $_size__tile_overlayer_lowered;
	s9 =	simm.s32 $_tile_overlayer_lowered  }
0x9e: {  	s23 =	simm.s32 $0x1BFF;
	s22 =	sshll.u32 s9, $0x1;
	s6 =	sadd.s32 s7, s20  }
0x9f: {  	s10 =	simm.s32 $0x0;
	s21 =	sshll.u32 s8, $0x1;
	s8 =	sadd.s32 s22, s6  }
0xa0: {  	[timem:s10], [sflag:s23] =	dma.local [hbm:s8], s21  }
0xa1: {  	_ =	swait.ge [sflag:s23], s21  }
0xa2: {  	s7 =	ssub.s32 $0x0, s21;
	[sflag:s23] =	ssyncset.done $0x0  }
0xa3: {  	[sflag:s23] =	ssyncadd.s32 s7;
	_ =	sdelay $0x1  }
0xa4: {  	s24 =	simm.s32 $0x1B8B  }
0xa5: {  	_ =	swait.ge [sflag:s24], $0x1  }
0xa6: {  	[sflag:s24] =	ssyncset.done $0x0  }
0xa7: {  	s25 =	simm.s32 $0x1B8E;
	[sflag:s24] =	ssyncadd.s32 $0xFFFFFFFF  }
0xa8: {  	s26 =	simm.s32 $execute0_lowered;
	[smem:$0x3FD2] =	sst s25  }
0xa9: {  	s7 =	sshll.u32 s26, $0x1;
	_ =	strace $0x80000046;
	[dreg:$0x1] =	wrdreg $0xFFFFFFFF  }
0xaa: {  	s28 =	simm.s32 $_size_execute0_lowered;
	s6 =	sadd.s32 s6, s7;
	[dreg:$0x0] =	wrdreg $0x0  }
0xab: {  	s7 =	sshll.u32 s28, $0x1;
	[dreg:$0x2] =	wrdreg s6  }
0xac: {  	[dreg:$0x3] =	wrdreg s7  }
0xad: {  	[dreg:$0x4] =	wrdreg $0xC0  }
0xae: {  	_ =	task [dreg:s10], $0x5FFFF  }
0xaf: {  	[dreg:$0x1] =	wrdreg $0xFFFFFFFF  }
0xb0: {  	[dreg:$0x0] =	wrdreg $0x60  }
0xb1: {  	[dreg:$0x2] =	wrdreg s4  }
0xb2: {  	[dreg:$0x3] =	wrdreg s2  }
0xb3: {  	[dreg:$0x4] =	wrdreg s19  }
0xb4: {  	[dreg:$0x5] =	wrdreg s5  }
0xb5: {  	[dreg:$0x6] =	wrdreg $0x9  }
0xb6: {  	_ =	task.clear_ibuf [dreg:s10], $0x7FFFF;
	_ =	strace $0x90000046  }
0xb7: {  	s29 =	simm.s32 $0x9;
	_ =	strace $0x80000048  }
0xb8: {  	_ =	swait.ge [sflag:s29], $0x1  }
0xb9: {  	[sflag:s29] =	ssyncadd.s32 $0xFFFFFFFF  }
0xba: {  	_ =	strace $0x90000048  }
0xbb: {  	_ =	sfence  }
0xbc: {  	s30 =	sld [smem:$0x0];
	_ =	sdelay $0x2  }
0xbd: {  	s31 =	sshll.u32 s1, $0xD;
	s1 =	sshrl.u32 s1, $0x2  }
0xbe: {  	s3 =	sand.u32 $0x4000, s31;
	s1 =	sadd.s32 s1, s30  }
0xbf: {  	s0 =	sor.u32 s3, s0;
	s1 =	sshll.u32 s1, $0x11  }
0xc0: {  	s0 =	sor.u32 s1, s0  }
0xc1: {  	s0 =	sadd.s32 $0x8F2B, s0  }
0xc2: {  	[sflag:s0] =	ssyncadd.remote.s32 $0x1  }
0xc3: {  	_ =	sfence.sel $0xFFFF  }
0xc4: {  	[dreg:$0x0] =	wrdreg $0xFFFFFFFF;
	(pc) =	sbr.abs _section_cstart, $3  }
0xc5: {  	[dreg:$0x1] =	wrdreg $0xFFFFFFFF  }
0xc6: {  	_ =	task.clear_ibuf [dreg:s10], $0x2FFFF;
	_ =	strace $0x9FFFFFFF  }
0xc7: {  	(tm) =	ssettm $0x7FFFFFFF  }
tec
execute0_lowered:
.L_overlay_start_1:
0x0: {  	(tag) =	ssettag $0x1  }
0x1: {  	s2 =	srdreg.scid  }
0x2: {  	s0 =	rddreg [dreg:$0x0];
	s10 =	stileid.u32;
	s2 =	sand.u32 $0x1, s2  }
0x3: {  	s1 =	rddreg [dreg:$0x1];
	s16 =	smul.u32 $0x3E8, s10;
	s3 =	sshll.u32 s2, $0x4  }
0x4: {  	s4 =	ssub.s32 $0x2, s2;
	s2 =	smul.u32 $0x3E80, s2;
	s3 =	sor.u32 s10, s3  }
0x5: {  	s5 =	rddreg [dreg:$0x3];
	s6 =	simm.s32 $0x0;
	s7 =	smul.u32 $0xFA000, s3  }
0x6: {  	[smem:$0x7FF] =	sst s6;
	s9 =	smul.u32 $0x1F400, s3  }
0x7: {  	_ =	strace $0x80000047;
	s2 =	sadd.s32 s16, s2;
	s7 =	sshrl.u32 s7, $0x3  }
0x8: {  	[dreg:$0x13] =	wrdreg s2;
	s26 =	sadd.s32 s5, s9;
	s28 =	sadd.s32 s5, s7  }
0x9: {  	[dreg:$0x5] =	wrdreg s26;
	s7 =	sadd.s32 $0x1800, s28  }
0xa: {  	s29 =	sadd.s32 $0x3000, s28;
	[dreg:$0x6] =	wrdreg s7  }
0xb: {  	s30 =	sadd.s32 $0x4800, s28;
	[dreg:$0x7] =	wrdreg s29  }
0xc: {  	s8 =	sshrl.u32 s4, $0x1;
	s31 =	sadd.s32 $0x6000, s28;
	[dreg:$0x8] =	wrdreg s30  }
0xd: {  	s4 =	ssub.s32 s4, s8;
	s8 =	sadd.s32 $0x7800, s28;
	[dreg:$0x9] =	wrdreg s31  }
0xe: {  	s9 =	sadd.s32 $0x9000, s28;
	[dreg:$0xa] =	wrdreg s8  }
0xf: {  	s11 =	sadd.s32 $0xA800, s28;
	[dreg:$0xb] =	wrdreg s9  }
0x10: {  	s13 =	sadd.s32 $0xC000, s28;
	[dreg:$0xc] =	wrdreg s11  }
0x11: {  	s14 =	sadd.s32 $0xD800, s28;
	[dreg:$0xd] =	wrdreg s13  }
0x12: {  	s15 =	sadd.s32 $0xF000, s28;
	[dreg:$0xe] =	wrdreg s14  }
0x13: {  	s17 =	sadd.s32 $0x10800, s28;
	[dreg:$0xf] =	wrdreg s15  }
0x14: {  	s18 =	sadd.s32 $0x12000, s28;
	[dreg:$0x10] =	wrdreg s17  }
0x15: {  	s19 =	sadd.s32 $0x13800, s28;
	[dreg:$0x11] =	wrdreg s18  }
0x16: {  	s20 =	sadd.s32 $0x15000, s28;
	[dreg:$0x12] =	wrdreg s19  }
0x17: {  	s21 =	sadd.s32 $0x16800, s28;
	[dreg:$0x14] =	wrdreg s20  }
0x18: {  	s22 =	sadd.s32 $0x18000, s28;
	[dreg:$0x15] =	wrdreg s21  }
0x19: {  	s23 =	sadd.s32 $0x19800, s28;
	[dreg:$0x16] =	wrdreg s22  }
0x1a: {  	s24 =	sadd.s32 $0x1B000, s28;
	[dreg:$0x17] =	wrdreg s23  }
0x1b: {  	s10 =	sadd.s32 $0x200, s5;
	s25 =	sadd.s32 $0x1C800, s28;
	[dreg:$0x18] =	wrdreg s24  }
0x1c: {  	s12 =	smul.u32 $0x3E8, s3;
	s26 =	sadd.s32 $0x1E000, s28;
	[dreg:$0x19] =	wrdreg s25  }
0x1d: {  	s16 =	simm.s32 $0x3880;
	s28 =	smax.u32 s4, $0x1;
	[dreg:$0x1a] =	wrdreg s26  }
0x1e: {  	[dreg:$0x1b] =	wrdreg s28;
	s18 =	sshrl.u32 s12, $0x5;
	s21 =	sadd.s32 $0x3E8, s12  }
0x1f: {  	s29 =	sadd.s32 $0x100, s0;
	s30 =	sadd.s32 $0x200, s0;
	s0 =	sadd.s32 $0x300, s0  }
0x20: {  	s31 =	sadd.s32 $0x100, s1;
	s7 =	sadd.s32 $0x200, s1;
	s8 =	sadd.s32 $0x300, s1  }
0x21: {  	s9 =	sadd.s32 $0x100, s5;
	s11 =	sadd.s32 $0x300, s5;
	s13 =	simm.s32 $0x1000  }
.Ltmp0:
0x22: {  	s14 =	simm.s32 $0x1480;
	s15 =	simm.s32 $0x1880;
	(pc) =	sbr.rel .LBB2_1-.Ltmp0, $4  }
0x23: {  	v3 =	vimm.s32 $0x0;
	v4 =	vlaneseq.u32;
	s17 =	simm.s32 $0x5880;
	s19 =	simm.s32 $0x6880;
	s20 =	simm.s32 $0x7080  }
0x24: {  	v5 =	vimm.f32 $0.0e+00;
	vm0 =	vmmov $0xffff;
	v7 =	vshrl.u32 v4, $0x3;
	s22 =	simm.s32 $0x7880;
	s23 =	simm.s32 $0x8080;
	[dreg:$0x1c] =	wrdreg s29  }
0x25: {  	v6 =	vand.u32 $0x7, v4;
	v8 =	vor.u32 $0x8, v4;
	v7 =	vmul.u32 $0x8, v7;
	s24 =	simm.s32 $0x8880;
	s25 =	simm.s32 $0x9080;
	[dreg:$0x1d] =	wrdreg s30  }
0x26: {  	v1 =	vmov s12;
	[dreg:$0x1e] =	wrdreg s0;
	v0 =	vmov s18;
	s12 =	smov.u32 s31;
	v2 =	vmov s21;
	s0 =	simm.s32 $0x0  }
.LBB2_11:
0x27: {  	s0 =	rddreg [dreg:$0x1f]  }
0x28: {  	s18 =	rddreg [dreg:$0x1b];
	s0 =	sadd.s32 $0x1, s0  }
0x29: {  	p0 =	sne.s32 s0, s18  }
.Ltmp1:
0x2a: {  	_ = 	snop;
	(pc) =	sbr.rel @!p0 .LBB2_12-.Ltmp1, $1  }
0x2b: {  	_ =	sdelay $0x3  }
.LBB2_1:
0x2c: {  	s18 =	rddreg [dreg:$0x2];
	s31 =	simm.s32 $0x9  }
0x2d: {  	[tilespmem:s6], [sflag:$0x9] =	stream.linear.gather [hbm4b:s18+s6], $0x1000, $0x38;
	[tilespmem:$0x1D880] =	vst v63  }
0x2e: {  	_ =	swait.ge [sflag:s31], $0x1000  }
0x2f: {  	[sflag:s31] =	ssyncset.done $0x0  }
0x30: {  	[sflag:s31] =	ssyncadd.s32 $0xFFFFF000  }
0x31: {  	[tilespmem:$0x1000] =	vst v3  }
0x32: {  	[tilespmem:$0x1010] =	vst v3  }
0x33: {  	s21 =	simm.s32 $0x0;
	s26 =	simm.s32 $0x0;
	[tilespmem:$0x1020] =	vst v3  }
.LBB2_2:
0x34: {  	v9 =	vld [tilespmem:s21+$0x0];
	_ =	sdelay $0x4  }
0x35: {  	v10 =	vsub.s32 v9, v0  }
0x36: {  	vm1 =	vlt.u32 v10, $0x21  }
0x37: {  	v11 =	vsel vm1, $0x3F800000, v5  }
0x38: {  	(xrf0) =	vmax.scan.msk.f32 $0xffff, v11;
	_ =	sdelay $0x5  }
0x39: {  	v11, _, _ =	vpop (xrf0)  }
0x3a: {  	(v2sf) =	vpush v11, $0xF;
	_ =	sdelay $0xe  }
0x3b: {  	s18 =	spop (v2sf)  }
0x3c: {  	p0 =	sgt.f32 s18, $0.0e+00;
	_ =	sdelay $0x1  }
0x3d: {  	(xrf1) =	vunique.msk.u32 @p0 $0xffff, v9;
	_ =	sdelay $0x4  }
0x3e: {  	v11 =	vmin.u32 @p0 v10, $0x21;
	_ =	sdelay $0x3  }
0x3f: {  	s18 =	simm.s32 @p0 $0x1000  }
0x40: {  	v12 =	vld.idx.msk @p0 [tilespmem:v11+s18+$0x0], $0xffff;
	_ =	sdelay $0x3  }
0x41: {  	_, v13, vm1 =	vpop @p0 (xrf1)  }
0x42: {  	v12 =	vadd.s32 @p0 v13, v12  }
0x43: {  	v9 =	vshll.u32 @p0 v9, $0x5;
	v13 =	vadd.s32 @p0 $0xFFFFFFFF, v12  }
0x44: {  	v9 =	vadd.s32 @p0 v9, v13  }
0x45: {  	vm2 =	vlt.s32 @p0 v13, $0x20;
	vm3 =	vlt.s32 @p0 v9, v2  }
0x46: {  	vm2 =	vmand @p0 vm2, vm3;
	vm3 =	vge.s32 @p0 v9, v1  }
0x47: {  	vm2 =	vmand @p0 vm2, vm3;
	vm3 =	vlt.u32 @p0 v10, $0x21;
	v10 =	vlaneseq.u32 @p0  }
0x48: {  	vm2 =	vmand @p0 vm3, vm2;
	v10 =	vor.u32 @p0 s26, v10;
	s26 =	sadd.s32 $0x10, s26  }
0x49: {  	v9 =	vsub.s32 @p0 v9, v1;
	p1 =	sne.s32 s26, $0x1000  }
.Ltmp2:
0x4a: {  	_ = 	snop;
	(pc) =	sbr.rel @p1 .LBB2_2-.Ltmp2, $3  }
0x4b: {  	_ =	sdelay $0x1  }
0x4c: {  	[tilespmem:v11+s18+$0x0] =	vst.idx.msk @p0 vm1, v12;
	s18 =	simm.s32 @p0 $0x1480  }
0x4d: {  	s21 =	sadd.s32 $0x10, s21;
	[tilespmem:v9+s18+$0x0] =	vst.idx.msk @p0 vm2, v10  }
0x4e: {  	s21 =	rddreg [dreg:$0x13]  }
0x4f: {  	v9 =	vadd.s32 s21, v4  }
0x50: {  	v10 =	vshrl.u32 v9, $0x5  }
0x51: {  	v10 =	vsub.s32 v10, v0;
	_ =	sdelay $0x4  }
0x52: {  	v10 =	vld.idx.msk [tilespmem:v10+s13+$0x0], $0xffff;
	_ =	sdelay $0x3  }
0x53: {  	v11 =	vand.u32 $0x1F, v9  }
0x54: {  	vm1 =	vlt.u32 v9, v2;
	vm2 =	vlt.s32 v11, v10  }
0x55: {  	vm1 =	vmand vm1, vm2  }
0x56: {  	v12 =	vsel vm1, $0x1, v3  }
0x57: {  	(xrf0) =	vadd.scan.msk.s32 $0xffff, v12;
	_ =	sdelay $0x1  }
0x58: {  	s18 =	simm.s32 $0x0  }
0x59: {  	v12 =	vmov s18  }
0x5a: {  	v12 =	vadd.s32 $0xFFFFFFFF, v12  }
0x5b: {  	v12 =	vbroadcast v12, $0x0  }
0x5c: {  	v13, _, _ =	vpop (xrf0)  }
0x5d: {  	v12 =	vadd.s32 v13, v12;
	(v2sf) =	vpush v13, $0xF  }
0x5e: {  	v13 =	vshra.s32 v12, $0x1F  }
0x5f: {  	v13 =	vshrl.u32 v13, $0x1C  }
0x60: {  	v13 =	vadd.s32 v13, v12  }
0x61: {  	v10 =	vsub.s32 v11, v10;
	v11 =	vshra.s32 v13, $0x4  }
0x62: {  	v14 =	vsub.s32 v9, v1;
	v13 =	vshll.u32 v11, $0x4  }
0x63: {  	vm2 =	vgt.s32 v10, $0x0;
	vm3 =	vlt.s32 v12, $0x1;
	vm4 =	vne.s32 v12, v13  }
0x64: {  	v10 =	vnsel vm2, $0x0, v10;
	vm2 =	vmand vm3, vm4  }
0x65: {  	v10 =	vmin.u32 v10, $0x1F;
	v13 =	vand.u32 $0x7FFFFFE0, v9;
	v15 =	vsel vm2, $0xFFFFFFFF, v3  }
0x66: {  	s30 =	simm.s32 $0x0;
	v10 =	vor.u32 v13, v10;
	v11 =	vadd.s32 v15, v11  }
0x67: {  	s28 =	sadd.s32 $0x10, s21;
	[tilespmem:s30+$0x1080] =	vst v10;
	v10 =	vand.u32 $0xF, v12;
	v11 =	vshll.u32 v11, $0x7  }
0x68: {  	v13 =	vld.idx.msk [tilespmem:v14+s14+$0x0], $0xffff;
	v11 =	vor.u32 v10, v11;
	v10 =	vadd.s32 s28, v4  }
0x69: {  	v12 =	vshrl.u32 v10, $0x5  }
0x6a: {  	v12 =	vsub.s32 v12, v0;
	_ =	sdelay $0x1  }
0x6b: {  	[dreg:$0x1f] =	wrdreg s0;
	s31 =	spop (v2sf)  }
0x6c: {  	s26 =	simm.s32 $0x40;
	s29 =	simm.s32 $0x80;
	[tilespmem:v11+s15+$0x0] =	vst.idx.msk vm1, v13;
	s21 =	sadd.s32 $0x0, s31  }
.LBB2_4:
0x6d: {  	p0 =	sne.s32 s29, $0xF80;
	[tilespmem:v11+s16+$0x0] =	vst.idx.msk vm1, v9;
	v9 =	vmov v10;
	s18 =	smov.u32 s29;
	s29 =	sadd.s32 $0x40, s29  }
0x6e: {  	v10 =	vld.idx.msk [tilespmem:v12+s13+$0x0], $0xffff;
	_ =	sdelay $0x4  }
0x6f: {  	v11 =	vand.u32 $0x1F, v9  }
0x70: {  	vm1 =	vlt.u32 v9, v2;
	v12 =	vsub.s32 v11, v10;
	vm2 =	vlt.s32 v11, v10  }
0x71: {  	vm3 =	vgt.s32 v12, $0x0;
	vm1 =	vmand vm1, vm2  }
0x72: {  	v10 =	vnsel vm3, $0x0, v12;
	v11 =	vsel vm1, $0x1, v3  }
0x73: {  	v12 =	vand.u32 $0x7FFFFFE0, v9;
	v10 =	vmin.u32 v10, $0x1F;
	(xrf0) =	vadd.scan.msk.s32 $0xffff, v11  }
0x74: {  	v10 =	vor.u32 v12, v10;
	_ =	sdelay $0x1  }
0x75: {  	v11 =	vmov s21  }
0x76: {  	v11 =	vadd.s32 $0xFFFFFFFF, v11  }
0x77: {  	v11 =	vbroadcast v11, $0x0  }
0x78: {  	v12, _, _ =	vpop (xrf0)  }
0x79: {  	v11 =	vadd.s32 v12, v11;
	(v2sf) =	vpush v12, $0xF  }
0x7a: {  	v12 =	vshra.s32 v11, $0x1F  }
0x7b: {  	v12 =	vshrl.u32 v12, $0x1C  }
0x7c: {  	v12 =	vadd.s32 v12, v11  }
0x7d: {  	v12 =	vshra.s32 v12, $0x4  }
0x7e: {  	v13 =	vsub.s32 v9, v1;
	v14 =	vshll.u32 v12, $0x4  }
0x7f: {  	vm2 =	vlt.s32 v11, $0x1;
	vm3 =	vne.s32 v11, v14  }
0x80: {  	vm2 =	vmand vm2, vm3  }
0x81: {  	s30 =	sshra.s32 s26, $0x2;
	s26 =	smov.u32 s18;
	v14 =	vsel vm2, $0xFFFFFFFF, v3  }
0x82: {  	[tilespmem:s30+$0x1080] =	vst v10;
	v10 =	vadd.s32 v14, v12  }
0x83: {  	s28 =	sadd.s32 $0x10, s28;
	v11 =	vand.u32 $0xF, v11;
	v13 =	vld.idx.msk [tilespmem:v13+s14+$0x0], $0xffff;
	v12 =	vshll.u32 v10, $0x7  }
0x84: {  	v10 =	vadd.s32 s28, v4;
	v11 =	vor.u32 v11, v12  }
.Ltmp3:
0x85: {  	v12 =	vshrl.u32 v10, $0x5;
	(pc) =	sbr.rel @p0 .LBB2_4-.Ltmp3, $3  }
0x86: {  	v12 =	vsub.s32 v12, v0;
	_ =	sdelay $0x1  }
0x87: {  	s18 =	spop (v2sf)  }
0x88: {  	[tilespmem:v11+s15+$0x0] =	vst.idx.msk vm1, v13;
	s21 =	sadd.s32 s21, s18  }
0x89: {  	_ =	sdelay $0x4  }
0x8a: {  	[tilespmem:v11+s16+$0x0] =	vst.idx.msk vm1, v9  }
0x8b: {  	v9 =	vld.idx.msk [tilespmem:v12+s13+$0x0], $0xffff;
	_ =	sdelay $0x3  }
0x8c: {  	v11 =	vand.u32 $0x1F, v10  }
0x8d: {  	vm1 =	vlt.u32 v10, v2;
	vm2 =	vlt.s32 v11, v9  }
0x8e: {  	vm1 =	vmand vm1, vm2  }
0x8f: {  	v60 =	vsel vm1, $0x1, v3  }
0x90: {  	(xrf0) =	vadd.scan.msk.s32 $0xffff, v60;
	_ =	sdelay $0x2  }
0x91: {  	v61 =	vmov s21  }
0x92: {  	v12 =	vadd.s32 $0xFFFFFFFF, v61  }
0x93: {  	v12 =	vbroadcast v12, $0x0  }
0x94: {  	v13, _, _ =	vpop (xrf0)  }
0x95: {  	v12 =	vadd.s32 v13, v12  }
0x96: {  	v14 =	vshra.s32 v12, $0x1F  }
0x97: {  	v14 =	vshrl.u32 v14, $0x1C  }
0x98: {  	v14 =	vadd.s32 v14, v12  }
0x99: {  	v9 =	vsub.s32 v11, v9;
	v11 =	vshra.s32 v14, $0x4  }
0x9a: {  	v15 =	vsub.s32 v10, v1;
	v14 =	vshll.u32 v11, $0x4  }
0x9b: {  	vm2 =	vgt.s32 v9, $0x0;
	vm3 =	vlt.s32 v12, $0x1;
	vm4 =	vne.s32 v12, v14  }
0x9c: {  	v9 =	vnsel vm2, $0x0, v9;
	vm2 =	vmand vm3, vm4  }
0x9d: {  	v62 =	vand.u32 $0x7FFFFFE0, v10;
	v9 =	vmin.u32 v9, $0x1F;
	v16 =	vsel vm2, $0xFFFFFFFF, v3  }
0x9e: {  	s18 =	sshra.s32 s26, $0x2;
	v9 =	vor.u32 v62, v9;
	v11 =	vadd.s32 v16, v11  }
0x9f: {  	[tilespmem:s18+$0x1080] =	vst v9;
	v9 =	vand.u32 $0xF, v12;
	v11 =	vshll.u32 v11, $0x7  }
0xa0: {  	v63 =	vld.idx.msk [tilespmem:v15+s14+$0x0], $0xffff;
	v9 =	vor.u32 v9, v11;
	_ =	sdelay $0x4  }
0xa1: {  	[tilespmem:v9+s15+$0x0] =	vst.idx.msk vm1, v63  }
0xa2: {  	[tilespmem:v9+s16+$0x0] =	vst.idx.msk vm1, v10  }
0xa3: {  	v9 =	vld [tilespmem:$0x1080];
	_ =	sdelay $0x4  }
0xa4: {  	v10 =	vshll.u32 v9, $0x3  }
0xa5: {  	v9 =	vand.u32 $0x7, v9;
	v10 =	vand.u32 $0xFFFFFFC0, v10  }
0xa6: {  	v9 =	vor.u32 v9, v10  }
0xa7: {  	v10 =	vperm.xlane v9, v6;
	_ =	sdelay $0x1  }
0xa8: {  	v10 =	vadd.s32 v7, v10;
	_ =	sdelay $0x3  }
0xa9: {  	s0 =	rddreg [dreg:$0x0]  }
0xaa: {  	[tilespmem:s17], [sflag:$0x1] =	stream.indirect_vreg.gather [hbm4b:s0+s6], $0x80, v10, vm0, $0xb8;
	[tilespmem:$0x1D880] =	vst v63  }
0xab: {  	s2 =	simm.s32 $0x6080;
	s31 =	rddreg [dreg:$0x1c];
	v9 =	vperm.xlane v9, v8  }
0xac: {  	[tilespmem:s2], [sflag:$0x1] =	stream.indirect_vreg.gather [hbm4b:s31+s6], $0x80, v10, vm0, $0xb8;
	[tilespmem:$0x1D880] =	vst v63  }
0xad: {  	v9 =	vadd.s32 v7, v9;
	s2 =	rddreg [dreg:$0x1d]  }
0xae: {  	[tilespmem:s19], [sflag:$0x1] =	stream.indirect_vreg.gather [hbm4b:s2+s6], $0x80, v10, vm0, $0xb8;
	[tilespmem:$0x1D880] =	vst v63  }
0xaf: {  	s3 =	rddreg [dreg:$0x1e]  }
0xb0: {  	[tilespmem:s20], [sflag:$0x1] =	stream.indirect_vreg.gather [hbm4b:s3+s6], $0x80, v10, vm0, $0xb8;
	[tilespmem:$0x1D880] =	vst v63  }
0xb1: {  	_ = 	snop  }
0xb2: {  	[tilespmem:s22], [sflag:$0x1] =	stream.indirect_vreg.gather [hbm4b:s0+s6], $0x80, v9, vm0, $0xb8;
	[tilespmem:$0x1D880] =	vst v63  }
0xb3: {  	_ = 	snop  }
0xb4: {  	[tilespmem:s23], [sflag:$0x1] =	stream.indirect_vreg.gather [hbm4b:s31+s6], $0x80, v9, vm0, $0xb8;
	[tilespmem:$0x1D880] =	vst v63  }
0xb5: {  	_ = 	snop  }
0xb6: {  	[tilespmem:s24], [sflag:$0x1] =	stream.indirect_vreg.gather [hbm4b:s2+s6], $0x80, v9, vm0, $0xb8;
	[tilespmem:$0x1D880] =	vst v63  }
0xb7: {  	_ = 	snop  }
0xb8: {  	[tilespmem:s25], [sflag:$0x1] =	stream.indirect_vreg.gather [hbm4b:s3+s6], $0x80, v9, vm0, $0xb8;
	[tilespmem:$0x1D880] =	vst v63  }
0xb9: {  	v9 =	vld [tilespmem:$0x1090];
	_ =	sdelay $0x4  }
0xba: {  	v10 =	vshll.u32 v9, $0x3  }
0xbb: {  	v9 =	vand.u32 $0x7, v9;
	v10 =	vand.u32 $0xFFFFFFC0, v10  }
0xbc: {  	v9 =	vor.u32 v9, v10  }
0xbd: {  	v10 =	vperm.xlane v9, v6;
	_ =	sdelay $0x1  }
0xbe: {  	v10 =	vadd.s32 v7, v10;
	_ =	sdelay $0x3  }
0xbf: {  	s4 =	simm.s32 $0x9880  }
0xc0: {  	[tilespmem:s4], [sflag:$0x1] =	stream.indirect_vreg.gather [hbm4b:s0+s6], $0x80, v10, vm0, $0xb8;
	[tilespmem:$0x1D880] =	vst v63  }
0xc1: {  	s5 =	simm.s32 $0xA080;
	v9 =	vperm.xlane v9, v8  }
0xc2: {  	[tilespmem:s5], [sflag:$0x1] =	stream.indirect_vreg.gather [hbm4b:s31+s6], $0x80, v10, vm0, $0xb8;
	[tilespmem:$0x1D880] =	vst v63  }
0xc3: {  	s18 =	simm.s32 $0xA880;
	v9 =	vadd.s32 v7, v9  }
0xc4: {  	[tilespmem:s18], [sflag:$0x1] =	stream.indirect_vreg.gather [hbm4b:s2+s6], $0x80, v10, vm0, $0xb8;
	[tilespmem:$0x1D880] =	vst v63  }
0xc5: {  	s30 =	simm.s32 $0xB080  }
0xc6: {  	[tilespmem:s30], [sflag:$0x1] =	stream.indirect_vreg.gather [hbm4b:s3+s6], $0x80, v10, vm0, $0xb8;
	[tilespmem:$0x1D880] =	vst v63  }
0xc7: {  	s5 =	simm.s32 $0xB880  }
0xc8: {  	[tilespmem:s5], [sflag:$0x1] =	stream.indirect_vreg.gather [hbm4b:s0+s6], $0x80, v9, vm0, $0xb8;
	[tilespmem:$0x1D880] =	vst v63  }
0xc9: {  	s18 =	simm.s32 $0xC080  }
0xca: {  	[tilespmem:s18], [sflag:$0x1] =	stream.indirect_vreg.gather [hbm4b:s31+s6], $0x80, v9, vm0, $0xb8;
	[tilespmem:$0x1D880] =	vst v63  }
0xcb: {  	s30 =	simm.s32 $0xC880  }
0xcc: {  	[tilespmem:s30], [sflag:$0x1] =	stream.indirect_vreg.gather [hbm4b:s2+s6], $0x80, v9, vm0, $0xb8;
	[tilespmem:$0x1D880] =	vst v63  }
0xcd: {  	s5 =	simm.s32 $0xD080  }
0xce: {  	[tilespmem:s5], [sflag:$0x1] =	stream.indirect_vreg.gather [hbm4b:s3+s6], $0x80, v9, vm0, $0xb8;
	[tilespmem:$0x1D880] =	vst v63  }
0xcf: {  	v9 =	vld [tilespmem:$0x10A0];
	_ =	sdelay $0x4  }
0xd0: {  	v10 =	vshll.u32 v9, $0x3  }
0xd1: {  	v9 =	vand.u32 $0x7, v9;
	v10 =	vand.u32 $0xFFFFFFC0, v10  }
0xd2: {  	v9 =	vor.u32 v9, v10  }
0xd3: {  	v10 =	vperm.xlane v9, v6;
	_ =	sdelay $0x1  }
0xd4: {  	v10 =	vadd.s32 v7, v10;
	_ =	sdelay $0x3  }
0xd5: {  	s18 =	simm.s32 $0xD880  }
0xd6: {  	[tilespmem:s18], [sflag:$0x1] =	stream.indirect_vreg.gather [hbm4b:s0+s6], $0x80, v10, vm0, $0xb8;
	[tilespmem:$0x1D880] =	vst v63  }
0xd7: {  	s30 =	simm.s32 $0xE080;
	v9 =	vperm.xlane v9, v8  }
0xd8: {  	[tilespmem:s30], [sflag:$0x1] =	stream.indirect_vreg.gather [hbm4b:s31+s6], $0x80, v10, vm0, $0xb8;
	[tilespmem:$0x1D880] =	vst v63  }
0xd9: {  	s5 =	simm.s32 $0xE880;
	v9 =	vadd.s32 v7, v9  }
0xda: {  	[tilespmem:s5], [sflag:$0x1] =	stream.indirect_vreg.gather [hbm4b:s2+s6], $0x80, v10, vm0, $0xb8;
	[tilespmem:$0x1D880] =	vst v63  }
0xdb: {  	s18 =	simm.s32 $0xF080  }
0xdc: {  	[tilespmem:s18], [sflag:$0x1] =	stream.indirect_vreg.gather [hbm4b:s3+s6], $0x80, v10, vm0, $0xb8;
	[tilespmem:$0x1D880] =	vst v63  }
0xdd: {  	s30 =	simm.s32 $0xF880  }
0xde: {  	[tilespmem:s30], [sflag:$0x1] =	stream.indirect_vreg.gather [hbm4b:s0+s6], $0x80, v9, vm0, $0xb8;
	[tilespmem:$0x1D880] =	vst v63  }
0xdf: {  	s5 =	simm.s32 $0x10080  }
0xe0: {  	[tilespmem:s5], [sflag:$0x1] =	stream.indirect_vreg.gather [hbm4b:s31+s6], $0x80, v9, vm0, $0xb8;
	[tilespmem:$0x1D880] =	vst v63  }
0xe1: {  	s18 =	simm.s32 $0x10880  }
0xe2: {  	[tilespmem:s18], [sflag:$0x1] =	stream.indirect_vreg.gather [hbm4b:s2+s6], $0x80, v9, vm0, $0xb8;
	[tilespmem:$0x1D880] =	vst v63  }
0xe3: {  	s30 =	simm.s32 $0x11080  }
0xe4: {  	[tilespmem:s30], [sflag:$0x1] =	stream.indirect_vreg.gather [hbm4b:s3+s6], $0x80, v9, vm0, $0xb8;
	[tilespmem:$0x1D880] =	vst v63  }
0xe5: {  	v9 =	vld [tilespmem:$0x10B0];
	_ =	sdelay $0x4  }
0xe6: {  	v10 =	vshll.u32 v9, $0x3  }
0xe7: {  	v9 =	vand.u32 $0x7, v9;
	v10 =	vand.u32 $0xFFFFFFC0, v10  }
0xe8: {  	v9 =	vor.u32 v9, v10  }
0xe9: {  	v10 =	vperm.xlane v9, v6;
	_ =	sdelay $0x1  }
0xea: {  	v10 =	vadd.s32 v7, v10;
	_ =	sdelay $0x3  }
0xeb: {  	s30 =	simm.s32 $0x11880  }
0xec: {  	[tilespmem:s30], [sflag:$0x2] =	stream.indirect_vreg.gather [hbm4b:s0+s6], $0x80, v10, vm0, $0xb8;
	[tilespmem:$0x1D880] =	vst v63  }
0xed: {  	s5 =	simm.s32 $0x12080;
	v9 =	vperm.xlane v9, v8  }
0xee: {  	[tilespmem:s5], [sflag:$0x2] =	stream.indirect_vreg.gather [hbm4b:s31+s6], $0x80, v10, vm0, $0xb8;
	[tilespmem:$0x1D880] =	vst v63  }
0xef: {  	s18 =	simm.s32 $0x12880;
	v9 =	vadd.s32 v7, v9  }
0xf0: {  	[tilespmem:s18], [sflag:$0x2] =	stream.indirect_vreg.gather [hbm4b:s2+s6], $0x80, v10, vm0, $0xb8;
	[tilespmem:$0x1D880] =	vst v63  }
0xf1: {  	s5 =	simm.s32 $0x13080  }
0xf2: {  	[tilespmem:s5], [sflag:$0x2] =	stream.indirect_vreg.gather [hbm4b:s3+s6], $0x80, v10, vm0, $0xb8;
	[tilespmem:$0x1D880] =	vst v63  }
0xf3: {  	s18 =	simm.s32 $0x13880  }
0xf4: {  	[tilespmem:s18], [sflag:$0x2] =	stream.indirect_vreg.gather [hbm4b:s0+s6], $0x80, v9, vm0, $0xb8;
	[tilespmem:$0x1D880] =	vst v63  }
0xf5: {  	s5 =	simm.s32 $0x14080  }
0xf6: {  	[tilespmem:s5], [sflag:$0x2] =	stream.indirect_vreg.gather [hbm4b:s31+s6], $0x80, v9, vm0, $0xb8;
	[tilespmem:$0x1D880] =	vst v63  }
0xf7: {  	s18 =	simm.s32 $0x14880  }
0xf8: {  	[tilespmem:s18], [sflag:$0x2] =	stream.indirect_vreg.gather [hbm4b:s2+s6], $0x80, v9, vm0, $0xb8;
	[tilespmem:$0x1D880] =	vst v63  }
0xf9: {  	s5 =	simm.s32 $0x15080  }
0xfa: {  	[tilespmem:s5], [sflag:$0x2] =	stream.indirect_vreg.gather [hbm4b:s3+s6], $0x80, v9, vm0, $0xb8;
	[tilespmem:$0x1D880] =	vst v63  }
0xfb: {  	v9 =	vld [tilespmem:$0x10C0];
	_ =	sdelay $0x4  }
0xfc: {  	v10 =	vshll.u32 v9, $0x3  }
0xfd: {  	v9 =	vand.u32 $0x7, v9;
	v10 =	vand.u32 $0xFFFFFFC0, v10  }
0xfe: {  	v9 =	vor.u32 v9, v10  }
0xff: {  	v10 =	vperm.xlane v9, v6;
	_ =	sdelay $0x1  }
0x100: {  	v10 =	vadd.s32 v7, v10;
	_ =	sdelay $0x3  }
0x101: {  	s18 =	simm.s32 $0x15880  }
0x102: {  	[tilespmem:s18], [sflag:$0x2] =	stream.indirect_vreg.gather [hbm4b:s0+s6], $0x80, v10, vm0, $0xb8;
	[tilespmem:$0x1D880] =	vst v63  }
0x103: {  	s5 =	simm.s32 $0x16080;
	v9 =	vperm.xlane v9, v8  }
0x104: {  	[tilespmem:s5], [sflag:$0x2] =	stream.indirect_vreg.gather [hbm4b:s31+s6], $0x80, v10, vm0, $0xb8;
	[tilespmem:$0x1D880] =	vst v63  }
0x105: {  	v9 =	vadd.s32 v7, v9;
	s18 =	simm.s32 $0x16880  }
0x106: {  	[tilespmem:s18], [sflag:$0x2] =	stream.indirect_vreg.gather [hbm4b:s2+s6], $0x80, v10, vm0, $0xb8;
	[tilespmem:$0x1D880] =	vst v63  }
0x107: {  	s5 =	simm.s32 $0x17080  }
0x108: {  	[tilespmem:s5], [sflag:$0x2] =	stream.indirect_vreg.gather [hbm4b:s3+s6], $0x80, v10, vm0, $0xb8;
	[tilespmem:$0x1D880] =	vst v63  }
0x109: {  	s18 =	simm.s32 $0x17880  }
0x10a: {  	[tilespmem:s18], [sflag:$0x2] =	stream.indirect_vreg.gather [hbm4b:s0+s6], $0x80, v9, vm0, $0xb8;
	[tilespmem:$0x1D880] =	vst v63  }
0x10b: {  	s5 =	simm.s32 $0x18080  }
0x10c: {  	[tilespmem:s5], [sflag:$0x2] =	stream.indirect_vreg.gather [hbm4b:s31+s6], $0x80, v9, vm0, $0xb8;
	[tilespmem:$0x1D880] =	vst v63  }
0x10d: {  	s18 =	simm.s32 $0x18880  }
0x10e: {  	[tilespmem:s18], [sflag:$0x2] =	stream.indirect_vreg.gather [hbm4b:s2+s6], $0x80, v9, vm0, $0xb8;
	[tilespmem:$0x1D880] =	vst v63  }
0x10f: {  	s5 =	simm.s32 $0x19080  }
0x110: {  	[tilespmem:s5], [sflag:$0x2] =	stream.indirect_vreg.gather [hbm4b:s3+s6], $0x80, v9, vm0, $0xb8;
	[tilespmem:$0x1D880] =	vst v63  }
0x111: {  	v9 =	vld [tilespmem:$0x10D0];
	_ =	sdelay $0x4  }
0x112: {  	v10 =	vshll.u32 v9, $0x3  }
0x113: {  	v9 =	vand.u32 $0x7, v9;
	v10 =	vand.u32 $0xFFFFFFC0, v10  }
0x114: {  	v9 =	vor.u32 v9, v10  }
0x115: {  	v10 =	vperm.xlane v9, v6;
	_ =	sdelay $0x1  }
0x116: {  	v10 =	vadd.s32 v7, v10  }
0x117: {  	(v2sf) =	vpush v13, $0xF;
	_ =	sdelay $0x2  }
0x118: {  	s18 =	simm.s32 $0x19880  }
0x119: {  	[tilespmem:s18], [sflag:$0x2] =	stream.indirect_vreg.gather [hbm4b:s0+s6], $0x80, v10, vm0, $0xb8;
	[tilespmem:$0x1D880] =	vst v63  }
0x11a: {  	s5 =	simm.s32 $0x1A080;
	v9 =	vperm.xlane v9, v8  }
0x11b: {  	[tilespmem:s5], [sflag:$0x2] =	stream.indirect_vreg.gather [hbm4b:s31+s6], $0x80, v10, vm0, $0xb8;
	[tilespmem:$0x1D880] =	vst v63  }
0x11c: {  	v9 =	vadd.s32 v7, v9;
	s18 =	simm.s32 $0x1A880  }
0x11d: {  	[tilespmem:s18], [sflag:$0x2] =	stream.indirect_vreg.gather [hbm4b:s2+s6], $0x80, v10, vm0, $0xb8;
	[tilespmem:$0x1D880] =	vst v63  }
0x11e: {  	s5 =	simm.s32 $0x1B080  }
0x11f: {  	[tilespmem:s5], [sflag:$0x2] =	stream.indirect_vreg.gather [hbm4b:s3+s6], $0x80, v10, vm0, $0xb8;
	[tilespmem:$0x1D880] =	vst v63  }
0x120: {  	s18 =	simm.s32 $0x1B880  }
0x121: {  	[tilespmem:s18], [sflag:$0x2] =	stream.indirect_vreg.gather [hbm4b:s0+s6], $0x80, v9, vm0, $0xb8;
	[tilespmem:$0x1D880] =	vst v63  }
0x122: {  	s5 =	simm.s32 $0x1C080  }
0x123: {  	[tilespmem:s5], [sflag:$0x2] =	stream.indirect_vreg.gather [hbm4b:s31+s6], $0x80, v9, vm0, $0xb8;
	[tilespmem:$0x1D880] =	vst v63  }
0x124: {  	s18 =	simm.s32 $0x1C880;
	s5 =	spop (v2sf)  }
0x125: {  	[tilespmem:s18], [sflag:$0x2] =	stream.indirect_vreg.gather [hbm4b:s2+s6], $0x80, v9, vm0, $0xb8;
	[tilespmem:$0x1D880] =	vst v63  }
0x126: {  	s4 =	simm.s32 $0x1;
	[smem:$0x7FD] =	sst s5;
	s18 =	simm.s32 $0x1D080  }
0x127: {  	[tilespmem:s18], [sflag:$0x2] =	stream.indirect_vreg.gather [hbm4b:s3+s6], $0x80, v9, vm0, $0xb8;
	[tilespmem:$0x1D880] =	vst v63  }
0x128: {  	_ =	swait.ge [sflag:s4], $0xC000  }
0x129: {  	[sflag:s4] =	ssyncset.done $0x0  }
0x12a: {  	s5 =	rddreg [dreg:$0x5];
	[sflag:s4] =	ssyncadd.s32 $0xFFFF4000  }
0x12b: {  	[hbm4b:s5+s6] =	stream.linear.scatter [tilespmem:s17], [sflag:$0x3], $0xC000, $0x38;
	[tilespmem:$0x1D880] =	vst v63  }
0x12c: {  	s5 =	simm.s32 $0x3  }
0x12d: {  	_ =	swait.ge [sflag:s5], $0xC000  }
0x12e: {  	[sflag:s5] =	ssyncset.done $0x0  }
0x12f: {  	[sflag:s5] =	ssyncadd.s32 $0xFFFF4000  }
0x130: {  	v9 =	vld [tilespmem:$0x10E0];
	_ =	sdelay $0x4  }
0x131: {  	v10 =	vshll.u32 v9, $0x3  }
0x132: {  	v9 =	vand.u32 $0x7, v9;
	v10 =	vand.u32 $0xFFFFFFC0, v10  }
0x133: {  	v9 =	vor.u32 v9, v10  }
0x134: {  	v10 =	vperm.xlane v9, v6;
	_ =	sdelay $0x1  }
0x135: {  	v10 =	vadd.s32 v7, v10;
	_ =	sdelay $0x4  }
0x136: {  	[tilespmem:s17], [sflag:$0x1] =	stream.indirect_vreg.gather [hbm4b:s0+s6], $0x80, v10, vm0, $0xb8;
	[tilespmem:$0x1D880] =	vst v63  }
0x137: {  	s26 =	simm.s32 $0x6080;
	v9 =	vperm.xlane v9, v8  }
0x138: {  	[tilespmem:s26], [sflag:$0x1] =	stream.indirect_vreg.gather [hbm4b:s31+s6], $0x80, v10, vm0, $0xb8;
	[tilespmem:$0x1D880] =	vst v63  }
0x139: {  	v9 =	vadd.s32 v7, v9  }
0x13a: {  	[tilespmem:s19], [sflag:$0x1] =	stream.indirect_vreg.gather [hbm4b:s2+s6], $0x80, v10, vm0, $0xb8;
	[tilespmem:$0x1D880] =	vst v63  }
0x13b: {  	_ = 	snop  }
0x13c: {  	[tilespmem:s20], [sflag:$0x1] =	stream.indirect_vreg.gather [hbm4b:s3+s6], $0x80, v10, vm0, $0xb8;
	[tilespmem:$0x1D880] =	vst v63  }
0x13d: {  	_ = 	snop  }
0x13e: {  	[tilespmem:s22], [sflag:$0x1] =	stream.indirect_vreg.gather [hbm4b:s0+s6], $0x80, v9, vm0, $0xb8;
	[tilespmem:$0x1D880] =	vst v63  }
0x13f: {  	_ = 	snop  }
0x140: {  	[tilespmem:s23], [sflag:$0x1] =	stream.indirect_vreg.gather [hbm4b:s31+s6], $0x80, v9, vm0, $0xb8;
	[tilespmem:$0x1D880] =	vst v63  }
0x141: {  	_ = 	snop  }
0x142: {  	[tilespmem:s24], [sflag:$0x1] =	stream.indirect_vreg.gather [hbm4b:s2+s6], $0x80, v9, vm0, $0xb8;
	[tilespmem:$0x1D880] =	vst v63  }
0x143: {  	_ = 	snop  }
0x144: {  	[tilespmem:s25], [sflag:$0x1] =	stream.indirect_vreg.gather [hbm4b:s3+s6], $0x80, v9, vm0, $0xb8;
	[tilespmem:$0x1D880] =	vst v63  }
0x145: {  	v9 =	vld [tilespmem:$0x10F0];
	_ =	sdelay $0x4  }
0x146: {  	v10 =	vshll.u32 v9, $0x3  }
0x147: {  	v9 =	vand.u32 $0x7, v9;
	v10 =	vand.u32 $0xFFFFFFC0, v10  }
0x148: {  	v9 =	vor.u32 v9, v10  }
0x149: {  	v10 =	vperm.xlane v9, v6;
	_ =	sdelay $0x1  }
0x14a: {  	v10 =	vadd.s32 v7, v10;
	_ =	sdelay $0x3  }
0x14b: {  	s28 =	simm.s32 $0x9880  }
0x14c: {  	[tilespmem:s28], [sflag:$0x1] =	stream.indirect_vreg.gather [hbm4b:s0+s6], $0x80, v10, vm0, $0xb8;
	[tilespmem:$0x1D880] =	vst v63  }
0x14d: {  	s29 =	simm.s32 $0xA080;
	v9 =	vperm.xlane v9, v8  }
0x14e: {  	[tilespmem:s29], [sflag:$0x1] =	stream.indirect_vreg.gather [hbm4b:s31+s6], $0x80, v10, vm0, $0xb8;
	[tilespmem:$0x1D880] =	vst v63  }
0x14f: {  	v9 =	vadd.s32 v7, v9;
	s28 =	simm.s32 $0xA880  }
0x150: {  	[tilespmem:s28], [sflag:$0x1] =	stream.indirect_vreg.gather [hbm4b:s2+s6], $0x80, v10, vm0, $0xb8;
	[tilespmem:$0x1D880] =	vst v63  }
0x151: {  	s29 =	simm.s32 $0xB080  }
0x152: {  	[tilespmem:s29], [sflag:$0x1] =	stream.indirect_vreg.gather [hbm4b:s3+s6], $0x80, v10, vm0, $0xb8;
	[tilespmem:$0x1D880] =	vst v63  }
0x153: {  	s26 =	simm.s32 $0xB880  }
0x154: {  	[tilespmem:s26], [sflag:$0x1] =	stream.indirect_vreg.gather [hbm4b:s0+s6], $0x80, v9, vm0, $0xb8;
	[tilespmem:$0x1D880] =	vst v63  }
0x155: {  	s28 =	simm.s32 $0xC080  }
0x156: {  	[tilespmem:s28], [sflag:$0x1] =	stream.indirect_vreg.gather [hbm4b:s31+s6], $0x80, v9, vm0, $0xb8;
	[tilespmem:$0x1D880] =	vst v63  }
0x157: {  	s29 =	simm.s32 $0xC880  }
0x158: {  	[tilespmem:s29], [sflag:$0x1] =	stream.indirect_vreg.gather [hbm4b:s2+s6], $0x80, v9, vm0, $0xb8;
	[tilespmem:$0x1D880] =	vst v63  }
0x159: {  	s26 =	simm.s32 $0xD080  }
0x15a: {  	[tilespmem:s26], [sflag:$0x1] =	stream.indirect_vreg.gather [hbm4b:s3+s6], $0x80, v9, vm0, $0xb8;
	[tilespmem:$0x1D880] =	vst v63  }
0x15b: {  	v9 =	vld [tilespmem:$0x1100];
	_ =	sdelay $0x4  }
0x15c: {  	v10 =	vshll.u32 v9, $0x3  }
0x15d: {  	v9 =	vand.u32 $0x7, v9;
	v10 =	vand.u32 $0xFFFFFFC0, v10  }
0x15e: {  	v9 =	vor.u32 v9, v10  }
0x15f: {  	v10 =	vperm.xlane v9, v6;
	_ =	sdelay $0x1  }
0x160: {  	v10 =	vadd.s32 v7, v10;
	_ =	sdelay $0x3  }
0x161: {  	s28 =	simm.s32 $0xD880  }
0x162: {  	[tilespmem:s28], [sflag:$0x1] =	stream.indirect_vreg.gather [hbm4b:s0+s6], $0x80, v10, vm0, $0xb8;
	[tilespmem:$0x1D880] =	vst v63  }
0x163: {  	s29 =	simm.s32 $0xE080;
	v9 =	vperm.xlane v9, v8  }
0x164: {  	[tilespmem:s29], [sflag:$0x1] =	stream.indirect_vreg.gather [hbm4b:s31+s6], $0x80, v10, vm0, $0xb8;
	[tilespmem:$0x1D880] =	vst v63  }
0x165: {  	s26 =	simm.s32 $0xE880;
	v9 =	vadd.s32 v7, v9  }
0x166: {  	[tilespmem:s26], [sflag:$0x1] =	stream.indirect_vreg.gather [hbm4b:s2+s6], $0x80, v10, vm0, $0xb8;
	[tilespmem:$0x1D880] =	vst v63  }
0x167: {  	s28 =	simm.s32 $0xF080  }
0x168: {  	[tilespmem:s28], [sflag:$0x1] =	stream.indirect_vreg.gather [hbm4b:s3+s6], $0x80, v10, vm0, $0xb8;
	[tilespmem:$0x1D880] =	vst v63  }
0x169: {  	s29 =	simm.s32 $0xF880  }
0x16a: {  	[tilespmem:s29], [sflag:$0x1] =	stream.indirect_vreg.gather [hbm4b:s0+s6], $0x80, v9, vm0, $0xb8;
	[tilespmem:$0x1D880] =	vst v63  }
0x16b: {  	s28 =	simm.s32 $0x10080  }
0x16c: {  	[tilespmem:s28], [sflag:$0x1] =	stream.indirect_vreg.gather [hbm4b:s31+s6], $0x80, v9, vm0, $0xb8;
	[tilespmem:$0x1D880] =	vst v63  }
0x16d: {  	s29 =	simm.s32 $0x10880  }
0x16e: {  	[tilespmem:s29], [sflag:$0x1] =	stream.indirect_vreg.gather [hbm4b:s2+s6], $0x80, v9, vm0, $0xb8;
	[tilespmem:$0x1D880] =	vst v63  }
0x16f: {  	s28 =	simm.s32 $0x11080  }
0x170: {  	[tilespmem:s28], [sflag:$0x1] =	stream.indirect_vreg.gather [hbm4b:s3+s6], $0x80, v9, vm0, $0xb8;
	[tilespmem:$0x1D880] =	vst v63  }
0x171: {  	s28 =	simm.s32 $0x2  }
0x172: {  	_ =	swait.ge [sflag:s28], $0xC000  }
0x173: {  	[sflag:s28] =	ssyncset.done $0x0  }
0x174: {  	s29 =	rddreg [dreg:$0x6];
	[sflag:s28] =	ssyncadd.s32 $0xFFFF4000  }
0x175: {  	[hbm4b:s29+s6] =	stream.linear.scatter [tilespmem:s30], [sflag:$0x4], $0xC000, $0x38;
	[tilespmem:$0x1D880] =	vst v63  }
0x176: {  	s29 =	simm.s32 $0x4  }
0x177: {  	_ =	swait.ge [sflag:s29], $0xC000  }
0x178: {  	[sflag:s29] =	ssyncset.done $0x0  }
0x179: {  	[sflag:s29] =	ssyncadd.s32 $0xFFFF4000  }
0x17a: {  	v9 =	vld [tilespmem:$0x1110];
	_ =	sdelay $0x4  }
0x17b: {  	v10 =	vshll.u32 v9, $0x3  }
0x17c: {  	v9 =	vand.u32 $0x7, v9;
	v10 =	vand.u32 $0xFFFFFFC0, v10  }
0x17d: {  	v9 =	vor.u32 v9, v10  }
0x17e: {  	v10 =	vperm.xlane v9, v6;
	_ =	sdelay $0x1  }
0x17f: {  	v10 =	vadd.s32 v7, v10;
	_ =	sdelay $0x4  }
0x180: {  	[tilespmem:s30], [sflag:$0x2] =	stream.indirect_vreg.gather [hbm4b:s0+s6], $0x80, v10, vm0, $0xb8;
	[tilespmem:$0x1D880] =	vst v63  }
0x181: {  	s18 =	simm.s32 $0x12080;
	v9 =	vperm.xlane v9, v8  }
0x182: {  	[tilespmem:s18], [sflag:$0x2] =	stream.indirect_vreg.gather [hbm4b:s31+s6], $0x80, v10, vm0, $0xb8;
	[tilespmem:$0x1D880] =	vst v63  }
0x183: {  	v9 =	vadd.s32 v7, v9;
	s18 =	simm.s32 $0x12880  }
0x184: {  	[tilespmem:s18], [sflag:$0x2] =	stream.indirect_vreg.gather [hbm4b:s2+s6], $0x80, v10, vm0, $0xb8;
	[tilespmem:$0x1D880] =	vst v63  }
0x185: {  	s18 =	simm.s32 $0x13080  }
0x186: {  	[tilespmem:s18], [sflag:$0x2] =	stream.indirect_vreg.gather [hbm4b:s3+s6], $0x80, v10, vm0, $0xb8;
	[tilespmem:$0x1D880] =	vst v63  }
0x187: {  	s18 =	simm.s32 $0x13880  }
0x188: {  	[tilespmem:s18], [sflag:$0x2] =	stream.indirect_vreg.gather [hbm4b:s0+s6], $0x80, v9, vm0, $0xb8;
	[tilespmem:$0x1D880] =	vst v63  }
0x189: {  	s18 =	simm.s32 $0x14080  }
0x18a: {  	[tilespmem:s18], [sflag:$0x2] =	stream.indirect_vreg.gather [hbm4b:s31+s6], $0x80, v9, vm0, $0xb8;
	[tilespmem:$0x1D880] =	vst v63  }
0x18b: {  	s18 =	simm.s32 $0x14880  }
0x18c: {  	[tilespmem:s18], [sflag:$0x2] =	stream.indirect_vreg.gather [hbm4b:s2+s6], $0x80, v9, vm0, $0xb8;
	[tilespmem:$0x1D880] =	vst v63  }
0x18d: {  	s18 =	simm.s32 $0x15080  }
0x18e: {  	[tilespmem:s18], [sflag:$0x2] =	stream.indirect_vreg.gather [hbm4b:s3+s6], $0x80, v9, vm0, $0xb8;
	[tilespmem:$0x1D880] =	vst v63  }
0x18f: {  	v9 =	vld [tilespmem:$0x1120];
	_ =	sdelay $0x4  }
0x190: {  	v10 =	vshll.u32 v9, $0x3  }
0x191: {  	v9 =	vand.u32 $0x7, v9;
	v10 =	vand.u32 $0xFFFFFFC0, v10  }
0x192: {  	v9 =	vor.u32 v9, v10  }
0x193: {  	v10 =	vperm.xlane v9, v6;
	_ =	sdelay $0x1  }
0x194: {  	v10 =	vadd.s32 v7, v10;
	_ =	sdelay $0x3  }
0x195: {  	s18 =	simm.s32 $0x15880  }
0x196: {  	[tilespmem:s18], [sflag:$0x2] =	stream.indirect_vreg.gather [hbm4b:s0+s6], $0x80, v10, vm0, $0xb8;
	[tilespmem:$0x1D880] =	vst v63  }
0x197: {  	v9 =	vperm.xlane v9, v8;
	s18 =	simm.s32 $0x16080  }
0x198: {  	[tilespmem:s18], [sflag:$0x2] =	stream.indirect_vreg.gather [hbm4b:s31+s6], $0x80, v10, vm0, $0xb8;
	[tilespmem:$0x1D880] =	vst v63  }
0x199: {  	v9 =	vadd.s32 v7, v9;
	s18 =	simm.s32 $0x16880  }
0x19a: {  	[tilespmem:s18], [sflag:$0x2] =	stream.indirect_vreg.gather [hbm4b:s2+s6], $0x80, v10, vm0, $0xb8;
	[tilespmem:$0x1D880] =	vst v63  }
0x19b: {  	s18 =	simm.s32 $0x17080  }
0x19c: {  	[tilespmem:s18], [sflag:$0x2] =	stream.indirect_vreg.gather [hbm4b:s3+s6], $0x80, v10, vm0, $0xb8;
	[tilespmem:$0x1D880] =	vst v63  }
0x19d: {  	s18 =	simm.s32 $0x17880  }
0x19e: {  	[tilespmem:s18], [sflag:$0x2] =	stream.indirect_vreg.gather [hbm4b:s0+s6], $0x80, v9, vm0, $0xb8;
	[tilespmem:$0x1D880] =	vst v63  }
0x19f: {  	s18 =	simm.s32 $0x18080  }
0x1a0: {  	[tilespmem:s18], [sflag:$0x2] =	stream.indirect_vreg.gather [hbm4b:s31+s6], $0x80, v9, vm0, $0xb8;
	[tilespmem:$0x1D880] =	vst v63  }
0x1a1: {  	s18 =	simm.s32 $0x18880  }
0x1a2: {  	[tilespmem:s18], [sflag:$0x2] =	stream.indirect_vreg.gather [hbm4b:s2+s6], $0x80, v9, vm0, $0xb8;
	[tilespmem:$0x1D880] =	vst v63  }
0x1a3: {  	s18 =	simm.s32 $0x19080  }
0x1a4: {  	[tilespmem:s18], [sflag:$0x2] =	stream.indirect_vreg.gather [hbm4b:s3+s6], $0x80, v9, vm0, $0xb8;
	[tilespmem:$0x1D880] =	vst v63  }
0x1a5: {  	v9 =	vld [tilespmem:$0x1130];
	_ =	sdelay $0x4  }
0x1a6: {  	v10 =	vshll.u32 v9, $0x3  }
0x1a7: {  	v9 =	vand.u32 $0x7, v9;
	v10 =	vand.u32 $0xFFFFFFC0, v10  }
0x1a8: {  	v9 =	vor.u32 v9, v10  }
0x1a9: {  	v10 =	vperm.xlane v9, v6;
	_ =	sdelay $0x1  }
0x1aa: {  	v10 =	vadd.s32 v7, v10;
	_ =	sdelay $0x3  }
0x1ab: {  	s18 =	simm.s32 $0x19880  }
0x1ac: {  	[tilespmem:s18], [sflag:$0x2] =	stream.indirect_vreg.gather [hbm4b:s0+s6], $0x80, v10, vm0, $0xb8;
	[tilespmem:$0x1D880] =	vst v63  }
0x1ad: {  	v9 =	vperm.xlane v9, v8;
	s18 =	simm.s32 $0x1A080  }
0x1ae: {  	[tilespmem:s18], [sflag:$0x2] =	stream.indirect_vreg.gather [hbm4b:s31+s6], $0x80, v10, vm0, $0xb8;
	[tilespmem:$0x1D880] =	vst v63  }
0x1af: {  	v9 =	vadd.s32 v7, v9;
	s18 =	simm.s32 $0x1A880  }
0x1b0: {  	[tilespmem:s18], [sflag:$0x2] =	stream.indirect_vreg.gather [hbm4b:s2+s6], $0x80, v10, vm0, $0xb8;
	[tilespmem:$0x1D880] =	vst v63  }
0x1b1: {  	s18 =	simm.s32 $0x1B080  }
0x1b2: {  	[tilespmem:s18], [sflag:$0x2] =	stream.indirect_vreg.gather [hbm4b:s3+s6], $0x80, v10, vm0, $0xb8;
	[tilespmem:$0x1D880] =	vst v63  }
0x1b3: {  	s18 =	simm.s32 $0x1B880  }
0x1b4: {  	[tilespmem:s18], [sflag:$0x2] =	stream.indirect_vreg.gather [hbm4b:s0+s6], $0x80, v9, vm0, $0xb8;
	[tilespmem:$0x1D880] =	vst v63  }
0x1b5: {  	s18 =	simm.s32 $0x1C080  }
0x1b6: {  	[tilespmem:s18], [sflag:$0x2] =	stream.indirect_vreg.gather [hbm4b:s31+s6], $0x80, v9, vm0, $0xb8;
	[tilespmem:$0x1D880] =	vst v63  }
0x1b7: {  	s18 =	simm.s32 $0x1C880  }
0x1b8: {  	[tilespmem:s18], [sflag:$0x2] =	stream.indirect_vreg.gather [hbm4b:s2+s6], $0x80, v9, vm0, $0xb8;
	[tilespmem:$0x1D880] =	vst v63  }
0x1b9: {  	s18 =	simm.s32 $0x1D080  }
0x1ba: {  	[tilespmem:s18], [sflag:$0x2] =	stream.indirect_vreg.gather [hbm4b:s3+s6], $0x80, v9, vm0, $0xb8;
	[tilespmem:$0x1D880] =	vst v63  }
0x1bb: {  	_ =	swait.ge [sflag:s4], $0xC000  }
0x1bc: {  	[sflag:s4] =	ssyncset.done $0x0  }
0x1bd: {  	s18 =	rddreg [dreg:$0x7];
	[sflag:s4] =	ssyncadd.s32 $0xFFFF4000  }
0x1be: {  	[hbm4b:s18+s6] =	stream.linear.scatter [tilespmem:s17], [sflag:$0x3], $0xC000, $0x38;
	[tilespmem:$0x1D880] =	vst v63  }
0x1bf: {  	_ =	swait.ge [sflag:s5], $0xC000  }
0x1c0: {  	[sflag:s5] =	ssyncset.done $0x0  }
0x1c1: {  	[sflag:s5] =	ssyncadd.s32 $0xFFFF4000  }
0x1c2: {  	v9 =	vld [tilespmem:$0x1140];
	_ =	sdelay $0x4  }
0x1c3: {  	v10 =	vshll.u32 v9, $0x3  }
0x1c4: {  	v9 =	vand.u32 $0x7, v9;
	v10 =	vand.u32 $0xFFFFFFC0, v10  }
0x1c5: {  	v9 =	vor.u32 v9, v10  }
0x1c6: {  	v10 =	vperm.xlane v9, v6;
	_ =	sdelay $0x1  }
0x1c7: {  	v10 =	vadd.s32 v7, v10;
	_ =	sdelay $0x4  }
0x1c8: {  	[tilespmem:s17], [sflag:$0x1] =	stream.indirect_vreg.gather [hbm4b:s0+s6], $0x80, v10, vm0, $0xb8;
	[tilespmem:$0x1D880] =	vst v63  }
0x1c9: {  	s18 =	simm.s32 $0x6080;
	v9 =	vperm.xlane v9, v8  }
0x1ca: {  	[tilespmem:s18], [sflag:$0x1] =	stream.indirect_vreg.gather [hbm4b:s31+s6], $0x80, v10, vm0, $0xb8;
	[tilespmem:$0x1D880] =	vst v63  }
0x1cb: {  	v9 =	vadd.s32 v7, v9  }
0x1cc: {  	[tilespmem:s19], [sflag:$0x1] =	stream.indirect_vreg.gather [hbm4b:s2+s6], $0x80, v10, vm0, $0xb8;
	[tilespmem:$0x1D880] =	vst v63  }
0x1cd: {  	_ = 	snop  }
0x1ce: {  	[tilespmem:s20], [sflag:$0x1] =	stream.indirect_vreg.gather [hbm4b:s3+s6], $0x80, v10, vm0, $0xb8;
	[tilespmem:$0x1D880] =	vst v63  }
0x1cf: {  	_ = 	snop  }
0x1d0: {  	[tilespmem:s22], [sflag:$0x1] =	stream.indirect_vreg.gather [hbm4b:s0+s6], $0x80, v9, vm0, $0xb8;
	[tilespmem:$0x1D880] =	vst v63  }
0x1d1: {  	_ = 	snop  }
0x1d2: {  	[tilespmem:s23], [sflag:$0x1] =	stream.indirect_vreg.gather [hbm4b:s31+s6], $0x80, v9, vm0, $0xb8;
	[tilespmem:$0x1D880] =	vst v63  }
0x1d3: {  	_ = 	snop  }
0x1d4: {  	[tilespmem:s24], [sflag:$0x1] =	stream.indirect_vreg.gather [hbm4b:s2+s6], $0x80, v9, vm0, $0xb8;
	[tilespmem:$0x1D880] =	vst v63  }
0x1d5: {  	_ = 	snop  }
0x1d6: {  	[tilespmem:s25], [sflag:$0x1] =	stream.indirect_vreg.gather [hbm4b:s3+s6], $0x80, v9, vm0, $0xb8;
	[tilespmem:$0x1D880] =	vst v63  }
0x1d7: {  	v9 =	vld [tilespmem:$0x1150];
	_ =	sdelay $0x4  }
0x1d8: {  	v10 =	vshll.u32 v9, $0x3  }
0x1d9: {  	v9 =	vand.u32 $0x7, v9;
	v10 =	vand.u32 $0xFFFFFFC0, v10  }
0x1da: {  	v9 =	vor.u32 v9, v10  }
0x1db: {  	v10 =	vperm.xlane v9, v6;
	_ =	sdelay $0x1  }
0x1dc: {  	v10 =	vadd.s32 v7, v10;
	_ =	sdelay $0x3  }
0x1dd: {  	s18 =	simm.s32 $0x9880  }
0x1de: {  	[tilespmem:s18], [sflag:$0x1] =	stream.indirect_vreg.gather [hbm4b:s0+s6], $0x80, v10, vm0, $0xb8;
	[tilespmem:$0x1D880] =	vst v63  }
0x1df: {  	v9 =	vperm.xlane v9, v8;
	s18 =	simm.s32 $0xA080  }
0x1e0: {  	[tilespmem:s18], [sflag:$0x1] =	stream.indirect_vreg.gather [hbm4b:s31+s6], $0x80, v10, vm0, $0xb8;
	[tilespmem:$0x1D880] =	vst v63  }
0x1e1: {  	v9 =	vadd.s32 v7, v9;
	s18 =	simm.s32 $0xA880  }
0x1e2: {  	[tilespmem:s18], [sflag:$0x1] =	stream.indirect_vreg.gather [hbm4b:s2+s6], $0x80, v10, vm0, $0xb8;
	[tilespmem:$0x1D880] =	vst v63  }
0x1e3: {  	s18 =	simm.s32 $0xB080  }
0x1e4: {  	[tilespmem:s18], [sflag:$0x1] =	stream.indirect_vreg.gather [hbm4b:s3+s6], $0x80, v10, vm0, $0xb8;
	[tilespmem:$0x1D880] =	vst v63  }
0x1e5: {  	s18 =	simm.s32 $0xB880  }
0x1e6: {  	[tilespmem:s18], [sflag:$0x1] =	stream.indirect_vreg.gather [hbm4b:s0+s6], $0x80, v9, vm0, $0xb8;
	[tilespmem:$0x1D880] =	vst v63  }
0x1e7: {  	s18 =	simm.s32 $0xC080  }
0x1e8: {  	[tilespmem:s18], [sflag:$0x1] =	stream.indirect_vreg.gather [hbm4b:s31+s6], $0x80, v9, vm0, $0xb8;
	[tilespmem:$0x1D880] =	vst v63  }
0x1e9: {  	s18 =	simm.s32 $0xC880  }
0x1ea: {  	[tilespmem:s18], [sflag:$0x1] =	stream.indirect_vreg.gather [hbm4b:s2+s6], $0x80, v9, vm0, $0xb8;
	[tilespmem:$0x1D880] =	vst v63  }
0x1eb: {  	s18 =	simm.s32 $0xD080  }
0x1ec: {  	[tilespmem:s18], [sflag:$0x1] =	stream.indirect_vreg.gather [hbm4b:s3+s6], $0x80, v9, vm0, $0xb8;
	[tilespmem:$0x1D880] =	vst v63  }
0x1ed: {  	v9 =	vld [tilespmem:$0x1160];
	_ =	sdelay $0x4  }
0x1ee: {  	v10 =	vshll.u32 v9, $0x3  }
0x1ef: {  	v9 =	vand.u32 $0x7, v9;
	v10 =	vand.u32 $0xFFFFFFC0, v10  }
0x1f0: {  	v9 =	vor.u32 v9, v10  }
0x1f1: {  	v10 =	vperm.xlane v9, v6;
	_ =	sdelay $0x1  }
0x1f2: {  	v10 =	vadd.s32 v7, v10;
	_ =	sdelay $0x3  }
0x1f3: {  	s18 =	simm.s32 $0xD880  }
0x1f4: {  	[tilespmem:s18], [sflag:$0x1] =	stream.indirect_vreg.gather [hbm4b:s0+s6], $0x80, v10, vm0, $0xb8;
	[tilespmem:$0x1D880] =	vst v63  }
0x1f5: {  	v9 =	vperm.xlane v9, v8;
	s18 =	simm.s32 $0xE080  }
0x1f6: {  	[tilespmem:s18], [sflag:$0x1] =	stream.indirect_vreg.gather [hbm4b:s31+s6], $0x80, v10, vm0, $0xb8;
	[tilespmem:$0x1D880] =	vst v63  }
0x1f7: {  	v9 =	vadd.s32 v7, v9;
	s18 =	simm.s32 $0xE880  }
0x1f8: {  	[tilespmem:s18], [sflag:$0x1] =	stream.indirect_vreg.gather [hbm4b:s2+s6], $0x80, v10, vm0, $0xb8;
	[tilespmem:$0x1D880] =	vst v63  }
0x1f9: {  	s26 =	simm.s32 $0xF080  }
0x1fa: {  	[tilespmem:s26], [sflag:$0x1] =	stream.indirect_vreg.gather [hbm4b:s3+s6], $0x80, v10, vm0, $0xb8;
	[tilespmem:$0x1D880] =	vst v63  }
0x1fb: {  	s18 =	simm.s32 $0xF880  }
0x1fc: {  	[tilespmem:s18], [sflag:$0x1] =	stream.indirect_vreg.gather [hbm4b:s0+s6], $0x80, v9, vm0, $0xb8;
	[tilespmem:$0x1D880] =	vst v63  }
0x1fd: {  	s18 =	simm.s32 $0x10080  }
0x1fe: {  	[tilespmem:s18], [sflag:$0x1] =	stream.indirect_vreg.gather [hbm4b:s31+s6], $0x80, v9, vm0, $0xb8;
	[tilespmem:$0x1D880] =	vst v63  }
0x1ff: {  	s18 =	simm.s32 $0x10880  }
0x200: {  	[tilespmem:s18], [sflag:$0x1] =	stream.indirect_vreg.gather [hbm4b:s2+s6], $0x80, v9, vm0, $0xb8;
	[tilespmem:$0x1D880] =	vst v63  }
0x201: {  	s18 =	simm.s32 $0x11080  }
0x202: {  	[tilespmem:s18], [sflag:$0x1] =	stream.indirect_vreg.gather [hbm4b:s3+s6], $0x80, v9, vm0, $0xb8;
	[tilespmem:$0x1D880] =	vst v63  }
0x203: {  	_ =	swait.ge [sflag:s28], $0xC000  }
0x204: {  	[sflag:s28] =	ssyncset.done $0x0  }
0x205: {  	s18 =	rddreg [dreg:$0x8];
	[sflag:s28] =	ssyncadd.s32 $0xFFFF4000  }
0x206: {  	[hbm4b:s18+s6] =	stream.linear.scatter [tilespmem:s30], [sflag:$0x4], $0xC000, $0x38;
	[tilespmem:$0x1D880] =	vst v63  }
0x207: {  	_ =	swait.ge [sflag:s29], $0xC000  }
0x208: {  	[sflag:s29] =	ssyncset.done $0x0  }
0x209: {  	[sflag:s29] =	ssyncadd.s32 $0xFFFF4000  }
0x20a: {  	v9 =	vld [tilespmem:$0x1170];
	_ =	sdelay $0x4  }
0x20b: {  	v10 =	vshll.u32 v9, $0x3  }
0x20c: {  	v9 =	vand.u32 $0x7, v9;
	v10 =	vand.u32 $0xFFFFFFC0, v10  }
0x20d: {  	v9 =	vor.u32 v9, v10  }
0x20e: {  	v10 =	vperm.xlane v9, v6;
	_ =	sdelay $0x1  }
0x20f: {  	v10 =	vadd.s32 v7, v10;
	_ =	sdelay $0x4  }
0x210: {  	[tilespmem:s30], [sflag:$0x2] =	stream.indirect_vreg.gather [hbm4b:s0+s6], $0x80, v10, vm0, $0xb8;
	[tilespmem:$0x1D880] =	vst v63  }
0x211: {  	s18 =	simm.s32 $0x12080;
	v9 =	vperm.xlane v9, v8  }
0x212: {  	[tilespmem:s18], [sflag:$0x2] =	stream.indirect_vreg.gather [hbm4b:s31+s6], $0x80, v10, vm0, $0xb8;
	[tilespmem:$0x1D880] =	vst v63  }
0x213: {  	v9 =	vadd.s32 v7, v9;
	s18 =	simm.s32 $0x12880  }
0x214: {  	[tilespmem:s18], [sflag:$0x2] =	stream.indirect_vreg.gather [hbm4b:s2+s6], $0x80, v10, vm0, $0xb8;
	[tilespmem:$0x1D880] =	vst v63  }
0x215: {  	s18 =	simm.s32 $0x13080  }
0x216: {  	[tilespmem:s18], [sflag:$0x2] =	stream.indirect_vreg.gather [hbm4b:s3+s6], $0x80, v10, vm0, $0xb8;
	[tilespmem:$0x1D880] =	vst v63  }
0x217: {  	s18 =	simm.s32 $0x13880  }
0x218: {  	[tilespmem:s18], [sflag:$0x2] =	stream.indirect_vreg.gather [hbm4b:s0+s6], $0x80, v9, vm0, $0xb8;
	[tilespmem:$0x1D880] =	vst v63  }
0x219: {  	s18 =	simm.s32 $0x14080  }
0x21a: {  	[tilespmem:s18], [sflag:$0x2] =	stream.indirect_vreg.gather [hbm4b:s31+s6], $0x80, v9, vm0, $0xb8;
	[tilespmem:$0x1D880] =	vst v63  }
0x21b: {  	s18 =	simm.s32 $0x14880  }
0x21c: {  	[tilespmem:s18], [sflag:$0x2] =	stream.indirect_vreg.gather [hbm4b:s2+s6], $0x80, v9, vm0, $0xb8;
	[tilespmem:$0x1D880] =	vst v63  }
0x21d: {  	s18 =	simm.s32 $0x15080  }
0x21e: {  	[tilespmem:s18], [sflag:$0x2] =	stream.indirect_vreg.gather [hbm4b:s3+s6], $0x80, v9, vm0, $0xb8;
	[tilespmem:$0x1D880] =	vst v63  }
0x21f: {  	v9 =	vld [tilespmem:$0x1180];
	_ =	sdelay $0x4  }
0x220: {  	v10 =	vshll.u32 v9, $0x3  }
0x221: {  	v9 =	vand.u32 $0x7, v9;
	v10 =	vand.u32 $0xFFFFFFC0, v10  }
0x222: {  	v9 =	vor.u32 v9, v10  }
0x223: {  	v10 =	vperm.xlane v9, v6;
	_ =	sdelay $0x1  }
0x224: {  	v10 =	vadd.s32 v7, v10;
	_ =	sdelay $0x3  }
0x225: {  	s18 =	simm.s32 $0x15880  }
0x226: {  	[tilespmem:s18], [sflag:$0x2] =	stream.indirect_vreg.gather [hbm4b:s0+s6], $0x80, v10, vm0, $0xb8;
	[tilespmem:$0x1D880] =	vst v63  }
0x227: {  	v9 =	vperm.xlane v9, v8;
	s18 =	simm.s32 $0x16080  }
0x228: {  	[tilespmem:s18], [sflag:$0x2] =	stream.indirect_vreg.gather [hbm4b:s31+s6], $0x80, v10, vm0, $0xb8;
	[tilespmem:$0x1D880] =	vst v63  }
0x229: {  	v9 =	vadd.s32 v7, v9;
	s18 =	simm.s32 $0x16880  }
0x22a: {  	[tilespmem:s18], [sflag:$0x2] =	stream.indirect_vreg.gather [hbm4b:s2+s6], $0x80, v10, vm0, $0xb8;
	[tilespmem:$0x1D880] =	vst v63  }
0x22b: {  	s18 =	simm.s32 $0x17080  }
0x22c: {  	[tilespmem:s18], [sflag:$0x2] =	stream.indirect_vreg.gather [hbm4b:s3+s6], $0x80, v10, vm0, $0xb8;
	[tilespmem:$0x1D880] =	vst v63  }
0x22d: {  	s18 =	simm.s32 $0x17880  }
0x22e: {  	[tilespmem:s18], [sflag:$0x2] =	stream.indirect_vreg.gather [hbm4b:s0+s6], $0x80, v9, vm0, $0xb8;
	[tilespmem:$0x1D880] =	vst v63  }
0x22f: {  	s18 =	simm.s32 $0x18080  }
0x230: {  	[tilespmem:s18], [sflag:$0x2] =	stream.indirect_vreg.gather [hbm4b:s31+s6], $0x80, v9, vm0, $0xb8;
	[tilespmem:$0x1D880] =	vst v63  }
0x231: {  	s18 =	simm.s32 $0x18880  }
0x232: {  	[tilespmem:s18], [sflag:$0x2] =	stream.indirect_vreg.gather [hbm4b:s2+s6], $0x80, v9, vm0, $0xb8;
	[tilespmem:$0x1D880] =	vst v63  }
0x233: {  	s18 =	simm.s32 $0x19080  }
0x234: {  	[tilespmem:s18], [sflag:$0x2] =	stream.indirect_vreg.gather [hbm4b:s3+s6], $0x80, v9, vm0, $0xb8;
	[tilespmem:$0x1D880] =	vst v63  }
0x235: {  	v9 =	vld [tilespmem:$0x1190];
	_ =	sdelay $0x4  }
0x236: {  	v10 =	vshll.u32 v9, $0x3  }
0x237: {  	v9 =	vand.u32 $0x7, v9;
	v10 =	vand.u32 $0xFFFFFFC0, v10  }
0x238: {  	v9 =	vor.u32 v9, v10  }
0x239: {  	v10 =	vperm.xlane v9, v6;
	_ =	sdelay $0x1  }
0x23a: {  	v10 =	vadd.s32 v7, v10;
	_ =	sdelay $0x3  }
0x23b: {  	s18 =	simm.s32 $0x19880  }
0x23c: {  	[tilespmem:s18], [sflag:$0x2] =	stream.indirect_vreg.gather [hbm4b:s0+s6], $0x80, v10, vm0, $0xb8;
	[tilespmem:$0x1D880] =	vst v63  }
0x23d: {  	v9 =	vperm.xlane v9, v8;
	s18 =	simm.s32 $0x1A080  }
0x23e: {  	[tilespmem:s18], [sflag:$0x2] =	stream.indirect_vreg.gather [hbm4b:s31+s6], $0x80, v10, vm0, $0xb8;
	[tilespmem:$0x1D880] =	vst v63  }
0x23f: {  	v9 =	vadd.s32 v7, v9;
	s18 =	simm.s32 $0x1A880  }
0x240: {  	[tilespmem:s18], [sflag:$0x2] =	stream.indirect_vreg.gather [hbm4b:s2+s6], $0x80, v10, vm0, $0xb8;
	[tilespmem:$0x1D880] =	vst v63  }
0x241: {  	s18 =	simm.s32 $0x1B080  }
0x242: {  	[tilespmem:s18], [sflag:$0x2] =	stream.indirect_vreg.gather [hbm4b:s3+s6], $0x80, v10, vm0, $0xb8;
	[tilespmem:$0x1D880] =	vst v63  }
0x243: {  	s18 =	simm.s32 $0x1B880  }
0x244: {  	[tilespmem:s18], [sflag:$0x2] =	stream.indirect_vreg.gather [hbm4b:s0+s6], $0x80, v9, vm0, $0xb8;
	[tilespmem:$0x1D880] =	vst v63  }
0x245: {  	s18 =	simm.s32 $0x1C080  }
0x246: {  	[tilespmem:s18], [sflag:$0x2] =	stream.indirect_vreg.gather [hbm4b:s31+s6], $0x80, v9, vm0, $0xb8;
	[tilespmem:$0x1D880] =	vst v63  }
0x247: {  	s18 =	simm.s32 $0x1C880  }
0x248: {  	[tilespmem:s18], [sflag:$0x2] =	stream.indirect_vreg.gather [hbm4b:s2+s6], $0x80, v9, vm0, $0xb8;
	[tilespmem:$0x1D880] =	vst v63  }
0x249: {  	s18 =	simm.s32 $0x1D080  }
0x24a: {  	[tilespmem:s18], [sflag:$0x2] =	stream.indirect_vreg.gather [hbm4b:s3+s6], $0x80, v9, vm0, $0xb8;
	[tilespmem:$0x1D880] =	vst v63  }
0x24b: {  	_ =	swait.ge [sflag:s4], $0xC000  }
0x24c: {  	[sflag:s4] =	ssyncset.done $0x0  }
0x24d: {  	s18 =	rddreg [dreg:$0x9];
	[sflag:s4] =	ssyncadd.s32 $0xFFFF4000  }
0x24e: {  	[hbm4b:s18+s6] =	stream.linear.scatter [tilespmem:s17], [sflag:$0x3], $0xC000, $0x38;
	[tilespmem:$0x1D880] =	vst v63  }
0x24f: {  	_ =	swait.ge [sflag:s5], $0xC000  }
0x250: {  	[sflag:s5] =	ssyncset.done $0x0  }
0x251: {  	[sflag:s5] =	ssyncadd.s32 $0xFFFF4000  }
0x252: {  	v9 =	vld [tilespmem:$0x11A0];
	_ =	sdelay $0x4  }
0x253: {  	v10 =	vshll.u32 v9, $0x3  }
0x254: {  	v9 =	vand.u32 $0x7, v9;
	v10 =	vand.u32 $0xFFFFFFC0, v10  }
0x255: {  	v9 =	vor.u32 v9, v10  }
0x256: {  	v10 =	vperm.xlane v9, v6;
	_ =	sdelay $0x1  }
0x257: {  	v10 =	vadd.s32 v7, v10;
	_ =	sdelay $0x4  }
0x258: {  	[tilespmem:s17], [sflag:$0x1] =	stream.indirect_vreg.gather [hbm4b:s0+s6], $0x80, v10, vm0, $0xb8;
	[tilespmem:$0x1D880] =	vst v63  }
0x259: {  	s18 =	simm.s32 $0x6080;
	v9 =	vperm.xlane v9, v8  }
0x25a: {  	[tilespmem:s18], [sflag:$0x1] =	stream.indirect_vreg.gather [hbm4b:s31+s6], $0x80, v10, vm0, $0xb8;
	[tilespmem:$0x1D880] =	vst v63  }
0x25b: {  	v9 =	vadd.s32 v7, v9  }
0x25c: {  	[tilespmem:s19], [sflag:$0x1] =	stream.indirect_vreg.gather [hbm4b:s2+s6], $0x80, v10, vm0, $0xb8;
	[tilespmem:$0x1D880] =	vst v63  }
0x25d: {  	_ = 	snop  }
0x25e: {  	[tilespmem:s20], [sflag:$0x1] =	stream.indirect_vreg.gather [hbm4b:s3+s6], $0x80, v10, vm0, $0xb8;
	[tilespmem:$0x1D880] =	vst v63  }
0x25f: {  	_ = 	snop  }
0x260: {  	[tilespmem:s22], [sflag:$0x1] =	stream.indirect_vreg.gather [hbm4b:s0+s6], $0x80, v9, vm0, $0xb8;
	[tilespmem:$0x1D880] =	vst v63  }
0x261: {  	_ = 	snop  }
0x262: {  	[tilespmem:s23], [sflag:$0x1] =	stream.indirect_vreg.gather [hbm4b:s31+s6], $0x80, v9, vm0, $0xb8;
	[tilespmem:$0x1D880] =	vst v63  }
0x263: {  	_ = 	snop  }
0x264: {  	[tilespmem:s24], [sflag:$0x1] =	stream.indirect_vreg.gather [hbm4b:s2+s6], $0x80, v9, vm0, $0xb8;
	[tilespmem:$0x1D880] =	vst v63  }
0x265: {  	_ = 	snop  }
0x266: {  	[tilespmem:s25], [sflag:$0x1] =	stream.indirect_vreg.gather [hbm4b:s3+s6], $0x80, v9, vm0, $0xb8;
	[tilespmem:$0x1D880] =	vst v63  }
0x267: {  	v9 =	vld [tilespmem:$0x11B0];
	_ =	sdelay $0x4  }
0x268: {  	v10 =	vshll.u32 v9, $0x3  }
0x269: {  	v9 =	vand.u32 $0x7, v9;
	v10 =	vand.u32 $0xFFFFFFC0, v10  }
0x26a: {  	v9 =	vor.u32 v9, v10  }
0x26b: {  	v10 =	vperm.xlane v9, v6;
	_ =	sdelay $0x1  }
0x26c: {  	v10 =	vadd.s32 v7, v10;
	_ =	sdelay $0x3  }
0x26d: {  	s18 =	simm.s32 $0x9880  }
0x26e: {  	[tilespmem:s18], [sflag:$0x1] =	stream.indirect_vreg.gather [hbm4b:s0+s6], $0x80, v10, vm0, $0xb8;
	[tilespmem:$0x1D880] =	vst v63  }
0x26f: {  	v9 =	vperm.xlane v9, v8;
	s18 =	simm.s32 $0xA080  }
0x270: {  	[tilespmem:s18], [sflag:$0x1] =	stream.indirect_vreg.gather [hbm4b:s31+s6], $0x80, v10, vm0, $0xb8;
	[tilespmem:$0x1D880] =	vst v63  }
0x271: {  	v9 =	vadd.s32 v7, v9;
	s18 =	simm.s32 $0xA880  }
0x272: {  	[tilespmem:s18], [sflag:$0x1] =	stream.indirect_vreg.gather [hbm4b:s2+s6], $0x80, v10, vm0, $0xb8;
	[tilespmem:$0x1D880] =	vst v63  }
0x273: {  	s18 =	simm.s32 $0xB080  }
0x274: {  	[tilespmem:s18], [sflag:$0x1] =	stream.indirect_vreg.gather [hbm4b:s3+s6], $0x80, v10, vm0, $0xb8;
	[tilespmem:$0x1D880] =	vst v63  }
0x275: {  	s18 =	simm.s32 $0xB880  }
0x276: {  	[tilespmem:s18], [sflag:$0x1] =	stream.indirect_vreg.gather [hbm4b:s0+s6], $0x80, v9, vm0, $0xb8;
	[tilespmem:$0x1D880] =	vst v63  }
0x277: {  	s18 =	simm.s32 $0xC080  }
0x278: {  	[tilespmem:s18], [sflag:$0x1] =	stream.indirect_vreg.gather [hbm4b:s31+s6], $0x80, v9, vm0, $0xb8;
	[tilespmem:$0x1D880] =	vst v63  }
0x279: {  	s18 =	simm.s32 $0xC880  }
0x27a: {  	[tilespmem:s18], [sflag:$0x1] =	stream.indirect_vreg.gather [hbm4b:s2+s6], $0x80, v9, vm0, $0xb8;
	[tilespmem:$0x1D880] =	vst v63  }
0x27b: {  	s18 =	simm.s32 $0xD080  }
0x27c: {  	[tilespmem:s18], [sflag:$0x1] =	stream.indirect_vreg.gather [hbm4b:s3+s6], $0x80, v9, vm0, $0xb8;
	[tilespmem:$0x1D880] =	vst v63  }
0x27d: {  	v9 =	vld [tilespmem:$0x11C0];
	_ =	sdelay $0x4  }
0x27e: {  	v10 =	vshll.u32 v9, $0x3  }
0x27f: {  	v9 =	vand.u32 $0x7, v9;
	v10 =	vand.u32 $0xFFFFFFC0, v10  }
0x280: {  	v9 =	vor.u32 v9, v10  }
0x281: {  	v10 =	vperm.xlane v9, v6;
	_ =	sdelay $0x1  }
0x282: {  	v10 =	vadd.s32 v7, v10;
	_ =	sdelay $0x3  }
0x283: {  	s18 =	simm.s32 $0xD880  }
0x284: {  	[tilespmem:s18], [sflag:$0x1] =	stream.indirect_vreg.gather [hbm4b:s0+s6], $0x80, v10, vm0, $0xb8;
	[tilespmem:$0x1D880] =	vst v63  }
0x285: {  	v9 =	vperm.xlane v9, v8;
	s18 =	simm.s32 $0xE080  }
0x286: {  	[tilespmem:s18], [sflag:$0x1] =	stream.indirect_vreg.gather [hbm4b:s31+s6], $0x80, v10, vm0, $0xb8;
	[tilespmem:$0x1D880] =	vst v63  }
0x287: {  	v9 =	vadd.s32 v7, v9;
	s18 =	simm.s32 $0xE880  }
0x288: {  	[tilespmem:s18], [sflag:$0x1] =	stream.indirect_vreg.gather [hbm4b:s2+s6], $0x80, v10, vm0, $0xb8;
	[tilespmem:$0x1D880] =	vst v63  }
0x289: {  	s26 =	simm.s32 $0xF080  }
0x28a: {  	[tilespmem:s26], [sflag:$0x1] =	stream.indirect_vreg.gather [hbm4b:s3+s6], $0x80, v10, vm0, $0xb8;
	[tilespmem:$0x1D880] =	vst v63  }
0x28b: {  	s18 =	simm.s32 $0xF880  }
0x28c: {  	[tilespmem:s18], [sflag:$0x1] =	stream.indirect_vreg.gather [hbm4b:s0+s6], $0x80, v9, vm0, $0xb8;
	[tilespmem:$0x1D880] =	vst v63  }
0x28d: {  	s18 =	simm.s32 $0x10080  }
0x28e: {  	[tilespmem:s18], [sflag:$0x1] =	stream.indirect_vreg.gather [hbm4b:s31+s6], $0x80, v9, vm0, $0xb8;
	[tilespmem:$0x1D880] =	vst v63  }
0x28f: {  	s18 =	simm.s32 $0x10880  }
0x290: {  	[tilespmem:s18], [sflag:$0x1] =	stream.indirect_vreg.gather [hbm4b:s2+s6], $0x80, v9, vm0, $0xb8;
	[tilespmem:$0x1D880] =	vst v63  }
0x291: {  	s18 =	simm.s32 $0x11080  }
0x292: {  	[tilespmem:s18], [sflag:$0x1] =	stream.indirect_vreg.gather [hbm4b:s3+s6], $0x80, v9, vm0, $0xb8;
	[tilespmem:$0x1D880] =	vst v63  }
0x293: {  	_ =	swait.ge [sflag:s28], $0xC000  }
0x294: {  	[sflag:s28] =	ssyncset.done $0x0  }
0x295: {  	s18 =	rddreg [dreg:$0xa];
	[sflag:s28] =	ssyncadd.s32 $0xFFFF4000  }
0x296: {  	[hbm4b:s18+s6] =	stream.linear.scatter [tilespmem:s30], [sflag:$0x4], $0xC000, $0x38;
	[tilespmem:$0x1D880] =	vst v63  }
0x297: {  	_ =	swait.ge [sflag:s29], $0xC000  }
0x298: {  	[sflag:s29] =	ssyncset.done $0x0  }
0x299: {  	[sflag:s29] =	ssyncadd.s32 $0xFFFF4000  }
0x29a: {  	v9 =	vld [tilespmem:$0x11D0];
	_ =	sdelay $0x4  }
0x29b: {  	v10 =	vshll.u32 v9, $0x3  }
0x29c: {  	v9 =	vand.u32 $0x7, v9;
	v10 =	vand.u32 $0xFFFFFFC0, v10  }
0x29d: {  	v9 =	vor.u32 v9, v10  }
0x29e: {  	v10 =	vperm.xlane v9, v6;
	_ =	sdelay $0x1  }
0x29f: {  	v10 =	vadd.s32 v7, v10;
	_ =	sdelay $0x4  }
0x2a0: {  	[tilespmem:s30], [sflag:$0x2] =	stream.indirect_vreg.gather [hbm4b:s0+s6], $0x80, v10, vm0, $0xb8;
	[tilespmem:$0x1D880] =	vst v63  }
0x2a1: {  	s18 =	simm.s32 $0x12080;
	v9 =	vperm.xlane v9, v8  }
0x2a2: {  	[tilespmem:s18], [sflag:$0x2] =	stream.indirect_vreg.gather [hbm4b:s31+s6], $0x80, v10, vm0, $0xb8;
	[tilespmem:$0x1D880] =	vst v63  }
0x2a3: {  	v9 =	vadd.s32 v7, v9;
	s18 =	simm.s32 $0x12880  }
0x2a4: {  	[tilespmem:s18], [sflag:$0x2] =	stream.indirect_vreg.gather [hbm4b:s2+s6], $0x80, v10, vm0, $0xb8;
	[tilespmem:$0x1D880] =	vst v63  }
0x2a5: {  	s18 =	simm.s32 $0x13080  }
0x2a6: {  	[tilespmem:s18], [sflag:$0x2] =	stream.indirect_vreg.gather [hbm4b:s3+s6], $0x80, v10, vm0, $0xb8;
	[tilespmem:$0x1D880] =	vst v63  }
0x2a7: {  	s18 =	simm.s32 $0x13880  }
0x2a8: {  	[tilespmem:s18], [sflag:$0x2] =	stream.indirect_vreg.gather [hbm4b:s0+s6], $0x80, v9, vm0, $0xb8;
	[tilespmem:$0x1D880] =	vst v63  }
0x2a9: {  	s18 =	simm.s32 $0x14080  }
0x2aa: {  	[tilespmem:s18], [sflag:$0x2] =	stream.indirect_vreg.gather [hbm4b:s31+s6], $0x80, v9, vm0, $0xb8;
	[tilespmem:$0x1D880] =	vst v63  }
0x2ab: {  	s18 =	simm.s32 $0x14880  }
0x2ac: {  	[tilespmem:s18], [sflag:$0x2] =	stream.indirect_vreg.gather [hbm4b:s2+s6], $0x80, v9, vm0, $0xb8;
	[tilespmem:$0x1D880] =	vst v63  }
0x2ad: {  	s18 =	simm.s32 $0x15080  }
0x2ae: {  	[tilespmem:s18], [sflag:$0x2] =	stream.indirect_vreg.gather [hbm4b:s3+s6], $0x80, v9, vm0, $0xb8;
	[tilespmem:$0x1D880] =	vst v63  }
0x2af: {  	v9 =	vld [tilespmem:$0x11E0];
	_ =	sdelay $0x4  }
0x2b0: {  	v10 =	vshll.u32 v9, $0x3  }
0x2b1: {  	v9 =	vand.u32 $0x7, v9;
	v10 =	vand.u32 $0xFFFFFFC0, v10  }
0x2b2: {  	v9 =	vor.u32 v9, v10  }
0x2b3: {  	v10 =	vperm.xlane v9, v6;
	_ =	sdelay $0x1  }
0x2b4: {  	v10 =	vadd.s32 v7, v10;
	_ =	sdelay $0x3  }
0x2b5: {  	s18 =	simm.s32 $0x15880  }
0x2b6: {  	[tilespmem:s18], [sflag:$0x2] =	stream.indirect_vreg.gather [hbm4b:s0+s6], $0x80, v10, vm0, $0xb8;
	[tilespmem:$0x1D880] =	vst v63  }
0x2b7: {  	v9 =	vperm.xlane v9, v8;
	s18 =	simm.s32 $0x16080  }
0x2b8: {  	[tilespmem:s18], [sflag:$0x2] =	stream.indirect_vreg.gather [hbm4b:s31+s6], $0x80, v10, vm0, $0xb8;
	[tilespmem:$0x1D880] =	vst v63  }
0x2b9: {  	v9 =	vadd.s32 v7, v9;
	s18 =	simm.s32 $0x16880  }
0x2ba: {  	[tilespmem:s18], [sflag:$0x2] =	stream.indirect_vreg.gather [hbm4b:s2+s6], $0x80, v10, vm0, $0xb8;
	[tilespmem:$0x1D880] =	vst v63  }
0x2bb: {  	s18 =	simm.s32 $0x17080  }
0x2bc: {  	[tilespmem:s18], [sflag:$0x2] =	stream.indirect_vreg.gather [hbm4b:s3+s6], $0x80, v10, vm0, $0xb8;
	[tilespmem:$0x1D880] =	vst v63  }
0x2bd: {  	s18 =	simm.s32 $0x17880  }
0x2be: {  	[tilespmem:s18], [sflag:$0x2] =	stream.indirect_vreg.gather [hbm4b:s0+s6], $0x80, v9, vm0, $0xb8;
	[tilespmem:$0x1D880] =	vst v63  }
0x2bf: {  	s18 =	simm.s32 $0x18080  }
0x2c0: {  	[tilespmem:s18], [sflag:$0x2] =	stream.indirect_vreg.gather [hbm4b:s31+s6], $0x80, v9, vm0, $0xb8;
	[tilespmem:$0x1D880] =	vst v63  }
0x2c1: {  	s18 =	simm.s32 $0x18880  }
0x2c2: {  	[tilespmem:s18], [sflag:$0x2] =	stream.indirect_vreg.gather [hbm4b:s2+s6], $0x80, v9, vm0, $0xb8;
	[tilespmem:$0x1D880] =	vst v63  }
0x2c3: {  	s18 =	simm.s32 $0x19080  }
0x2c4: {  	[tilespmem:s18], [sflag:$0x2] =	stream.indirect_vreg.gather [hbm4b:s3+s6], $0x80, v9, vm0, $0xb8;
	[tilespmem:$0x1D880] =	vst v63  }
0x2c5: {  	v9 =	vld [tilespmem:$0x11F0];
	_ =	sdelay $0x4  }
0x2c6: {  	v10 =	vshll.u32 v9, $0x3  }
0x2c7: {  	v9 =	vand.u32 $0x7, v9;
	v10 =	vand.u32 $0xFFFFFFC0, v10  }
0x2c8: {  	v9 =	vor.u32 v9, v10  }
0x2c9: {  	v10 =	vperm.xlane v9, v6;
	_ =	sdelay $0x1  }
0x2ca: {  	v10 =	vadd.s32 v7, v10;
	_ =	sdelay $0x3  }
0x2cb: {  	s18 =	simm.s32 $0x19880  }
0x2cc: {  	[tilespmem:s18], [sflag:$0x2] =	stream.indirect_vreg.gather [hbm4b:s0+s6], $0x80, v10, vm0, $0xb8;
	[tilespmem:$0x1D880] =	vst v63  }
0x2cd: {  	v9 =	vperm.xlane v9, v8;
	s18 =	simm.s32 $0x1A080  }
0x2ce: {  	[tilespmem:s18], [sflag:$0x2] =	stream.indirect_vreg.gather [hbm4b:s31+s6], $0x80, v10, vm0, $0xb8;
	[tilespmem:$0x1D880] =	vst v63  }
0x2cf: {  	v9 =	vadd.s32 v7, v9;
	s18 =	simm.s32 $0x1A880  }
0x2d0: {  	[tilespmem:s18], [sflag:$0x2] =	stream.indirect_vreg.gather [hbm4b:s2+s6], $0x80, v10, vm0, $0xb8;
	[tilespmem:$0x1D880] =	vst v63  }
0x2d1: {  	s18 =	simm.s32 $0x1B080  }
0x2d2: {  	[tilespmem:s18], [sflag:$0x2] =	stream.indirect_vreg.gather [hbm4b:s3+s6], $0x80, v10, vm0, $0xb8;
	[tilespmem:$0x1D880] =	vst v63  }
0x2d3: {  	s18 =	simm.s32 $0x1B880  }
0x2d4: {  	[tilespmem:s18], [sflag:$0x2] =	stream.indirect_vreg.gather [hbm4b:s0+s6], $0x80, v9, vm0, $0xb8;
	[tilespmem:$0x1D880] =	vst v63  }
0x2d5: {  	s18 =	simm.s32 $0x1C080  }
0x2d6: {  	[tilespmem:s18], [sflag:$0x2] =	stream.indirect_vreg.gather [hbm4b:s31+s6], $0x80, v9, vm0, $0xb8;
	[tilespmem:$0x1D880] =	vst v63  }
0x2d7: {  	s18 =	simm.s32 $0x1C880  }
0x2d8: {  	[tilespmem:s18], [sflag:$0x2] =	stream.indirect_vreg.gather [hbm4b:s2+s6], $0x80, v9, vm0, $0xb8;
	[tilespmem:$0x1D880] =	vst v63  }
0x2d9: {  	s18 =	simm.s32 $0x1D080  }
0x2da: {  	[tilespmem:s18], [sflag:$0x2] =	stream.indirect_vreg.gather [hbm4b:s3+s6], $0x80, v9, vm0, $0xb8;
	[tilespmem:$0x1D880] =	vst v63  }
0x2db: {  	_ =	swait.ge [sflag:s4], $0xC000  }
0x2dc: {  	[sflag:s4] =	ssyncset.done $0x0  }
0x2dd: {  	s18 =	rddreg [dreg:$0xb];
	[sflag:s4] =	ssyncadd.s32 $0xFFFF4000  }
0x2de: {  	[hbm4b:s18+s6] =	stream.linear.scatter [tilespmem:s17], [sflag:$0x3], $0xC000, $0x38;
	[tilespmem:$0x1D880] =	vst v63  }
0x2df: {  	_ =	swait.ge [sflag:s5], $0xC000  }
0x2e0: {  	[sflag:s5] =	ssyncset.done $0x0  }
0x2e1: {  	[sflag:s5] =	ssyncadd.s32 $0xFFFF4000  }
0x2e2: {  	v9 =	vld [tilespmem:$0x1200];
	_ =	sdelay $0x4  }
0x2e3: {  	v10 =	vshll.u32 v9, $0x3  }
0x2e4: {  	v9 =	vand.u32 $0x7, v9;
	v10 =	vand.u32 $0xFFFFFFC0, v10  }
0x2e5: {  	v9 =	vor.u32 v9, v10  }
0x2e6: {  	v10 =	vperm.xlane v9, v6;
	_ =	sdelay $0x1  }
0x2e7: {  	v10 =	vadd.s32 v7, v10;
	_ =	sdelay $0x4  }
0x2e8: {  	[tilespmem:s17], [sflag:$0x1] =	stream.indirect_vreg.gather [hbm4b:s0+s6], $0x80, v10, vm0, $0xb8;
	[tilespmem:$0x1D880] =	vst v63  }
0x2e9: {  	s18 =	simm.s32 $0x6080;
	v9 =	vperm.xlane v9, v8  }
0x2ea: {  	[tilespmem:s18], [sflag:$0x1] =	stream.indirect_vreg.gather [hbm4b:s31+s6], $0x80, v10, vm0, $0xb8;
	[tilespmem:$0x1D880] =	vst v63  }
0x2eb: {  	v9 =	vadd.s32 v7, v9  }
0x2ec: {  	[tilespmem:s19], [sflag:$0x1] =	stream.indirect_vreg.gather [hbm4b:s2+s6], $0x80, v10, vm0, $0xb8;
	[tilespmem:$0x1D880] =	vst v63  }
0x2ed: {  	_ = 	snop  }
0x2ee: {  	[tilespmem:s20], [sflag:$0x1] =	stream.indirect_vreg.gather [hbm4b:s3+s6], $0x80, v10, vm0, $0xb8;
	[tilespmem:$0x1D880] =	vst v63  }
0x2ef: {  	_ = 	snop  }
0x2f0: {  	[tilespmem:s22], [sflag:$0x1] =	stream.indirect_vreg.gather [hbm4b:s0+s6], $0x80, v9, vm0, $0xb8;
	[tilespmem:$0x1D880] =	vst v63  }
0x2f1: {  	_ = 	snop  }
0x2f2: {  	[tilespmem:s23], [sflag:$0x1] =	stream.indirect_vreg.gather [hbm4b:s31+s6], $0x80, v9, vm0, $0xb8;
	[tilespmem:$0x1D880] =	vst v63  }
0x2f3: {  	_ = 	snop  }
0x2f4: {  	[tilespmem:s24], [sflag:$0x1] =	stream.indirect_vreg.gather [hbm4b:s2+s6], $0x80, v9, vm0, $0xb8;
	[tilespmem:$0x1D880] =	vst v63  }
0x2f5: {  	_ = 	snop  }
0x2f6: {  	[tilespmem:s25], [sflag:$0x1] =	stream.indirect_vreg.gather [hbm4b:s3+s6], $0x80, v9, vm0, $0xb8;
	[tilespmem:$0x1D880] =	vst v63  }
0x2f7: {  	v9 =	vld [tilespmem:$0x1210];
	_ =	sdelay $0x4  }
0x2f8: {  	v10 =	vshll.u32 v9, $0x3  }
0x2f9: {  	v9 =	vand.u32 $0x7, v9;
	v10 =	vand.u32 $0xFFFFFFC0, v10  }
0x2fa: {  	v9 =	vor.u32 v9, v10  }
0x2fb: {  	v10 =	vperm.xlane v9, v6;
	_ =	sdelay $0x1  }
0x2fc: {  	v10 =	vadd.s32 v7, v10;
	_ =	sdelay $0x3  }
0x2fd: {  	s18 =	simm.s32 $0x9880  }
0x2fe: {  	[tilespmem:s18], [sflag:$0x1] =	stream.indirect_vreg.gather [hbm4b:s0+s6], $0x80, v10, vm0, $0xb8;
	[tilespmem:$0x1D880] =	vst v63  }
0x2ff: {  	v9 =	vperm.xlane v9, v8;
	s18 =	simm.s32 $0xA080  }
0x300: {  	[tilespmem:s18], [sflag:$0x1] =	stream.indirect_vreg.gather [hbm4b:s31+s6], $0x80, v10, vm0, $0xb8;
	[tilespmem:$0x1D880] =	vst v63  }
0x301: {  	v9 =	vadd.s32 v7, v9;
	s18 =	simm.s32 $0xA880  }
0x302: {  	[tilespmem:s18], [sflag:$0x1] =	stream.indirect_vreg.gather [hbm4b:s2+s6], $0x80, v10, vm0, $0xb8;
	[tilespmem:$0x1D880] =	vst v63  }
0x303: {  	s18 =	simm.s32 $0xB080  }
0x304: {  	[tilespmem:s18], [sflag:$0x1] =	stream.indirect_vreg.gather [hbm4b:s3+s6], $0x80, v10, vm0, $0xb8;
	[tilespmem:$0x1D880] =	vst v63  }
0x305: {  	s18 =	simm.s32 $0xB880  }
0x306: {  	[tilespmem:s18], [sflag:$0x1] =	stream.indirect_vreg.gather [hbm4b:s0+s6], $0x80, v9, vm0, $0xb8;
	[tilespmem:$0x1D880] =	vst v63  }
0x307: {  	s18 =	simm.s32 $0xC080  }
0x308: {  	[tilespmem:s18], [sflag:$0x1] =	stream.indirect_vreg.gather [hbm4b:s31+s6], $0x80, v9, vm0, $0xb8;
	[tilespmem:$0x1D880] =	vst v63  }
0x309: {  	s18 =	simm.s32 $0xC880  }
0x30a: {  	[tilespmem:s18], [sflag:$0x1] =	stream.indirect_vreg.gather [hbm4b:s2+s6], $0x80, v9, vm0, $0xb8;
	[tilespmem:$0x1D880] =	vst v63  }
0x30b: {  	s18 =	simm.s32 $0xD080  }
0x30c: {  	[tilespmem:s18], [sflag:$0x1] =	stream.indirect_vreg.gather [hbm4b:s3+s6], $0x80, v9, vm0, $0xb8;
	[tilespmem:$0x1D880] =	vst v63  }
0x30d: {  	v9 =	vld [tilespmem:$0x1220];
	_ =	sdelay $0x4  }
0x30e: {  	v10 =	vshll.u32 v9, $0x3  }
0x30f: {  	v9 =	vand.u32 $0x7, v9;
	v10 =	vand.u32 $0xFFFFFFC0, v10  }
0x310: {  	v9 =	vor.u32 v9, v10  }
0x311: {  	v10 =	vperm.xlane v9, v6;
	_ =	sdelay $0x1  }
0x312: {  	v10 =	vadd.s32 v7, v10;
	_ =	sdelay $0x3  }
0x313: {  	s18 =	simm.s32 $0xD880  }
0x314: {  	[tilespmem:s18], [sflag:$0x1] =	stream.indirect_vreg.gather [hbm4b:s0+s6], $0x80, v10, vm0, $0xb8;
	[tilespmem:$0x1D880] =	vst v63  }
0x315: {  	v9 =	vperm.xlane v9, v8;
	s18 =	simm.s32 $0xE080  }
0x316: {  	[tilespmem:s18], [sflag:$0x1] =	stream.indirect_vreg.gather [hbm4b:s31+s6], $0x80, v10, vm0, $0xb8;
	[tilespmem:$0x1D880] =	vst v63  }
0x317: {  	v9 =	vadd.s32 v7, v9;
	s18 =	simm.s32 $0xE880  }
0x318: {  	[tilespmem:s18], [sflag:$0x1] =	stream.indirect_vreg.gather [hbm4b:s2+s6], $0x80, v10, vm0, $0xb8;
	[tilespmem:$0x1D880] =	vst v63  }
0x319: {  	s26 =	simm.s32 $0xF080  }
0x31a: {  	[tilespmem:s26], [sflag:$0x1] =	stream.indirect_vreg.gather [hbm4b:s3+s6], $0x80, v10, vm0, $0xb8;
	[tilespmem:$0x1D880] =	vst v63  }
0x31b: {  	s18 =	simm.s32 $0xF880  }
0x31c: {  	[tilespmem:s18], [sflag:$0x1] =	stream.indirect_vreg.gather [hbm4b:s0+s6], $0x80, v9, vm0, $0xb8;
	[tilespmem:$0x1D880] =	vst v63  }
0x31d: {  	s18 =	simm.s32 $0x10080  }
0x31e: {  	[tilespmem:s18], [sflag:$0x1] =	stream.indirect_vreg.gather [hbm4b:s31+s6], $0x80, v9, vm0, $0xb8;
	[tilespmem:$0x1D880] =	vst v63  }
0x31f: {  	s18 =	simm.s32 $0x10880  }
0x320: {  	[tilespmem:s18], [sflag:$0x1] =	stream.indirect_vreg.gather [hbm4b:s2+s6], $0x80, v9, vm0, $0xb8;
	[tilespmem:$0x1D880] =	vst v63  }
0x321: {  	s18 =	simm.s32 $0x11080  }
0x322: {  	[tilespmem:s18], [sflag:$0x1] =	stream.indirect_vreg.gather [hbm4b:s3+s6], $0x80, v9, vm0, $0xb8;
	[tilespmem:$0x1D880] =	vst v63  }
0x323: {  	_ =	swait.ge [sflag:s28], $0xC000  }
0x324: {  	[sflag:s28] =	ssyncset.done $0x0  }
0x325: {  	s18 =	rddreg [dreg:$0xc];
	[sflag:s28] =	ssyncadd.s32 $0xFFFF4000  }
0x326: {  	[hbm4b:s18+s6] =	stream.linear.scatter [tilespmem:s30], [sflag:$0x4], $0xC000, $0x38;
	[tilespmem:$0x1D880] =	vst v63  }
0x327: {  	_ =	swait.ge [sflag:s29], $0xC000  }
0x328: {  	[sflag:s29] =	ssyncset.done $0x0  }
0x329: {  	[sflag:s29] =	ssyncadd.s32 $0xFFFF4000  }
0x32a: {  	v9 =	vld [tilespmem:$0x1230];
	_ =	sdelay $0x4  }
0x32b: {  	v10 =	vshll.u32 v9, $0x3  }
0x32c: {  	v9 =	vand.u32 $0x7, v9;
	v10 =	vand.u32 $0xFFFFFFC0, v10  }
0x32d: {  	v9 =	vor.u32 v9, v10  }
0x32e: {  	v10 =	vperm.xlane v9, v6;
	_ =	sdelay $0x1  }
0x32f: {  	v10 =	vadd.s32 v7, v10;
	_ =	sdelay $0x4  }
0x330: {  	[tilespmem:s30], [sflag:$0x2] =	stream.indirect_vreg.gather [hbm4b:s0+s6], $0x80, v10, vm0, $0xb8;
	[tilespmem:$0x1D880] =	vst v63  }
0x331: {  	s18 =	simm.s32 $0x12080;
	v9 =	vperm.xlane v9, v8  }
0x332: {  	[tilespmem:s18], [sflag:$0x2] =	stream.indirect_vreg.gather [hbm4b:s31+s6], $0x80, v10, vm0, $0xb8;
	[tilespmem:$0x1D880] =	vst v63  }
0x333: {  	v9 =	vadd.s32 v7, v9;
	s18 =	simm.s32 $0x12880  }
0x334: {  	[tilespmem:s18], [sflag:$0x2] =	stream.indirect_vreg.gather [hbm4b:s2+s6], $0x80, v10, vm0, $0xb8;
	[tilespmem:$0x1D880] =	vst v63  }
0x335: {  	s18 =	simm.s32 $0x13080  }
0x336: {  	[tilespmem:s18], [sflag:$0x2] =	stream.indirect_vreg.gather [hbm4b:s3+s6], $0x80, v10, vm0, $0xb8;
	[tilespmem:$0x1D880] =	vst v63  }
0x337: {  	s18 =	simm.s32 $0x13880  }
0x338: {  	[tilespmem:s18], [sflag:$0x2] =	stream.indirect_vreg.gather [hbm4b:s0+s6], $0x80, v9, vm0, $0xb8;
	[tilespmem:$0x1D880] =	vst v63  }
0x339: {  	s18 =	simm.s32 $0x14080  }
0x33a: {  	[tilespmem:s18], [sflag:$0x2] =	stream.indirect_vreg.gather [hbm4b:s31+s6], $0x80, v9, vm0, $0xb8;
	[tilespmem:$0x1D880] =	vst v63  }
0x33b: {  	s18 =	simm.s32 $0x14880  }
0x33c: {  	[tilespmem:s18], [sflag:$0x2] =	stream.indirect_vreg.gather [hbm4b:s2+s6], $0x80, v9, vm0, $0xb8;
	[tilespmem:$0x1D880] =	vst v63  }
0x33d: {  	s18 =	simm.s32 $0x15080  }
0x33e: {  	[tilespmem:s18], [sflag:$0x2] =	stream.indirect_vreg.gather [hbm4b:s3+s6], $0x80, v9, vm0, $0xb8;
	[tilespmem:$0x1D880] =	vst v63  }
0x33f: {  	v9 =	vld [tilespmem:$0x1240];
	_ =	sdelay $0x4  }
0x340: {  	v10 =	vshll.u32 v9, $0x3  }
0x341: {  	v9 =	vand.u32 $0x7, v9;
	v10 =	vand.u32 $0xFFFFFFC0, v10  }
0x342: {  	v9 =	vor.u32 v9, v10  }
0x343: {  	v10 =	vperm.xlane v9, v6;
	_ =	sdelay $0x1  }
0x344: {  	v10 =	vadd.s32 v7, v10;
	_ =	sdelay $0x3  }
0x345: {  	s18 =	simm.s32 $0x15880  }
0x346: {  	[tilespmem:s18], [sflag:$0x2] =	stream.indirect_vreg.gather [hbm4b:s0+s6], $0x80, v10, vm0, $0xb8;
	[tilespmem:$0x1D880] =	vst v63  }
0x347: {  	v9 =	vperm.xlane v9, v8;
	s18 =	simm.s32 $0x16080  }
0x348: {  	[tilespmem:s18], [sflag:$0x2] =	stream.indirect_vreg.gather [hbm4b:s31+s6], $0x80, v10, vm0, $0xb8;
	[tilespmem:$0x1D880] =	vst v63  }
0x349: {  	v9 =	vadd.s32 v7, v9;
	s18 =	simm.s32 $0x16880  }
0x34a: {  	[tilespmem:s18], [sflag:$0x2] =	stream.indirect_vreg.gather [hbm4b:s2+s6], $0x80, v10, vm0, $0xb8;
	[tilespmem:$0x1D880] =	vst v63  }
0x34b: {  	s18 =	simm.s32 $0x17080  }
0x34c: {  	[tilespmem:s18], [sflag:$0x2] =	stream.indirect_vreg.gather [hbm4b:s3+s6], $0x80, v10, vm0, $0xb8;
	[tilespmem:$0x1D880] =	vst v63  }
0x34d: {  	s18 =	simm.s32 $0x17880  }
0x34e: {  	[tilespmem:s18], [sflag:$0x2] =	stream.indirect_vreg.gather [hbm4b:s0+s6], $0x80, v9, vm0, $0xb8;
	[tilespmem:$0x1D880] =	vst v63  }
0x34f: {  	s18 =	simm.s32 $0x18080  }
0x350: {  	[tilespmem:s18], [sflag:$0x2] =	stream.indirect_vreg.gather [hbm4b:s31+s6], $0x80, v9, vm0, $0xb8;
	[tilespmem:$0x1D880] =	vst v63  }
0x351: {  	s18 =	simm.s32 $0x18880  }
0x352: {  	[tilespmem:s18], [sflag:$0x2] =	stream.indirect_vreg.gather [hbm4b:s2+s6], $0x80, v9, vm0, $0xb8;
	[tilespmem:$0x1D880] =	vst v63  }
0x353: {  	s18 =	simm.s32 $0x19080  }
0x354: {  	[tilespmem:s18], [sflag:$0x2] =	stream.indirect_vreg.gather [hbm4b:s3+s6], $0x80, v9, vm0, $0xb8;
	[tilespmem:$0x1D880] =	vst v63  }
0x355: {  	v9 =	vld [tilespmem:$0x1250];
	_ =	sdelay $0x4  }
0x356: {  	v10 =	vshll.u32 v9, $0x3  }
0x357: {  	v9 =	vand.u32 $0x7, v9;
	v10 =	vand.u32 $0xFFFFFFC0, v10  }
0x358: {  	v9 =	vor.u32 v9, v10  }
0x359: {  	v10 =	vperm.xlane v9, v6;
	_ =	sdelay $0x1  }
0x35a: {  	v10 =	vadd.s32 v7, v10;
	_ =	sdelay $0x3  }
0x35b: {  	s18 =	simm.s32 $0x19880  }
0x35c: {  	[tilespmem:s18], [sflag:$0x2] =	stream.indirect_vreg.gather [hbm4b:s0+s6], $0x80, v10, vm0, $0xb8;
	[tilespmem:$0x1D880] =	vst v63  }
0x35d: {  	v9 =	vperm.xlane v9, v8;
	s18 =	simm.s32 $0x1A080  }
0x35e: {  	[tilespmem:s18], [sflag:$0x2] =	stream.indirect_vreg.gather [hbm4b:s31+s6], $0x80, v10, vm0, $0xb8;
	[tilespmem:$0x1D880] =	vst v63  }
0x35f: {  	v9 =	vadd.s32 v7, v9;
	s18 =	simm.s32 $0x1A880  }
0x360: {  	[tilespmem:s18], [sflag:$0x2] =	stream.indirect_vreg.gather [hbm4b:s2+s6], $0x80, v10, vm0, $0xb8;
	[tilespmem:$0x1D880] =	vst v63  }
0x361: {  	s18 =	simm.s32 $0x1B080  }
0x362: {  	[tilespmem:s18], [sflag:$0x2] =	stream.indirect_vreg.gather [hbm4b:s3+s6], $0x80, v10, vm0, $0xb8;
	[tilespmem:$0x1D880] =	vst v63  }
0x363: {  	s18 =	simm.s32 $0x1B880  }
0x364: {  	[tilespmem:s18], [sflag:$0x2] =	stream.indirect_vreg.gather [hbm4b:s0+s6], $0x80, v9, vm0, $0xb8;
	[tilespmem:$0x1D880] =	vst v63  }
0x365: {  	s18 =	simm.s32 $0x1C080  }
0x366: {  	[tilespmem:s18], [sflag:$0x2] =	stream.indirect_vreg.gather [hbm4b:s31+s6], $0x80, v9, vm0, $0xb8;
	[tilespmem:$0x1D880] =	vst v63  }
0x367: {  	s18 =	simm.s32 $0x1C880  }
0x368: {  	[tilespmem:s18], [sflag:$0x2] =	stream.indirect_vreg.gather [hbm4b:s2+s6], $0x80, v9, vm0, $0xb8;
	[tilespmem:$0x1D880] =	vst v63  }
0x369: {  	s18 =	simm.s32 $0x1D080  }
0x36a: {  	[tilespmem:s18], [sflag:$0x2] =	stream.indirect_vreg.gather [hbm4b:s3+s6], $0x80, v9, vm0, $0xb8;
	[tilespmem:$0x1D880] =	vst v63  }
0x36b: {  	_ =	swait.ge [sflag:s4], $0xC000  }
0x36c: {  	[sflag:s4] =	ssyncset.done $0x0  }
0x36d: {  	s18 =	rddreg [dreg:$0xd];
	[sflag:s4] =	ssyncadd.s32 $0xFFFF4000  }
0x36e: {  	[hbm4b:s18+s6] =	stream.linear.scatter [tilespmem:s17], [sflag:$0x3], $0xC000, $0x38;
	[tilespmem:$0x1D880] =	vst v63  }
0x36f: {  	_ =	swait.ge [sflag:s5], $0xC000  }
0x370: {  	[sflag:s5] =	ssyncset.done $0x0  }
0x371: {  	[sflag:s5] =	ssyncadd.s32 $0xFFFF4000  }
0x372: {  	v9 =	vld [tilespmem:$0x1260];
	_ =	sdelay $0x4  }
0x373: {  	v10 =	vshll.u32 v9, $0x3  }
0x374: {  	v9 =	vand.u32 $0x7, v9;
	v10 =	vand.u32 $0xFFFFFFC0, v10  }
0x375: {  	v9 =	vor.u32 v9, v10  }
0x376: {  	v10 =	vperm.xlane v9, v6;
	_ =	sdelay $0x1  }
0x377: {  	v10 =	vadd.s32 v7, v10;
	_ =	sdelay $0x4  }
0x378: {  	[tilespmem:s17], [sflag:$0x1] =	stream.indirect_vreg.gather [hbm4b:s0+s6], $0x80, v10, vm0, $0xb8;
	[tilespmem:$0x1D880] =	vst v63  }
0x379: {  	s18 =	simm.s32 $0x6080;
	v9 =	vperm.xlane v9, v8  }
0x37a: {  	[tilespmem:s18], [sflag:$0x1] =	stream.indirect_vreg.gather [hbm4b:s31+s6], $0x80, v10, vm0, $0xb8;
	[tilespmem:$0x1D880] =	vst v63  }
0x37b: {  	v9 =	vadd.s32 v7, v9  }
0x37c: {  	[tilespmem:s19], [sflag:$0x1] =	stream.indirect_vreg.gather [hbm4b:s2+s6], $0x80, v10, vm0, $0xb8;
	[tilespmem:$0x1D880] =	vst v63  }
0x37d: {  	_ = 	snop  }
0x37e: {  	[tilespmem:s20], [sflag:$0x1] =	stream.indirect_vreg.gather [hbm4b:s3+s6], $0x80, v10, vm0, $0xb8;
	[tilespmem:$0x1D880] =	vst v63  }
0x37f: {  	_ = 	snop  }
0x380: {  	[tilespmem:s22], [sflag:$0x1] =	stream.indirect_vreg.gather [hbm4b:s0+s6], $0x80, v9, vm0, $0xb8;
	[tilespmem:$0x1D880] =	vst v63  }
0x381: {  	_ = 	snop  }
0x382: {  	[tilespmem:s23], [sflag:$0x1] =	stream.indirect_vreg.gather [hbm4b:s31+s6], $0x80, v9, vm0, $0xb8;
	[tilespmem:$0x1D880] =	vst v63  }
0x383: {  	_ = 	snop  }
0x384: {  	[tilespmem:s24], [sflag:$0x1] =	stream.indirect_vreg.gather [hbm4b:s2+s6], $0x80, v9, vm0, $0xb8;
	[tilespmem:$0x1D880] =	vst v63  }
0x385: {  	_ = 	snop  }
0x386: {  	[tilespmem:s25], [sflag:$0x1] =	stream.indirect_vreg.gather [hbm4b:s3+s6], $0x80, v9, vm0, $0xb8;
	[tilespmem:$0x1D880] =	vst v63  }
0x387: {  	v9 =	vld [tilespmem:$0x1270];
	_ =	sdelay $0x4  }
0x388: {  	v10 =	vshll.u32 v9, $0x3  }
0x389: {  	v9 =	vand.u32 $0x7, v9;
	v10 =	vand.u32 $0xFFFFFFC0, v10  }
0x38a: {  	v9 =	vor.u32 v9, v10  }
0x38b: {  	v10 =	vperm.xlane v9, v6;
	_ =	sdelay $0x1  }
0x38c: {  	v10 =	vadd.s32 v7, v10;
	_ =	sdelay $0x3  }
0x38d: {  	s18 =	simm.s32 $0x9880  }
0x38e: {  	[tilespmem:s18], [sflag:$0x1] =	stream.indirect_vreg.gather [hbm4b:s0+s6], $0x80, v10, vm0, $0xb8;
	[tilespmem:$0x1D880] =	vst v63  }
0x38f: {  	v9 =	vperm.xlane v9, v8;
	s18 =	simm.s32 $0xA080  }
0x390: {  	[tilespmem:s18], [sflag:$0x1] =	stream.indirect_vreg.gather [hbm4b:s31+s6], $0x80, v10, vm0, $0xb8;
	[tilespmem:$0x1D880] =	vst v63  }
0x391: {  	v9 =	vadd.s32 v7, v9;
	s18 =	simm.s32 $0xA880  }
0x392: {  	[tilespmem:s18], [sflag:$0x1] =	stream.indirect_vreg.gather [hbm4b:s2+s6], $0x80, v10, vm0, $0xb8;
	[tilespmem:$0x1D880] =	vst v63  }
0x393: {  	s18 =	simm.s32 $0xB080  }
0x394: {  	[tilespmem:s18], [sflag:$0x1] =	stream.indirect_vreg.gather [hbm4b:s3+s6], $0x80, v10, vm0, $0xb8;
	[tilespmem:$0x1D880] =	vst v63  }
0x395: {  	s18 =	simm.s32 $0xB880  }
0x396: {  	[tilespmem:s18], [sflag:$0x1] =	stream.indirect_vreg.gather [hbm4b:s0+s6], $0x80, v9, vm0, $0xb8;
	[tilespmem:$0x1D880] =	vst v63  }
0x397: {  	s18 =	simm.s32 $0xC080  }
0x398: {  	[tilespmem:s18], [sflag:$0x1] =	stream.indirect_vreg.gather [hbm4b:s31+s6], $0x80, v9, vm0, $0xb8;
	[tilespmem:$0x1D880] =	vst v63  }
0x399: {  	s18 =	simm.s32 $0xC880  }
0x39a: {  	[tilespmem:s18], [sflag:$0x1] =	stream.indirect_vreg.gather [hbm4b:s2+s6], $0x80, v9, vm0, $0xb8;
	[tilespmem:$0x1D880] =	vst v63  }
0x39b: {  	s18 =	simm.s32 $0xD080  }
0x39c: {  	[tilespmem:s18], [sflag:$0x1] =	stream.indirect_vreg.gather [hbm4b:s3+s6], $0x80, v9, vm0, $0xb8;
	[tilespmem:$0x1D880] =	vst v63  }
0x39d: {  	v9 =	vld [tilespmem:$0x1280];
	_ =	sdelay $0x4  }
0x39e: {  	v10 =	vshll.u32 v9, $0x3  }
0x39f: {  	v9 =	vand.u32 $0x7, v9;
	v10 =	vand.u32 $0xFFFFFFC0, v10  }
0x3a0: {  	v9 =	vor.u32 v9, v10  }
0x3a1: {  	v10 =	vperm.xlane v9, v6;
	_ =	sdelay $0x1  }
0x3a2: {  	v10 =	vadd.s32 v7, v10;
	_ =	sdelay $0x3  }
0x3a3: {  	s18 =	simm.s32 $0xD880  }
0x3a4: {  	[tilespmem:s18], [sflag:$0x1] =	stream.indirect_vreg.gather [hbm4b:s0+s6], $0x80, v10, vm0, $0xb8;
	[tilespmem:$0x1D880] =	vst v63  }
0x3a5: {  	v9 =	vperm.xlane v9, v8;
	s18 =	simm.s32 $0xE080  }
0x3a6: {  	[tilespmem:s18], [sflag:$0x1] =	stream.indirect_vreg.gather [hbm4b:s31+s6], $0x80, v10, vm0, $0xb8;
	[tilespmem:$0x1D880] =	vst v63  }
0x3a7: {  	v9 =	vadd.s32 v7, v9;
	s18 =	simm.s32 $0xE880  }
0x3a8: {  	[tilespmem:s18], [sflag:$0x1] =	stream.indirect_vreg.gather [hbm4b:s2+s6], $0x80, v10, vm0, $0xb8;
	[tilespmem:$0x1D880] =	vst v63  }
0x3a9: {  	s26 =	simm.s32 $0xF080  }
0x3aa: {  	[tilespmem:s26], [sflag:$0x1] =	stream.indirect_vreg.gather [hbm4b:s3+s6], $0x80, v10, vm0, $0xb8;
	[tilespmem:$0x1D880] =	vst v63  }
0x3ab: {  	s18 =	simm.s32 $0xF880  }
0x3ac: {  	[tilespmem:s18], [sflag:$0x1] =	stream.indirect_vreg.gather [hbm4b:s0+s6], $0x80, v9, vm0, $0xb8;
	[tilespmem:$0x1D880] =	vst v63  }
0x3ad: {  	s18 =	simm.s32 $0x10080  }
0x3ae: {  	[tilespmem:s18], [sflag:$0x1] =	stream.indirect_vreg.gather [hbm4b:s31+s6], $0x80, v9, vm0, $0xb8;
	[tilespmem:$0x1D880] =	vst v63  }
0x3af: {  	s18 =	simm.s32 $0x10880  }
0x3b0: {  	[tilespmem:s18], [sflag:$0x1] =	stream.indirect_vreg.gather [hbm4b:s2+s6], $0x80, v9, vm0, $0xb8;
	[tilespmem:$0x1D880] =	vst v63  }
0x3b1: {  	s18 =	simm.s32 $0x11080  }
0x3b2: {  	[tilespmem:s18], [sflag:$0x1] =	stream.indirect_vreg.gather [hbm4b:s3+s6], $0x80, v9, vm0, $0xb8;
	[tilespmem:$0x1D880] =	vst v63  }
0x3b3: {  	_ =	swait.ge [sflag:s28], $0xC000  }
0x3b4: {  	[sflag:s28] =	ssyncset.done $0x0  }
0x3b5: {  	s18 =	rddreg [dreg:$0xe];
	[sflag:s28] =	ssyncadd.s32 $0xFFFF4000  }
0x3b6: {  	[hbm4b:s18+s6] =	stream.linear.scatter [tilespmem:s30], [sflag:$0x4], $0xC000, $0x38;
	[tilespmem:$0x1D880] =	vst v63  }
0x3b7: {  	_ =	swait.ge [sflag:s29], $0xC000  }
0x3b8: {  	[sflag:s29] =	ssyncset.done $0x0  }
0x3b9: {  	[sflag:s29] =	ssyncadd.s32 $0xFFFF4000  }
0x3ba: {  	v9 =	vld [tilespmem:$0x1290];
	_ =	sdelay $0x4  }
0x3bb: {  	v10 =	vshll.u32 v9, $0x3  }
0x3bc: {  	v9 =	vand.u32 $0x7, v9;
	v10 =	vand.u32 $0xFFFFFFC0, v10  }
0x3bd: {  	v9 =	vor.u32 v9, v10  }
0x3be: {  	v10 =	vperm.xlane v9, v6;
	_ =	sdelay $0x1  }
0x3bf: {  	v10 =	vadd.s32 v7, v10;
	_ =	sdelay $0x4  }
0x3c0: {  	[tilespmem:s30], [sflag:$0x2] =	stream.indirect_vreg.gather [hbm4b:s0+s6], $0x80, v10, vm0, $0xb8;
	[tilespmem:$0x1D880] =	vst v63  }
0x3c1: {  	s18 =	simm.s32 $0x12080;
	v9 =	vperm.xlane v9, v8  }
0x3c2: {  	[tilespmem:s18], [sflag:$0x2] =	stream.indirect_vreg.gather [hbm4b:s31+s6], $0x80, v10, vm0, $0xb8;
	[tilespmem:$0x1D880] =	vst v63  }
0x3c3: {  	v9 =	vadd.s32 v7, v9;
	s18 =	simm.s32 $0x12880  }
0x3c4: {  	[tilespmem:s18], [sflag:$0x2] =	stream.indirect_vreg.gather [hbm4b:s2+s6], $0x80, v10, vm0, $0xb8;
	[tilespmem:$0x1D880] =	vst v63  }
0x3c5: {  	s18 =	simm.s32 $0x13080  }
0x3c6: {  	[tilespmem:s18], [sflag:$0x2] =	stream.indirect_vreg.gather [hbm4b:s3+s6], $0x80, v10, vm0, $0xb8;
	[tilespmem:$0x1D880] =	vst v63  }
0x3c7: {  	s18 =	simm.s32 $0x13880  }
0x3c8: {  	[tilespmem:s18], [sflag:$0x2] =	stream.indirect_vreg.gather [hbm4b:s0+s6], $0x80, v9, vm0, $0xb8;
	[tilespmem:$0x1D880] =	vst v63  }
0x3c9: {  	s18 =	simm.s32 $0x14080  }
0x3ca: {  	[tilespmem:s18], [sflag:$0x2] =	stream.indirect_vreg.gather [hbm4b:s31+s6], $0x80, v9, vm0, $0xb8;
	[tilespmem:$0x1D880] =	vst v63  }
0x3cb: {  	s18 =	simm.s32 $0x14880  }
0x3cc: {  	[tilespmem:s18], [sflag:$0x2] =	stream.indirect_vreg.gather [hbm4b:s2+s6], $0x80, v9, vm0, $0xb8;
	[tilespmem:$0x1D880] =	vst v63  }
0x3cd: {  	s18 =	simm.s32 $0x15080  }
0x3ce: {  	[tilespmem:s18], [sflag:$0x2] =	stream.indirect_vreg.gather [hbm4b:s3+s6], $0x80, v9, vm0, $0xb8;
	[tilespmem:$0x1D880] =	vst v63  }
0x3cf: {  	v9 =	vld [tilespmem:$0x12A0];
	_ =	sdelay $0x4  }
0x3d0: {  	v10 =	vshll.u32 v9, $0x3  }
0x3d1: {  	v9 =	vand.u32 $0x7, v9;
	v10 =	vand.u32 $0xFFFFFFC0, v10  }
0x3d2: {  	v9 =	vor.u32 v9, v10  }
0x3d3: {  	v10 =	vperm.xlane v9, v6;
	_ =	sdelay $0x1  }
0x3d4: {  	v10 =	vadd.s32 v7, v10;
	_ =	sdelay $0x3  }
0x3d5: {  	s18 =	simm.s32 $0x15880  }
0x3d6: {  	[tilespmem:s18], [sflag:$0x2] =	stream.indirect_vreg.gather [hbm4b:s0+s6], $0x80, v10, vm0, $0xb8;
	[tilespmem:$0x1D880] =	vst v63  }
0x3d7: {  	v9 =	vperm.xlane v9, v8;
	s18 =	simm.s32 $0x16080  }
0x3d8: {  	[tilespmem:s18], [sflag:$0x2] =	stream.indirect_vreg.gather [hbm4b:s31+s6], $0x80, v10, vm0, $0xb8;
	[tilespmem:$0x1D880] =	vst v63  }
0x3d9: {  	v9 =	vadd.s32 v7, v9;
	s18 =	simm.s32 $0x16880  }
0x3da: {  	[tilespmem:s18], [sflag:$0x2] =	stream.indirect_vreg.gather [hbm4b:s2+s6], $0x80, v10, vm0, $0xb8;
	[tilespmem:$0x1D880] =	vst v63  }
0x3db: {  	s18 =	simm.s32 $0x17080  }
0x3dc: {  	[tilespmem:s18], [sflag:$0x2] =	stream.indirect_vreg.gather [hbm4b:s3+s6], $0x80, v10, vm0, $0xb8;
	[tilespmem:$0x1D880] =	vst v63  }
0x3dd: {  	s18 =	simm.s32 $0x17880  }
0x3de: {  	[tilespmem:s18], [sflag:$0x2] =	stream.indirect_vreg.gather [hbm4b:s0+s6], $0x80, v9, vm0, $0xb8;
	[tilespmem:$0x1D880] =	vst v63  }
0x3df: {  	s18 =	simm.s32 $0x18080  }
0x3e0: {  	[tilespmem:s18], [sflag:$0x2] =	stream.indirect_vreg.gather [hbm4b:s31+s6], $0x80, v9, vm0, $0xb8;
	[tilespmem:$0x1D880] =	vst v63  }
0x3e1: {  	s18 =	simm.s32 $0x18880  }
0x3e2: {  	[tilespmem:s18], [sflag:$0x2] =	stream.indirect_vreg.gather [hbm4b:s2+s6], $0x80, v9, vm0, $0xb8;
	[tilespmem:$0x1D880] =	vst v63  }
0x3e3: {  	s18 =	simm.s32 $0x19080  }
0x3e4: {  	[tilespmem:s18], [sflag:$0x2] =	stream.indirect_vreg.gather [hbm4b:s3+s6], $0x80, v9, vm0, $0xb8;
	[tilespmem:$0x1D880] =	vst v63  }
0x3e5: {  	v9 =	vld [tilespmem:$0x12B0];
	_ =	sdelay $0x4  }
0x3e6: {  	v10 =	vshll.u32 v9, $0x3  }
0x3e7: {  	v9 =	vand.u32 $0x7, v9;
	v10 =	vand.u32 $0xFFFFFFC0, v10  }
0x3e8: {  	v9 =	vor.u32 v9, v10  }
0x3e9: {  	v10 =	vperm.xlane v9, v6;
	_ =	sdelay $0x1  }
0x3ea: {  	v10 =	vadd.s32 v7, v10;
	_ =	sdelay $0x3  }
0x3eb: {  	s18 =	simm.s32 $0x19880  }
0x3ec: {  	[tilespmem:s18], [sflag:$0x2] =	stream.indirect_vreg.gather [hbm4b:s0+s6], $0x80, v10, vm0, $0xb8;
	[tilespmem:$0x1D880] =	vst v63  }
0x3ed: {  	v9 =	vperm.xlane v9, v8;
	s18 =	simm.s32 $0x1A080  }
0x3ee: {  	[tilespmem:s18], [sflag:$0x2] =	stream.indirect_vreg.gather [hbm4b:s31+s6], $0x80, v10, vm0, $0xb8;
	[tilespmem:$0x1D880] =	vst v63  }
0x3ef: {  	v9 =	vadd.s32 v7, v9;
	s18 =	simm.s32 $0x1A880  }
0x3f0: {  	[tilespmem:s18], [sflag:$0x2] =	stream.indirect_vreg.gather [hbm4b:s2+s6], $0x80, v10, vm0, $0xb8;
	[tilespmem:$0x1D880] =	vst v63  }
0x3f1: {  	s18 =	simm.s32 $0x1B080  }
0x3f2: {  	[tilespmem:s18], [sflag:$0x2] =	stream.indirect_vreg.gather [hbm4b:s3+s6], $0x80, v10, vm0, $0xb8;
	[tilespmem:$0x1D880] =	vst v63  }
0x3f3: {  	s18 =	simm.s32 $0x1B880  }
0x3f4: {  	[tilespmem:s18], [sflag:$0x2] =	stream.indirect_vreg.gather [hbm4b:s0+s6], $0x80, v9, vm0, $0xb8;
	[tilespmem:$0x1D880] =	vst v63  }
0x3f5: {  	s18 =	simm.s32 $0x1C080  }
0x3f6: {  	[tilespmem:s18], [sflag:$0x2] =	stream.indirect_vreg.gather [hbm4b:s31+s6], $0x80, v9, vm0, $0xb8;
	[tilespmem:$0x1D880] =	vst v63  }
0x3f7: {  	s18 =	simm.s32 $0x1C880  }
0x3f8: {  	[tilespmem:s18], [sflag:$0x2] =	stream.indirect_vreg.gather [hbm4b:s2+s6], $0x80, v9, vm0, $0xb8;
	[tilespmem:$0x1D880] =	vst v63  }
0x3f9: {  	s18 =	simm.s32 $0x1D080  }
0x3fa: {  	[tilespmem:s18], [sflag:$0x2] =	stream.indirect_vreg.gather [hbm4b:s3+s6], $0x80, v9, vm0, $0xb8;
	[tilespmem:$0x1D880] =	vst v63  }
0x3fb: {  	_ =	swait.ge [sflag:s4], $0xC000  }
0x3fc: {  	[sflag:s4] =	ssyncset.done $0x0  }
0x3fd: {  	s18 =	rddreg [dreg:$0xf];
	[sflag:s4] =	ssyncadd.s32 $0xFFFF4000  }
0x3fe: {  	[hbm4b:s18+s6] =	stream.linear.scatter [tilespmem:s17], [sflag:$0x3], $0xC000, $0x38;
	[tilespmem:$0x1D880] =	vst v63  }
0x3ff: {  	_ =	swait.ge [sflag:s5], $0xC000  }
0x400: {  	[sflag:s5] =	ssyncset.done $0x0  }
0x401: {  	[sflag:s5] =	ssyncadd.s32 $0xFFFF4000  }
0x402: {  	v9 =	vld [tilespmem:$0x12C0];
	_ =	sdelay $0x4  }
0x403: {  	v10 =	vshll.u32 v9, $0x3  }
0x404: {  	v9 =	vand.u32 $0x7, v9;
	v10 =	vand.u32 $0xFFFFFFC0, v10  }
0x405: {  	v9 =	vor.u32 v9, v10  }
0x406: {  	v10 =	vperm.xlane v9, v6;
	_ =	sdelay $0x1  }
0x407: {  	v10 =	vadd.s32 v7, v10;
	_ =	sdelay $0x4  }
0x408: {  	[tilespmem:s17], [sflag:$0x1] =	stream.indirect_vreg.gather [hbm4b:s0+s6], $0x80, v10, vm0, $0xb8;
	[tilespmem:$0x1D880] =	vst v63  }
0x409: {  	s18 =	simm.s32 $0x6080;
	v9 =	vperm.xlane v9, v8  }
0x40a: {  	[tilespmem:s18], [sflag:$0x1] =	stream.indirect_vreg.gather [hbm4b:s31+s6], $0x80, v10, vm0, $0xb8;
	[tilespmem:$0x1D880] =	vst v63  }
0x40b: {  	v9 =	vadd.s32 v7, v9  }
0x40c: {  	[tilespmem:s19], [sflag:$0x1] =	stream.indirect_vreg.gather [hbm4b:s2+s6], $0x80, v10, vm0, $0xb8;
	[tilespmem:$0x1D880] =	vst v63  }
0x40d: {  	_ = 	snop  }
0x40e: {  	[tilespmem:s20], [sflag:$0x1] =	stream.indirect_vreg.gather [hbm4b:s3+s6], $0x80, v10, vm0, $0xb8;
	[tilespmem:$0x1D880] =	vst v63  }
0x40f: {  	_ = 	snop  }
0x410: {  	[tilespmem:s22], [sflag:$0x1] =	stream.indirect_vreg.gather [hbm4b:s0+s6], $0x80, v9, vm0, $0xb8;
	[tilespmem:$0x1D880] =	vst v63  }
0x411: {  	_ = 	snop  }
0x412: {  	[tilespmem:s23], [sflag:$0x1] =	stream.indirect_vreg.gather [hbm4b:s31+s6], $0x80, v9, vm0, $0xb8;
	[tilespmem:$0x1D880] =	vst v63  }
0x413: {  	_ = 	snop  }
0x414: {  	[tilespmem:s24], [sflag:$0x1] =	stream.indirect_vreg.gather [hbm4b:s2+s6], $0x80, v9, vm0, $0xb8;
	[tilespmem:$0x1D880] =	vst v63  }
0x415: {  	_ = 	snop  }
0x416: {  	[tilespmem:s25], [sflag:$0x1] =	stream.indirect_vreg.gather [hbm4b:s3+s6], $0x80, v9, vm0, $0xb8;
	[tilespmem:$0x1D880] =	vst v63  }
0x417: {  	v9 =	vld [tilespmem:$0x12D0];
	_ =	sdelay $0x4  }
0x418: {  	v10 =	vshll.u32 v9, $0x3  }
0x419: {  	v9 =	vand.u32 $0x7, v9;
	v10 =	vand.u32 $0xFFFFFFC0, v10  }
0x41a: {  	v9 =	vor.u32 v9, v10  }
0x41b: {  	v10 =	vperm.xlane v9, v6;
	_ =	sdelay $0x1  }
0x41c: {  	v10 =	vadd.s32 v7, v10;
	_ =	sdelay $0x3  }
0x41d: {  	s18 =	simm.s32 $0x9880  }
0x41e: {  	[tilespmem:s18], [sflag:$0x1] =	stream.indirect_vreg.gather [hbm4b:s0+s6], $0x80, v10, vm0, $0xb8;
	[tilespmem:$0x1D880] =	vst v63  }
0x41f: {  	v9 =	vperm.xlane v9, v8;
	s18 =	simm.s32 $0xA080  }
0x420: {  	[tilespmem:s18], [sflag:$0x1] =	stream.indirect_vreg.gather [hbm4b:s31+s6], $0x80, v10, vm0, $0xb8;
	[tilespmem:$0x1D880] =	vst v63  }
0x421: {  	v9 =	vadd.s32 v7, v9;
	s18 =	simm.s32 $0xA880  }
0x422: {  	[tilespmem:s18], [sflag:$0x1] =	stream.indirect_vreg.gather [hbm4b:s2+s6], $0x80, v10, vm0, $0xb8;
	[tilespmem:$0x1D880] =	vst v63  }
0x423: {  	s18 =	simm.s32 $0xB080  }
0x424: {  	[tilespmem:s18], [sflag:$0x1] =	stream.indirect_vreg.gather [hbm4b:s3+s6], $0x80, v10, vm0, $0xb8;
	[tilespmem:$0x1D880] =	vst v63  }
0x425: {  	s18 =	simm.s32 $0xB880  }
0x426: {  	[tilespmem:s18], [sflag:$0x1] =	stream.indirect_vreg.gather [hbm4b:s0+s6], $0x80, v9, vm0, $0xb8;
	[tilespmem:$0x1D880] =	vst v63  }
0x427: {  	s18 =	simm.s32 $0xC080  }
0x428: {  	[tilespmem:s18], [sflag:$0x1] =	stream.indirect_vreg.gather [hbm4b:s31+s6], $0x80, v9, vm0, $0xb8;
	[tilespmem:$0x1D880] =	vst v63  }
0x429: {  	s18 =	simm.s32 $0xC880  }
0x42a: {  	[tilespmem:s18], [sflag:$0x1] =	stream.indirect_vreg.gather [hbm4b:s2+s6], $0x80, v9, vm0, $0xb8;
	[tilespmem:$0x1D880] =	vst v63  }
0x42b: {  	s18 =	simm.s32 $0xD080  }
0x42c: {  	[tilespmem:s18], [sflag:$0x1] =	stream.indirect_vreg.gather [hbm4b:s3+s6], $0x80, v9, vm0, $0xb8;
	[tilespmem:$0x1D880] =	vst v63  }
0x42d: {  	v9 =	vld [tilespmem:$0x12E0];
	_ =	sdelay $0x4  }
0x42e: {  	v10 =	vshll.u32 v9, $0x3  }
0x42f: {  	v9 =	vand.u32 $0x7, v9;
	v10 =	vand.u32 $0xFFFFFFC0, v10  }
0x430: {  	v9 =	vor.u32 v9, v10  }
0x431: {  	v10 =	vperm.xlane v9, v6;
	_ =	sdelay $0x1  }
0x432: {  	v10 =	vadd.s32 v7, v10;
	_ =	sdelay $0x3  }
0x433: {  	s18 =	simm.s32 $0xD880  }
0x434: {  	[tilespmem:s18], [sflag:$0x1] =	stream.indirect_vreg.gather [hbm4b:s0+s6], $0x80, v10, vm0, $0xb8;
	[tilespmem:$0x1D880] =	vst v63  }
0x435: {  	v9 =	vperm.xlane v9, v8;
	s18 =	simm.s32 $0xE080  }
0x436: {  	[tilespmem:s18], [sflag:$0x1] =	stream.indirect_vreg.gather [hbm4b:s31+s6], $0x80, v10, vm0, $0xb8;
	[tilespmem:$0x1D880] =	vst v63  }
0x437: {  	v9 =	vadd.s32 v7, v9;
	s18 =	simm.s32 $0xE880  }
0x438: {  	[tilespmem:s18], [sflag:$0x1] =	stream.indirect_vreg.gather [hbm4b:s2+s6], $0x80, v10, vm0, $0xb8;
	[tilespmem:$0x1D880] =	vst v63  }
0x439: {  	s26 =	simm.s32 $0xF080  }
0x43a: {  	[tilespmem:s26], [sflag:$0x1] =	stream.indirect_vreg.gather [hbm4b:s3+s6], $0x80, v10, vm0, $0xb8;
	[tilespmem:$0x1D880] =	vst v63  }
0x43b: {  	s18 =	simm.s32 $0xF880  }
0x43c: {  	[tilespmem:s18], [sflag:$0x1] =	stream.indirect_vreg.gather [hbm4b:s0+s6], $0x80, v9, vm0, $0xb8;
	[tilespmem:$0x1D880] =	vst v63  }
0x43d: {  	s18 =	simm.s32 $0x10080  }
0x43e: {  	[tilespmem:s18], [sflag:$0x1] =	stream.indirect_vreg.gather [hbm4b:s31+s6], $0x80, v9, vm0, $0xb8;
	[tilespmem:$0x1D880] =	vst v63  }
0x43f: {  	s18 =	simm.s32 $0x10880  }
0x440: {  	[tilespmem:s18], [sflag:$0x1] =	stream.indirect_vreg.gather [hbm4b:s2+s6], $0x80, v9, vm0, $0xb8;
	[tilespmem:$0x1D880] =	vst v63  }
0x441: {  	s18 =	simm.s32 $0x11080  }
0x442: {  	[tilespmem:s18], [sflag:$0x1] =	stream.indirect_vreg.gather [hbm4b:s3+s6], $0x80, v9, vm0, $0xb8;
	[tilespmem:$0x1D880] =	vst v63  }
0x443: {  	_ =	swait.ge [sflag:s28], $0xC000  }
0x444: {  	[sflag:s28] =	ssyncset.done $0x0  }
0x445: {  	s18 =	rddreg [dreg:$0x10];
	[sflag:s28] =	ssyncadd.s32 $0xFFFF4000  }
0x446: {  	[hbm4b:s18+s6] =	stream.linear.scatter [tilespmem:s30], [sflag:$0x4], $0xC000, $0x38;
	[tilespmem:$0x1D880] =	vst v63  }
0x447: {  	_ =	swait.ge [sflag:s29], $0xC000  }
0x448: {  	[sflag:s29] =	ssyncset.done $0x0  }
0x449: {  	[sflag:s29] =	ssyncadd.s32 $0xFFFF4000  }
0x44a: {  	v9 =	vld [tilespmem:$0x12F0];
	_ =	sdelay $0x4  }
0x44b: {  	v10 =	vshll.u32 v9, $0x3  }
0x44c: {  	v9 =	vand.u32 $0x7, v9;
	v10 =	vand.u32 $0xFFFFFFC0, v10  }
0x44d: {  	v9 =	vor.u32 v9, v10  }
0x44e: {  	v10 =	vperm.xlane v9, v6;
	_ =	sdelay $0x1  }
0x44f: {  	v10 =	vadd.s32 v7, v10;
	_ =	sdelay $0x4  }
0x450: {  	[tilespmem:s30], [sflag:$0x2] =	stream.indirect_vreg.gather [hbm4b:s0+s6], $0x80, v10, vm0, $0xb8;
	[tilespmem:$0x1D880] =	vst v63  }
0x451: {  	s18 =	simm.s32 $0x12080;
	v9 =	vperm.xlane v9, v8  }
0x452: {  	[tilespmem:s18], [sflag:$0x2] =	stream.indirect_vreg.gather [hbm4b:s31+s6], $0x80, v10, vm0, $0xb8;
	[tilespmem:$0x1D880] =	vst v63  }
0x453: {  	v9 =	vadd.s32 v7, v9;
	s18 =	simm.s32 $0x12880  }
0x454: {  	[tilespmem:s18], [sflag:$0x2] =	stream.indirect_vreg.gather [hbm4b:s2+s6], $0x80, v10, vm0, $0xb8;
	[tilespmem:$0x1D880] =	vst v63  }
0x455: {  	s18 =	simm.s32 $0x13080  }
0x456: {  	[tilespmem:s18], [sflag:$0x2] =	stream.indirect_vreg.gather [hbm4b:s3+s6], $0x80, v10, vm0, $0xb8;
	[tilespmem:$0x1D880] =	vst v63  }
0x457: {  	s18 =	simm.s32 $0x13880  }
0x458: {  	[tilespmem:s18], [sflag:$0x2] =	stream.indirect_vreg.gather [hbm4b:s0+s6], $0x80, v9, vm0, $0xb8;
	[tilespmem:$0x1D880] =	vst v63  }
0x459: {  	s18 =	simm.s32 $0x14080  }
0x45a: {  	[tilespmem:s18], [sflag:$0x2] =	stream.indirect_vreg.gather [hbm4b:s31+s6], $0x80, v9, vm0, $0xb8;
	[tilespmem:$0x1D880] =	vst v63  }
0x45b: {  	s18 =	simm.s32 $0x14880  }
0x45c: {  	[tilespmem:s18], [sflag:$0x2] =	stream.indirect_vreg.gather [hbm4b:s2+s6], $0x80, v9, vm0, $0xb8;
	[tilespmem:$0x1D880] =	vst v63  }
0x45d: {  	s18 =	simm.s32 $0x15080  }
0x45e: {  	[tilespmem:s18], [sflag:$0x2] =	stream.indirect_vreg.gather [hbm4b:s3+s6], $0x80, v9, vm0, $0xb8;
	[tilespmem:$0x1D880] =	vst v63  }
0x45f: {  	v9 =	vld [tilespmem:$0x1300];
	_ =	sdelay $0x4  }
0x460: {  	v10 =	vshll.u32 v9, $0x3  }
0x461: {  	v9 =	vand.u32 $0x7, v9;
	v10 =	vand.u32 $0xFFFFFFC0, v10  }
0x462: {  	v9 =	vor.u32 v9, v10  }
0x463: {  	v10 =	vperm.xlane v9, v6;
	_ =	sdelay $0x1  }
0x464: {  	v10 =	vadd.s32 v7, v10;
	_ =	sdelay $0x3  }
0x465: {  	s18 =	simm.s32 $0x15880  }
0x466: {  	[tilespmem:s18], [sflag:$0x2] =	stream.indirect_vreg.gather [hbm4b:s0+s6], $0x80, v10, vm0, $0xb8;
	[tilespmem:$0x1D880] =	vst v63  }
0x467: {  	v9 =	vperm.xlane v9, v8;
	s18 =	simm.s32 $0x16080  }
0x468: {  	[tilespmem:s18], [sflag:$0x2] =	stream.indirect_vreg.gather [hbm4b:s31+s6], $0x80, v10, vm0, $0xb8;
	[tilespmem:$0x1D880] =	vst v63  }
0x469: {  	v9 =	vadd.s32 v7, v9;
	s18 =	simm.s32 $0x16880  }
0x46a: {  	[tilespmem:s18], [sflag:$0x2] =	stream.indirect_vreg.gather [hbm4b:s2+s6], $0x80, v10, vm0, $0xb8;
	[tilespmem:$0x1D880] =	vst v63  }
0x46b: {  	s18 =	simm.s32 $0x17080  }
0x46c: {  	[tilespmem:s18], [sflag:$0x2] =	stream.indirect_vreg.gather [hbm4b:s3+s6], $0x80, v10, vm0, $0xb8;
	[tilespmem:$0x1D880] =	vst v63  }
0x46d: {  	s18 =	simm.s32 $0x17880  }
0x46e: {  	[tilespmem:s18], [sflag:$0x2] =	stream.indirect_vreg.gather [hbm4b:s0+s6], $0x80, v9, vm0, $0xb8;
	[tilespmem:$0x1D880] =	vst v63  }
0x46f: {  	s18 =	simm.s32 $0x18080  }
0x470: {  	[tilespmem:s18], [sflag:$0x2] =	stream.indirect_vreg.gather [hbm4b:s31+s6], $0x80, v9, vm0, $0xb8;
	[tilespmem:$0x1D880] =	vst v63  }
0x471: {  	s18 =	simm.s32 $0x18880  }
0x472: {  	[tilespmem:s18], [sflag:$0x2] =	stream.indirect_vreg.gather [hbm4b:s2+s6], $0x80, v9, vm0, $0xb8;
	[tilespmem:$0x1D880] =	vst v63  }
0x473: {  	s18 =	simm.s32 $0x19080  }
0x474: {  	[tilespmem:s18], [sflag:$0x2] =	stream.indirect_vreg.gather [hbm4b:s3+s6], $0x80, v9, vm0, $0xb8;
	[tilespmem:$0x1D880] =	vst v63  }
0x475: {  	v9 =	vld [tilespmem:$0x1310];
	_ =	sdelay $0x4  }
0x476: {  	v10 =	vshll.u32 v9, $0x3  }
0x477: {  	v9 =	vand.u32 $0x7, v9;
	v10 =	vand.u32 $0xFFFFFFC0, v10  }
0x478: {  	v9 =	vor.u32 v9, v10  }
0x479: {  	v10 =	vperm.xlane v9, v6;
	_ =	sdelay $0x1  }
0x47a: {  	v10 =	vadd.s32 v7, v10;
	_ =	sdelay $0x3  }
0x47b: {  	s18 =	simm.s32 $0x19880  }
0x47c: {  	[tilespmem:s18], [sflag:$0x2] =	stream.indirect_vreg.gather [hbm4b:s0+s6], $0x80, v10, vm0, $0xb8;
	[tilespmem:$0x1D880] =	vst v63  }
0x47d: {  	v9 =	vperm.xlane v9, v8;
	s18 =	simm.s32 $0x1A080  }
0x47e: {  	[tilespmem:s18], [sflag:$0x2] =	stream.indirect_vreg.gather [hbm4b:s31+s6], $0x80, v10, vm0, $0xb8;
	[tilespmem:$0x1D880] =	vst v63  }
0x47f: {  	v9 =	vadd.s32 v7, v9;
	s18 =	simm.s32 $0x1A880  }
0x480: {  	[tilespmem:s18], [sflag:$0x2] =	stream.indirect_vreg.gather [hbm4b:s2+s6], $0x80, v10, vm0, $0xb8;
	[tilespmem:$0x1D880] =	vst v63  }
0x481: {  	s18 =	simm.s32 $0x1B080  }
0x482: {  	[tilespmem:s18], [sflag:$0x2] =	stream.indirect_vreg.gather [hbm4b:s3+s6], $0x80, v10, vm0, $0xb8;
	[tilespmem:$0x1D880] =	vst v63  }
0x483: {  	s18 =	simm.s32 $0x1B880  }
0x484: {  	[tilespmem:s18], [sflag:$0x2] =	stream.indirect_vreg.gather [hbm4b:s0+s6], $0x80, v9, vm0, $0xb8;
	[tilespmem:$0x1D880] =	vst v63  }
0x485: {  	s18 =	simm.s32 $0x1C080  }
0x486: {  	[tilespmem:s18], [sflag:$0x2] =	stream.indirect_vreg.gather [hbm4b:s31+s6], $0x80, v9, vm0, $0xb8;
	[tilespmem:$0x1D880] =	vst v63  }
0x487: {  	s18 =	simm.s32 $0x1C880  }
0x488: {  	[tilespmem:s18], [sflag:$0x2] =	stream.indirect_vreg.gather [hbm4b:s2+s6], $0x80, v9, vm0, $0xb8;
	[tilespmem:$0x1D880] =	vst v63  }
0x489: {  	s18 =	simm.s32 $0x1D080  }
0x48a: {  	[tilespmem:s18], [sflag:$0x2] =	stream.indirect_vreg.gather [hbm4b:s3+s6], $0x80, v9, vm0, $0xb8;
	[tilespmem:$0x1D880] =	vst v63  }
0x48b: {  	_ =	swait.ge [sflag:s4], $0xC000  }
0x48c: {  	[sflag:s4] =	ssyncset.done $0x0  }
0x48d: {  	s18 =	rddreg [dreg:$0x11];
	[sflag:s4] =	ssyncadd.s32 $0xFFFF4000  }
0x48e: {  	[hbm4b:s18+s6] =	stream.linear.scatter [tilespmem:s17], [sflag:$0x3], $0xC000, $0x38;
	[tilespmem:$0x1D880] =	vst v63  }
0x48f: {  	_ =	swait.ge [sflag:s5], $0xC000  }
0x490: {  	[sflag:s5] =	ssyncset.done $0x0  }
0x491: {  	[sflag:s5] =	ssyncadd.s32 $0xFFFF4000  }
0x492: {  	v9 =	vld [tilespmem:$0x1320];
	_ =	sdelay $0x4  }
0x493: {  	v10 =	vshll.u32 v9, $0x3  }
0x494: {  	v9 =	vand.u32 $0x7, v9;
	v10 =	vand.u32 $0xFFFFFFC0, v10  }
0x495: {  	v9 =	vor.u32 v9, v10  }
0x496: {  	v10 =	vperm.xlane v9, v6;
	_ =	sdelay $0x1  }
0x497: {  	v10 =	vadd.s32 v7, v10;
	_ =	sdelay $0x4  }
0x498: {  	[tilespmem:s17], [sflag:$0x1] =	stream.indirect_vreg.gather [hbm4b:s0+s6], $0x80, v10, vm0, $0xb8;
	[tilespmem:$0x1D880] =	vst v63  }
0x499: {  	s18 =	simm.s32 $0x6080;
	v9 =	vperm.xlane v9, v8  }
0x49a: {  	[tilespmem:s18], [sflag:$0x1] =	stream.indirect_vreg.gather [hbm4b:s31+s6], $0x80, v10, vm0, $0xb8;
	[tilespmem:$0x1D880] =	vst v63  }
0x49b: {  	v9 =	vadd.s32 v7, v9  }
0x49c: {  	[tilespmem:s19], [sflag:$0x1] =	stream.indirect_vreg.gather [hbm4b:s2+s6], $0x80, v10, vm0, $0xb8;
	[tilespmem:$0x1D880] =	vst v63  }
0x49d: {  	_ = 	snop  }
0x49e: {  	[tilespmem:s20], [sflag:$0x1] =	stream.indirect_vreg.gather [hbm4b:s3+s6], $0x80, v10, vm0, $0xb8;
	[tilespmem:$0x1D880] =	vst v63  }
0x49f: {  	_ = 	snop  }
0x4a0: {  	[tilespmem:s22], [sflag:$0x1] =	stream.indirect_vreg.gather [hbm4b:s0+s6], $0x80, v9, vm0, $0xb8;
	[tilespmem:$0x1D880] =	vst v63  }
0x4a1: {  	_ = 	snop  }
0x4a2: {  	[tilespmem:s23], [sflag:$0x1] =	stream.indirect_vreg.gather [hbm4b:s31+s6], $0x80, v9, vm0, $0xb8;
	[tilespmem:$0x1D880] =	vst v63  }
0x4a3: {  	_ = 	snop  }
0x4a4: {  	[tilespmem:s24], [sflag:$0x1] =	stream.indirect_vreg.gather [hbm4b:s2+s6], $0x80, v9, vm0, $0xb8;
	[tilespmem:$0x1D880] =	vst v63  }
0x4a5: {  	_ = 	snop  }
0x4a6: {  	[tilespmem:s25], [sflag:$0x1] =	stream.indirect_vreg.gather [hbm4b:s3+s6], $0x80, v9, vm0, $0xb8;
	[tilespmem:$0x1D880] =	vst v63  }
0x4a7: {  	v9 =	vld [tilespmem:$0x1330];
	_ =	sdelay $0x4  }
0x4a8: {  	v10 =	vshll.u32 v9, $0x3  }
0x4a9: {  	v9 =	vand.u32 $0x7, v9;
	v10 =	vand.u32 $0xFFFFFFC0, v10  }
0x4aa: {  	v9 =	vor.u32 v9, v10  }
0x4ab: {  	v10 =	vperm.xlane v9, v6;
	_ =	sdelay $0x1  }
0x4ac: {  	v10 =	vadd.s32 v7, v10;
	_ =	sdelay $0x3  }
0x4ad: {  	s18 =	simm.s32 $0x9880  }
0x4ae: {  	[tilespmem:s18], [sflag:$0x1] =	stream.indirect_vreg.gather [hbm4b:s0+s6], $0x80, v10, vm0, $0xb8;
	[tilespmem:$0x1D880] =	vst v63  }
0x4af: {  	v9 =	vperm.xlane v9, v8;
	s18 =	simm.s32 $0xA080  }
0x4b0: {  	[tilespmem:s18], [sflag:$0x1] =	stream.indirect_vreg.gather [hbm4b:s31+s6], $0x80, v10, vm0, $0xb8;
	[tilespmem:$0x1D880] =	vst v63  }
0x4b1: {  	v9 =	vadd.s32 v7, v9;
	s18 =	simm.s32 $0xA880  }
0x4b2: {  	[tilespmem:s18], [sflag:$0x1] =	stream.indirect_vreg.gather [hbm4b:s2+s6], $0x80, v10, vm0, $0xb8;
	[tilespmem:$0x1D880] =	vst v63  }
0x4b3: {  	s18 =	simm.s32 $0xB080  }
0x4b4: {  	[tilespmem:s18], [sflag:$0x1] =	stream.indirect_vreg.gather [hbm4b:s3+s6], $0x80, v10, vm0, $0xb8;
	[tilespmem:$0x1D880] =	vst v63  }
0x4b5: {  	s18 =	simm.s32 $0xB880  }
0x4b6: {  	[tilespmem:s18], [sflag:$0x1] =	stream.indirect_vreg.gather [hbm4b:s0+s6], $0x80, v9, vm0, $0xb8;
	[tilespmem:$0x1D880] =	vst v63  }
0x4b7: {  	s18 =	simm.s32 $0xC080  }
0x4b8: {  	[tilespmem:s18], [sflag:$0x1] =	stream.indirect_vreg.gather [hbm4b:s31+s6], $0x80, v9, vm0, $0xb8;
	[tilespmem:$0x1D880] =	vst v63  }
0x4b9: {  	s18 =	simm.s32 $0xC880  }
0x4ba: {  	[tilespmem:s18], [sflag:$0x1] =	stream.indirect_vreg.gather [hbm4b:s2+s6], $0x80, v9, vm0, $0xb8;
	[tilespmem:$0x1D880] =	vst v63  }
0x4bb: {  	s18 =	simm.s32 $0xD080  }
0x4bc: {  	[tilespmem:s18], [sflag:$0x1] =	stream.indirect_vreg.gather [hbm4b:s3+s6], $0x80, v9, vm0, $0xb8;
	[tilespmem:$0x1D880] =	vst v63  }
0x4bd: {  	v9 =	vld [tilespmem:$0x1340];
	_ =	sdelay $0x4  }
0x4be: {  	v10 =	vshll.u32 v9, $0x3  }
0x4bf: {  	v9 =	vand.u32 $0x7, v9;
	v10 =	vand.u32 $0xFFFFFFC0, v10  }
0x4c0: {  	v9 =	vor.u32 v9, v10  }
0x4c1: {  	v10 =	vperm.xlane v9, v6;
	_ =	sdelay $0x1  }
0x4c2: {  	v10 =	vadd.s32 v7, v10;
	_ =	sdelay $0x3  }
0x4c3: {  	s18 =	simm.s32 $0xD880  }
0x4c4: {  	[tilespmem:s18], [sflag:$0x1] =	stream.indirect_vreg.gather [hbm4b:s0+s6], $0x80, v10, vm0, $0xb8;
	[tilespmem:$0x1D880] =	vst v63  }
0x4c5: {  	v9 =	vperm.xlane v9, v8;
	s18 =	simm.s32 $0xE080  }
0x4c6: {  	[tilespmem:s18], [sflag:$0x1] =	stream.indirect_vreg.gather [hbm4b:s31+s6], $0x80, v10, vm0, $0xb8;
	[tilespmem:$0x1D880] =	vst v63  }
0x4c7: {  	v9 =	vadd.s32 v7, v9;
	s18 =	simm.s32 $0xE880  }
0x4c8: {  	[tilespmem:s18], [sflag:$0x1] =	stream.indirect_vreg.gather [hbm4b:s2+s6], $0x80, v10, vm0, $0xb8;
	[tilespmem:$0x1D880] =	vst v63  }
0x4c9: {  	s26 =	simm.s32 $0xF080  }
0x4ca: {  	[tilespmem:s26], [sflag:$0x1] =	stream.indirect_vreg.gather [hbm4b:s3+s6], $0x80, v10, vm0, $0xb8;
	[tilespmem:$0x1D880] =	vst v63  }
0x4cb: {  	s18 =	simm.s32 $0xF880  }
0x4cc: {  	[tilespmem:s18], [sflag:$0x1] =	stream.indirect_vreg.gather [hbm4b:s0+s6], $0x80, v9, vm0, $0xb8;
	[tilespmem:$0x1D880] =	vst v63  }
0x4cd: {  	s18 =	simm.s32 $0x10080  }
0x4ce: {  	[tilespmem:s18], [sflag:$0x1] =	stream.indirect_vreg.gather [hbm4b:s31+s6], $0x80, v9, vm0, $0xb8;
	[tilespmem:$0x1D880] =	vst v63  }
0x4cf: {  	s18 =	simm.s32 $0x10880  }
0x4d0: {  	[tilespmem:s18], [sflag:$0x1] =	stream.indirect_vreg.gather [hbm4b:s2+s6], $0x80, v9, vm0, $0xb8;
	[tilespmem:$0x1D880] =	vst v63  }
0x4d1: {  	s18 =	simm.s32 $0x11080  }
0x4d2: {  	[tilespmem:s18], [sflag:$0x1] =	stream.indirect_vreg.gather [hbm4b:s3+s6], $0x80, v9, vm0, $0xb8;
	[tilespmem:$0x1D880] =	vst v63  }
0x4d3: {  	_ =	swait.ge [sflag:s28], $0xC000  }
0x4d4: {  	[sflag:s28] =	ssyncset.done $0x0  }
0x4d5: {  	s18 =	rddreg [dreg:$0x12];
	[sflag:s28] =	ssyncadd.s32 $0xFFFF4000  }
0x4d6: {  	[hbm4b:s18+s6] =	stream.linear.scatter [tilespmem:s30], [sflag:$0x4], $0xC000, $0x38;
	[tilespmem:$0x1D880] =	vst v63  }
0x4d7: {  	_ =	swait.ge [sflag:s29], $0xC000  }
0x4d8: {  	[sflag:s29] =	ssyncset.done $0x0  }
0x4d9: {  	[sflag:s29] =	ssyncadd.s32 $0xFFFF4000  }
0x4da: {  	v9 =	vld [tilespmem:$0x1350];
	_ =	sdelay $0x4  }
0x4db: {  	v10 =	vshll.u32 v9, $0x3  }
0x4dc: {  	v9 =	vand.u32 $0x7, v9;
	v10 =	vand.u32 $0xFFFFFFC0, v10  }
0x4dd: {  	v9 =	vor.u32 v9, v10  }
0x4de: {  	v10 =	vperm.xlane v9, v6;
	_ =	sdelay $0x1  }
0x4df: {  	v10 =	vadd.s32 v7, v10;
	_ =	sdelay $0x4  }
0x4e0: {  	[tilespmem:s30], [sflag:$0x2] =	stream.indirect_vreg.gather [hbm4b:s0+s6], $0x80, v10, vm0, $0xb8;
	[tilespmem:$0x1D880] =	vst v63  }
0x4e1: {  	s18 =	simm.s32 $0x12080;
	v9 =	vperm.xlane v9, v8  }
0x4e2: {  	[tilespmem:s18], [sflag:$0x2] =	stream.indirect_vreg.gather [hbm4b:s31+s6], $0x80, v10, vm0, $0xb8;
	[tilespmem:$0x1D880] =	vst v63  }
0x4e3: {  	v9 =	vadd.s32 v7, v9;
	s18 =	simm.s32 $0x12880  }
0x4e4: {  	[tilespmem:s18], [sflag:$0x2] =	stream.indirect_vreg.gather [hbm4b:s2+s6], $0x80, v10, vm0, $0xb8;
	[tilespmem:$0x1D880] =	vst v63  }
0x4e5: {  	s18 =	simm.s32 $0x13080  }
0x4e6: {  	[tilespmem:s18], [sflag:$0x2] =	stream.indirect_vreg.gather [hbm4b:s3+s6], $0x80, v10, vm0, $0xb8;
	[tilespmem:$0x1D880] =	vst v63  }
0x4e7: {  	s18 =	simm.s32 $0x13880  }
0x4e8: {  	[tilespmem:s18], [sflag:$0x2] =	stream.indirect_vreg.gather [hbm4b:s0+s6], $0x80, v9, vm0, $0xb8;
	[tilespmem:$0x1D880] =	vst v63  }
0x4e9: {  	s18 =	simm.s32 $0x14080  }
0x4ea: {  	[tilespmem:s18], [sflag:$0x2] =	stream.indirect_vreg.gather [hbm4b:s31+s6], $0x80, v9, vm0, $0xb8;
	[tilespmem:$0x1D880] =	vst v63  }
0x4eb: {  	s18 =	simm.s32 $0x14880  }
0x4ec: {  	[tilespmem:s18], [sflag:$0x2] =	stream.indirect_vreg.gather [hbm4b:s2+s6], $0x80, v9, vm0, $0xb8;
	[tilespmem:$0x1D880] =	vst v63  }
0x4ed: {  	s18 =	simm.s32 $0x15080  }
0x4ee: {  	[tilespmem:s18], [sflag:$0x2] =	stream.indirect_vreg.gather [hbm4b:s3+s6], $0x80, v9, vm0, $0xb8;
	[tilespmem:$0x1D880] =	vst v63  }
0x4ef: {  	v9 =	vld [tilespmem:$0x1360];
	_ =	sdelay $0x4  }
0x4f0: {  	v10 =	vshll.u32 v9, $0x3  }
0x4f1: {  	v9 =	vand.u32 $0x7, v9;
	v10 =	vand.u32 $0xFFFFFFC0, v10  }
0x4f2: {  	v9 =	vor.u32 v9, v10  }
0x4f3: {  	v10 =	vperm.xlane v9, v6;
	_ =	sdelay $0x1  }
0x4f4: {  	v10 =	vadd.s32 v7, v10;
	_ =	sdelay $0x3  }
0x4f5: {  	s18 =	simm.s32 $0x15880  }
0x4f6: {  	[tilespmem:s18], [sflag:$0x2] =	stream.indirect_vreg.gather [hbm4b:s0+s6], $0x80, v10, vm0, $0xb8;
	[tilespmem:$0x1D880] =	vst v63  }
0x4f7: {  	v9 =	vperm.xlane v9, v8;
	s18 =	simm.s32 $0x16080  }
0x4f8: {  	[tilespmem:s18], [sflag:$0x2] =	stream.indirect_vreg.gather [hbm4b:s31+s6], $0x80, v10, vm0, $0xb8;
	[tilespmem:$0x1D880] =	vst v63  }
0x4f9: {  	v9 =	vadd.s32 v7, v9;
	s18 =	simm.s32 $0x16880  }
0x4fa: {  	[tilespmem:s18], [sflag:$0x2] =	stream.indirect_vreg.gather [hbm4b:s2+s6], $0x80, v10, vm0, $0xb8;
	[tilespmem:$0x1D880] =	vst v63  }
0x4fb: {  	s18 =	simm.s32 $0x17080  }
0x4fc: {  	[tilespmem:s18], [sflag:$0x2] =	stream.indirect_vreg.gather [hbm4b:s3+s6], $0x80, v10, vm0, $0xb8;
	[tilespmem:$0x1D880] =	vst v63  }
0x4fd: {  	s18 =	simm.s32 $0x17880  }
0x4fe: {  	[tilespmem:s18], [sflag:$0x2] =	stream.indirect_vreg.gather [hbm4b:s0+s6], $0x80, v9, vm0, $0xb8;
	[tilespmem:$0x1D880] =	vst v63  }
0x4ff: {  	s18 =	simm.s32 $0x18080  }
0x500: {  	[tilespmem:s18], [sflag:$0x2] =	stream.indirect_vreg.gather [hbm4b:s31+s6], $0x80, v9, vm0, $0xb8;
	[tilespmem:$0x1D880] =	vst v63  }
0x501: {  	s18 =	simm.s32 $0x18880  }
0x502: {  	[tilespmem:s18], [sflag:$0x2] =	stream.indirect_vreg.gather [hbm4b:s2+s6], $0x80, v9, vm0, $0xb8;
	[tilespmem:$0x1D880] =	vst v63  }
0x503: {  	s18 =	simm.s32 $0x19080  }
0x504: {  	[tilespmem:s18], [sflag:$0x2] =	stream.indirect_vreg.gather [hbm4b:s3+s6], $0x80, v9, vm0, $0xb8;
	[tilespmem:$0x1D880] =	vst v63  }
0x505: {  	v9 =	vld [tilespmem:$0x1370];
	_ =	sdelay $0x4  }
0x506: {  	v10 =	vshll.u32 v9, $0x3  }
0x507: {  	v9 =	vand.u32 $0x7, v9;
	v10 =	vand.u32 $0xFFFFFFC0, v10  }
0x508: {  	v9 =	vor.u32 v9, v10  }
0x509: {  	v10 =	vperm.xlane v9, v6;
	_ =	sdelay $0x1  }
0x50a: {  	v10 =	vadd.s32 v7, v10;
	_ =	sdelay $0x3  }
0x50b: {  	s18 =	simm.s32 $0x19880  }
0x50c: {  	[tilespmem:s18], [sflag:$0x2] =	stream.indirect_vreg.gather [hbm4b:s0+s6], $0x80, v10, vm0, $0xb8;
	[tilespmem:$0x1D880] =	vst v63  }
0x50d: {  	v9 =	vperm.xlane v9, v8;
	s18 =	simm.s32 $0x1A080  }
0x50e: {  	[tilespmem:s18], [sflag:$0x2] =	stream.indirect_vreg.gather [hbm4b:s31+s6], $0x80, v10, vm0, $0xb8;
	[tilespmem:$0x1D880] =	vst v63  }
0x50f: {  	v9 =	vadd.s32 v7, v9;
	s18 =	simm.s32 $0x1A880  }
0x510: {  	[tilespmem:s18], [sflag:$0x2] =	stream.indirect_vreg.gather [hbm4b:s2+s6], $0x80, v10, vm0, $0xb8;
	[tilespmem:$0x1D880] =	vst v63  }
0x511: {  	s18 =	simm.s32 $0x1B080  }
0x512: {  	[tilespmem:s18], [sflag:$0x2] =	stream.indirect_vreg.gather [hbm4b:s3+s6], $0x80, v10, vm0, $0xb8;
	[tilespmem:$0x1D880] =	vst v63  }
0x513: {  	s18 =	simm.s32 $0x1B880  }
0x514: {  	[tilespmem:s18], [sflag:$0x2] =	stream.indirect_vreg.gather [hbm4b:s0+s6], $0x80, v9, vm0, $0xb8;
	[tilespmem:$0x1D880] =	vst v63  }
0x515: {  	s18 =	simm.s32 $0x1C080  }
0x516: {  	[tilespmem:s18], [sflag:$0x2] =	stream.indirect_vreg.gather [hbm4b:s31+s6], $0x80, v9, vm0, $0xb8;
	[tilespmem:$0x1D880] =	vst v63  }
0x517: {  	s18 =	simm.s32 $0x1C880  }
0x518: {  	[tilespmem:s18], [sflag:$0x2] =	stream.indirect_vreg.gather [hbm4b:s2+s6], $0x80, v9, vm0, $0xb8;
	[tilespmem:$0x1D880] =	vst v63  }
0x519: {  	s18 =	simm.s32 $0x1D080  }
0x51a: {  	[tilespmem:s18], [sflag:$0x2] =	stream.indirect_vreg.gather [hbm4b:s3+s6], $0x80, v9, vm0, $0xb8;
	[tilespmem:$0x1D880] =	vst v63  }
0x51b: {  	_ =	swait.ge [sflag:s4], $0xC000  }
0x51c: {  	[sflag:s4] =	ssyncset.done $0x0  }
0x51d: {  	s18 =	rddreg [dreg:$0x14];
	[sflag:s4] =	ssyncadd.s32 $0xFFFF4000  }
0x51e: {  	[hbm4b:s18+s6] =	stream.linear.scatter [tilespmem:s17], [sflag:$0x3], $0xC000, $0x38;
	[tilespmem:$0x1D880] =	vst v63  }
0x51f: {  	_ =	swait.ge [sflag:s5], $0xC000  }
0x520: {  	[sflag:s5] =	ssyncset.done $0x0  }
0x521: {  	[sflag:s5] =	ssyncadd.s32 $0xFFFF4000  }
0x522: {  	v9 =	vld [tilespmem:$0x1380];
	_ =	sdelay $0x4  }
0x523: {  	v10 =	vshll.u32 v9, $0x3  }
0x524: {  	v9 =	vand.u32 $0x7, v9;
	v10 =	vand.u32 $0xFFFFFFC0, v10  }
0x525: {  	v9 =	vor.u32 v9, v10  }
0x526: {  	v10 =	vperm.xlane v9, v6;
	_ =	sdelay $0x1  }
0x527: {  	v10 =	vadd.s32 v7, v10;
	_ =	sdelay $0x4  }
0x528: {  	[tilespmem:s17], [sflag:$0x1] =	stream.indirect_vreg.gather [hbm4b:s0+s6], $0x80, v10, vm0, $0xb8;
	[tilespmem:$0x1D880] =	vst v63  }
0x529: {  	s18 =	simm.s32 $0x6080;
	v9 =	vperm.xlane v9, v8  }
0x52a: {  	[tilespmem:s18], [sflag:$0x1] =	stream.indirect_vreg.gather [hbm4b:s31+s6], $0x80, v10, vm0, $0xb8;
	[tilespmem:$0x1D880] =	vst v63  }
0x52b: {  	v9 =	vadd.s32 v7, v9  }
0x52c: {  	[tilespmem:s19], [sflag:$0x1] =	stream.indirect_vreg.gather [hbm4b:s2+s6], $0x80, v10, vm0, $0xb8;
	[tilespmem:$0x1D880] =	vst v63  }
0x52d: {  	_ = 	snop  }
0x52e: {  	[tilespmem:s20], [sflag:$0x1] =	stream.indirect_vreg.gather [hbm4b:s3+s6], $0x80, v10, vm0, $0xb8;
	[tilespmem:$0x1D880] =	vst v63  }
0x52f: {  	_ = 	snop  }
0x530: {  	[tilespmem:s22], [sflag:$0x1] =	stream.indirect_vreg.gather [hbm4b:s0+s6], $0x80, v9, vm0, $0xb8;
	[tilespmem:$0x1D880] =	vst v63  }
0x531: {  	_ = 	snop  }
0x532: {  	[tilespmem:s23], [sflag:$0x1] =	stream.indirect_vreg.gather [hbm4b:s31+s6], $0x80, v9, vm0, $0xb8;
	[tilespmem:$0x1D880] =	vst v63  }
0x533: {  	_ = 	snop  }
0x534: {  	[tilespmem:s24], [sflag:$0x1] =	stream.indirect_vreg.gather [hbm4b:s2+s6], $0x80, v9, vm0, $0xb8;
	[tilespmem:$0x1D880] =	vst v63  }
0x535: {  	_ = 	snop  }
0x536: {  	[tilespmem:s25], [sflag:$0x1] =	stream.indirect_vreg.gather [hbm4b:s3+s6], $0x80, v9, vm0, $0xb8;
	[tilespmem:$0x1D880] =	vst v63  }
0x537: {  	v9 =	vld [tilespmem:$0x1390];
	_ =	sdelay $0x4  }
0x538: {  	v10 =	vshll.u32 v9, $0x3  }
0x539: {  	v9 =	vand.u32 $0x7, v9;
	v10 =	vand.u32 $0xFFFFFFC0, v10  }
0x53a: {  	v9 =	vor.u32 v9, v10  }
0x53b: {  	v10 =	vperm.xlane v9, v6;
	_ =	sdelay $0x1  }
0x53c: {  	v10 =	vadd.s32 v7, v10;
	_ =	sdelay $0x3  }
0x53d: {  	s18 =	simm.s32 $0x9880  }
0x53e: {  	[tilespmem:s18], [sflag:$0x1] =	stream.indirect_vreg.gather [hbm4b:s0+s6], $0x80, v10, vm0, $0xb8;
	[tilespmem:$0x1D880] =	vst v63  }
0x53f: {  	v9 =	vperm.xlane v9, v8;
	s18 =	simm.s32 $0xA080  }
0x540: {  	[tilespmem:s18], [sflag:$0x1] =	stream.indirect_vreg.gather [hbm4b:s31+s6], $0x80, v10, vm0, $0xb8;
	[tilespmem:$0x1D880] =	vst v63  }
0x541: {  	v9 =	vadd.s32 v7, v9;
	s18 =	simm.s32 $0xA880  }
0x542: {  	[tilespmem:s18], [sflag:$0x1] =	stream.indirect_vreg.gather [hbm4b:s2+s6], $0x80, v10, vm0, $0xb8;
	[tilespmem:$0x1D880] =	vst v63  }
0x543: {  	s18 =	simm.s32 $0xB080  }
0x544: {  	[tilespmem:s18], [sflag:$0x1] =	stream.indirect_vreg.gather [hbm4b:s3+s6], $0x80, v10, vm0, $0xb8;
	[tilespmem:$0x1D880] =	vst v63  }
0x545: {  	s18 =	simm.s32 $0xB880  }
0x546: {  	[tilespmem:s18], [sflag:$0x1] =	stream.indirect_vreg.gather [hbm4b:s0+s6], $0x80, v9, vm0, $0xb8;
	[tilespmem:$0x1D880] =	vst v63  }
0x547: {  	s18 =	simm.s32 $0xC080  }
0x548: {  	[tilespmem:s18], [sflag:$0x1] =	stream.indirect_vreg.gather [hbm4b:s31+s6], $0x80, v9, vm0, $0xb8;
	[tilespmem:$0x1D880] =	vst v63  }
0x549: {  	s18 =	simm.s32 $0xC880  }
0x54a: {  	[tilespmem:s18], [sflag:$0x1] =	stream.indirect_vreg.gather [hbm4b:s2+s6], $0x80, v9, vm0, $0xb8;
	[tilespmem:$0x1D880] =	vst v63  }
0x54b: {  	s18 =	simm.s32 $0xD080  }
0x54c: {  	[tilespmem:s18], [sflag:$0x1] =	stream.indirect_vreg.gather [hbm4b:s3+s6], $0x80, v9, vm0, $0xb8;
	[tilespmem:$0x1D880] =	vst v63  }
0x54d: {  	v9 =	vld [tilespmem:$0x13A0];
	_ =	sdelay $0x4  }
0x54e: {  	v10 =	vshll.u32 v9, $0x3  }
0x54f: {  	v9 =	vand.u32 $0x7, v9;
	v10 =	vand.u32 $0xFFFFFFC0, v10  }
0x550: {  	v9 =	vor.u32 v9, v10  }
0x551: {  	v10 =	vperm.xlane v9, v6;
	_ =	sdelay $0x1  }
0x552: {  	v10 =	vadd.s32 v7, v10;
	_ =	sdelay $0x3  }
0x553: {  	s18 =	simm.s32 $0xD880  }
0x554: {  	[tilespmem:s18], [sflag:$0x1] =	stream.indirect_vreg.gather [hbm4b:s0+s6], $0x80, v10, vm0, $0xb8;
	[tilespmem:$0x1D880] =	vst v63  }
0x555: {  	v9 =	vperm.xlane v9, v8;
	s18 =	simm.s32 $0xE080  }
0x556: {  	[tilespmem:s18], [sflag:$0x1] =	stream.indirect_vreg.gather [hbm4b:s31+s6], $0x80, v10, vm0, $0xb8;
	[tilespmem:$0x1D880] =	vst v63  }
0x557: {  	v9 =	vadd.s32 v7, v9;
	s18 =	simm.s32 $0xE880  }
0x558: {  	[tilespmem:s18], [sflag:$0x1] =	stream.indirect_vreg.gather [hbm4b:s2+s6], $0x80, v10, vm0, $0xb8;
	[tilespmem:$0x1D880] =	vst v63  }
0x559: {  	s26 =	simm.s32 $0xF080  }
0x55a: {  	[tilespmem:s26], [sflag:$0x1] =	stream.indirect_vreg.gather [hbm4b:s3+s6], $0x80, v10, vm0, $0xb8;
	[tilespmem:$0x1D880] =	vst v63  }
0x55b: {  	s26 =	simm.s32 $0xF880  }
0x55c: {  	[tilespmem:s26], [sflag:$0x1] =	stream.indirect_vreg.gather [hbm4b:s0+s6], $0x80, v9, vm0, $0xb8;
	[tilespmem:$0x1D880] =	vst v63  }
0x55d: {  	s26 =	simm.s32 $0x10080  }
0x55e: {  	[tilespmem:s26], [sflag:$0x1] =	stream.indirect_vreg.gather [hbm4b:s31+s6], $0x80, v9, vm0, $0xb8;
	[tilespmem:$0x1D880] =	vst v63  }
0x55f: {  	s26 =	simm.s32 $0x10880  }
0x560: {  	[tilespmem:s26], [sflag:$0x1] =	stream.indirect_vreg.gather [hbm4b:s2+s6], $0x80, v9, vm0, $0xb8;
	[tilespmem:$0x1D880] =	vst v63  }
0x561: {  	s26 =	simm.s32 $0x11080  }
0x562: {  	[tilespmem:s26], [sflag:$0x1] =	stream.indirect_vreg.gather [hbm4b:s3+s6], $0x80, v9, vm0, $0xb8;
	[tilespmem:$0x1D880] =	vst v63  }
0x563: {  	_ =	swait.ge [sflag:s28], $0xC000  }
0x564: {  	[sflag:s28] =	ssyncset.done $0x0  }
0x565: {  	s26 =	rddreg [dreg:$0x15];
	[sflag:s28] =	ssyncadd.s32 $0xFFFF4000  }
0x566: {  	[hbm4b:s26+s6] =	stream.linear.scatter [tilespmem:s30], [sflag:$0x4], $0xC000, $0x38;
	[tilespmem:$0x1D880] =	vst v63  }
0x567: {  	_ =	swait.ge [sflag:s29], $0xC000  }
0x568: {  	[sflag:s29] =	ssyncset.done $0x0  }
0x569: {  	[sflag:s29] =	ssyncadd.s32 $0xFFFF4000  }
0x56a: {  	v9 =	vld [tilespmem:$0x13B0];
	_ =	sdelay $0x4  }
0x56b: {  	v10 =	vshll.u32 v9, $0x3  }
0x56c: {  	v9 =	vand.u32 $0x7, v9;
	v10 =	vand.u32 $0xFFFFFFC0, v10  }
0x56d: {  	v9 =	vor.u32 v9, v10  }
0x56e: {  	v10 =	vperm.xlane v9, v6;
	_ =	sdelay $0x1  }
0x56f: {  	v10 =	vadd.s32 v7, v10;
	_ =	sdelay $0x4  }
0x570: {  	[tilespmem:s30], [sflag:$0x2] =	stream.indirect_vreg.gather [hbm4b:s0+s6], $0x80, v10, vm0, $0xb8;
	[tilespmem:$0x1D880] =	vst v63  }
0x571: {  	s26 =	simm.s32 $0x12080;
	v9 =	vperm.xlane v9, v8  }
0x572: {  	[tilespmem:s26], [sflag:$0x2] =	stream.indirect_vreg.gather [hbm4b:s31+s6], $0x80, v10, vm0, $0xb8;
	[tilespmem:$0x1D880] =	vst v63  }
0x573: {  	v9 =	vadd.s32 v7, v9;
	s26 =	simm.s32 $0x12880  }
0x574: {  	[tilespmem:s26], [sflag:$0x2] =	stream.indirect_vreg.gather [hbm4b:s2+s6], $0x80, v10, vm0, $0xb8;
	[tilespmem:$0x1D880] =	vst v63  }
0x575: {  	s26 =	simm.s32 $0x13080  }
0x576: {  	[tilespmem:s26], [sflag:$0x2] =	stream.indirect_vreg.gather [hbm4b:s3+s6], $0x80, v10, vm0, $0xb8;
	[tilespmem:$0x1D880] =	vst v63  }
0x577: {  	s26 =	simm.s32 $0x13880  }
0x578: {  	[tilespmem:s26], [sflag:$0x2] =	stream.indirect_vreg.gather [hbm4b:s0+s6], $0x80, v9, vm0, $0xb8;
	[tilespmem:$0x1D880] =	vst v63  }
0x579: {  	s26 =	simm.s32 $0x14080  }
0x57a: {  	[tilespmem:s26], [sflag:$0x2] =	stream.indirect_vreg.gather [hbm4b:s31+s6], $0x80, v9, vm0, $0xb8;
	[tilespmem:$0x1D880] =	vst v63  }
0x57b: {  	s26 =	simm.s32 $0x14880  }
0x57c: {  	[tilespmem:s26], [sflag:$0x2] =	stream.indirect_vreg.gather [hbm4b:s2+s6], $0x80, v9, vm0, $0xb8;
	[tilespmem:$0x1D880] =	vst v63  }
0x57d: {  	s26 =	simm.s32 $0x15080  }
0x57e: {  	[tilespmem:s26], [sflag:$0x2] =	stream.indirect_vreg.gather [hbm4b:s3+s6], $0x80, v9, vm0, $0xb8;
	[tilespmem:$0x1D880] =	vst v63  }
0x57f: {  	v9 =	vld [tilespmem:$0x13C0];
	_ =	sdelay $0x4  }
0x580: {  	v10 =	vshll.u32 v9, $0x3  }
0x581: {  	v9 =	vand.u32 $0x7, v9;
	v10 =	vand.u32 $0xFFFFFFC0, v10  }
0x582: {  	v9 =	vor.u32 v9, v10  }
0x583: {  	v10 =	vperm.xlane v9, v6;
	_ =	sdelay $0x1  }
0x584: {  	v10 =	vadd.s32 v7, v10;
	_ =	sdelay $0x3  }
0x585: {  	s26 =	simm.s32 $0x15880  }
0x586: {  	[tilespmem:s26], [sflag:$0x2] =	stream.indirect_vreg.gather [hbm4b:s0+s6], $0x80, v10, vm0, $0xb8;
	[tilespmem:$0x1D880] =	vst v63  }
0x587: {  	v9 =	vperm.xlane v9, v8;
	s26 =	simm.s32 $0x16080  }
0x588: {  	[tilespmem:s26], [sflag:$0x2] =	stream.indirect_vreg.gather [hbm4b:s31+s6], $0x80, v10, vm0, $0xb8;
	[tilespmem:$0x1D880] =	vst v63  }
0x589: {  	v9 =	vadd.s32 v7, v9;
	s26 =	simm.s32 $0x16880  }
0x58a: {  	[tilespmem:s26], [sflag:$0x2] =	stream.indirect_vreg.gather [hbm4b:s2+s6], $0x80, v10, vm0, $0xb8;
	[tilespmem:$0x1D880] =	vst v63  }
0x58b: {  	s26 =	simm.s32 $0x17080  }
0x58c: {  	[tilespmem:s26], [sflag:$0x2] =	stream.indirect_vreg.gather [hbm4b:s3+s6], $0x80, v10, vm0, $0xb8;
	[tilespmem:$0x1D880] =	vst v63  }
0x58d: {  	s26 =	simm.s32 $0x17880  }
0x58e: {  	[tilespmem:s26], [sflag:$0x2] =	stream.indirect_vreg.gather [hbm4b:s0+s6], $0x80, v9, vm0, $0xb8;
	[tilespmem:$0x1D880] =	vst v63  }
0x58f: {  	s26 =	simm.s32 $0x18080  }
0x590: {  	[tilespmem:s26], [sflag:$0x2] =	stream.indirect_vreg.gather [hbm4b:s31+s6], $0x80, v9, vm0, $0xb8;
	[tilespmem:$0x1D880] =	vst v63  }
0x591: {  	s26 =	simm.s32 $0x18880  }
0x592: {  	[tilespmem:s26], [sflag:$0x2] =	stream.indirect_vreg.gather [hbm4b:s2+s6], $0x80, v9, vm0, $0xb8;
	[tilespmem:$0x1D880] =	vst v63  }
0x593: {  	s26 =	simm.s32 $0x19080  }
0x594: {  	[tilespmem:s26], [sflag:$0x2] =	stream.indirect_vreg.gather [hbm4b:s3+s6], $0x80, v9, vm0, $0xb8;
	[tilespmem:$0x1D880] =	vst v63  }
0x595: {  	v9 =	vld [tilespmem:$0x13D0];
	_ =	sdelay $0x4  }
0x596: {  	v10 =	vshll.u32 v9, $0x3  }
0x597: {  	v9 =	vand.u32 $0x7, v9;
	v10 =	vand.u32 $0xFFFFFFC0, v10  }
0x598: {  	v9 =	vor.u32 v9, v10  }
0x599: {  	v10 =	vperm.xlane v9, v6;
	_ =	sdelay $0x1  }
0x59a: {  	v10 =	vadd.s32 v7, v10;
	_ =	sdelay $0x3  }
0x59b: {  	s26 =	simm.s32 $0x19880  }
0x59c: {  	[tilespmem:s26], [sflag:$0x2] =	stream.indirect_vreg.gather [hbm4b:s0+s6], $0x80, v10, vm0, $0xb8;
	[tilespmem:$0x1D880] =	vst v63  }
0x59d: {  	v9 =	vperm.xlane v9, v8;
	s26 =	simm.s32 $0x1A080  }
0x59e: {  	[tilespmem:s26], [sflag:$0x2] =	stream.indirect_vreg.gather [hbm4b:s31+s6], $0x80, v10, vm0, $0xb8;
	[tilespmem:$0x1D880] =	vst v63  }
0x59f: {  	v9 =	vadd.s32 v7, v9;
	s26 =	simm.s32 $0x1A880  }
0x5a0: {  	[tilespmem:s26], [sflag:$0x2] =	stream.indirect_vreg.gather [hbm4b:s2+s6], $0x80, v10, vm0, $0xb8;
	[tilespmem:$0x1D880] =	vst v63  }
0x5a1: {  	s26 =	simm.s32 $0x1B080  }
0x5a2: {  	[tilespmem:s26], [sflag:$0x2] =	stream.indirect_vreg.gather [hbm4b:s3+s6], $0x80, v10, vm0, $0xb8;
	[tilespmem:$0x1D880] =	vst v63  }
0x5a3: {  	s26 =	simm.s32 $0x1B880  }
0x5a4: {  	[tilespmem:s26], [sflag:$0x2] =	stream.indirect_vreg.gather [hbm4b:s0+s6], $0x80, v9, vm0, $0xb8;
	[tilespmem:$0x1D880] =	vst v63  }
0x5a5: {  	s26 =	simm.s32 $0x1C080  }
0x5a6: {  	[tilespmem:s26], [sflag:$0x2] =	stream.indirect_vreg.gather [hbm4b:s31+s6], $0x80, v9, vm0, $0xb8;
	[tilespmem:$0x1D880] =	vst v63  }
0x5a7: {  	s26 =	simm.s32 $0x1C880  }
0x5a8: {  	[tilespmem:s26], [sflag:$0x2] =	stream.indirect_vreg.gather [hbm4b:s2+s6], $0x80, v9, vm0, $0xb8;
	[tilespmem:$0x1D880] =	vst v63  }
0x5a9: {  	s26 =	simm.s32 $0x1D080  }
0x5aa: {  	[tilespmem:s26], [sflag:$0x2] =	stream.indirect_vreg.gather [hbm4b:s3+s6], $0x80, v9, vm0, $0xb8;
	[tilespmem:$0x1D880] =	vst v63  }
0x5ab: {  	_ =	swait.ge [sflag:s4], $0xC000  }
0x5ac: {  	[sflag:s4] =	ssyncset.done $0x0  }
0x5ad: {  	s26 =	rddreg [dreg:$0x16];
	[sflag:s4] =	ssyncadd.s32 $0xFFFF4000  }
0x5ae: {  	[hbm4b:s26+s6] =	stream.linear.scatter [tilespmem:s17], [sflag:$0x3], $0xC000, $0x38;
	[tilespmem:$0x1D880] =	vst v63  }
0x5af: {  	_ =	swait.ge [sflag:s5], $0xC000  }
0x5b0: {  	[sflag:s5] =	ssyncset.done $0x0  }
0x5b1: {  	[sflag:s5] =	ssyncadd.s32 $0xFFFF4000  }
0x5b2: {  	v9 =	vld [tilespmem:$0x13E0];
	_ =	sdelay $0x4  }
0x5b3: {  	v10 =	vshll.u32 v9, $0x3  }
0x5b4: {  	v9 =	vand.u32 $0x7, v9;
	v10 =	vand.u32 $0xFFFFFFC0, v10  }
0x5b5: {  	v9 =	vor.u32 v9, v10  }
0x5b6: {  	v10 =	vperm.xlane v9, v6;
	_ =	sdelay $0x1  }
0x5b7: {  	v10 =	vadd.s32 v7, v10;
	_ =	sdelay $0x4  }
0x5b8: {  	[tilespmem:s17], [sflag:$0x1] =	stream.indirect_vreg.gather [hbm4b:s0+s6], $0x80, v10, vm0, $0xb8;
	[tilespmem:$0x1D880] =	vst v63  }
0x5b9: {  	s26 =	simm.s32 $0x6080;
	v9 =	vperm.xlane v9, v8  }
0x5ba: {  	[tilespmem:s26], [sflag:$0x1] =	stream.indirect_vreg.gather [hbm4b:s31+s6], $0x80, v10, vm0, $0xb8;
	[tilespmem:$0x1D880] =	vst v63  }
0x5bb: {  	v9 =	vadd.s32 v7, v9  }
0x5bc: {  	[tilespmem:s19], [sflag:$0x1] =	stream.indirect_vreg.gather [hbm4b:s2+s6], $0x80, v10, vm0, $0xb8;
	[tilespmem:$0x1D880] =	vst v63  }
0x5bd: {  	_ = 	snop  }
0x5be: {  	[tilespmem:s20], [sflag:$0x1] =	stream.indirect_vreg.gather [hbm4b:s3+s6], $0x80, v10, vm0, $0xb8;
	[tilespmem:$0x1D880] =	vst v63  }
0x5bf: {  	_ = 	snop  }
0x5c0: {  	[tilespmem:s22], [sflag:$0x1] =	stream.indirect_vreg.gather [hbm4b:s0+s6], $0x80, v9, vm0, $0xb8;
	[tilespmem:$0x1D880] =	vst v63  }
0x5c1: {  	_ = 	snop  }
0x5c2: {  	[tilespmem:s23], [sflag:$0x1] =	stream.indirect_vreg.gather [hbm4b:s31+s6], $0x80, v9, vm0, $0xb8;
	[tilespmem:$0x1D880] =	vst v63  }
0x5c3: {  	_ = 	snop  }
0x5c4: {  	[tilespmem:s24], [sflag:$0x1] =	stream.indirect_vreg.gather [hbm4b:s2+s6], $0x80, v9, vm0, $0xb8;
	[tilespmem:$0x1D880] =	vst v63  }
0x5c5: {  	_ = 	snop  }
0x5c6: {  	[tilespmem:s25], [sflag:$0x1] =	stream.indirect_vreg.gather [hbm4b:s3+s6], $0x80, v9, vm0, $0xb8;
	[tilespmem:$0x1D880] =	vst v63  }
0x5c7: {  	v9 =	vld [tilespmem:$0x13F0];
	_ =	sdelay $0x4  }
0x5c8: {  	v10 =	vshll.u32 v9, $0x3  }
0x5c9: {  	v9 =	vand.u32 $0x7, v9;
	v10 =	vand.u32 $0xFFFFFFC0, v10  }
0x5ca: {  	v9 =	vor.u32 v9, v10  }
0x5cb: {  	v10 =	vperm.xlane v9, v6;
	_ =	sdelay $0x1  }
0x5cc: {  	v10 =	vadd.s32 v7, v10;
	_ =	sdelay $0x3  }
0x5cd: {  	s26 =	simm.s32 $0x9880  }
0x5ce: {  	[tilespmem:s26], [sflag:$0x1] =	stream.indirect_vreg.gather [hbm4b:s0+s6], $0x80, v10, vm0, $0xb8;
	[tilespmem:$0x1D880] =	vst v63  }
0x5cf: {  	v9 =	vperm.xlane v9, v8;
	s26 =	simm.s32 $0xA080  }
0x5d0: {  	[tilespmem:s26], [sflag:$0x1] =	stream.indirect_vreg.gather [hbm4b:s31+s6], $0x80, v10, vm0, $0xb8;
	[tilespmem:$0x1D880] =	vst v63  }
0x5d1: {  	v9 =	vadd.s32 v7, v9;
	s26 =	simm.s32 $0xA880  }
0x5d2: {  	[tilespmem:s26], [sflag:$0x1] =	stream.indirect_vreg.gather [hbm4b:s2+s6], $0x80, v10, vm0, $0xb8;
	[tilespmem:$0x1D880] =	vst v63  }
0x5d3: {  	s26 =	simm.s32 $0xB080  }
0x5d4: {  	[tilespmem:s26], [sflag:$0x1] =	stream.indirect_vreg.gather [hbm4b:s3+s6], $0x80, v10, vm0, $0xb8;
	[tilespmem:$0x1D880] =	vst v63  }
0x5d5: {  	s26 =	simm.s32 $0xB880  }
0x5d6: {  	[tilespmem:s26], [sflag:$0x1] =	stream.indirect_vreg.gather [hbm4b:s0+s6], $0x80, v9, vm0, $0xb8;
	[tilespmem:$0x1D880] =	vst v63  }
0x5d7: {  	s26 =	simm.s32 $0xC080  }
0x5d8: {  	[tilespmem:s26], [sflag:$0x1] =	stream.indirect_vreg.gather [hbm4b:s31+s6], $0x80, v9, vm0, $0xb8;
	[tilespmem:$0x1D880] =	vst v63  }
0x5d9: {  	s26 =	simm.s32 $0xC880  }
0x5da: {  	[tilespmem:s26], [sflag:$0x1] =	stream.indirect_vreg.gather [hbm4b:s2+s6], $0x80, v9, vm0, $0xb8;
	[tilespmem:$0x1D880] =	vst v63  }
0x5db: {  	s26 =	simm.s32 $0xD080  }
0x5dc: {  	[tilespmem:s26], [sflag:$0x1] =	stream.indirect_vreg.gather [hbm4b:s3+s6], $0x80, v9, vm0, $0xb8;
	[tilespmem:$0x1D880] =	vst v63  }
0x5dd: {  	v9 =	vld [tilespmem:$0x1400];
	_ =	sdelay $0x4  }
0x5de: {  	v10 =	vshll.u32 v9, $0x3  }
0x5df: {  	v9 =	vand.u32 $0x7, v9;
	v10 =	vand.u32 $0xFFFFFFC0, v10  }
0x5e0: {  	v9 =	vor.u32 v9, v10  }
0x5e1: {  	v10 =	vperm.xlane v9, v6;
	_ =	sdelay $0x1  }
0x5e2: {  	v10 =	vadd.s32 v7, v10;
	_ =	sdelay $0x3  }
0x5e3: {  	s26 =	simm.s32 $0xD880  }
0x5e4: {  	[tilespmem:s26], [sflag:$0x1] =	stream.indirect_vreg.gather [hbm4b:s0+s6], $0x80, v10, vm0, $0xb8;
	[tilespmem:$0x1D880] =	vst v63  }
0x5e5: {  	v9 =	vperm.xlane v9, v8;
	s26 =	simm.s32 $0xE080  }
0x5e6: {  	[tilespmem:s26], [sflag:$0x1] =	stream.indirect_vreg.gather [hbm4b:s31+s6], $0x80, v10, vm0, $0xb8;
	[tilespmem:$0x1D880] =	vst v63  }
0x5e7: {  	v9 =	vadd.s32 v7, v9;
	s26 =	simm.s32 $0xE880  }
0x5e8: {  	[tilespmem:s26], [sflag:$0x1] =	stream.indirect_vreg.gather [hbm4b:s2+s6], $0x80, v10, vm0, $0xb8;
	[tilespmem:$0x1D880] =	vst v63  }
0x5e9: {  	s18 =	simm.s32 $0xF080  }
0x5ea: {  	[tilespmem:s18], [sflag:$0x1] =	stream.indirect_vreg.gather [hbm4b:s3+s6], $0x80, v10, vm0, $0xb8;
	[tilespmem:$0x1D880] =	vst v63  }
0x5eb: {  	s18 =	simm.s32 $0xF880  }
0x5ec: {  	[tilespmem:s18], [sflag:$0x1] =	stream.indirect_vreg.gather [hbm4b:s0+s6], $0x80, v9, vm0, $0xb8;
	[tilespmem:$0x1D880] =	vst v63  }
0x5ed: {  	s18 =	simm.s32 $0x10080  }
0x5ee: {  	[tilespmem:s18], [sflag:$0x1] =	stream.indirect_vreg.gather [hbm4b:s31+s6], $0x80, v9, vm0, $0xb8;
	[tilespmem:$0x1D880] =	vst v63  }
0x5ef: {  	s18 =	simm.s32 $0x10880  }
0x5f0: {  	[tilespmem:s18], [sflag:$0x1] =	stream.indirect_vreg.gather [hbm4b:s2+s6], $0x80, v9, vm0, $0xb8;
	[tilespmem:$0x1D880] =	vst v63  }
0x5f1: {  	s18 =	simm.s32 $0x11080  }
0x5f2: {  	[tilespmem:s18], [sflag:$0x1] =	stream.indirect_vreg.gather [hbm4b:s3+s6], $0x80, v9, vm0, $0xb8;
	[tilespmem:$0x1D880] =	vst v63  }
0x5f3: {  	_ =	swait.ge [sflag:s28], $0xC000  }
0x5f4: {  	[sflag:s28] =	ssyncset.done $0x0  }
0x5f5: {  	s18 =	rddreg [dreg:$0x17];
	[sflag:s28] =	ssyncadd.s32 $0xFFFF4000  }
0x5f6: {  	[hbm4b:s18+s6] =	stream.linear.scatter [tilespmem:s30], [sflag:$0x4], $0xC000, $0x38;
	[tilespmem:$0x1D880] =	vst v63  }
0x5f7: {  	_ =	swait.ge [sflag:s29], $0xC000  }
0x5f8: {  	[sflag:s29] =	ssyncset.done $0x0  }
0x5f9: {  	[sflag:s29] =	ssyncadd.s32 $0xFFFF4000  }
0x5fa: {  	v9 =	vld [tilespmem:$0x1410];
	_ =	sdelay $0x4  }
0x5fb: {  	v10 =	vshll.u32 v9, $0x3  }
0x5fc: {  	v9 =	vand.u32 $0x7, v9;
	v10 =	vand.u32 $0xFFFFFFC0, v10  }
0x5fd: {  	v9 =	vor.u32 v9, v10  }
0x5fe: {  	v10 =	vperm.xlane v9, v6;
	_ =	sdelay $0x1  }
0x5ff: {  	v10 =	vadd.s32 v7, v10;
	_ =	sdelay $0x4  }
0x600: {  	[tilespmem:s30], [sflag:$0x2] =	stream.indirect_vreg.gather [hbm4b:s0+s6], $0x80, v10, vm0, $0xb8;
	[tilespmem:$0x1D880] =	vst v63  }
0x601: {  	s18 =	simm.s32 $0x12080;
	v9 =	vperm.xlane v9, v8  }
0x602: {  	[tilespmem:s18], [sflag:$0x2] =	stream.indirect_vreg.gather [hbm4b:s31+s6], $0x80, v10, vm0, $0xb8;
	[tilespmem:$0x1D880] =	vst v63  }
0x603: {  	v9 =	vadd.s32 v7, v9;
	s18 =	simm.s32 $0x12880  }
0x604: {  	[tilespmem:s18], [sflag:$0x2] =	stream.indirect_vreg.gather [hbm4b:s2+s6], $0x80, v10, vm0, $0xb8;
	[tilespmem:$0x1D880] =	vst v63  }
0x605: {  	s18 =	simm.s32 $0x13080  }
0x606: {  	[tilespmem:s18], [sflag:$0x2] =	stream.indirect_vreg.gather [hbm4b:s3+s6], $0x80, v10, vm0, $0xb8;
	[tilespmem:$0x1D880] =	vst v63  }
0x607: {  	s18 =	simm.s32 $0x13880  }
0x608: {  	[tilespmem:s18], [sflag:$0x2] =	stream.indirect_vreg.gather [hbm4b:s0+s6], $0x80, v9, vm0, $0xb8;
	[tilespmem:$0x1D880] =	vst v63  }
0x609: {  	s18 =	simm.s32 $0x14080  }
0x60a: {  	[tilespmem:s18], [sflag:$0x2] =	stream.indirect_vreg.gather [hbm4b:s31+s6], $0x80, v9, vm0, $0xb8;
	[tilespmem:$0x1D880] =	vst v63  }
0x60b: {  	s18 =	simm.s32 $0x14880  }
0x60c: {  	[tilespmem:s18], [sflag:$0x2] =	stream.indirect_vreg.gather [hbm4b:s2+s6], $0x80, v9, vm0, $0xb8;
	[tilespmem:$0x1D880] =	vst v63  }
0x60d: {  	s18 =	simm.s32 $0x15080  }
0x60e: {  	[tilespmem:s18], [sflag:$0x2] =	stream.indirect_vreg.gather [hbm4b:s3+s6], $0x80, v9, vm0, $0xb8;
	[tilespmem:$0x1D880] =	vst v63  }
0x60f: {  	v9 =	vld [tilespmem:$0x1420];
	_ =	sdelay $0x4  }
0x610: {  	v10 =	vshll.u32 v9, $0x3  }
0x611: {  	v9 =	vand.u32 $0x7, v9;
	v10 =	vand.u32 $0xFFFFFFC0, v10  }
0x612: {  	v9 =	vor.u32 v9, v10  }
0x613: {  	v10 =	vperm.xlane v9, v6;
	_ =	sdelay $0x1  }
0x614: {  	v10 =	vadd.s32 v7, v10;
	_ =	sdelay $0x3  }
0x615: {  	s18 =	simm.s32 $0x15880  }
0x616: {  	[tilespmem:s18], [sflag:$0x2] =	stream.indirect_vreg.gather [hbm4b:s0+s6], $0x80, v10, vm0, $0xb8;
	[tilespmem:$0x1D880] =	vst v63  }
0x617: {  	v9 =	vperm.xlane v9, v8;
	s18 =	simm.s32 $0x16080  }
0x618: {  	[tilespmem:s18], [sflag:$0x2] =	stream.indirect_vreg.gather [hbm4b:s31+s6], $0x80, v10, vm0, $0xb8;
	[tilespmem:$0x1D880] =	vst v63  }
0x619: {  	v9 =	vadd.s32 v7, v9;
	s18 =	simm.s32 $0x16880  }
0x61a: {  	[tilespmem:s18], [sflag:$0x2] =	stream.indirect_vreg.gather [hbm4b:s2+s6], $0x80, v10, vm0, $0xb8;
	[tilespmem:$0x1D880] =	vst v63  }
0x61b: {  	s18 =	simm.s32 $0x17080  }
0x61c: {  	[tilespmem:s18], [sflag:$0x2] =	stream.indirect_vreg.gather [hbm4b:s3+s6], $0x80, v10, vm0, $0xb8;
	[tilespmem:$0x1D880] =	vst v63  }
0x61d: {  	s18 =	simm.s32 $0x17880  }
0x61e: {  	[tilespmem:s18], [sflag:$0x2] =	stream.indirect_vreg.gather [hbm4b:s0+s6], $0x80, v9, vm0, $0xb8;
	[tilespmem:$0x1D880] =	vst v63  }
0x61f: {  	s18 =	simm.s32 $0x18080  }
0x620: {  	[tilespmem:s18], [sflag:$0x2] =	stream.indirect_vreg.gather [hbm4b:s31+s6], $0x80, v9, vm0, $0xb8;
	[tilespmem:$0x1D880] =	vst v63  }
0x621: {  	s18 =	simm.s32 $0x18880  }
0x622: {  	[tilespmem:s18], [sflag:$0x2] =	stream.indirect_vreg.gather [hbm4b:s2+s6], $0x80, v9, vm0, $0xb8;
	[tilespmem:$0x1D880] =	vst v63  }
0x623: {  	s18 =	simm.s32 $0x19080  }
0x624: {  	[tilespmem:s18], [sflag:$0x2] =	stream.indirect_vreg.gather [hbm4b:s3+s6], $0x80, v9, vm0, $0xb8;
	[tilespmem:$0x1D880] =	vst v63  }
0x625: {  	v9 =	vld [tilespmem:$0x1430];
	_ =	sdelay $0x4  }
0x626: {  	v10 =	vshll.u32 v9, $0x3  }
0x627: {  	v9 =	vand.u32 $0x7, v9;
	v10 =	vand.u32 $0xFFFFFFC0, v10  }
0x628: {  	v9 =	vor.u32 v9, v10  }
0x629: {  	v10 =	vperm.xlane v9, v6;
	_ =	sdelay $0x1  }
0x62a: {  	v10 =	vadd.s32 v7, v10;
	_ =	sdelay $0x3  }
0x62b: {  	s18 =	simm.s32 $0x19880  }
0x62c: {  	[tilespmem:s18], [sflag:$0x2] =	stream.indirect_vreg.gather [hbm4b:s0+s6], $0x80, v10, vm0, $0xb8;
	[tilespmem:$0x1D880] =	vst v63  }
0x62d: {  	v9 =	vperm.xlane v9, v8;
	s18 =	simm.s32 $0x1A080  }
0x62e: {  	[tilespmem:s18], [sflag:$0x2] =	stream.indirect_vreg.gather [hbm4b:s31+s6], $0x80, v10, vm0, $0xb8;
	[tilespmem:$0x1D880] =	vst v63  }
0x62f: {  	v9 =	vadd.s32 v7, v9;
	s18 =	simm.s32 $0x1A880  }
0x630: {  	[tilespmem:s18], [sflag:$0x2] =	stream.indirect_vreg.gather [hbm4b:s2+s6], $0x80, v10, vm0, $0xb8;
	[tilespmem:$0x1D880] =	vst v63  }
0x631: {  	s18 =	simm.s32 $0x1B080  }
0x632: {  	[tilespmem:s18], [sflag:$0x2] =	stream.indirect_vreg.gather [hbm4b:s3+s6], $0x80, v10, vm0, $0xb8;
	[tilespmem:$0x1D880] =	vst v63  }
0x633: {  	s18 =	simm.s32 $0x1B880  }
0x634: {  	[tilespmem:s18], [sflag:$0x2] =	stream.indirect_vreg.gather [hbm4b:s0+s6], $0x80, v9, vm0, $0xb8;
	[tilespmem:$0x1D880] =	vst v63  }
0x635: {  	s18 =	simm.s32 $0x1C080  }
0x636: {  	[tilespmem:s18], [sflag:$0x2] =	stream.indirect_vreg.gather [hbm4b:s31+s6], $0x80, v9, vm0, $0xb8;
	[tilespmem:$0x1D880] =	vst v63  }
0x637: {  	s18 =	simm.s32 $0x1C880  }
0x638: {  	[tilespmem:s18], [sflag:$0x2] =	stream.indirect_vreg.gather [hbm4b:s2+s6], $0x80, v9, vm0, $0xb8;
	[tilespmem:$0x1D880] =	vst v63  }
0x639: {  	s18 =	simm.s32 $0x1D080  }
0x63a: {  	[tilespmem:s18], [sflag:$0x2] =	stream.indirect_vreg.gather [hbm4b:s3+s6], $0x80, v9, vm0, $0xb8;
	[tilespmem:$0x1D880] =	vst v63  }
0x63b: {  	_ =	swait.ge [sflag:s4], $0xC000  }
0x63c: {  	[sflag:s4] =	ssyncset.done $0x0  }
0x63d: {  	s18 =	rddreg [dreg:$0x18];
	[sflag:s4] =	ssyncadd.s32 $0xFFFF4000  }
0x63e: {  	[hbm4b:s18+s6] =	stream.linear.scatter [tilespmem:s17], [sflag:$0x3], $0xC000, $0x38;
	[tilespmem:$0x1D880] =	vst v63  }
0x63f: {  	_ =	swait.ge [sflag:s5], $0xC000  }
0x640: {  	[sflag:s5] =	ssyncset.done $0x0  }
0x641: {  	[sflag:s5] =	ssyncadd.s32 $0xFFFF4000  }
0x642: {  	v9 =	vld [tilespmem:$0x1440];
	_ =	sdelay $0x4  }
0x643: {  	v10 =	vshll.u32 v9, $0x3  }
0x644: {  	v9 =	vand.u32 $0x7, v9;
	v10 =	vand.u32 $0xFFFFFFC0, v10  }
0x645: {  	v9 =	vor.u32 v9, v10  }
0x646: {  	v10 =	vperm.xlane v9, v6;
	_ =	sdelay $0x1  }
0x647: {  	v10 =	vadd.s32 v7, v10;
	_ =	sdelay $0x4  }
0x648: {  	[tilespmem:s17], [sflag:$0x1] =	stream.indirect_vreg.gather [hbm4b:s0+s6], $0x80, v10, vm0, $0xb8;
	[tilespmem:$0x1D880] =	vst v63  }
0x649: {  	s18 =	simm.s32 $0x6080;
	v9 =	vperm.xlane v9, v8  }
0x64a: {  	[tilespmem:s18], [sflag:$0x1] =	stream.indirect_vreg.gather [hbm4b:s31+s6], $0x80, v10, vm0, $0xb8;
	[tilespmem:$0x1D880] =	vst v63  }
0x64b: {  	v9 =	vadd.s32 v7, v9  }
0x64c: {  	[tilespmem:s19], [sflag:$0x1] =	stream.indirect_vreg.gather [hbm4b:s2+s6], $0x80, v10, vm0, $0xb8;
	[tilespmem:$0x1D880] =	vst v63  }
0x64d: {  	_ = 	snop  }
0x64e: {  	[tilespmem:s20], [sflag:$0x1] =	stream.indirect_vreg.gather [hbm4b:s3+s6], $0x80, v10, vm0, $0xb8;
	[tilespmem:$0x1D880] =	vst v63  }
0x64f: {  	_ = 	snop  }
0x650: {  	[tilespmem:s22], [sflag:$0x1] =	stream.indirect_vreg.gather [hbm4b:s0+s6], $0x80, v9, vm0, $0xb8;
	[tilespmem:$0x1D880] =	vst v63  }
0x651: {  	_ = 	snop  }
0x652: {  	[tilespmem:s23], [sflag:$0x1] =	stream.indirect_vreg.gather [hbm4b:s31+s6], $0x80, v9, vm0, $0xb8;
	[tilespmem:$0x1D880] =	vst v63  }
0x653: {  	_ = 	snop  }
0x654: {  	[tilespmem:s24], [sflag:$0x1] =	stream.indirect_vreg.gather [hbm4b:s2+s6], $0x80, v9, vm0, $0xb8;
	[tilespmem:$0x1D880] =	vst v63  }
0x655: {  	_ = 	snop  }
0x656: {  	[tilespmem:s25], [sflag:$0x1] =	stream.indirect_vreg.gather [hbm4b:s3+s6], $0x80, v9, vm0, $0xb8;
	[tilespmem:$0x1D880] =	vst v63  }
0x657: {  	v9 =	vld [tilespmem:$0x1450];
	_ =	sdelay $0x4  }
0x658: {  	v10 =	vshll.u32 v9, $0x3  }
0x659: {  	v9 =	vand.u32 $0x7, v9;
	v10 =	vand.u32 $0xFFFFFFC0, v10  }
0x65a: {  	v9 =	vor.u32 v9, v10  }
0x65b: {  	v10 =	vperm.xlane v9, v6;
	_ =	sdelay $0x1  }
0x65c: {  	v10 =	vadd.s32 v7, v10;
	_ =	sdelay $0x3  }
0x65d: {  	s18 =	simm.s32 $0x9880  }
0x65e: {  	[tilespmem:s18], [sflag:$0x1] =	stream.indirect_vreg.gather [hbm4b:s0+s6], $0x80, v10, vm0, $0xb8;
	[tilespmem:$0x1D880] =	vst v63  }
0x65f: {  	v9 =	vperm.xlane v9, v8;
	s18 =	simm.s32 $0xA080  }
0x660: {  	[tilespmem:s18], [sflag:$0x1] =	stream.indirect_vreg.gather [hbm4b:s31+s6], $0x80, v10, vm0, $0xb8;
	[tilespmem:$0x1D880] =	vst v63  }
0x661: {  	v9 =	vadd.s32 v7, v9;
	s18 =	simm.s32 $0xA880  }
0x662: {  	[tilespmem:s18], [sflag:$0x1] =	stream.indirect_vreg.gather [hbm4b:s2+s6], $0x80, v10, vm0, $0xb8;
	[tilespmem:$0x1D880] =	vst v63  }
0x663: {  	s18 =	simm.s32 $0xB080  }
0x664: {  	[tilespmem:s18], [sflag:$0x1] =	stream.indirect_vreg.gather [hbm4b:s3+s6], $0x80, v10, vm0, $0xb8;
	[tilespmem:$0x1D880] =	vst v63  }
0x665: {  	s18 =	simm.s32 $0xB880  }
0x666: {  	[tilespmem:s18], [sflag:$0x1] =	stream.indirect_vreg.gather [hbm4b:s0+s6], $0x80, v9, vm0, $0xb8;
	[tilespmem:$0x1D880] =	vst v63  }
0x667: {  	s18 =	simm.s32 $0xC080  }
0x668: {  	[tilespmem:s18], [sflag:$0x1] =	stream.indirect_vreg.gather [hbm4b:s31+s6], $0x80, v9, vm0, $0xb8;
	[tilespmem:$0x1D880] =	vst v63  }
0x669: {  	s18 =	simm.s32 $0xC880  }
0x66a: {  	[tilespmem:s18], [sflag:$0x1] =	stream.indirect_vreg.gather [hbm4b:s2+s6], $0x80, v9, vm0, $0xb8;
	[tilespmem:$0x1D880] =	vst v63  }
0x66b: {  	s18 =	simm.s32 $0xD080  }
0x66c: {  	[tilespmem:s18], [sflag:$0x1] =	stream.indirect_vreg.gather [hbm4b:s3+s6], $0x80, v9, vm0, $0xb8;
	[tilespmem:$0x1D880] =	vst v63  }
0x66d: {  	v9 =	vld.msk [tilespmem:$0x1460], $0xff;
	_ =	sdelay $0x4  }
0x66e: {  	v10 =	vshll.u32 v9, $0x3  }
0x66f: {  	v9 =	vand.u32 $0x7, v9;
	v10 =	vand.u32 $0xFFFFFFC0, v10  }
0x670: {  	v9 =	vor.u32 v9, v10  }
0x671: {  	v9 =	vperm.xlane v9, v6;
	_ =	sdelay $0x1  }
0x672: {  	v9 =	vadd.s32 v7, v9;
	_ =	sdelay $0x3  }
0x673: {  	s18 =	simm.s32 $0xD880  }
0x674: {  	[tilespmem:s18], [sflag:$0x1] =	stream.indirect_vreg.gather [hbm4b:s0+s6], $0x80, v9, vm0, $0xb8;
	[tilespmem:$0x1D880] =	vst v63  }
0x675: {  	s18 =	simm.s32 $0xE080  }
0x676: {  	[tilespmem:s18], [sflag:$0x1] =	stream.indirect_vreg.gather [hbm4b:s31+s6], $0x80, v9, vm0, $0xb8;
	[tilespmem:$0x1D880] =	vst v63  }
0x677: {  	s31 =	sld [smem:$0x7FD]  }
0x678: {  	s26 =	simm.s32 $0xE880  }
0x679: {  	[tilespmem:s26], [sflag:$0x1] =	stream.indirect_vreg.gather [hbm4b:s2+s6], $0x80, v9, vm0, $0xb8;
	[tilespmem:$0x1D880] =	vst v63  }
0x67a: {  	s18 =	sadd.s32 s21, s31  }
0x67b: {  	p0 =	slt.s32 s18, $0x1  }
0x67c: {  	s26 =	sadd.s32 @!p0 $0xFFFFFFFF, s18  }
0x67d: {  	s2 =	simm.s32 $0xF080;
	v10 =	vlaneseq.u32 @!p0;
	s21 =	sand.u32 @!p0 $0xFFFFFFF0, s26  }
0x67e: {  	[tilespmem:s2], [sflag:$0x1] =	stream.indirect_vreg.gather [hbm4b:s3+s6], $0x80, v9, vm0, $0xb8;
	v9 =	vor.u32 @!p0 s21, v10;
	[tilespmem:$0x1D880] =	vst v63  }
0x67f: {  	_ =	swait.ge [sflag:s28], $0xC000;
	vm1 =	vlt.s32 @!p0 v9, s26  }
0x680: {  	s18 =	sadd.s32 $0xF, s18;
	[sflag:s28] =	ssyncset.done $0x0;
	v9 =	vnsel @!p0 vm1, s26, v9  }
0x681: {  	s31 =	rddreg [dreg:$0x19];
	s2 =	sand.u32 $0xF, s18;
	[sflag:s28] =	ssyncadd.s32 $0xFFFF4000;
	v11 =	vshra.s32 @!p0 v9, $0x1F  }
0x682: {  	[hbm4b:s31+s6] =	stream.linear.scatter [tilespmem:s30], [sflag:$0x4], $0xC000, $0x38;
	v11 =	vshrl.u32 @!p0 v11, $0x1C;
	[tilespmem:$0x1D880] =	vst v63  }
0x683: {  	p1 =	slt.s32 s18, $0x1;
	p2 =	sne.s32 s2, $0x0;
	_ =	swait.ge [sflag:s4], $0xA000;
	v11 =	vadd.s32 @!p0 v11, v9  }
0x684: {  	s3 =	sshra.s32 s18, $0x1F;
	p1 =	por !p1, !p2;
	[sflag:s4] =	ssyncset.done $0x0;
	v11 =	vshra.s32 @!p0 v11, $0x4  }
0x685: {  	s0 =	rddreg [dreg:$0x1a];
	[sflag:s4] =	ssyncadd.s32 $0xFFFF6000;
	s4 =	sshrl.u32 s3, $0x1C;
	v12 =	vshll.u32 @!p0 v11, $0x4  }
0x686: {  	vm1 =	vlt.s32 @!p0 v9, $0x1;
	[hbm4b:s0+s6] =	stream.linear.scatter [tilespmem:s17], [sflag:$0x3], $0xA000, $0x38;
	vm2 =	vne.s32 @!p0 v9, v12;
	[tilespmem:$0x1D880] =	vst v63  }
0x687: {  	s21 =	simm.s32 $0x1;
	p1 =	por !p1, !p1;
	s18 =	sadd.s32 s4, s18;
	v12 =	vimm.s32 @!p0 $0x0;
	vm1 =	vmand @!p0 vm1, vm2  }
0x688: {  	s21 =	simm.s32 @!p1 $0x0;
	_ =	swait.ge [sflag:s5], $0xA000;
	s18 =	sshra.s32 s18, $0x4;
	v12 =	vsel @!p0 vm1, $0xFFFFFFFF, v12  }
0x689: {  	[sflag:s5] =	ssyncset.done $0x0;
	s21 =	ssub.s32 s18, s21;
	v11 =	vadd.s32 @!p0 v12, v11  }
0x68a: {  	s28 =	simm.s32 @!p0 $0x1880;
	[sflag:s5] =	ssyncadd.s32 $0xFFFF6000;
	v9 =	vand.u32 @!p0 $0xF, v9;
	s5 =	sadd.s32 $0x1, s21;
	v11 =	vshll.u32 @!p0 v11, $0x7  }
0x68b: {  	s18 =	sshll.u32 @!p0 s26, $0x3;
	p5 =	slt.s32 s21, $0x0;
	s30 =	sand.u32 $0x1, s5;
	v9 =	vor.u32 @!p0 v9, v11  }
0x68c: {  	_ =	swait.ge [sflag:s29], $0xC000;
	s31 =	sshrl.u32 s5, $0x1F;
	p6 =	seq.s32 s30, $0x1  }
0x68d: {  	[sflag:s29] =	ssyncset.done $0x0;
	s26 =	sadd.s32 s31, s5;
	p1 =	por !p5, !p6  }
0x68e: {  	[sflag:s29] =	ssyncadd.s32 $0xFFFF4000;
	s29 =	simm.s32 $0x1;
	p1 =	por !p1, !p1  }
0x68f: {  	s18 =	sand.u32 @!p0 $0xFFFFFF80, s18;
	s26 =	sshra.s32 s26, $0x1;
	s29 =	simm.s32 @!p1 $0x0  }
0x690: {  	v10 =	vor.u32 @!p0 s18, v10;
	s18 =	simm.s32 @!p0 $0x3880;
	s26 =	ssub.s32 s26, s29;
	v11 =	vld.idx.msk @!p0 [tilespmem:v9+s28+$0x0], $0xffff  }
0x691: {  	p1 =	slt.s32 s26, $0x1;
	v9 =	vld.idx.msk @!p0 [tilespmem:v9+s18+$0x0], $0xffff  }
.Ltmp4:
0x692: {  	_ = 	snop;
	(pc) =	sbr.rel @p1 .LBB2_11-.Ltmp4, $3  }
0x693: {  	_ =	sdelay $0x1  }
0x694: {  	[tilespmem:v10+s28+$0x0] =	vst.idx.msk @!p0 $0xffff, v11  }
0x695: {  	[tilespmem:v10+s18+$0x0] =	vst.idx.msk @!p0 $0xffff, v9  }
.Ltmp5:
0x696: {  	(pc) =	sbr.rel .LBB2_7-.Ltmp5, $2  }
0x697: {  	_ =	sdelay $0x2  }
0x698: {  	s28 =	simm.s32 $0x3880;
	s29 =	simm.s32 $0x1900;
	s30 =	simm.s32 $0x1  }
.LBB2_9:
0x699: {  	s0 =	simm.s32 $0x5  }
0x69a: {  	_ =	swait.ge [sflag:s0], $0x4000  }
0x69b: {  	[sflag:s0] =	ssyncset.done $0x0  }
0x69c: {  	[sflag:s0] =	ssyncadd.s32 $0xFFFFC000  }
0x69d: {  	v9 =	vld [tilespmem:s28+$0x0];
	_ =	sdelay $0x4  }
0x69e: {  	v10 =	vshll.u32 v9, $0x3  }
0x69f: {  	v9 =	vand.u32 $0x7, v9;
	v10 =	vand.u32 $0xFFFFFFC0, v10  }
0x6a0: {  	v9 =	vor.u32 v9, v10  }
0x6a1: {  	v10 =	vperm.xlane v9, v6;
	_ =	sdelay $0x1  }
0x6a2: {  	v10 =	vadd.s32 v7, v10;
	_ =	sdelay $0x3  }
0x6a3: {  	s5 =	rddreg [dreg:$0x3]  }
0x6a4: {  	[hbm4b:s5+s6] =	stream.indirect_vreg.scatter [tilespmem:s17], [sflag:$0x7], $0x80, v10, vm0, $0xb8;
	[tilespmem:$0x1D880] =	vst v63  }
0x6a5: {  	v9 =	vperm.xlane v9, v8  }
0x6a6: {  	[hbm4b:s9+s6] =	stream.indirect_vreg.scatter [tilespmem:s18], [sflag:$0x7], $0x80, v10, vm0, $0xb8;
	[tilespmem:$0x1D880] =	vst v63  }
0x6a7: {  	v9 =	vadd.s32 v7, v9  }
0x6a8: {  	[hbm4b:s10+s6] =	stream.indirect_vreg.scatter [tilespmem:s19], [sflag:$0x7], $0x80, v10, vm0, $0xb8;
	[tilespmem:$0x1D880] =	vst v63  }
0x6a9: {  	_ = 	snop  }
0x6aa: {  	[hbm4b:s11+s6] =	stream.indirect_vreg.scatter [tilespmem:s20], [sflag:$0x7], $0x80, v10, vm0, $0xb8;
	[tilespmem:$0x1D880] =	vst v63  }
0x6ab: {  	_ = 	snop  }
0x6ac: {  	[hbm4b:s5+s6] =	stream.indirect_vreg.scatter [tilespmem:s22], [sflag:$0x7], $0x80, v9, vm0, $0xb8;
	[tilespmem:$0x1D880] =	vst v63  }
0x6ad: {  	_ = 	snop  }
0x6ae: {  	[hbm4b:s9+s6] =	stream.indirect_vreg.scatter [tilespmem:s23], [sflag:$0x7], $0x80, v9, vm0, $0xb8;
	[tilespmem:$0x1D880] =	vst v63  }
0x6af: {  	_ = 	snop  }
0x6b0: {  	[hbm4b:s10+s6] =	stream.indirect_vreg.scatter [tilespmem:s24], [sflag:$0x7], $0x80, v9, vm0, $0xb8;
	[tilespmem:$0x1D880] =	vst v63  }
0x6b1: {  	s18 =	simm.s32 $0x7  }
0x6b2: {  	[hbm4b:s11+s6] =	stream.indirect_vreg.scatter [tilespmem:s25], [sflag:$0x7], $0x80, v9, vm0, $0xb8;
	[tilespmem:$0x1D880] =	vst v63  }
.LBB2_10:
0x6b3: {  	s26 =	sadd.s32 $0xFFFFFFFF, s26  }
0x6b4: {  	p0 =	sne.s32 s26, $0x0  }
.Ltmp6:
0x6b5: {  	_ = 	snop;
	(pc) =	sbr.rel @!p0 .LBB2_11-.Ltmp6, $4  }
0x6b6: {  	_ = 	snop  }
0x6b7: {  	_ =	swait.ge [sflag:s18], $0x4000  }
0x6b8: {  	s28 =	sadd.s32 $0x100, s28;
	[sflag:s18] =	ssyncset.done $0x0  }
0x6b9: {  	s29 =	sadd.s32 $0x100, s29;
	s30 =	sadd.s32 $0x2, s30;
	[sflag:s18] =	ssyncadd.s32 $0xFFFFC000  }
.LBB2_7:
0x6ba: {  	v9 =	vld [tilespmem:s29+$0xFFFFFF80];
	_ =	sdelay $0x4  }
0x6bb: {  	v10 =	vshll.u32 v9, $0x3  }
0x6bc: {  	v9 =	vand.u32 $0x7, v9;
	v10 =	vand.u32 $0xFFFFFFC0, v10  }
0x6bd: {  	v9 =	vor.u32 v9, v10  }
0x6be: {  	v10 =	vperm.xlane v9, v6;
	_ =	sdelay $0x1  }
0x6bf: {  	v10 =	vadd.s32 v7, v10;
	_ =	sdelay $0x4  }
0x6c0: {  	[tilespmem:s17], [sflag:$0x5] =	stream.indirect_vreg.gather [hbm4b:s1+s6], $0x80, v10, vm0, $0xb8;
	[tilespmem:$0x1D880] =	vst v63  }
0x6c1: {  	s18 =	simm.s32 $0x6080;
	v9 =	vperm.xlane v9, v8  }
0x6c2: {  	[tilespmem:s18], [sflag:$0x5] =	stream.indirect_vreg.gather [hbm4b:s12+s6], $0x80, v10, vm0, $0xb8;
	[tilespmem:$0x1D880] =	vst v63  }
0x6c3: {  	v9 =	vadd.s32 v7, v9  }
0x6c4: {  	[tilespmem:s19], [sflag:$0x5] =	stream.indirect_vreg.gather [hbm4b:s7+s6], $0x80, v10, vm0, $0xb8;
	[tilespmem:$0x1D880] =	vst v63  }
0x6c5: {  	_ = 	snop  }
0x6c6: {  	[tilespmem:s20], [sflag:$0x5] =	stream.indirect_vreg.gather [hbm4b:s8+s6], $0x80, v10, vm0, $0xb8;
	[tilespmem:$0x1D880] =	vst v63  }
0x6c7: {  	_ = 	snop  }
0x6c8: {  	[tilespmem:s22], [sflag:$0x5] =	stream.indirect_vreg.gather [hbm4b:s1+s6], $0x80, v9, vm0, $0xb8;
	[tilespmem:$0x1D880] =	vst v63  }
0x6c9: {  	p0 =	sge.s32 s30, s21  }
0x6ca: {  	[tilespmem:s23], [sflag:$0x5] =	stream.indirect_vreg.gather [hbm4b:s12+s6], $0x80, v9, vm0, $0xb8;
	[tilespmem:$0x1D880] =	vst v63  }
.Ltmp7:
0x6cb: {  	_ = 	snop;
	(pc) =	sbr.rel @p0 .LBB2_9-.Ltmp7, $4  }
0x6cc: {  	_ = 	snop  }
0x6cd: {  	[tilespmem:s24], [sflag:$0x5] =	stream.indirect_vreg.gather [hbm4b:s7+s6], $0x80, v9, vm0, $0xb8;
	[tilespmem:$0x1D880] =	vst v63  }
0x6ce: {  	_ = 	snop  }
0x6cf: {  	[tilespmem:s25], [sflag:$0x5] =	stream.indirect_vreg.gather [hbm4b:s8+s6], $0x80, v9, vm0, $0xb8;
	[tilespmem:$0x1D880] =	vst v63  }
0x6d0: {  	v9 =	vld [tilespmem:s29+$0x0];
	_ =	sdelay $0x4  }
0x6d1: {  	v10 =	vshll.u32 v9, $0x3  }
0x6d2: {  	v9 =	vand.u32 $0x7, v9;
	v10 =	vand.u32 $0xFFFFFFC0, v10  }
0x6d3: {  	v9 =	vor.u32 v9, v10  }
0x6d4: {  	v10 =	vperm.xlane v9, v6;
	_ =	sdelay $0x1  }
0x6d5: {  	v10 =	vadd.s32 v7, v10;
	_ =	sdelay $0x3  }
0x6d6: {  	s19 =	simm.s32 $0x9880  }
0x6d7: {  	[tilespmem:s19], [sflag:$0x6] =	stream.indirect_vreg.gather [hbm4b:s1+s6], $0x80, v10, vm0, $0xb8;
	[tilespmem:$0x1D880] =	vst v63  }
0x6d8: {  	s22 =	simm.s32 $0xA080;
	v9 =	vperm.xlane v9, v8  }
0x6d9: {  	[tilespmem:s22], [sflag:$0x6] =	stream.indirect_vreg.gather [hbm4b:s12+s6], $0x80, v10, vm0, $0xb8;
	[tilespmem:$0x1D880] =	vst v63  }
0x6da: {  	s24 =	simm.s32 $0xA880;
	v9 =	vadd.s32 v7, v9  }
0x6db: {  	[tilespmem:s24], [sflag:$0x6] =	stream.indirect_vreg.gather [hbm4b:s7+s6], $0x80, v10, vm0, $0xb8;
	[tilespmem:$0x1D880] =	vst v63  }
0x6dc: {  	s5 =	simm.s32 $0xB080  }
0x6dd: {  	[tilespmem:s5], [sflag:$0x6] =	stream.indirect_vreg.gather [hbm4b:s8+s6], $0x80, v10, vm0, $0xb8;
	[tilespmem:$0x1D880] =	vst v63  }
0x6de: {  	s4 =	simm.s32 $0xB880  }
0x6df: {  	[tilespmem:s4], [sflag:$0x6] =	stream.indirect_vreg.gather [hbm4b:s1+s6], $0x80, v9, vm0, $0xb8;
	[tilespmem:$0x1D880] =	vst v63  }
0x6e0: {  	s31 =	simm.s32 $0xC080  }
0x6e1: {  	[tilespmem:s31], [sflag:$0x6] =	stream.indirect_vreg.gather [hbm4b:s12+s6], $0x80, v9, vm0, $0xb8;
	[tilespmem:$0x1D880] =	vst v63  }
0x6e2: {  	s2 =	simm.s32 $0xC880  }
0x6e3: {  	[tilespmem:s2], [sflag:$0x6] =	stream.indirect_vreg.gather [hbm4b:s7+s6], $0x80, v9, vm0, $0xb8;
	[tilespmem:$0x1D880] =	vst v63  }
0x6e4: {  	s3 =	simm.s32 $0xD080;
	s0 =	simm.s32 $0x5  }
0x6e5: {  	[tilespmem:s3], [sflag:$0x6] =	stream.indirect_vreg.gather [hbm4b:s8+s6], $0x80, v9, vm0, $0xb8;
	[tilespmem:$0x1D880] =	vst v63  }
0x6e6: {  	_ =	swait.ge [sflag:s0], $0x4000  }
0x6e7: {  	[sflag:s0] =	ssyncset.done $0x0  }
0x6e8: {  	[sflag:s0] =	ssyncadd.s32 $0xFFFFC000  }
0x6e9: {  	v9 =	vld [tilespmem:s28+$0x0];
	_ =	sdelay $0x4  }
0x6ea: {  	v10 =	vshll.u32 v9, $0x3  }
0x6eb: {  	v9 =	vand.u32 $0x7, v9;
	v10 =	vand.u32 $0xFFFFFFC0, v10  }
0x6ec: {  	v9 =	vor.u32 v9, v10  }
0x6ed: {  	v10 =	vperm.xlane v9, v6;
	_ =	sdelay $0x1  }
0x6ee: {  	v10 =	vadd.s32 v7, v10;
	_ =	sdelay $0x3  }
0x6ef: {  	s0 =	simm.s32 $0x5880;
	s17 =	rddreg [dreg:$0x3]  }
0x6f0: {  	[hbm4b:s17+s6] =	stream.indirect_vreg.scatter [tilespmem:s0], [sflag:$0x7], $0x80, v10, vm0, $0xb8;
	[tilespmem:$0x1D880] =	vst v63  }
0x6f1: {  	v9 =	vperm.xlane v9, v8  }
0x6f2: {  	[hbm4b:s9+s6] =	stream.indirect_vreg.scatter [tilespmem:s18], [sflag:$0x7], $0x80, v10, vm0, $0xb8;
	[tilespmem:$0x1D880] =	vst v63  }
0x6f3: {  	s20 =	simm.s32 $0x6880;
	v9 =	vadd.s32 v7, v9  }
0x6f4: {  	[hbm4b:s10+s6] =	stream.indirect_vreg.scatter [tilespmem:s20], [sflag:$0x7], $0x80, v10, vm0, $0xb8;
	[tilespmem:$0x1D880] =	vst v63  }
0x6f5: {  	s20 =	simm.s32 $0x7080  }
0x6f6: {  	[hbm4b:s11+s6] =	stream.indirect_vreg.scatter [tilespmem:s20], [sflag:$0x7], $0x80, v10, vm0, $0xb8;
	[tilespmem:$0x1D880] =	vst v63  }
0x6f7: {  	s23 =	simm.s32 $0x7880  }
0x6f8: {  	[hbm4b:s17+s6] =	stream.indirect_vreg.scatter [tilespmem:s23], [sflag:$0x7], $0x80, v9, vm0, $0xb8;
	[tilespmem:$0x1D880] =	vst v63  }
0x6f9: {  	s23 =	simm.s32 $0x8080  }
0x6fa: {  	[hbm4b:s9+s6] =	stream.indirect_vreg.scatter [tilespmem:s23], [sflag:$0x7], $0x80, v9, vm0, $0xb8;
	[tilespmem:$0x1D880] =	vst v63  }
0x6fb: {  	s25 =	simm.s32 $0x8880  }
0x6fc: {  	[hbm4b:s10+s6] =	stream.indirect_vreg.scatter [tilespmem:s25], [sflag:$0x7], $0x80, v9, vm0, $0xb8;
	[tilespmem:$0x1D880] =	vst v63  }
0x6fd: {  	s18 =	simm.s32 $0x6;
	s25 =	simm.s32 $0x9080  }
0x6fe: {  	[hbm4b:s11+s6] =	stream.indirect_vreg.scatter [tilespmem:s25], [sflag:$0x7], $0x80, v9, vm0, $0xb8;
	[tilespmem:$0x1D880] =	vst v63  }
0x6ff: {  	_ =	swait.ge [sflag:s18], $0x4000  }
0x700: {  	[sflag:s18] =	ssyncset.done $0x0  }
0x701: {  	[sflag:s18] =	ssyncadd.s32 $0xFFFFC000  }
0x702: {  	v9 =	vld [tilespmem:s28+$0x80];
	_ =	sdelay $0x4  }
0x703: {  	v10 =	vshll.u32 v9, $0x3  }
0x704: {  	v9 =	vand.u32 $0x7, v9;
	v10 =	vand.u32 $0xFFFFFFC0, v10  }
0x705: {  	v9 =	vor.u32 v9, v10  }
0x706: {  	v10 =	vperm.xlane v9, v6;
	_ =	sdelay $0x1  }
0x707: {  	v10 =	vadd.s32 v7, v10;
	_ =	sdelay $0x4  }
0x708: {  	[hbm4b:s17+s6] =	stream.indirect_vreg.scatter [tilespmem:s19], [sflag:$0x8], $0x80, v10, vm0, $0xb8;
	[tilespmem:$0x1D880] =	vst v63  }
0x709: {  	v9 =	vperm.xlane v9, v8  }
0x70a: {  	[hbm4b:s9+s6] =	stream.indirect_vreg.scatter [tilespmem:s22], [sflag:$0x8], $0x80, v10, vm0, $0xb8;
	[tilespmem:$0x1D880] =	vst v63  }
0x70b: {  	v9 =	vadd.s32 v7, v9  }
0x70c: {  	[hbm4b:s10+s6] =	stream.indirect_vreg.scatter [tilespmem:s24], [sflag:$0x8], $0x80, v10, vm0, $0xb8;
	[tilespmem:$0x1D880] =	vst v63  }
0x70d: {  	_ = 	snop  }
0x70e: {  	[hbm4b:s11+s6] =	stream.indirect_vreg.scatter [tilespmem:s5], [sflag:$0x8], $0x80, v10, vm0, $0xb8;
	[tilespmem:$0x1D880] =	vst v63  }
0x70f: {  	_ = 	snop  }
0x710: {  	[hbm4b:s17+s6] =	stream.indirect_vreg.scatter [tilespmem:s4], [sflag:$0x8], $0x80, v9, vm0, $0xb8;
	[tilespmem:$0x1D880] =	vst v63  }
0x711: {  	_ = 	snop  }
0x712: {  	[hbm4b:s9+s6] =	stream.indirect_vreg.scatter [tilespmem:s31], [sflag:$0x8], $0x80, v9, vm0, $0xb8;
	[tilespmem:$0x1D880] =	vst v63  }
0x713: {  	_ = 	snop  }
0x714: {  	[hbm4b:s10+s6] =	stream.indirect_vreg.scatter [tilespmem:s2], [sflag:$0x8], $0x80, v9, vm0, $0xb8;
	[tilespmem:$0x1D880] =	vst v63  }
.Ltmp8:
0x715: {  	s31 =	simm.s32 $0x7;
	(pc) =	sbr.rel .LBB2_10-.Ltmp8, $4  }
0x716: {  	[hbm4b:s11+s6] =	stream.indirect_vreg.scatter [tilespmem:s3], [sflag:$0x8], $0x80, v9, vm0, $0xb8;
	[tilespmem:$0x1D880] =	vst v63  }
0x717: {  	s18 =	simm.s32 $0x8;
	_ =	swait.ge [sflag:s31], $0x4000  }
0x718: {  	s19 =	simm.s32 $0x6880;
	s22 =	simm.s32 $0x7880;
	[sflag:s31] =	ssyncset.done $0x0  }
0x719: {  	s24 =	simm.s32 $0x8880;
	s17 =	simm.s32 $0x5880;
	[sflag:s31] =	ssyncadd.s32 $0xFFFFC000  }
.LBB2_12:
0x71a: {  	_ =	sfence.sel $0x180000  }
0x71b: {  	[bflag:$0x0] =	sbarrier.arrive $0xFFFF  }
0x71c: {  	_ =	strace $0x90000047  }
0x71d: {  	s0 =	stileid.u32;
	[bflag:$0x2] =	sbarrier.arrive $0xFFFF  }
0x71e: {  	p0 =	sne.s32 s0, $0x0;
	s0 =	rddreg [dreg:$0x4]  }
0x71f: {  	s0 =	sadd.s32 @!p0 $0x100000, s0  }
0x720: {  	[sflag:s0] =	ssyncadd.tile.s32 @!p0 $0x1;
	_ =	shalt  }
.Lfunc_end2:
_tile_overlayer_lowered:
.L_overlay_start_2:
0x721: {  	(tag) =	ssettag $0x2  }
0x722: {  	s0 =	rddreg [dreg:$0x0];
	s2 =	stileid.u32  }
0x723: {  	s1 =	rddreg [dreg:$0x1];
	p0 =	sne.s32 s2, $0x0  }
0x724: {  	s3 =	rddreg [dreg:$0x2];
	[bflag:$0x3] =	sbarrier.arrive $0xFFFF;
	s2 =	simm.s32 @!p0 $0x1C09  }
0x725: {  	[timem:s3], [sflag:s2] =	dma.local @!p0 [hbm:s0], s1  }
0x726: {  	s0 =	simm.s32 @!p0 $0x9  }
0x727: {  	_ =	swait.ge @!p0 [sflag:s0], s1  }
0x728: {  	s1 =	ssub.s32 @!p0 $0x0, s1;
	[sflag:s0] =	ssyncset.done @!p0 $0x0  }
0x729: {  	[sflag:s0] =	ssyncadd.s32 @!p0 s1  }
0x72a: {  	[bflag:$0x3] =	sbarrier.arrive $0xFFFF  }
0x72b: {  	_ =	shalt  }

</sc_bundles>
